<compile_context>
chip_gen: v7x
topology: tpu7x:2x2x1
jax: 0.10.2.dev20260603
libtpu: 0.0.44.dev20260713+nightly
codegen_flags: <defaults>
</compile_context>

<pallas_src>
import functools

import jax
import jax.numpy as jnp
from jax import lax
from jax.experimental import pallas as pl
from jax.experimental.pallas import tpu as pltpu

KSAMPLE = 1000
NE = 16384
NP_ = 4096
QE_PAD = 51200
QP_PAD = 512
MININT = -(2 ** 31)



def _sortable_desc_key(s):
    s = jnp.where(s == 0.0, 0.0, s)
    b = lax.bitcast_convert_type(s, jnp.int32)
    au = jnp.where(b >= 0, b ^ MININT, ~b)
    ku = ~au
    return ku ^ MININT


def _topk_body(score_ref, id_ref, out_ref):
    ks = _sortable_desc_key(score_ref[...])
    ku = ks ^ MININT
    ids = id_ref[...]

    valid = jnp.ones_like(ks, dtype=jnp.bool_)
    r = jnp.int32(KSAMPLE - 1)
    tbits = jnp.int32(0)
    for shift in range(28, -1, -4):
        d = lax.shift_right_logical(ku, shift) & 15
        h = [jnp.sum(jnp.where(valid & (d == j), 1, 0).astype(jnp.int32))
             for j in range(16)]
        cl = [jnp.int32(0)]
        for j in range(1, 16):
            cl.append(cl[j - 1] + h[j - 1])
        t = jnp.int32(0)
        for j in range(1, 16):
            t = t + jnp.where(cl[j] <= r, 1, 0).astype(jnp.int32)
        cl_t = jnp.int32(0)
        for j in range(16):
            cl_t = cl_t + jnp.where(t == j, cl[j], 0)
        r = r - cl_t
        tbits = tbits | lax.shift_left(t, shift)
        valid = valid & (d == t)

    ts = tbits ^ MININT
    lt = ks < ts
    eq = valid

    r_i = lax.broadcasted_iota(jnp.int32, (128, 128), 0)
    c_i = lax.broadcasted_iota(jnp.int32, (128, 128), 1)
    upper_incl = (r_i <= c_i).astype(jnp.float32)
    lower_strict = (c_i < r_i).astype(jnp.float32)

    def row_major_excl_prefix(flags_f32):
        incol_incl = jnp.dot(flags_f32, upper_incl,
                             preferred_element_type=jnp.float32)
        rowtot = incol_incl[:, 127:128]
        rowpref = jnp.dot(lower_strict, rowtot,
                          preferred_element_type=jnp.float32)
        return (incol_incl - flags_f32) + rowpref

    pe = row_major_excl_prefix(eq.astype(jnp.float32)).astype(jnp.int32)
    sel = lt | (eq & (pe <= r))

    dest = row_major_excl_prefix(sel.astype(jnp.float32)).astype(jnp.int32)
    dest = jnp.where(sel, dest, -1)

    slots = lax.broadcasted_iota(jnp.int32, (8, 128, 1024), 2)
    ck = jnp.zeros((1, 1024), jnp.int32)
    cid = jnp.zeros((1, 1024), jnp.int32)
    for ch in range(16):
        d_ch = dest[ch * 8:(ch + 1) * 8, :][:, :, None]
        k_ch = ks[ch * 8:(ch + 1) * 8, :][:, :, None]
        i_ch = ids[ch * 8:(ch + 1) * 8, :][:, :, None]
        m = d_ch == slots
        ck = ck + jnp.sum(jnp.where(m, k_ch, 0), axis=0).sum(
            axis=0, keepdims=True)
        cid = cid + jnp.sum(jnp.where(m, i_ch, 0), axis=0).sum(
            axis=0, keepdims=True)
    slot_row = lax.broadcasted_iota(jnp.int32, (1, 1024), 1)
    ck = jnp.where(slot_row >= KSAMPLE, jnp.int32(2 ** 31 - 1), ck)

    ck_col = jnp.transpose(ck)
    cid_col = jnp.transpose(cid).astype(jnp.float32)
    m_i = lax.broadcasted_iota(jnp.int32, (1024, 1024), 1)
    q_i = lax.broadcasted_iota(jnp.int32, (1024, 1024), 0)
    less = (ck < ck_col).astype(jnp.int32)
    tie = ((ck == ck_col) & (m_i < q_i)).astype(jnp.int32)
    rank_col = jnp.sum(less + tie, axis=1, keepdims=True)

    pmask = (rank_col == slot_row).astype(jnp.float32)
    outv = jnp.sum(pmask * cid_col, axis=0, keepdims=True)
    out_ref[...] = outv.astype(jnp.int32)


def _topk_ids(e_scores_2d, entity_ids_2d):
    return pl.pallas_call(
        _topk_body,
        out_shape=jax.ShapeDtypeStruct((1, 1024), jnp.int32),
    )(e_scores_2d, entity_ids_2d)



def _searchsorted_multi(tab_ref, score_ref, qs, n):
    from jax.experimental.pallas import tpu_sc as plsc

    nq = len(qs)
    steps = []
    step = n // 2
    while step >= 1:
        steps.append(step)
        step //= 2
    steps.append(1)
    pos = [jnp.zeros((16,), jnp.int32) for _ in range(nq)]
    for st in steps:
        for k in range(nq):
            idx = pos[k] + jnp.int32(st - 1)
            tv = plsc.load_gather(tab_ref, [idx])
            pos[k] = pos[k] + jnp.where(tv < qs[k], jnp.int32(st),
                                        jnp.int32(0))
    res = []
    for k in range(nq):
        posc = jnp.minimum(pos[k], jnp.int32(n - 1))
        kv = plsc.load_gather(tab_ref, [posc])
        sv = plsc.load_gather(score_ref, [posc])
        res.append(jnp.where(kv == qs[k], sv, jnp.float32(0.0)))
    return res


def _sc_lookup(entity_ids, e_scores_flat, qe, predicate_ids, p_scores_flat,
               qp):
    from jax.experimental.pallas import tpu_sc as plsc

    info = plsc.get_sparse_core_info()
    nc, ns = info.num_cores, info.num_subcores
    nw = nc * ns
    e_per_w = QE_PAD // nw
    p_per_w = QP_PAD // nw
    mesh = plsc.VectorSubcoreMesh(core_axis_name="c", subcore_axis_name="s")

    @functools.partial(
        pl.kernel,
        mesh=mesh,
        compiler_params=pltpu.CompilerParams(needs_layout_passes=False),
        out_type=[
            jax.ShapeDtypeStruct((QE_PAD,), jnp.float32),
            jax.ShapeDtypeStruct((QP_PAD,), jnp.float32),
        ],
        scratch_types=[
            pltpu.VMEM((NE,), jnp.int32),
            pltpu.VMEM((NE,), jnp.float32),
            pltpu.VMEM((NP_,), jnp.int32),
            pltpu.VMEM((NP_,), jnp.float32),
            pltpu.VMEM((e_per_w,), jnp.int32),
            pltpu.VMEM((e_per_w,), jnp.float32),
            pltpu.VMEM((p_per_w,), jnp.int32),
            pltpu.VMEM((p_per_w,), jnp.float32),
            pltpu.SemaphoreType.DMA,
        ],
    )
    def look(eids_hbm, esc_hbm, qe_hbm, pids_hbm, psc_hbm, qp_hbm,
             oute_hbm, outp_hbm,
             etab_v, escv, ptab_v, pscv, qe_v, oe_v, qp_v, op_v, sem):
        wid = lax.axis_index("s") * nc + lax.axis_index("c")
        ebase = wid * e_per_w
        pbase = wid * p_per_w
        copies = [
            pltpu.async_copy(eids_hbm, etab_v, sem),
            pltpu.async_copy(esc_hbm, escv, sem),
            pltpu.async_copy(pids_hbm, ptab_v, sem),
            pltpu.async_copy(psc_hbm, pscv, sem),
            pltpu.async_copy(qe_hbm.at[pl.ds(ebase, e_per_w)], qe_v, sem),
            pltpu.async_copy(qp_hbm.at[pl.ds(pbase, p_per_w)], qp_v, sem),
        ]
        for c in copies:
            c.wait()

        def chunk(i, _):
            base = i * 160
            qs = [qe_v[pl.ds(base + 16 * k, 16)] for k in range(10)]
            rs = _searchsorted_multi(etab_v, escv, qs, NE)
            for k in range(10):
                oe_v[pl.ds(base + 16 * k, 16)] = rs[k]
            return _

        lax.fori_loop(0, e_per_w // 160, chunk, None)
        qpv = qp_v[...]
        op_v[...] = _searchsorted_multi(ptab_v, pscv, [qpv], NP_)[0]
        pltpu.sync_copy(oe_v, oute_hbm.at[pl.ds(ebase, e_per_w)])
        pltpu.sync_copy(op_v, outp_hbm.at[pl.ds(pbase, p_per_w)])

    return look(entity_ids, e_scores_flat, qe, predicate_ids, p_scores_flat,
                qp)



def kernel(e_scores, entity_ids, p_scores, predicate_ids, s_entity_ids,
           s_predicate_ids):
    es2 = e_scores.reshape(128, 128)
    ids2 = entity_ids.reshape(128, 128)
    top = _topk_ids(es2, ids2)
    sampled_entities = top.reshape(-1)[:KSAMPLE]

    qe = jnp.concatenate(
        [s_entity_ids, jnp.zeros((QE_PAD - 50000,), jnp.int32)])
    qp = jnp.concatenate(
        [s_predicate_ids, jnp.zeros((QP_PAD - 500,), jnp.int32)])
    oe, op = _sc_lookup(entity_ids, e_scores.reshape(-1), qe,
                        predicate_ids, p_scores.reshape(-1), qp)
    e_sub_scores = oe[:50000].reshape(50000, 1)
    p_sub_scores = op[:500].reshape(500, 1)
    return (sampled_entities, e_sub_scores, p_sub_scores, s_entity_ids)

# --- scband reference (transcript-rebuilt; emitter-appended) ---
"""Pipeline reference for scband-sampling-layer-63857573757690 (READ-ONLY COPY).

The authoritative reference and input builder live on the scoring server;
editing this copy changes nothing except your own understanding.
"""

import jax, jax.numpy as jnp
import numpy as np

KSAMPLE = 1000


def look_up(keys, subset, scores):
    # Faithful jax version of build_look_up + look_up:
    # dict lookup (key -> position in `keys`) is realized via searchsorted on the
    # sorted global-id arrays; missing keys map to the default index len(scores),
    # which gathers an appended zero row (matching the torch s_scores padding).
    pos = jnp.searchsorted(keys, subset)
    pos = jnp.clip(pos, 0, keys.shape[0] - 1)
    found = jnp.take(keys, pos) == subset
    positions = jnp.where(found, pos, scores.shape[0])
    s_scores = jnp.concatenate([scores, jnp.zeros((1, scores.shape[1]), dtype=scores.dtype)], axis=0)
    return jnp.take(s_scores, positions, axis=0)


def setup_inputs(seed: int = 0) -> dict:
    key = jax.random.key(seed)
    k1, k2, k3, k4, k5, k6 = jax.random.split(key, 6)
    e_scores = jax.random.normal(k1, (16384, 1), dtype=jnp.float32)
    entity_ids = jnp.sort(jax.random.randint(k2, (16384,), 0, 1000000, dtype=jnp.int32))
    p_scores = jax.random.normal(k3, (4096, 1), dtype=jnp.float32)
    predicate_ids = jnp.sort(jax.random.randint(k4, (4096,), 0, 100000, dtype=jnp.int32))
    # The torch module queries an external KG object (kg.compute_hops) for the
    # 1-hop subgraph; here the retrieved subgraph ids are materialized as inputs.
    s_entity_ids = jax.random.randint(k5, (50000,), 0, 1000000, dtype=jnp.int32)
    s_predicate_ids = jax.random.randint(k6, (500,), 0, 100000, dtype=jnp.int32)
    return {
        'e_scores': e_scores,
        'entity_ids': entity_ids,
        'p_scores': p_scores,
        'predicate_ids': predicate_ids,
        's_entity_ids': s_entity_ids,
        's_predicate_ids': s_predicate_ids,
    }


def reference(e_scores, entity_ids, p_scores, predicate_ids, s_entity_ids, s_predicate_ids):
    # torch.sort(e_scores.view(-1), descending=True)
    order = jnp.argsort(-e_scores.reshape(-1))
    sampled_entities = jnp.take(entity_ids, order[:KSAMPLE])
    # look_up(e_table, s_entity_ids, e_scores) / look_up(p_table, s_predicate_ids, p_scores)
    e_sub_scores = look_up(entity_ids, s_entity_ids, e_scores)
    p_sub_scores = look_up(predicate_ids, s_predicate_ids, p_scores)
    return (sampled_entities, e_sub_scores, p_sub_scores, s_entity_ids)

if __name__ == "__main__":
    import jax
    _d = setup_inputs()
    print(jax.jit(kernel)(*tuple(_d.values())))

</pallas_src>

<mosaic_0001>
#map = affine_map<(d0, d1) -> (0)>
module attributes {stable_mosaic.version = 14 : i64} {
  func.func @look(%arg0: i32, %arg1: i32, %arg2: memref<16384xi32, #tpu.memory_space<hbm>>, %arg3: memref<16384xf32, #tpu.memory_space<hbm>>, %arg4: memref<51200xi32, #tpu.memory_space<hbm>>, %arg5: memref<4096xi32, #tpu.memory_space<hbm>>, %arg6: memref<4096xf32, #tpu.memory_space<hbm>>, %arg7: memref<512xi32, #tpu.memory_space<hbm>>, %arg8: memref<51200xf32, #tpu.memory_space<hbm>>, %arg9: memref<512xf32, #tpu.memory_space<hbm>>, %arg10: memref<16384xi32, #tpu.memory_space<vmem>>, %arg11: memref<16384xf32, #tpu.memory_space<vmem>>, %arg12: memref<4096xi32, #tpu.memory_space<vmem>>, %arg13: memref<4096xf32, #tpu.memory_space<vmem>>, %arg14: memref<1600xi32, #tpu.memory_space<vmem>>, %arg15: memref<1600xf32, #tpu.memory_space<vmem>>, %arg16: memref<16xi32, #tpu.memory_space<vmem>>, %arg17: memref<16xf32, #tpu.memory_space<vmem>>, %arg18: memref<!tpu.dma_semaphore, #tpu.memory_space<semaphore_mem>>) attributes {dimension_semantics = [#tpu.dimension_semantics<core_parallel>, #tpu.dimension_semantics<subcore_parallel>], iteration_bounds = array<i64: 2, 16>, scalar_prefetch = 0 : i64, scratch_operands = 9 : i64, tpu.core_type = #tpu.core_type<sc_vector_subcore>, window_params = [{transform_indices = #map}, {transform_indices = #map}, {transform_indices = #map}, {transform_indices = #map}, {transform_indices = #map}, {transform_indices = #map}, {transform_indices = #map}, {transform_indices = #map}]} {
    %mul3A = arith.constant 2 : i32
    %mul3A_0 = arith.muli %arg1, %mul3A : i32
    %add3A = arith.addi %mul3A_0, %arg0 : i32
    %mul3A_1 = arith.constant 1600 : i32
    %mul3A_2 = arith.muli %add3A, %mul3A_1 : i32
    %mul3A_3 = arith.constant 16 : i32
    %mul3A_4 = arith.muli %add3A, %mul3A_3 : i32
    tpu.enqueue_dma source(%arg2 : memref<16384xi32, #tpu.memory_space<hbm>>) target(%arg10 : memref<16384xi32, #tpu.memory_space<vmem>>) target_semaphore(%arg18 : memref<!tpu.dma_semaphore, #tpu.memory_space<semaphore_mem>>)
    tpu.enqueue_dma source(%arg3 : memref<16384xf32, #tpu.memory_space<hbm>>) target(%arg11 : memref<16384xf32, #tpu.memory_space<vmem>>) target_semaphore(%arg18 : memref<!tpu.dma_semaphore, #tpu.memory_space<semaphore_mem>>)
    tpu.enqueue_dma source(%arg5 : memref<4096xi32, #tpu.memory_space<hbm>>) target(%arg12 : memref<4096xi32, #tpu.memory_space<vmem>>) target_semaphore(%arg18 : memref<!tpu.dma_semaphore, #tpu.memory_space<semaphore_mem>>)
    tpu.enqueue_dma source(%arg6 : memref<4096xf32, #tpu.memory_space<hbm>>) target(%arg13 : memref<4096xf32, #tpu.memory_space<vmem>>) target_semaphore(%arg18 : memref<!tpu.dma_semaphore, #tpu.memory_space<semaphore_mem>>)
    %dma_start3A = tpu.memref_slice %arg4[%mul3A_2] : memref<51200xi32, #tpu.memory_space<hbm>> -> memref<1600xi32, #tpu.memory_space<hbm>>
    %dma_start3A_5 = tpu.memref_slice %arg4[%mul3A_2] : memref<51200xi32, #tpu.memory_space<hbm>> -> memref<1600xi32, #tpu.memory_space<hbm>>
    tpu.enqueue_dma source(%dma_start3A_5 : memref<1600xi32, #tpu.memory_space<hbm>>) target(%arg14 : memref<1600xi32, #tpu.memory_space<vmem>>) target_semaphore(%arg18 : memref<!tpu.dma_semaphore, #tpu.memory_space<semaphore_mem>>)
    %dma_start3A_6 = tpu.memref_slice %arg7[%mul3A_4] : memref<512xi32, #tpu.memory_space<hbm>> -> memref<16xi32, #tpu.memory_space<hbm>>
    %dma_start3A_7 = tpu.memref_slice %arg7[%mul3A_4] : memref<512xi32, #tpu.memory_space<hbm>> -> memref<16xi32, #tpu.memory_space<hbm>>
    tpu.enqueue_dma source(%dma_start3A_7 : memref<16xi32, #tpu.memory_space<hbm>>) target(%arg16 : memref<16xi32, #tpu.memory_space<vmem>>) target_semaphore(%arg18 : memref<!tpu.dma_semaphore, #tpu.memory_space<semaphore_mem>>)
    tpu.wait_dma2 semaphore(%arg18 : memref<!tpu.dma_semaphore, #tpu.memory_space<semaphore_mem>>) src(%arg2 : memref<16384xi32, #tpu.memory_space<hbm>>) dst(%arg10 : memref<16384xi32, #tpu.memory_space<vmem>>)
    tpu.wait_dma2 semaphore(%arg18 : memref<!tpu.dma_semaphore, #tpu.memory_space<semaphore_mem>>) src(%arg3 : memref<16384xf32, #tpu.memory_space<hbm>>) dst(%arg11 : memref<16384xf32, #tpu.memory_space<vmem>>)
    tpu.wait_dma2 semaphore(%arg18 : memref<!tpu.dma_semaphore, #tpu.memory_space<semaphore_mem>>) src(%arg5 : memref<4096xi32, #tpu.memory_space<hbm>>) dst(%arg12 : memref<4096xi32, #tpu.memory_space<vmem>>)
    tpu.wait_dma2 semaphore(%arg18 : memref<!tpu.dma_semaphore, #tpu.memory_space<semaphore_mem>>) src(%arg6 : memref<4096xf32, #tpu.memory_space<hbm>>) dst(%arg13 : memref<4096xf32, #tpu.memory_space<vmem>>)
    %dma_wait3A = tpu.memref_slice %arg4[%mul3A_2] : memref<51200xi32, #tpu.memory_space<hbm>> -> memref<1600xi32, #tpu.memory_space<hbm>>
    %dma_wait3A_8 = tpu.memref_slice %arg4[%mul3A_2] : memref<51200xi32, #tpu.memory_space<hbm>> -> memref<1600xi32, #tpu.memory_space<hbm>>
    tpu.wait_dma2 semaphore(%arg18 : memref<!tpu.dma_semaphore, #tpu.memory_space<semaphore_mem>>) src(%dma_wait3A_8 : memref<1600xi32, #tpu.memory_space<hbm>>) dst(%arg14 : memref<1600xi32, #tpu.memory_space<vmem>>)
    %dma_wait3A_9 = tpu.memref_slice %arg7[%mul3A_4] : memref<512xi32, #tpu.memory_space<hbm>> -> memref<16xi32, #tpu.memory_space<hbm>>
    %dma_wait3A_10 = tpu.memref_slice %arg7[%mul3A_4] : memref<512xi32, #tpu.memory_space<hbm>> -> memref<16xi32, #tpu.memory_space<hbm>>
    tpu.wait_dma2 semaphore(%arg18 : memref<!tpu.dma_semaphore, #tpu.memory_space<semaphore_mem>>) src(%dma_wait3A_10 : memref<16xi32, #tpu.memory_space<hbm>>) dst(%arg16 : memref<16xi32, #tpu.memory_space<vmem>>)
    %scan3A = arith.constant 0 : i32
    %scan3A_11 = arith.constant 10 : i32
    %scan3A_12 = arith.addi %scan3A, %scan3A_11 : i32
    %scan3A_13 = arith.constant 1 : i32
    scf.for %scan3A_164 = %scan3A to %scan3A_12 step %scan3A_13  : i32 {
      %mul3A_165 = arith.constant 160 : i32
      %mul3A_166 = arith.muli %scan3A_164, %mul3A_165 : i32
      %add3A_167 = arith.constant 0 : i32
      %add3A_168 = arith.addi %mul3A_166, %add3A_167 : i32
      %get3A_169 = arith.index_cast %add3A_168 : i32 to index
      %get3A_170 = tpu.vector_load %arg14[%get3A_169] {strides = array<i32>} : memref<1600xi32, #tpu.memory_space<vmem>>, vector<16xi32>,
      %add3A_171 = arith.constant 16 : i32
      %add3A_172 = arith.addi %mul3A_166, %add3A_171 : i32
      %get3A_173 = arith.index_cast %add3A_172 : i32 to index
      %get3A_174 = tpu.vector_load %arg14[%get3A_173] {strides = array<i32>} : memref<1600xi32, #tpu.memory_space<vmem>>, vector<16xi32>,
      %add3A_175 = arith.constant 32 : i32
      %add3A_176 = arith.addi %mul3A_166, %add3A_175 : i32
      %get3A_177 = arith.index_cast %add3A_176 : i32 to index
      %get3A_178 = tpu.vector_load %arg14[%get3A_177] {strides = array<i32>} : memref<1600xi32, #tpu.memory_space<vmem>>, vector<16xi32>,
      %add3A_179 = arith.constant 48 : i32
      %add3A_180 = arith.addi %mul3A_166, %add3A_179 : i32
      %get3A_181 = arith.index_cast %add3A_180 : i32 to index
      %get3A_182 = tpu.vector_load %arg14[%get3A_181] {strides = array<i32>} : memref<1600xi32, #tpu.memory_space<vmem>>, vector<16xi32>,
      %add3A_183 = arith.constant 64 : i32
      %add3A_184 = arith.addi %mul3A_166, %add3A_183 : i32
      %get3A_185 = arith.index_cast %add3A_184 : i32 to index
      %get3A_186 = tpu.vector_load %arg14[%get3A_185] {strides = array<i32>} : memref<1600xi32, #tpu.memory_space<vmem>>, vector<16xi32>,
      %add3A_187 = arith.constant 80 : i32
      %add3A_188 = arith.addi %mul3A_166, %add3A_187 : i32
      %get3A_189 = arith.index_cast %add3A_188 : i32 to index
      %get3A_190 = tpu.vector_load %arg14[%get3A_189] {strides = array<i32>} : memref<1600xi32, #tpu.memory_space<vmem>>, vector<16xi32>,
      %add3A_191 = arith.constant 96 : i32
      %add3A_192 = arith.addi %mul3A_166, %add3A_191 : i32
      %get3A_193 = arith.index_cast %add3A_192 : i32 to index
      %get3A_194 = tpu.vector_load %arg14[%get3A_193] {strides = array<i32>} : memref<1600xi32, #tpu.memory_space<vmem>>, vector<16xi32>,
      %add3A_195 = arith.constant 112 : i32
      %add3A_196 = arith.addi %mul3A_166, %add3A_195 : i32
      %get3A_197 = arith.index_cast %add3A_196 : i32 to index
      %get3A_198 = tpu.vector_load %arg14[%get3A_197] {strides = array<i32>} : memref<1600xi32, #tpu.memory_space<vmem>>, vector<16xi32>,
      %add3A_199 = arith.constant 128 : i32
      %add3A_200 = arith.addi %mul3A_166, %add3A_199 : i32
      %get3A_201 = arith.index_cast %add3A_200 : i32 to index
      %get3A_202 = tpu.vector_load %arg14[%get3A_201] {strides = array<i32>} : memref<1600xi32, #tpu.memory_space<vmem>>, vector<16xi32>,
      %add3A_203 = arith.constant 144 : i32
      %add3A_204 = arith.addi %mul3A_166, %add3A_203 : i32
      %get3A_205 = arith.index_cast %add3A_204 : i32 to index
      %get3A_206 = tpu.vector_load %arg14[%get3A_205] {strides = array<i32>} : memref<1600xi32, #tpu.memory_space<vmem>>, vector<16xi32>,
      %broadcast_in_dim3A_207 = arith.constant 0 : i32
      %broadcast_in_dim3A_208 = vector.broadcast %broadcast_in_dim3A_207 : i32 to vector<16xi32>
      %broadcast_in_dim3A_209 = arith.constant 0 : i32
      %broadcast_in_dim3A_210 = vector.broadcast %broadcast_in_dim3A_209 : i32 to vector<16xi32>
      %broadcast_in_dim3A_211 = arith.constant 0 : i32
      %broadcast_in_dim3A_212 = vector.broadcast %broadcast_in_dim3A_211 : i32 to vector<16xi32>
      %broadcast_in_dim3A_213 = arith.constant 0 : i32
      %broadcast_in_dim3A_214 = vector.broadcast %broadcast_in_dim3A_213 : i32 to vector<16xi32>
      %broadcast_in_dim3A_215 = arith.constant 0 : i32
      %broadcast_in_dim3A_216 = vector.broadcast %broadcast_in_dim3A_215 : i32 to vector<16xi32>
      %broadcast_in_dim3A_217 = arith.constant 0 : i32
      %broadcast_in_dim3A_218 = vector.broadcast %broadcast_in_dim3A_217 : i32 to vector<16xi32>
      %broadcast_in_dim3A_219 = arith.constant 0 : i32
      %broadcast_in_dim3A_220 = vector.broadcast %broadcast_in_dim3A_219 : i32 to vector<16xi32>
      %broadcast_in_dim3A_221 = arith.constant 0 : i32
      %broadcast_in_dim3A_222 = vector.broadcast %broadcast_in_dim3A_221 : i32 to vector<16xi32>
      %broadcast_in_dim3A_223 = arith.constant 0 : i32
      %broadcast_in_dim3A_224 = vector.broadcast %broadcast_in_dim3A_223 : i32 to vector<16xi32>
      %broadcast_in_dim3A_225 = arith.constant 0 : i32
      %broadcast_in_dim3A_226 = vector.broadcast %broadcast_in_dim3A_225 : i32 to vector<16xi32>
      %add3A_227 = arith.constant 8191 : i32
      %add3A_228 = vector.broadcast %add3A_227 : i32 to vector<16xi32>
      %add3A_229 = arith.addi %broadcast_in_dim3A_208, %add3A_228 : vector<16xi32>
      %gather3A_230 = tpu.vector_load_idx %arg10[%add3A_229] : memref<16384xi32, #tpu.memory_space<vmem>>[vector<16xi32>], vector<16xi32>,
      %lt3A_231 = arith.cmpi slt, %gather3A_230, %get3A_170 : vector<16xi32>
      %jit3A_232 = arith.constant 8192 : i32
      %jit3A_233 = arith.constant 0 : i32
      %broadcast_in_dim3A_234 = vector.broadcast %jit3A_232 : i32 to vector<16xi32>
      %broadcast_in_dim3A_235 = vector.broadcast %jit3A_233 : i32 to vector<16xi32>
      %select_n3A_236 = arith.select %lt3A_231, %broadcast_in_dim3A_234, %broadcast_in_dim3A_235 : vector<16xi1>, vector<16xi32>
      %add3A_237 = arith.addi %broadcast_in_dim3A_208, %select_n3A_236 : vector<16xi32>
      %add3A_238 = arith.constant 8191 : i32
      %add3A_239 = vector.broadcast %add3A_238 : i32 to vector<16xi32>
      %add3A_240 = arith.addi %broadcast_in_dim3A_210, %add3A_239 : vector<16xi32>
      %gather3A_241 = tpu.vector_load_idx %arg10[%add3A_240] : memref<16384xi32, #tpu.memory_space<vmem>>[vector<16xi32>], vector<16xi32>,
      %lt3A_242 = arith.cmpi slt, %gather3A_241, %get3A_174 : vector<16xi32>
      %jit3A_243 = arith.constant 8192 : i32
      %jit3A_244 = arith.constant 0 : i32
      %broadcast_in_dim3A_245 = vector.broadcast %jit3A_243 : i32 to vector<16xi32>
      %broadcast_in_dim3A_246 = vector.broadcast %jit3A_244 : i32 to vector<16xi32>
      %select_n3A_247 = arith.select %lt3A_242, %broadcast_in_dim3A_245, %broadcast_in_dim3A_246 : vector<16xi1>, vector<16xi32>
      %add3A_248 = arith.addi %broadcast_in_dim3A_210, %select_n3A_247 : vector<16xi32>
      %add3A_249 = arith.constant 8191 : i32
      %add3A_250 = vector.broadcast %add3A_249 : i32 to vector<16xi32>
      %add3A_251 = arith.addi %broadcast_in_dim3A_212, %add3A_250 : vector<16xi32>
      %gather3A_252 = tpu.vector_load_idx %arg10[%add3A_251] : memref<16384xi32, #tpu.memory_space<vmem>>[vector<16xi32>], vector<16xi32>,
      %lt3A_253 = arith.cmpi slt, %gather3A_252, %get3A_178 : vector<16xi32>
      %jit3A_254 = arith.constant 8192 : i32
      %jit3A_255 = arith.constant 0 : i32
      %broadcast_in_dim3A_256 = vector.broadcast %jit3A_254 : i32 to vector<16xi32>
      %broadcast_in_dim3A_257 = vector.broadcast %jit3A_255 : i32 to vector<16xi32>
      %select_n3A_258 = arith.select %lt3A_253, %broadcast_in_dim3A_256, %broadcast_in_dim3A_257 : vector<16xi1>, vector<16xi32>
      %add3A_259 = arith.addi %broadcast_in_dim3A_212, %select_n3A_258 : vector<16xi32>
      %add3A_260 = arith.constant 8191 : i32
      %add3A_261 = vector.broadcast %add3A_260 : i32 to vector<16xi32>
      %add3A_262 = arith.addi %broadcast_in_dim3A_214, %add3A_261 : vector<16xi32>
      %gather3A_263 = tpu.vector_load_idx %arg10[%add3A_262] : memref<16384xi32, #tpu.memory_space<vmem>>[vector<16xi32>], vector<16xi32>,
      %lt3A_264 = arith.cmpi slt, %gather3A_263, %get3A_182 : vector<16xi32>
      %jit3A_265 = arith.constant 8192 : i32
      %jit3A_266 = arith.constant 0 : i32
      %broadcast_in_dim3A_267 = vector.broadcast %jit3A_265 : i32 to vector<16xi32>
      %broadcast_in_dim3A_268 = vector.broadcast %jit3A_266 : i32 to vector<16xi32>
      %select_n3A_269 = arith.select %lt3A_264, %broadcast_in_dim3A_267, %broadcast_in_dim3A_268 : vector<16xi1>, vector<16xi32>
      %add3A_270 = arith.addi %broadcast_in_dim3A_214, %select_n3A_269 : vector<16xi32>
      %add3A_271 = arith.constant 8191 : i32
      %add3A_272 = vector.broadcast %add3A_271 : i32 to vector<16xi32>
      %add3A_273 = arith.addi %broadcast_in_dim3A_216, %add3A_272 : vector<16xi32>
      %gather3A_274 = tpu.vector_load_idx %arg10[%add3A_273] : memref<16384xi32, #tpu.memory_space<vmem>>[vector<16xi32>], vector<16xi32>,
      %lt3A_275 = arith.cmpi slt, %gather3A_274, %get3A_186 : vector<16xi32>
      %jit3A_276 = arith.constant 8192 : i32
      %jit3A_277 = arith.constant 0 : i32
      %broadcast_in_dim3A_278 = vector.broadcast %jit3A_276 : i32 to vector<16xi32>
      %broadcast_in_dim3A_279 = vector.broadcast %jit3A_277 : i32 to vector<16xi32>
      %select_n3A_280 = arith.select %lt3A_275, %broadcast_in_dim3A_278, %broadcast_in_dim3A_279 : vector<16xi1>, vector<16xi32>
      %add3A_281 = arith.addi %broadcast_in_dim3A_216, %select_n3A_280 : vector<16xi32>
      %add3A_282 = arith.constant 8191 : i32
      %add3A_283 = vector.broadcast %add3A_282 : i32 to vector<16xi32>
      %add3A_284 = arith.addi %broadcast_in_dim3A_218, %add3A_283 : vector<16xi32>
      %gather3A_285 = tpu.vector_load_idx %arg10[%add3A_284] : memref<16384xi32, #tpu.memory_space<vmem>>[vector<16xi32>], vector<16xi32>,
      %lt3A_286 = arith.cmpi slt, %gather3A_285, %get3A_190 : vector<16xi32>
      %jit3A_287 = arith.constant 8192 : i32
      %jit3A_288 = arith.constant 0 : i32
      %broadcast_in_dim3A_289 = vector.broadcast %jit3A_287 : i32 to vector<16xi32>
      %broadcast_in_dim3A_290 = vector.broadcast %jit3A_288 : i32 to vector<16xi32>
      %select_n3A_291 = arith.select %lt3A_286, %broadcast_in_dim3A_289, %broadcast_in_dim3A_290 : vector<16xi1>, vector<16xi32>
      %add3A_292 = arith.addi %broadcast_in_dim3A_218, %select_n3A_291 : vector<16xi32>
      %add3A_293 = arith.constant 8191 : i32
      %add3A_294 = vector.broadcast %add3A_293 : i32 to vector<16xi32>
      %add3A_295 = arith.addi %broadcast_in_dim3A_220, %add3A_294 : vector<16xi32>
      %gather3A_296 = tpu.vector_load_idx %arg10[%add3A_295] : memref<16384xi32, #tpu.memory_space<vmem>>[vector<16xi32>], vector<16xi32>,
      %lt3A_297 = arith.cmpi slt, %gather3A_296, %get3A_194 : vector<16xi32>
      %jit3A_298 = arith.constant 8192 : i32
      %jit3A_299 = arith.constant 0 : i32
      %broadcast_in_dim3A_300 = vector.broadcast %jit3A_298 : i32 to vector<16xi32>
      %broadcast_in_dim3A_301 = vector.broadcast %jit3A_299 : i32 to vector<16xi32>
      %select_n3A_302 = arith.select %lt3A_297, %broadcast_in_dim3A_300, %broadcast_in_dim3A_301 : vector<16xi1>, vector<16xi32>
      %add3A_303 = arith.addi %broadcast_in_dim3A_220, %select_n3A_302 : vector<16xi32>
      %add3A_304 = arith.constant 8191 : i32
      %add3A_305 = vector.broadcast %add3A_304 : i32 to vector<16xi32>
      %add3A_306 = arith.addi %broadcast_in_dim3A_222, %add3A_305 : vector<16xi32>
      %gather3A_307 = tpu.vector_load_idx %arg10[%add3A_306] : memref<16384xi32, #tpu.memory_space<vmem>>[vector<16xi32>], vector<16xi32>,
      %lt3A_308 = arith.cmpi slt, %gather3A_307, %get3A_198 : vector<16xi32>
      %jit3A_309 = arith.constant 8192 : i32
      %jit3A_310 = arith.constant 0 : i32
      %broadcast_in_dim3A_311 = vector.broadcast %jit3A_309 : i32 to vector<16xi32>
      %broadcast_in_dim3A_312 = vector.broadcast %jit3A_310 : i32 to vector<16xi32>
      %select_n3A_313 = arith.select %lt3A_308, %broadcast_in_dim3A_311, %broadcast_in_dim3A_312 : vector<16xi1>, vector<16xi32>
      %add3A_314 = arith.addi %broadcast_in_dim3A_222, %select_n3A_313 : vector<16xi32>
      %add3A_315 = arith.constant 8191 : i32
      %add3A_316 = vector.broadcast %add3A_315 : i32 to vector<16xi32>
      %add3A_317 = arith.addi %broadcast_in_dim3A_224, %add3A_316 : vector<16xi32>
      %gather3A_318 = tpu.vector_load_idx %arg10[%add3A_317] : memref<16384xi32, #tpu.memory_space<vmem>>[vector<16xi32>], vector<16xi32>,
      %lt3A_319 = arith.cmpi slt, %gather3A_318, %get3A_202 : vector<16xi32>
      %jit3A_320 = arith.constant 8192 : i32
      %jit3A_321 = arith.constant 0 : i32
      %broadcast_in_dim3A_322 = vector.broadcast %jit3A_320 : i32 to vector<16xi32>
      %broadcast_in_dim3A_323 = vector.broadcast %jit3A_321 : i32 to vector<16xi32>
      %select_n3A_324 = arith.select %lt3A_319, %broadcast_in_dim3A_322, %broadcast_in_dim3A_323 : vector<16xi1>, vector<16xi32>
      %add3A_325 = arith.addi %broadcast_in_dim3A_224, %select_n3A_324 : vector<16xi32>
      %add3A_326 = arith.constant 8191 : i32
      %add3A_327 = vector.broadcast %add3A_326 : i32 to vector<16xi32>
      %add3A_328 = arith.addi %broadcast_in_dim3A_226, %add3A_327 : vector<16xi32>
      %gather3A_329 = tpu.vector_load_idx %arg10[%add3A_328] : memref<16384xi32, #tpu.memory_space<vmem>>[vector<16xi32>], vector<16xi32>,
      %lt3A_330 = arith.cmpi slt, %gather3A_329, %get3A_206 : vector<16xi32>
      %jit3A_331 = arith.constant 8192 : i32
      %jit3A_332 = arith.constant 0 : i32
      %broadcast_in_dim3A_333 = vector.broadcast %jit3A_331 : i32 to vector<16xi32>
      %broadcast_in_dim3A_334 = vector.broadcast %jit3A_332 : i32 to vector<16xi32>
      %select_n3A_335 = arith.select %lt3A_330, %broadcast_in_dim3A_333, %broadcast_in_dim3A_334 : vector<16xi1>, vector<16xi32>
      %add3A_336 = arith.addi %broadcast_in_dim3A_226, %select_n3A_335 : vector<16xi32>
      %add3A_337 = arith.constant 4095 : i32
      %add3A_338 = vector.broadcast %add3A_337 : i32 to vector<16xi32>
      %add3A_339 = arith.addi %add3A_237, %add3A_338 : vector<16xi32>
      %gather3A_340 = tpu.vector_load_idx %arg10[%add3A_339] : memref<16384xi32, #tpu.memory_space<vmem>>[vector<16xi32>], vector<16xi32>,
      %lt3A_341 = arith.cmpi slt, %gather3A_340, %get3A_170 : vector<16xi32>
      %jit3A_342 = arith.constant 4096 : i32
      %jit3A_343 = arith.constant 0 : i32
      %broadcast_in_dim3A_344 = vector.broadcast %jit3A_342 : i32 to vector<16xi32>
      %broadcast_in_dim3A_345 = vector.broadcast %jit3A_343 : i32 to vector<16xi32>
      %select_n3A_346 = arith.select %lt3A_341, %broadcast_in_dim3A_344, %broadcast_in_dim3A_345 : vector<16xi1>, vector<16xi32>
      %add3A_347 = arith.addi %add3A_237, %select_n3A_346 : vector<16xi32>
      %add3A_348 = arith.constant 4095 : i32
      %add3A_349 = vector.broadcast %add3A_348 : i32 to vector<16xi32>
      %add3A_350 = arith.addi %add3A_248, %add3A_349 : vector<16xi32>
      %gather3A_351 = tpu.vector_load_idx %arg10[%add3A_350] : memref<16384xi32, #tpu.memory_space<vmem>>[vector<16xi32>], vector<16xi32>,
      %lt3A_352 = arith.cmpi slt, %gather3A_351, %get3A_174 : vector<16xi32>
      %jit3A_353 = arith.constant 4096 : i32
      %jit3A_354 = arith.constant 0 : i32
      %broadcast_in_dim3A_355 = vector.broadcast %jit3A_353 : i32 to vector<16xi32>
      %broadcast_in_dim3A_356 = vector.broadcast %jit3A_354 : i32 to vector<16xi32>
      %select_n3A_357 = arith.select %lt3A_352, %broadcast_in_dim3A_355, %broadcast_in_dim3A_356 : vector<16xi1>, vector<16xi32>
      %add3A_358 = arith.addi %add3A_248, %select_n3A_357 : vector<16xi32>
      %add3A_359 = arith.constant 4095 : i32
      %add3A_360 = vector.broadcast %add3A_359 : i32 to vector<16xi32>
      %add3A_361 = arith.addi %add3A_259, %add3A_360 : vector<16xi32>
      %gather3A_362 = tpu.vector_load_idx %arg10[%add3A_361] : memref<16384xi32, #tpu.memory_space<vmem>>[vector<16xi32>], vector<16xi32>,
      %lt3A_363 = arith.cmpi slt, %gather3A_362, %get3A_178 : vector<16xi32>
      %jit3A_364 = arith.constant 4096 : i32
      %jit3A_365 = arith.constant 0 : i32
      %broadcast_in_dim3A_366 = vector.broadcast %jit3A_364 : i32 to vector<16xi32>
      %broadcast_in_dim3A_367 = vector.broadcast %jit3A_365 : i32 to vector<16xi32>
      %select_n3A_368 = arith.select %lt3A_363, %broadcast_in_dim3A_366, %broadcast_in_dim3A_367 : vector<16xi1>, vector<16xi32>
      %add3A_369 = arith.addi %add3A_259, %select_n3A_368 : vector<16xi32>
      %add3A_370 = arith.constant 4095 : i32
      %add3A_371 = vector.broadcast %add3A_370 : i32 to vector<16xi32>
      %add3A_372 = arith.addi %add3A_270, %add3A_371 : vector<16xi32>
      %gather3A_373 = tpu.vector_load_idx %arg10[%add3A_372] : memref<16384xi32, #tpu.memory_space<vmem>>[vector<16xi32>], vector<16xi32>,
      %lt3A_374 = arith.cmpi slt, %gather3A_373, %get3A_182 : vector<16xi32>
      %jit3A_375 = arith.constant 4096 : i32
      %jit3A_376 = arith.constant 0 : i32
      %broadcast_in_dim3A_377 = vector.broadcast %jit3A_375 : i32 to vector<16xi32>
      %broadcast_in_dim3A_378 = vector.broadcast %jit3A_376 : i32 to vector<16xi32>
      %select_n3A_379 = arith.select %lt3A_374, %broadcast_in_dim3A_377, %broadcast_in_dim3A_378 : vector<16xi1>, vector<16xi32>
      %add3A_380 = arith.addi %add3A_270, %select_n3A_379 : vector<16xi32>
      %add3A_381 = arith.constant 4095 : i32
      %add3A_382 = vector.broadcast %add3A_381 : i32 to vector<16xi32>
      %add3A_383 = arith.addi %add3A_281, %add3A_382 : vector<16xi32>
      %gather3A_384 = tpu.vector_load_idx %arg10[%add3A_383] : memref<16384xi32, #tpu.memory_space<vmem>>[vector<16xi32>], vector<16xi32>,
      %lt3A_385 = arith.cmpi slt, %gather3A_384, %get3A_186 : vector<16xi32>
      %jit3A_386 = arith.constant 4096 : i32
      %jit3A_387 = arith.constant 0 : i32
      %broadcast_in_dim3A_388 = vector.broadcast %jit3A_386 : i32 to vector<16xi32>
      %broadcast_in_dim3A_389 = vector.broadcast %jit3A_387 : i32 to vector<16xi32>
      %select_n3A_390 = arith.select %lt3A_385, %broadcast_in_dim3A_388, %broadcast_in_dim3A_389 : vector<16xi1>, vector<16xi32>
      %add3A_391 = arith.addi %add3A_281, %select_n3A_390 : vector<16xi32>
      %add3A_392 = arith.constant 4095 : i32
      %add3A_393 = vector.broadcast %add3A_392 : i32 to vector<16xi32>
      %add3A_394 = arith.addi %add3A_292, %add3A_393 : vector<16xi32>
      %gather3A_395 = tpu.vector_load_idx %arg10[%add3A_394] : memref<16384xi32, #tpu.memory_space<vmem>>[vector<16xi32>], vector<16xi32>,
      %lt3A_396 = arith.cmpi slt, %gather3A_395, %get3A_190 : vector<16xi32>
      %jit3A_397 = arith.constant 4096 : i32
      %jit3A_398 = arith.constant 0 : i32
      %broadcast_in_dim3A_399 = vector.broadcast %jit3A_397 : i32 to vector<16xi32>
      %broadcast_in_dim3A_400 = vector.broadcast %jit3A_398 : i32 to vector<16xi32>
      %select_n3A_401 = arith.select %lt3A_396, %broadcast_in_dim3A_399, %broadcast_in_dim3A_400 : vector<16xi1>, vector<16xi32>
      %add3A_402 = arith.addi %add3A_292, %select_n3A_401 : vector<16xi32>
      %add3A_403 = arith.constant 4095 : i32
      %add3A_404 = vector.broadcast %add3A_403 : i32 to vector<16xi32>
      %add3A_405 = arith.addi %add3A_303, %add3A_404 : vector<16xi32>
      %gather3A_406 = tpu.vector_load_idx %arg10[%add3A_405] : memref<16384xi32, #tpu.memory_space<vmem>>[vector<16xi32>], vector<16xi32>,
      %lt3A_407 = arith.cmpi slt, %gather3A_406, %get3A_194 : vector<16xi32>
      %jit3A_408 = arith.constant 4096 : i32
      %jit3A_409 = arith.constant 0 : i32
      %broadcast_in_dim3A_410 = vector.broadcast %jit3A_408 : i32 to vector<16xi32>
      %broadcast_in_dim3A_411 = vector.broadcast %jit3A_409 : i32 to vector<16xi32>
      %select_n3A_412 = arith.select %lt3A_407, %broadcast_in_dim3A_410, %broadcast_in_dim3A_411 : vector<16xi1>, vector<16xi32>
      %add3A_413 = arith.addi %add3A_303, %select_n3A_412 : vector<16xi32>
      %add3A_414 = arith.constant 4095 : i32
      %add3A_415 = vector.broadcast %add3A_414 : i32 to vector<16xi32>
      %add3A_416 = arith.addi %add3A_314, %add3A_415 : vector<16xi32>
      %gather3A_417 = tpu.vector_load_idx %arg10[%add3A_416] : memref<16384xi32, #tpu.memory_space<vmem>>[vector<16xi32>], vector<16xi32>,
      %lt3A_418 = arith.cmpi slt, %gather3A_417, %get3A_198 : vector<16xi32>
      %jit3A_419 = arith.constant 4096 : i32
      %jit3A_420 = arith.constant 0 : i32
      %broadcast_in_dim3A_421 = vector.broadcast %jit3A_419 : i32 to vector<16xi32>
      %broadcast_in_dim3A_422 = vector.broadcast %jit3A_420 : i32 to vector<16xi32>
      %select_n3A_423 = arith.select %lt3A_418, %broadcast_in_dim3A_421, %broadcast_in_dim3A_422 : vector<16xi1>, vector<16xi32>
      %add3A_424 = arith.addi %add3A_314, %select_n3A_423 : vector<16xi32>
      %add3A_425 = arith.constant 4095 : i32
      %add3A_426 = vector.broadcast %add3A_425 : i32 to vector<16xi32>
      %add3A_427 = arith.addi %add3A_325, %add3A_426 : vector<16xi32>
      %gather3A_428 = tpu.vector_load_idx %arg10[%add3A_427] : memref<16384xi32, #tpu.memory_space<vmem>>[vector<16xi32>], vector<16xi32>,
      %lt3A_429 = arith.cmpi slt, %gather3A_428, %get3A_202 : vector<16xi32>
      %jit3A_430 = arith.constant 4096 : i32
      %jit3A_431 = arith.constant 0 : i32
      %broadcast_in_dim3A_432 = vector.broadcast %jit3A_430 : i32 to vector<16xi32>
      %broadcast_in_dim3A_433 = vector.broadcast %jit3A_431 : i32 to vector<16xi32>
      %select_n3A_434 = arith.select %lt3A_429, %broadcast_in_dim3A_432, %broadcast_in_dim3A_433 : vector<16xi1>, vector<16xi32>
      %add3A_435 = arith.addi %add3A_325, %select_n3A_434 : vector<16xi32>
      %add3A_436 = arith.constant 4095 : i32
      %add3A_437 = vector.broadcast %add3A_436 : i32 to vector<16xi32>
      %add3A_438 = arith.addi %add3A_336, %add3A_437 : vector<16xi32>
      %gather3A_439 = tpu.vector_load_idx %arg10[%add3A_438] : memref<16384xi32, #tpu.memory_space<vmem>>[vector<16xi32>], vector<16xi32>,
      %lt3A_440 = arith.cmpi slt, %gather3A_439, %get3A_206 : vector<16xi32>
      %jit3A_441 = arith.constant 4096 : i32
      %jit3A_442 = arith.constant 0 : i32
      %broadcast_in_dim3A_443 = vector.broadcast %jit3A_441 : i32 to vector<16xi32>
      %broadcast_in_dim3A_444 = vector.broadcast %jit3A_442 : i32 to vector<16xi32>
      %select_n3A_445 = arith.select %lt3A_440, %broadcast_in_dim3A_443, %broadcast_in_dim3A_444 : vector<16xi1>, vector<16xi32>
      %add3A_446 = arith.addi %add3A_336, %select_n3A_445 : vector<16xi32>
      %add3A_447 = arith.constant 2047 : i32
      %add3A_448 = vector.broadcast %add3A_447 : i32 to vector<16xi32>
      %add3A_449 = arith.addi %add3A_347, %add3A_448 : vector<16xi32>
      %gather3A_450 = tpu.vector_load_idx %arg10[%add3A_449] : memref<16384xi32, #tpu.memory_space<vmem>>[vector<16xi32>], vector<16xi32>,
      %lt3A_451 = arith.cmpi slt, %gather3A_450, %get3A_170 : vector<16xi32>
      %jit3A_452 = arith.constant 2048 : i32
      %jit3A_453 = arith.constant 0 : i32
      %broadcast_in_dim3A_454 = vector.broadcast %jit3A_452 : i32 to vector<16xi32>
      %broadcast_in_dim3A_455 = vector.broadcast %jit3A_453 : i32 to vector<16xi32>
      %select_n3A_456 = arith.select %lt3A_451, %broadcast_in_dim3A_454, %broadcast_in_dim3A_455 : vector<16xi1>, vector<16xi32>
      %add3A_457 = arith.addi %add3A_347, %select_n3A_456 : vector<16xi32>
      %add3A_458 = arith.constant 2047 : i32
      %add3A_459 = vector.broadcast %add3A_458 : i32 to vector<16xi32>
      %add3A_460 = arith.addi %add3A_358, %add3A_459 : vector<16xi32>
      %gather3A_461 = tpu.vector_load_idx %arg10[%add3A_460] : memref<16384xi32, #tpu.memory_space<vmem>>[vector<16xi32>], vector<16xi32>,
      %lt3A_462 = arith.cmpi slt, %gather3A_461, %get3A_174 : vector<16xi32>
      %jit3A_463 = arith.constant 2048 : i32
      %jit3A_464 = arith.constant 0 : i32
      %broadcast_in_dim3A_465 = vector.broadcast %jit3A_463 : i32 to vector<16xi32>
      %broadcast_in_dim3A_466 = vector.broadcast %jit3A_464 : i32 to vector<16xi32>
      %select_n3A_467 = arith.select %lt3A_462, %broadcast_in_dim3A_465, %broadcast_in_dim3A_466 : vector<16xi1>, vector<16xi32>
      %add3A_468 = arith.addi %add3A_358, %select_n3A_467 : vector<16xi32>
      %add3A_469 = arith.constant 2047 : i32
      %add3A_470 = vector.broadcast %add3A_469 : i32 to vector<16xi32>
      %add3A_471 = arith.addi %add3A_369, %add3A_470 : vector<16xi32>
      %gather3A_472 = tpu.vector_load_idx %arg10[%add3A_471] : memref<16384xi32, #tpu.memory_space<vmem>>[vector<16xi32>], vector<16xi32>,
      %lt3A_473 = arith.cmpi slt, %gather3A_472, %get3A_178 : vector<16xi32>
      %jit3A_474 = arith.constant 2048 : i32
      %jit3A_475 = arith.constant 0 : i32
      %broadcast_in_dim3A_476 = vector.broadcast %jit3A_474 : i32 to vector<16xi32>
      %broadcast_in_dim3A_477 = vector.broadcast %jit3A_475 : i32 to vector<16xi32>
      %select_n3A_478 = arith.select %lt3A_473, %broadcast_in_dim3A_476, %broadcast_in_dim3A_477 : vector<16xi1>, vector<16xi32>
      %add3A_479 = arith.addi %add3A_369, %select_n3A_478 : vector<16xi32>
      %add3A_480 = arith.constant 2047 : i32
      %add3A_481 = vector.broadcast %add3A_480 : i32 to vector<16xi32>
      %add3A_482 = arith.addi %add3A_380, %add3A_481 : vector<16xi32>
      %gather3A_483 = tpu.vector_load_idx %arg10[%add3A_482] : memref<16384xi32, #tpu.memory_space<vmem>>[vector<16xi32>], vector<16xi32>,
      %lt3A_484 = arith.cmpi slt, %gather3A_483, %get3A_182 : vector<16xi32>
      %jit3A_485 = arith.constant 2048 : i32
      %jit3A_486 = arith.constant 0 : i32
      %broadcast_in_dim3A_487 = vector.broadcast %jit3A_485 : i32 to vector<16xi32>
      %broadcast_in_dim3A_488 = vector.broadcast %jit3A_486 : i32 to vector<16xi32>
      %select_n3A_489 = arith.select %lt3A_484, %broadcast_in_dim3A_487, %broadcast_in_dim3A_488 : vector<16xi1>, vector<16xi32>
      %add3A_490 = arith.addi %add3A_380, %select_n3A_489 : vector<16xi32>
      %add3A_491 = arith.constant 2047 : i32
      %add3A_492 = vector.broadcast %add3A_491 : i32 to vector<16xi32>
      %add3A_493 = arith.addi %add3A_391, %add3A_492 : vector<16xi32>
      %gather3A_494 = tpu.vector_load_idx %arg10[%add3A_493] : memref<16384xi32, #tpu.memory_space<vmem>>[vector<16xi32>], vector<16xi32>,
      %lt3A_495 = arith.cmpi slt, %gather3A_494, %get3A_186 : vector<16xi32>
      %jit3A_496 = arith.constant 2048 : i32
      %jit3A_497 = arith.constant 0 : i32
      %broadcast_in_dim3A_498 = vector.broadcast %jit3A_496 : i32 to vector<16xi32>
      %broadcast_in_dim3A_499 = vector.broadcast %jit3A_497 : i32 to vector<16xi32>
      %select_n3A_500 = arith.select %lt3A_495, %broadcast_in_dim3A_498, %broadcast_in_dim3A_499 : vector<16xi1>, vector<16xi32>
      %add3A_501 = arith.addi %add3A_391, %select_n3A_500 : vector<16xi32>
      %add3A_502 = arith.constant 2047 : i32
      %add3A_503 = vector.broadcast %add3A_502 : i32 to vector<16xi32>
      %add3A_504 = arith.addi %add3A_402, %add3A_503 : vector<16xi32>
      %gather3A_505 = tpu.vector_load_idx %arg10[%add3A_504] : memref<16384xi32, #tpu.memory_space<vmem>>[vector<16xi32>], vector<16xi32>,
      %lt3A_506 = arith.cmpi slt, %gather3A_505, %get3A_190 : vector<16xi32>
      %jit3A_507 = arith.constant 2048 : i32
      %jit3A_508 = arith.constant 0 : i32
      %broadcast_in_dim3A_509 = vector.broadcast %jit3A_507 : i32 to vector<16xi32>
      %broadcast_in_dim3A_510 = vector.broadcast %jit3A_508 : i32 to vector<16xi32>
      %select_n3A_511 = arith.select %lt3A_506, %broadcast_in_dim3A_509, %broadcast_in_dim3A_510 : vector<16xi1>, vector<16xi32>
      %add3A_512 = arith.addi %add3A_402, %select_n3A_511 : vector<16xi32>
      %add3A_513 = arith.constant 2047 : i32
      %add3A_514 = vector.broadcast %add3A_513 : i32 to vector<16xi32>
      %add3A_515 = arith.addi %add3A_413, %add3A_514 : vector<16xi32>
      %gather3A_516 = tpu.vector_load_idx %arg10[%add3A_515] : memref<16384xi32, #tpu.memory_space<vmem>>[vector<16xi32>], vector<16xi32>,
      %lt3A_517 = arith.cmpi slt, %gather3A_516, %get3A_194 : vector<16xi32>
      %jit3A_518 = arith.constant 2048 : i32
      %jit3A_519 = arith.constant 0 : i32
      %broadcast_in_dim3A_520 = vector.broadcast %jit3A_518 : i32 to vector<16xi32>
      %broadcast_in_dim3A_521 = vector.broadcast %jit3A_519 : i32 to vector<16xi32>
      %select_n3A_522 = arith.select %lt3A_517, %broadcast_in_dim3A_520, %broadcast_in_dim3A_521 : vector<16xi1>, vector<16xi32>
      %add3A_523 = arith.addi %add3A_413, %select_n3A_522 : vector<16xi32>
      %add3A_524 = arith.constant 2047 : i32
      %add3A_525 = vector.broadcast %add3A_524 : i32 to vector<16xi32>
      %add3A_526 = arith.addi %add3A_424, %add3A_525 : vector<16xi32>
      %gather3A_527 = tpu.vector_load_idx %arg10[%add3A_526] : memref<16384xi32, #tpu.memory_space<vmem>>[vector<16xi32>], vector<16xi32>,
      %lt3A_528 = arith.cmpi slt, %gather3A_527, %get3A_198 : vector<16xi32>
      %jit3A_529 = arith.constant 2048 : i32
      %jit3A_530 = arith.constant 0 : i32
      %broadcast_in_dim3A_531 = vector.broadcast %jit3A_529 : i32 to vector<16xi32>
      %broadcast_in_dim3A_532 = vector.broadcast %jit3A_530 : i32 to vector<16xi32>
      %select_n3A_533 = arith.select %lt3A_528, %broadcast_in_dim3A_531, %broadcast_in_dim3A_532 : vector<16xi1>, vector<16xi32>
      %add3A_534 = arith.addi %add3A_424, %select_n3A_533 : vector<16xi32>
      %add3A_535 = arith.constant 2047 : i32
      %add3A_536 = vector.broadcast %add3A_535 : i32 to vector<16xi32>
      %add3A_537 = arith.addi %add3A_435, %add3A_536 : vector<16xi32>
      %gather3A_538 = tpu.vector_load_idx %arg10[%add3A_537] : memref<16384xi32, #tpu.memory_space<vmem>>[vector<16xi32>], vector<16xi32>,
      %lt3A_539 = arith.cmpi slt, %gather3A_538, %get3A_202 : vector<16xi32>
      %jit3A_540 = arith.constant 2048 : i32
      %jit3A_541 = arith.constant 0 : i32
      %broadcast_in_dim3A_542 = vector.broadcast %jit3A_540 : i32 to vector<16xi32>
      %broadcast_in_dim3A_543 = vector.broadcast %jit3A_541 : i32 to vector<16xi32>
      %select_n3A_544 = arith.select %lt3A_539, %broadcast_in_dim3A_542, %broadcast_in_dim3A_543 : vector<16xi1>, vector<16xi32>
      %add3A_545 = arith.addi %add3A_435, %select_n3A_544 : vector<16xi32>
      %add3A_546 = arith.constant 2047 : i32
      %add3A_547 = vector.broadcast %add3A_546 : i32 to vector<16xi32>
      %add3A_548 = arith.addi %add3A_446, %add3A_547 : vector<16xi32>
      %gather3A_549 = tpu.vector_load_idx %arg10[%add3A_548] : memref<16384xi32, #tpu.memory_space<vmem>>[vector<16xi32>], vector<16xi32>,
      %lt3A_550 = arith.cmpi slt, %gather3A_549, %get3A_206 : vector<16xi32>
      %jit3A_551 = arith.constant 2048 : i32
      %jit3A_552 = arith.constant 0 : i32
      %broadcast_in_dim3A_553 = vector.broadcast %jit3A_551 : i32 to vector<16xi32>
      %broadcast_in_dim3A_554 = vector.broadcast %jit3A_552 : i32 to vector<16xi32>
      %select_n3A_555 = arith.select %lt3A_550, %broadcast_in_dim3A_553, %broadcast_in_dim3A_554 : vector<16xi1>, vector<16xi32>
      %add3A_556 = arith.addi %add3A_446, %select_n3A_555 : vector<16xi32>
      %add3A_557 = arith.constant 1023 : i32
      %add3A_558 = vector.broadcast %add3A_557 : i32 to vector<16xi32>
      %add3A_559 = arith.addi %add3A_457, %add3A_558 : vector<16xi32>
      %gather3A_560 = tpu.vector_load_idx %arg10[%add3A_559] : memref<16384xi32, #tpu.memory_space<vmem>>[vector<16xi32>], vector<16xi32>,
      %lt3A_561 = arith.cmpi slt, %gather3A_560, %get3A_170 : vector<16xi32>
      %jit3A_562 = arith.constant 1024 : i32
      %jit3A_563 = arith.constant 0 : i32
      %broadcast_in_dim3A_564 = vector.broadcast %jit3A_562 : i32 to vector<16xi32>
      %broadcast_in_dim3A_565 = vector.broadcast %jit3A_563 : i32 to vector<16xi32>
      %select_n3A_566 = arith.select %lt3A_561, %broadcast_in_dim3A_564, %broadcast_in_dim3A_565 : vector<16xi1>, vector<16xi32>
      %add3A_567 = arith.addi %add3A_457, %select_n3A_566 : vector<16xi32>
      %add3A_568 = arith.constant 1023 : i32
      %add3A_569 = vector.broadcast %add3A_568 : i32 to vector<16xi32>
      %add3A_570 = arith.addi %add3A_468, %add3A_569 : vector<16xi32>
      %gather3A_571 = tpu.vector_load_idx %arg10[%add3A_570] : memref<16384xi32, #tpu.memory_space<vmem>>[vector<16xi32>], vector<16xi32>,
      %lt3A_572 = arith.cmpi slt, %gather3A_571, %get3A_174 : vector<16xi32>
      %jit3A_573 = arith.constant 1024 : i32
      %jit3A_574 = arith.constant 0 : i32
      %broadcast_in_dim3A_575 = vector.broadcast %jit3A_573 : i32 to vector<16xi32>
      %broadcast_in_dim3A_576 = vector.broadcast %jit3A_574 : i32 to vector<16xi32>
      %select_n3A_577 = arith.select %lt3A_572, %broadcast_in_dim3A_575, %broadcast_in_dim3A_576 : vector<16xi1>, vector<16xi32>
      %add3A_578 = arith.addi %add3A_468, %select_n3A_577 : vector<16xi32>
      %add3A_579 = arith.constant 1023 : i32
      %add3A_580 = vector.broadcast %add3A_579 : i32 to vector<16xi32>
      %add3A_581 = arith.addi %add3A_479, %add3A_580 : vector<16xi32>
      %gather3A_582 = tpu.vector_load_idx %arg10[%add3A_581] : memref<16384xi32, #tpu.memory_space<vmem>>[vector<16xi32>], vector<16xi32>,
      %lt3A_583 = arith.cmpi slt, %gather3A_582, %get3A_178 : vector<16xi32>
      %jit3A_584 = arith.constant 1024 : i32
      %jit3A_585 = arith.constant 0 : i32
      %broadcast_in_dim3A_586 = vector.broadcast %jit3A_584 : i32 to vector<16xi32>
      %broadcast_in_dim3A_587 = vector.broadcast %jit3A_585 : i32 to vector<16xi32>
      %select_n3A_588 = arith.select %lt3A_583, %broadcast_in_dim3A_586, %broadcast_in_dim3A_587 : vector<16xi1>, vector<16xi32>
      %add3A_589 = arith.addi %add3A_479, %select_n3A_588 : vector<16xi32>
      %add3A_590 = arith.constant 1023 : i32
      %add3A_591 = vector.broadcast %add3A_590 : i32 to vector<16xi32>
      %add3A_592 = arith.addi %add3A_490, %add3A_591 : vector<16xi32>
      %gather3A_593 = tpu.vector_load_idx %arg10[%add3A_592] : memref<16384xi32, #tpu.memory_space<vmem>>[vector<16xi32>], vector<16xi32>,
      %lt3A_594 = arith.cmpi slt, %gather3A_593, %get3A_182 : vector<16xi32>
      %jit3A_595 = arith.constant 1024 : i32
      %jit3A_596 = arith.constant 0 : i32
      %broadcast_in_dim3A_597 = vector.broadcast %jit3A_595 : i32 to vector<16xi32>
      %broadcast_in_dim3A_598 = vector.broadcast %jit3A_596 : i32 to vector<16xi32>
      %select_n3A_599 = arith.select %lt3A_594, %broadcast_in_dim3A_597, %broadcast_in_dim3A_598 : vector<16xi1>, vector<16xi32>
      %add3A_600 = arith.addi %add3A_490, %select_n3A_599 : vector<16xi32>
      %add3A_601 = arith.constant 1023 : i32
      %add3A_602 = vector.broadcast %add3A_601 : i32 to vector<16xi32>
      %add3A_603 = arith.addi %add3A_501, %add3A_602 : vector<16xi32>
      %gather3A_604 = tpu.vector_load_idx %arg10[%add3A_603] : memref<16384xi32, #tpu.memory_space<vmem>>[vector<16xi32>], vector<16xi32>,
      %lt3A_605 = arith.cmpi slt, %gather3A_604, %get3A_186 : vector<16xi32>
      %jit3A_606 = arith.constant 1024 : i32
      %jit3A_607 = arith.constant 0 : i32
      %broadcast_in_dim3A_608 = vector.broadcast %jit3A_606 : i32 to vector<16xi32>
      %broadcast_in_dim3A_609 = vector.broadcast %jit3A_607 : i32 to vector<16xi32>
      %select_n3A_610 = arith.select %lt3A_605, %broadcast_in_dim3A_608, %broadcast_in_dim3A_609 : vector<16xi1>, vector<16xi32>
      %add3A_611 = arith.addi %add3A_501, %select_n3A_610 : vector<16xi32>
      %add3A_612 = arith.constant 1023 : i32
      %add3A_613 = vector.broadcast %add3A_612 : i32 to vector<16xi32>
      %add3A_614 = arith.addi %add3A_512, %add3A_613 : vector<16xi32>
      %gather3A_615 = tpu.vector_load_idx %arg10[%add3A_614] : memref<16384xi32, #tpu.memory_space<vmem>>[vector<16xi32>], vector<16xi32>,
      %lt3A_616 = arith.cmpi slt, %gather3A_615, %get3A_190 : vector<16xi32>
      %jit3A_617 = arith.constant 1024 : i32
      %jit3A_618 = arith.constant 0 : i32
      %broadcast_in_dim3A_619 = vector.broadcast %jit3A_617 : i32 to vector<16xi32>
      %broadcast_in_dim3A_620 = vector.broadcast %jit3A_618 : i32 to vector<16xi32>
      %select_n3A_621 = arith.select %lt3A_616, %broadcast_in_dim3A_619, %broadcast_in_dim3A_620 : vector<16xi1>, vector<16xi32>
      %add3A_622 = arith.addi %add3A_512, %select_n3A_621 : vector<16xi32>
      %add3A_623 = arith.constant 1023 : i32
      %add3A_624 = vector.broadcast %add3A_623 : i32 to vector<16xi32>
      %add3A_625 = arith.addi %add3A_523, %add3A_624 : vector<16xi32>
      %gather3A_626 = tpu.vector_load_idx %arg10[%add3A_625] : memref<16384xi32, #tpu.memory_space<vmem>>[vector<16xi32>], vector<16xi32>,
      %lt3A_627 = arith.cmpi slt, %gather3A_626, %get3A_194 : vector<16xi32>
      %jit3A_628 = arith.constant 1024 : i32
      %jit3A_629 = arith.constant 0 : i32
      %broadcast_in_dim3A_630 = vector.broadcast %jit3A_628 : i32 to vector<16xi32>
      %broadcast_in_dim3A_631 = vector.broadcast %jit3A_629 : i32 to vector<16xi32>
      %select_n3A_632 = arith.select %lt3A_627, %broadcast_in_dim3A_630, %broadcast_in_dim3A_631 : vector<16xi1>, vector<16xi32>
      %add3A_633 = arith.addi %add3A_523, %select_n3A_632 : vector<16xi32>
      %add3A_634 = arith.constant 1023 : i32
      %add3A_635 = vector.broadcast %add3A_634 : i32 to vector<16xi32>
      %add3A_636 = arith.addi %add3A_534, %add3A_635 : vector<16xi32>
      %gather3A_637 = tpu.vector_load_idx %arg10[%add3A_636] : memref<16384xi32, #tpu.memory_space<vmem>>[vector<16xi32>], vector<16xi32>,
      %lt3A_638 = arith.cmpi slt, %gather3A_637, %get3A_198 : vector<16xi32>
      %jit3A_639 = arith.constant 1024 : i32
      %jit3A_640 = arith.constant 0 : i32
      %broadcast_in_dim3A_641 = vector.broadcast %jit3A_639 : i32 to vector<16xi32>
      %broadcast_in_dim3A_642 = vector.broadcast %jit3A_640 : i32 to vector<16xi32>
      %select_n3A_643 = arith.select %lt3A_638, %broadcast_in_dim3A_641, %broadcast_in_dim3A_642 : vector<16xi1>, vector<16xi32>
      %add3A_644 = arith.addi %add3A_534, %select_n3A_643 : vector<16xi32>
      %add3A_645 = arith.constant 1023 : i32
      %add3A_646 = vector.broadcast %add3A_645 : i32 to vector<16xi32>
      %add3A_647 = arith.addi %add3A_545, %add3A_646 : vector<16xi32>
      %gather3A_648 = tpu.vector_load_idx %arg10[%add3A_647] : memref<16384xi32, #tpu.memory_space<vmem>>[vector<16xi32>], vector<16xi32>,
      %lt3A_649 = arith.cmpi slt, %gather3A_648, %get3A_202 : vector<16xi32>
      %jit3A_650 = arith.constant 1024 : i32
      %jit3A_651 = arith.constant 0 : i32
      %broadcast_in_dim3A_652 = vector.broadcast %jit3A_650 : i32 to vector<16xi32>
      %broadcast_in_dim3A_653 = vector.broadcast %jit3A_651 : i32 to vector<16xi32>
      %select_n3A_654 = arith.select %lt3A_649, %broadcast_in_dim3A_652, %broadcast_in_dim3A_653 : vector<16xi1>, vector<16xi32>
      %add3A_655 = arith.addi %add3A_545, %select_n3A_654 : vector<16xi32>
      %add3A_656 = arith.constant 1023 : i32
      %add3A_657 = vector.broadcast %add3A_656 : i32 to vector<16xi32>
      %add3A_658 = arith.addi %add3A_556, %add3A_657 : vector<16xi32>
      %gather3A_659 = tpu.vector_load_idx %arg10[%add3A_658] : memref<16384xi32, #tpu.memory_space<vmem>>[vector<16xi32>], vector<16xi32>,
      %lt3A_660 = arith.cmpi slt, %gather3A_659, %get3A_206 : vector<16xi32>
      %jit3A_661 = arith.constant 1024 : i32
      %jit3A_662 = arith.constant 0 : i32
      %broadcast_in_dim3A_663 = vector.broadcast %jit3A_661 : i32 to vector<16xi32>
      %broadcast_in_dim3A_664 = vector.broadcast %jit3A_662 : i32 to vector<16xi32>
      %select_n3A_665 = arith.select %lt3A_660, %broadcast_in_dim3A_663, %broadcast_in_dim3A_664 : vector<16xi1>, vector<16xi32>
      %add3A_666 = arith.addi %add3A_556, %select_n3A_665 : vector<16xi32>
      %add3A_667 = arith.constant 511 : i32
      %add3A_668 = vector.broadcast %add3A_667 : i32 to vector<16xi32>
      %add3A_669 = arith.addi %add3A_567, %add3A_668 : vector<16xi32>
      %gather3A_670 = tpu.vector_load_idx %arg10[%add3A_669] : memref<16384xi32, #tpu.memory_space<vmem>>[vector<16xi32>], vector<16xi32>,
      %lt3A_671 = arith.cmpi slt, %gather3A_670, %get3A_170 : vector<16xi32>
      %jit3A_672 = arith.constant 512 : i32
      %jit3A_673 = arith.constant 0 : i32
      %broadcast_in_dim3A_674 = vector.broadcast %jit3A_672 : i32 to vector<16xi32>
      %broadcast_in_dim3A_675 = vector.broadcast %jit3A_673 : i32 to vector<16xi32>
      %select_n3A_676 = arith.select %lt3A_671, %broadcast_in_dim3A_674, %broadcast_in_dim3A_675 : vector<16xi1>, vector<16xi32>
      %add3A_677 = arith.addi %add3A_567, %select_n3A_676 : vector<16xi32>
      %add3A_678 = arith.constant 511 : i32
      %add3A_679 = vector.broadcast %add3A_678 : i32 to vector<16xi32>
      %add3A_680 = arith.addi %add3A_578, %add3A_679 : vector<16xi32>
      %gather3A_681 = tpu.vector_load_idx %arg10[%add3A_680] : memref<16384xi32, #tpu.memory_space<vmem>>[vector<16xi32>], vector<16xi32>,
      %lt3A_682 = arith.cmpi slt, %gather3A_681, %get3A_174 : vector<16xi32>
      %jit3A_683 = arith.constant 512 : i32
      %jit3A_684 = arith.constant 0 : i32
      %broadcast_in_dim3A_685 = vector.broadcast %jit3A_683 : i32 to vector<16xi32>
      %broadcast_in_dim3A_686 = vector.broadcast %jit3A_684 : i32 to vector<16xi32>
      %select_n3A_687 = arith.select %lt3A_682, %broadcast_in_dim3A_685, %broadcast_in_dim3A_686 : vector<16xi1>, vector<16xi32>
      %add3A_688 = arith.addi %add3A_578, %select_n3A_687 : vector<16xi32>
      %add3A_689 = arith.constant 511 : i32
      %add3A_690 = vector.broadcast %add3A_689 : i32 to vector<16xi32>
      %add3A_691 = arith.addi %add3A_589, %add3A_690 : vector<16xi32>
      %gather3A_692 = tpu.vector_load_idx %arg10[%add3A_691] : memref<16384xi32, #tpu.memory_space<vmem>>[vector<16xi32>], vector<16xi32>,
      %lt3A_693 = arith.cmpi slt, %gather3A_692, %get3A_178 : vector<16xi32>
      %jit3A_694 = arith.constant 512 : i32
      %jit3A_695 = arith.constant 0 : i32
      %broadcast_in_dim3A_696 = vector.broadcast %jit3A_694 : i32 to vector<16xi32>
      %broadcast_in_dim3A_697 = vector.broadcast %jit3A_695 : i32 to vector<16xi32>
      %select_n3A_698 = arith.select %lt3A_693, %broadcast_in_dim3A_696, %broadcast_in_dim3A_697 : vector<16xi1>, vector<16xi32>
      %add3A_699 = arith.addi %add3A_589, %select_n3A_698 : vector<16xi32>
      %add3A_700 = arith.constant 511 : i32
      %add3A_701 = vector.broadcast %add3A_700 : i32 to vector<16xi32>
      %add3A_702 = arith.addi %add3A_600, %add3A_701 : vector<16xi32>
      %gather3A_703 = tpu.vector_load_idx %arg10[%add3A_702] : memref<16384xi32, #tpu.memory_space<vmem>>[vector<16xi32>], vector<16xi32>,
      %lt3A_704 = arith.cmpi slt, %gather3A_703, %get3A_182 : vector<16xi32>
      %jit3A_705 = arith.constant 512 : i32
      %jit3A_706 = arith.constant 0 : i32
      %broadcast_in_dim3A_707 = vector.broadcast %jit3A_705 : i32 to vector<16xi32>
      %broadcast_in_dim3A_708 = vector.broadcast %jit3A_706 : i32 to vector<16xi32>
      %select_n3A_709 = arith.select %lt3A_704, %broadcast_in_dim3A_707, %broadcast_in_dim3A_708 : vector<16xi1>, vector<16xi32>
      %add3A_710 = arith.addi %add3A_600, %select_n3A_709 : vector<16xi32>
      %add3A_711 = arith.constant 511 : i32
      %add3A_712 = vector.broadcast %add3A_711 : i32 to vector<16xi32>
      %add3A_713 = arith.addi %add3A_611, %add3A_712 : vector<16xi32>
      %gather3A_714 = tpu.vector_load_idx %arg10[%add3A_713] : memref<16384xi32, #tpu.memory_space<vmem>>[vector<16xi32>], vector<16xi32>,
      %lt3A_715 = arith.cmpi slt, %gather3A_714, %get3A_186 : vector<16xi32>
      %jit3A_716 = arith.constant 512 : i32
      %jit3A_717 = arith.constant 0 : i32
      %broadcast_in_dim3A_718 = vector.broadcast %jit3A_716 : i32 to vector<16xi32>
      %broadcast_in_dim3A_719 = vector.broadcast %jit3A_717 : i32 to vector<16xi32>
      %select_n3A_720 = arith.select %lt3A_715, %broadcast_in_dim3A_718, %broadcast_in_dim3A_719 : vector<16xi1>, vector<16xi32>
      %add3A_721 = arith.addi %add3A_611, %select_n3A_720 : vector<16xi32>
      %add3A_722 = arith.constant 511 : i32
      %add3A_723 = vector.broadcast %add3A_722 : i32 to vector<16xi32>
      %add3A_724 = arith.addi %add3A_622, %add3A_723 : vector<16xi32>
      %gather3A_725 = tpu.vector_load_idx %arg10[%add3A_724] : memref<16384xi32, #tpu.memory_space<vmem>>[vector<16xi32>], vector<16xi32>,
      %lt3A_726 = arith.cmpi slt, %gather3A_725, %get3A_190 : vector<16xi32>
      %jit3A_727 = arith.constant 512 : i32
      %jit3A_728 = arith.constant 0 : i32
      %broadcast_in_dim3A_729 = vector.broadcast %jit3A_727 : i32 to vector<16xi32>
      %broadcast_in_dim3A_730 = vector.broadcast %jit3A_728 : i32 to vector<16xi32>
      %select_n3A_731 = arith.select %lt3A_726, %broadcast_in_dim3A_729, %broadcast_in_dim3A_730 : vector<16xi1>, vector<16xi32>
      %add3A_732 = arith.addi %add3A_622, %select_n3A_731 : vector<16xi32>
      %add3A_733 = arith.constant 511 : i32
      %add3A_734 = vector.broadcast %add3A_733 : i32 to vector<16xi32>
      %add3A_735 = arith.addi %add3A_633, %add3A_734 : vector<16xi32>
      %gather3A_736 = tpu.vector_load_idx %arg10[%add3A_735] : memref<16384xi32, #tpu.memory_space<vmem>>[vector<16xi32>], vector<16xi32>,
      %lt3A_737 = arith.cmpi slt, %gather3A_736, %get3A_194 : vector<16xi32>
      %jit3A_738 = arith.constant 512 : i32
      %jit3A_739 = arith.constant 0 : i32
      %broadcast_in_dim3A_740 = vector.broadcast %jit3A_738 : i32 to vector<16xi32>
      %broadcast_in_dim3A_741 = vector.broadcast %jit3A_739 : i32 to vector<16xi32>
      %select_n3A_742 = arith.select %lt3A_737, %broadcast_in_dim3A_740, %broadcast_in_dim3A_741 : vector<16xi1>, vector<16xi32>
      %add3A_743 = arith.addi %add3A_633, %select_n3A_742 : vector<16xi32>
      %add3A_744 = arith.constant 511 : i32
      %add3A_745 = vector.broadcast %add3A_744 : i32 to vector<16xi32>
      %add3A_746 = arith.addi %add3A_644, %add3A_745 : vector<16xi32>
      %gather3A_747 = tpu.vector_load_idx %arg10[%add3A_746] : memref<16384xi32, #tpu.memory_space<vmem>>[vector<16xi32>], vector<16xi32>,
      %lt3A_748 = arith.cmpi slt, %gather3A_747, %get3A_198 : vector<16xi32>
      %jit3A_749 = arith.constant 512 : i32
      %jit3A_750 = arith.constant 0 : i32
      %broadcast_in_dim3A_751 = vector.broadcast %jit3A_749 : i32 to vector<16xi32>
      %broadcast_in_dim3A_752 = vector.broadcast %jit3A_750 : i32 to vector<16xi32>
      %select_n3A_753 = arith.select %lt3A_748, %broadcast_in_dim3A_751, %broadcast_in_dim3A_752 : vector<16xi1>, vector<16xi32>
      %add3A_754 = arith.addi %add3A_644, %select_n3A_753 : vector<16xi32>
      %add3A_755 = arith.constant 511 : i32
      %add3A_756 = vector.broadcast %add3A_755 : i32 to vector<16xi32>
      %add3A_757 = arith.addi %add3A_655, %add3A_756 : vector<16xi32>
      %gather3A_758 = tpu.vector_load_idx %arg10[%add3A_757] : memref<16384xi32, #tpu.memory_space<vmem>>[vector<16xi32>], vector<16xi32>,
      %lt3A_759 = arith.cmpi slt, %gather3A_758, %get3A_202 : vector<16xi32>
      %jit3A_760 = arith.constant 512 : i32
      %jit3A_761 = arith.constant 0 : i32
      %broadcast_in_dim3A_762 = vector.broadcast %jit3A_760 : i32 to vector<16xi32>
      %broadcast_in_dim3A_763 = vector.broadcast %jit3A_761 : i32 to vector<16xi32>
      %select_n3A_764 = arith.select %lt3A_759, %broadcast_in_dim3A_762, %broadcast_in_dim3A_763 : vector<16xi1>, vector<16xi32>
      %add3A_765 = arith.addi %add3A_655, %select_n3A_764 : vector<16xi32>
      %add3A_766 = arith.constant 511 : i32
      %add3A_767 = vector.broadcast %add3A_766 : i32 to vector<16xi32>
      %add3A_768 = arith.addi %add3A_666, %add3A_767 : vector<16xi32>
      %gather3A_769 = tpu.vector_load_idx %arg10[%add3A_768] : memref<16384xi32, #tpu.memory_space<vmem>>[vector<16xi32>], vector<16xi32>,
      %lt3A_770 = arith.cmpi slt, %gather3A_769, %get3A_206 : vector<16xi32>
      %jit3A_771 = arith.constant 512 : i32
      %jit3A_772 = arith.constant 0 : i32
      %broadcast_in_dim3A_773 = vector.broadcast %jit3A_771 : i32 to vector<16xi32>
      %broadcast_in_dim3A_774 = vector.broadcast %jit3A_772 : i32 to vector<16xi32>
      %select_n3A_775 = arith.select %lt3A_770, %broadcast_in_dim3A_773, %broadcast_in_dim3A_774 : vector<16xi1>, vector<16xi32>
      %add3A_776 = arith.addi %add3A_666, %select_n3A_775 : vector<16xi32>
      %add3A_777 = arith.constant 255 : i32
      %add3A_778 = vector.broadcast %add3A_777 : i32 to vector<16xi32>
      %add3A_779 = arith.addi %add3A_677, %add3A_778 : vector<16xi32>
      %gather3A_780 = tpu.vector_load_idx %arg10[%add3A_779] : memref<16384xi32, #tpu.memory_space<vmem>>[vector<16xi32>], vector<16xi32>,
      %lt3A_781 = arith.cmpi slt, %gather3A_780, %get3A_170 : vector<16xi32>
      %jit3A_782 = arith.constant 256 : i32
      %jit3A_783 = arith.constant 0 : i32
      %broadcast_in_dim3A_784 = vector.broadcast %jit3A_782 : i32 to vector<16xi32>
      %broadcast_in_dim3A_785 = vector.broadcast %jit3A_783 : i32 to vector<16xi32>
      %select_n3A_786 = arith.select %lt3A_781, %broadcast_in_dim3A_784, %broadcast_in_dim3A_785 : vector<16xi1>, vector<16xi32>
      %add3A_787 = arith.addi %add3A_677, %select_n3A_786 : vector<16xi32>
      %add3A_788 = arith.constant 255 : i32
      %add3A_789 = vector.broadcast %add3A_788 : i32 to vector<16xi32>
      %add3A_790 = arith.addi %add3A_688, %add3A_789 : vector<16xi32>
      %gather3A_791 = tpu.vector_load_idx %arg10[%add3A_790] : memref<16384xi32, #tpu.memory_space<vmem>>[vector<16xi32>], vector<16xi32>,
      %lt3A_792 = arith.cmpi slt, %gather3A_791, %get3A_174 : vector<16xi32>
      %jit3A_793 = arith.constant 256 : i32
      %jit3A_794 = arith.constant 0 : i32
      %broadcast_in_dim3A_795 = vector.broadcast %jit3A_793 : i32 to vector<16xi32>
      %broadcast_in_dim3A_796 = vector.broadcast %jit3A_794 : i32 to vector<16xi32>
      %select_n3A_797 = arith.select %lt3A_792, %broadcast_in_dim3A_795, %broadcast_in_dim3A_796 : vector<16xi1>, vector<16xi32>
      %add3A_798 = arith.addi %add3A_688, %select_n3A_797 : vector<16xi32>
      %add3A_799 = arith.constant 255 : i32
      %add3A_800 = vector.broadcast %add3A_799 : i32 to vector<16xi32>
      %add3A_801 = arith.addi %add3A_699, %add3A_800 : vector<16xi32>
      %gather3A_802 = tpu.vector_load_idx %arg10[%add3A_801] : memref<16384xi32, #tpu.memory_space<vmem>>[vector<16xi32>], vector<16xi32>,
      %lt3A_803 = arith.cmpi slt, %gather3A_802, %get3A_178 : vector<16xi32>
      %jit3A_804 = arith.constant 256 : i32
      %jit3A_805 = arith.constant 0 : i32
      %broadcast_in_dim3A_806 = vector.broadcast %jit3A_804 : i32 to vector<16xi32>
      %broadcast_in_dim3A_807 = vector.broadcast %jit3A_805 : i32 to vector<16xi32>
      %select_n3A_808 = arith.select %lt3A_803, %broadcast_in_dim3A_806, %broadcast_in_dim3A_807 : vector<16xi1>, vector<16xi32>
      %add3A_809 = arith.addi %add3A_699, %select_n3A_808 : vector<16xi32>
      %add3A_810 = arith.constant 255 : i32
      %add3A_811 = vector.broadcast %add3A_810 : i32 to vector<16xi32>
      %add3A_812 = arith.addi %add3A_710, %add3A_811 : vector<16xi32>
      %gather3A_813 = tpu.vector_load_idx %arg10[%add3A_812] : memref<16384xi32, #tpu.memory_space<vmem>>[vector<16xi32>], vector<16xi32>,
      %lt3A_814 = arith.cmpi slt, %gather3A_813, %get3A_182 : vector<16xi32>
      %jit3A_815 = arith.constant 256 : i32
      %jit3A_816 = arith.constant 0 : i32
      %broadcast_in_dim3A_817 = vector.broadcast %jit3A_815 : i32 to vector<16xi32>
      %broadcast_in_dim3A_818 = vector.broadcast %jit3A_816 : i32 to vector<16xi32>
      %select_n3A_819 = arith.select %lt3A_814, %broadcast_in_dim3A_817, %broadcast_in_dim3A_818 : vector<16xi1>, vector<16xi32>
      %add3A_820 = arith.addi %add3A_710, %select_n3A_819 : vector<16xi32>
      %add3A_821 = arith.constant 255 : i32
      %add3A_822 = vector.broadcast %add3A_821 : i32 to vector<16xi32>
      %add3A_823 = arith.addi %add3A_721, %add3A_822 : vector<16xi32>
      %gather3A_824 = tpu.vector_load_idx %arg10[%add3A_823] : memref<16384xi32, #tpu.memory_space<vmem>>[vector<16xi32>], vector<16xi32>,
      %lt3A_825 = arith.cmpi slt, %gather3A_824, %get3A_186 : vector<16xi32>
      %jit3A_826 = arith.constant 256 : i32
      %jit3A_827 = arith.constant 0 : i32
      %broadcast_in_dim3A_828 = vector.broadcast %jit3A_826 : i32 to vector<16xi32>
      %broadcast_in_dim3A_829 = vector.broadcast %jit3A_827 : i32 to vector<16xi32>
      %select_n3A_830 = arith.select %lt3A_825, %broadcast_in_dim3A_828, %broadcast_in_dim3A_829 : vector<16xi1>, vector<16xi32>
      %add3A_831 = arith.addi %add3A_721, %select_n3A_830 : vector<16xi32>
      %add3A_832 = arith.constant 255 : i32
      %add3A_833 = vector.broadcast %add3A_832 : i32 to vector<16xi32>
      %add3A_834 = arith.addi %add3A_732, %add3A_833 : vector<16xi32>
      %gather3A_835 = tpu.vector_load_idx %arg10[%add3A_834] : memref<16384xi32, #tpu.memory_space<vmem>>[vector<16xi32>], vector<16xi32>,
      %lt3A_836 = arith.cmpi slt, %gather3A_835, %get3A_190 : vector<16xi32>
      %jit3A_837 = arith.constant 256 : i32
      %jit3A_838 = arith.constant 0 : i32
      %broadcast_in_dim3A_839 = vector.broadcast %jit3A_837 : i32 to vector<16xi32>
      %broadcast_in_dim3A_840 = vector.broadcast %jit3A_838 : i32 to vector<16xi32>
      %select_n3A_841 = arith.select %lt3A_836, %broadcast_in_dim3A_839, %broadcast_in_dim3A_840 : vector<16xi1>, vector<16xi32>
      %add3A_842 = arith.addi %add3A_732, %select_n3A_841 : vector<16xi32>
      %add3A_843 = arith.constant 255 : i32
      %add3A_844 = vector.broadcast %add3A_843 : i32 to vector<16xi32>
      %add3A_845 = arith.addi %add3A_743, %add3A_844 : vector<16xi32>
      %gather3A_846 = tpu.vector_load_idx %arg10[%add3A_845] : memref<16384xi32, #tpu.memory_space<vmem>>[vector<16xi32>], vector<16xi32>,
      %lt3A_847 = arith.cmpi slt, %gather3A_846, %get3A_194 : vector<16xi32>
      %jit3A_848 = arith.constant 256 : i32
      %jit3A_849 = arith.constant 0 : i32
      %broadcast_in_dim3A_850 = vector.broadcast %jit3A_848 : i32 to vector<16xi32>
      %broadcast_in_dim3A_851 = vector.broadcast %jit3A_849 : i32 to vector<16xi32>
      %select_n3A_852 = arith.select %lt3A_847, %broadcast_in_dim3A_850, %broadcast_in_dim3A_851 : vector<16xi1>, vector<16xi32>
      %add3A_853 = arith.addi %add3A_743, %select_n3A_852 : vector<16xi32>
      %add3A_854 = arith.constant 255 : i32
      %add3A_855 = vector.broadcast %add3A_854 : i32 to vector<16xi32>
      %add3A_856 = arith.addi %add3A_754, %add3A_855 : vector<16xi32>
      %gather3A_857 = tpu.vector_load_idx %arg10[%add3A_856] : memref<16384xi32, #tpu.memory_space<vmem>>[vector<16xi32>], vector<16xi32>,
      %lt3A_858 = arith.cmpi slt, %gather3A_857, %get3A_198 : vector<16xi32>
      %jit3A_859 = arith.constant 256 : i32
      %jit3A_860 = arith.constant 0 : i32
      %broadcast_in_dim3A_861 = vector.broadcast %jit3A_859 : i32 to vector<16xi32>
      %broadcast_in_dim3A_862 = vector.broadcast %jit3A_860 : i32 to vector<16xi32>
      %select_n3A_863 = arith.select %lt3A_858, %broadcast_in_dim3A_861, %broadcast_in_dim3A_862 : vector<16xi1>, vector<16xi32>
      %add3A_864 = arith.addi %add3A_754, %select_n3A_863 : vector<16xi32>
      %add3A_865 = arith.constant 255 : i32
      %add3A_866 = vector.broadcast %add3A_865 : i32 to vector<16xi32>
      %add3A_867 = arith.addi %add3A_765, %add3A_866 : vector<16xi32>
      %gather3A_868 = tpu.vector_load_idx %arg10[%add3A_867] : memref<16384xi32, #tpu.memory_space<vmem>>[vector<16xi32>], vector<16xi32>,
      %lt3A_869 = arith.cmpi slt, %gather3A_868, %get3A_202 : vector<16xi32>
      %jit3A_870 = arith.constant 256 : i32
      %jit3A_871 = arith.constant 0 : i32
      %broadcast_in_dim3A_872 = vector.broadcast %jit3A_870 : i32 to vector<16xi32>
      %broadcast_in_dim3A_873 = vector.broadcast %jit3A_871 : i32 to vector<16xi32>
      %select_n3A_874 = arith.select %lt3A_869, %broadcast_in_dim3A_872, %broadcast_in_dim3A_873 : vector<16xi1>, vector<16xi32>
      %add3A_875 = arith.addi %add3A_765, %select_n3A_874 : vector<16xi32>
      %add3A_876 = arith.constant 255 : i32
      %add3A_877 = vector.broadcast %add3A_876 : i32 to vector<16xi32>
      %add3A_878 = arith.addi %add3A_776, %add3A_877 : vector<16xi32>
      %gather3A_879 = tpu.vector_load_idx %arg10[%add3A_878] : memref<16384xi32, #tpu.memory_space<vmem>>[vector<16xi32>], vector<16xi32>,
      %lt3A_880 = arith.cmpi slt, %gather3A_879, %get3A_206 : vector<16xi32>
      %jit3A_881 = arith.constant 256 : i32
      %jit3A_882 = arith.constant 0 : i32
      %broadcast_in_dim3A_883 = vector.broadcast %jit3A_881 : i32 to vector<16xi32>
      %broadcast_in_dim3A_884 = vector.broadcast %jit3A_882 : i32 to vector<16xi32>
      %select_n3A_885 = arith.select %lt3A_880, %broadcast_in_dim3A_883, %broadcast_in_dim3A_884 : vector<16xi1>, vector<16xi32>
      %add3A_886 = arith.addi %add3A_776, %select_n3A_885 : vector<16xi32>
      %add3A_887 = arith.constant 127 : i32
      %add3A_888 = vector.broadcast %add3A_887 : i32 to vector<16xi32>
      %add3A_889 = arith.addi %add3A_787, %add3A_888 : vector<16xi32>
      %gather3A_890 = tpu.vector_load_idx %arg10[%add3A_889] : memref<16384xi32, #tpu.memory_space<vmem>>[vector<16xi32>], vector<16xi32>,
      %lt3A_891 = arith.cmpi slt, %gather3A_890, %get3A_170 : vector<16xi32>
      %jit3A_892 = arith.constant 128 : i32
      %jit3A_893 = arith.constant 0 : i32
      %broadcast_in_dim3A_894 = vector.broadcast %jit3A_892 : i32 to vector<16xi32>
      %broadcast_in_dim3A_895 = vector.broadcast %jit3A_893 : i32 to vector<16xi32>
      %select_n3A_896 = arith.select %lt3A_891, %broadcast_in_dim3A_894, %broadcast_in_dim3A_895 : vector<16xi1>, vector<16xi32>
      %add3A_897 = arith.addi %add3A_787, %select_n3A_896 : vector<16xi32>
      %add3A_898 = arith.constant 127 : i32
      %add3A_899 = vector.broadcast %add3A_898 : i32 to vector<16xi32>
      %add3A_900 = arith.addi %add3A_798, %add3A_899 : vector<16xi32>
      %gather3A_901 = tpu.vector_load_idx %arg10[%add3A_900] : memref<16384xi32, #tpu.memory_space<vmem>>[vector<16xi32>], vector<16xi32>,
      %lt3A_902 = arith.cmpi slt, %gather3A_901, %get3A_174 : vector<16xi32>
      %jit3A_903 = arith.constant 128 : i32
      %jit3A_904 = arith.constant 0 : i32
      %broadcast_in_dim3A_905 = vector.broadcast %jit3A_903 : i32 to vector<16xi32>
      %broadcast_in_dim3A_906 = vector.broadcast %jit3A_904 : i32 to vector<16xi32>
      %select_n3A_907 = arith.select %lt3A_902, %broadcast_in_dim3A_905, %broadcast_in_dim3A_906 : vector<16xi1>, vector<16xi32>
      %add3A_908 = arith.addi %add3A_798, %select_n3A_907 : vector<16xi32>
      %add3A_909 = arith.constant 127 : i32
      %add3A_910 = vector.broadcast %add3A_909 : i32 to vector<16xi32>
      %add3A_911 = arith.addi %add3A_809, %add3A_910 : vector<16xi32>
      %gather3A_912 = tpu.vector_load_idx %arg10[%add3A_911] : memref<16384xi32, #tpu.memory_space<vmem>>[vector<16xi32>], vector<16xi32>,
      %lt3A_913 = arith.cmpi slt, %gather3A_912, %get3A_178 : vector<16xi32>
      %jit3A_914 = arith.constant 128 : i32
      %jit3A_915 = arith.constant 0 : i32
      %broadcast_in_dim3A_916 = vector.broadcast %jit3A_914 : i32 to vector<16xi32>
      %broadcast_in_dim3A_917 = vector.broadcast %jit3A_915 : i32 to vector<16xi32>
      %select_n3A_918 = arith.select %lt3A_913, %broadcast_in_dim3A_916, %broadcast_in_dim3A_917 : vector<16xi1>, vector<16xi32>
      %add3A_919 = arith.addi %add3A_809, %select_n3A_918 : vector<16xi32>
      %add3A_920 = arith.constant 127 : i32
      %add3A_921 = vector.broadcast %add3A_920 : i32 to vector<16xi32>
      %add3A_922 = arith.addi %add3A_820, %add3A_921 : vector<16xi32>
      %gather3A_923 = tpu.vector_load_idx %arg10[%add3A_922] : memref<16384xi32, #tpu.memory_space<vmem>>[vector<16xi32>], vector<16xi32>,
      %lt3A_924 = arith.cmpi slt, %gather3A_923, %get3A_182 : vector<16xi32>
      %jit3A_925 = arith.constant 128 : i32
      %jit3A_926 = arith.constant 0 : i32
      %broadcast_in_dim3A_927 = vector.broadcast %jit3A_925 : i32 to vector<16xi32>
      %broadcast_in_dim3A_928 = vector.broadcast %jit3A_926 : i32 to vector<16xi32>
      %select_n3A_929 = arith.select %lt3A_924, %broadcast_in_dim3A_927, %broadcast_in_dim3A_928 : vector<16xi1>, vector<16xi32>
      %add3A_930 = arith.addi %add3A_820, %select_n3A_929 : vector<16xi32>
      %add3A_931 = arith.constant 127 : i32
      %add3A_932 = vector.broadcast %add3A_931 : i32 to vector<16xi32>
      %add3A_933 = arith.addi %add3A_831, %add3A_932 : vector<16xi32>
      %gather3A_934 = tpu.vector_load_idx %arg10[%add3A_933] : memref<16384xi32, #tpu.memory_space<vmem>>[vector<16xi32>], vector<16xi32>,
      %lt3A_935 = arith.cmpi slt, %gather3A_934, %get3A_186 : vector<16xi32>
      %jit3A_936 = arith.constant 128 : i32
      %jit3A_937 = arith.constant 0 : i32
      %broadcast_in_dim3A_938 = vector.broadcast %jit3A_936 : i32 to vector<16xi32>
      %broadcast_in_dim3A_939 = vector.broadcast %jit3A_937 : i32 to vector<16xi32>
      %select_n3A_940 = arith.select %lt3A_935, %broadcast_in_dim3A_938, %broadcast_in_dim3A_939 : vector<16xi1>, vector<16xi32>
      %add3A_941 = arith.addi %add3A_831, %select_n3A_940 : vector<16xi32>
      %add3A_942 = arith.constant 127 : i32
      %add3A_943 = vector.broadcast %add3A_942 : i32 to vector<16xi32>
      %add3A_944 = arith.addi %add3A_842, %add3A_943 : vector<16xi32>
      %gather3A_945 = tpu.vector_load_idx %arg10[%add3A_944] : memref<16384xi32, #tpu.memory_space<vmem>>[vector<16xi32>], vector<16xi32>,
      %lt3A_946 = arith.cmpi slt, %gather3A_945, %get3A_190 : vector<16xi32>
      %jit3A_947 = arith.constant 128 : i32
      %jit3A_948 = arith.constant 0 : i32
      %broadcast_in_dim3A_949 = vector.broadcast %jit3A_947 : i32 to vector<16xi32>
      %broadcast_in_dim3A_950 = vector.broadcast %jit3A_948 : i32 to vector<16xi32>
      %select_n3A_951 = arith.select %lt3A_946, %broadcast_in_dim3A_949, %broadcast_in_dim3A_950 : vector<16xi1>, vector<16xi32>
      %add3A_952 = arith.addi %add3A_842, %select_n3A_951 : vector<16xi32>
      %add3A_953 = arith.constant 127 : i32
      %add3A_954 = vector.broadcast %add3A_953 : i32 to vector<16xi32>
      %add3A_955 = arith.addi %add3A_853, %add3A_954 : vector<16xi32>
      %gather3A_956 = tpu.vector_load_idx %arg10[%add3A_955] : memref<16384xi32, #tpu.memory_space<vmem>>[vector<16xi32>], vector<16xi32>,
      %lt3A_957 = arith.cmpi slt, %gather3A_956, %get3A_194 : vector<16xi32>
      %jit3A_958 = arith.constant 128 : i32
      %jit3A_959 = arith.constant 0 : i32
      %broadcast_in_dim3A_960 = vector.broadcast %jit3A_958 : i32 to vector<16xi32>
      %broadcast_in_dim3A_961 = vector.broadcast %jit3A_959 : i32 to vector<16xi32>
      %select_n3A_962 = arith.select %lt3A_957, %broadcast_in_dim3A_960, %broadcast_in_dim3A_961 : vector<16xi1>, vector<16xi32>
      %add3A_963 = arith.addi %add3A_853, %select_n3A_962 : vector<16xi32>
      %add3A_964 = arith.constant 127 : i32
      %add3A_965 = vector.broadcast %add3A_964 : i32 to vector<16xi32>
      %add3A_966 = arith.addi %add3A_864, %add3A_965 : vector<16xi32>
      %gather3A_967 = tpu.vector_load_idx %arg10[%add3A_966] : memref<16384xi32, #tpu.memory_space<vmem>>[vector<16xi32>], vector<16xi32>,
      %lt3A_968 = arith.cmpi slt, %gather3A_967, %get3A_198 : vector<16xi32>
      %jit3A_969 = arith.constant 128 : i32
      %jit3A_970 = arith.constant 0 : i32
      %broadcast_in_dim3A_971 = vector.broadcast %jit3A_969 : i32 to vector<16xi32>
      %broadcast_in_dim3A_972 = vector.broadcast %jit3A_970 : i32 to vector<16xi32>
      %select_n3A_973 = arith.select %lt3A_968, %broadcast_in_dim3A_971, %broadcast_in_dim3A_972 : vector<16xi1>, vector<16xi32>
      %add3A_974 = arith.addi %add3A_864, %select_n3A_973 : vector<16xi32>
      %add3A_975 = arith.constant 127 : i32
      %add3A_976 = vector.broadcast %add3A_975 : i32 to vector<16xi32>
      %add3A_977 = arith.addi %add3A_875, %add3A_976 : vector<16xi32>
      %gather3A_978 = tpu.vector_load_idx %arg10[%add3A_977] : memref<16384xi32, #tpu.memory_space<vmem>>[vector<16xi32>], vector<16xi32>,
      %lt3A_979 = arith.cmpi slt, %gather3A_978, %get3A_202 : vector<16xi32>
      %jit3A_980 = arith.constant 128 : i32
      %jit3A_981 = arith.constant 0 : i32
      %broadcast_in_dim3A_982 = vector.broadcast %jit3A_980 : i32 to vector<16xi32>
      %broadcast_in_dim3A_983 = vector.broadcast %jit3A_981 : i32 to vector<16xi32>
      %select_n3A_984 = arith.select %lt3A_979, %broadcast_in_dim3A_982, %broadcast_in_dim3A_983 : vector<16xi1>, vector<16xi32>
      %add3A_985 = arith.addi %add3A_875, %select_n3A_984 : vector<16xi32>
      %add3A_986 = arith.constant 127 : i32
      %add3A_987 = vector.broadcast %add3A_986 : i32 to vector<16xi32>
      %add3A_988 = arith.addi %add3A_886, %add3A_987 : vector<16xi32>
      %gather3A_989 = tpu.vector_load_idx %arg10[%add3A_988] : memref<16384xi32, #tpu.memory_space<vmem>>[vector<16xi32>], vector<16xi32>,
      %lt3A_990 = arith.cmpi slt, %gather3A_989, %get3A_206 : vector<16xi32>
      %jit3A_991 = arith.constant 128 : i32
      %jit3A_992 = arith.constant 0 : i32
      %broadcast_in_dim3A_993 = vector.broadcast %jit3A_991 : i32 to vector<16xi32>
      %broadcast_in_dim3A_994 = vector.broadcast %jit3A_992 : i32 to vector<16xi32>
      %select_n3A_995 = arith.select %lt3A_990, %broadcast_in_dim3A_993, %broadcast_in_dim3A_994 : vector<16xi1>, vector<16xi32>
      %add3A_996 = arith.addi %add3A_886, %select_n3A_995 : vector<16xi32>
      %add3A_997 = arith.constant 63 : i32
      %add3A_998 = vector.broadcast %add3A_997 : i32 to vector<16xi32>
      %add3A_999 = arith.addi %add3A_897, %add3A_998 : vector<16xi32>
      %gather3A_1000 = tpu.vector_load_idx %arg10[%add3A_999] : memref<16384xi32, #tpu.memory_space<vmem>>[vector<16xi32>], vector<16xi32>,
      %lt3A_1001 = arith.cmpi slt, %gather3A_1000, %get3A_170 : vector<16xi32>
      %jit3A_1002 = arith.constant 64 : i32
      %jit3A_1003 = arith.constant 0 : i32
      %broadcast_in_dim3A_1004 = vector.broadcast %jit3A_1002 : i32 to vector<16xi32>
      %broadcast_in_dim3A_1005 = vector.broadcast %jit3A_1003 : i32 to vector<16xi32>
      %select_n3A_1006 = arith.select %lt3A_1001, %broadcast_in_dim3A_1004, %broadcast_in_dim3A_1005 : vector<16xi1>, vector<16xi32>
      %add3A_1007 = arith.addi %add3A_897, %select_n3A_1006 : vector<16xi32>
      %add3A_1008 = arith.constant 63 : i32
      %add3A_1009 = vector.broadcast %add3A_1008 : i32 to vector<16xi32>
      %add3A_1010 = arith.addi %add3A_908, %add3A_1009 : vector<16xi32>
      %gather3A_1011 = tpu.vector_load_idx %arg10[%add3A_1010] : memref<16384xi32, #tpu.memory_space<vmem>>[vector<16xi32>], vector<16xi32>,
      %lt3A_1012 = arith.cmpi slt, %gather3A_1011, %get3A_174 : vector<16xi32>
      %jit3A_1013 = arith.constant 64 : i32
      %jit3A_1014 = arith.constant 0 : i32
      %broadcast_in_dim3A_1015 = vector.broadcast %jit3A_1013 : i32 to vector<16xi32>
      %broadcast_in_dim3A_1016 = vector.broadcast %jit3A_1014 : i32 to vector<16xi32>
      %select_n3A_1017 = arith.select %lt3A_1012, %broadcast_in_dim3A_1015, %broadcast_in_dim3A_1016 : vector<16xi1>, vector<16xi32>
      %add3A_1018 = arith.addi %add3A_908, %select_n3A_1017 : vector<16xi32>
      %add3A_1019 = arith.constant 63 : i32
      %add3A_1020 = vector.broadcast %add3A_1019 : i32 to vector<16xi32>
      %add3A_1021 = arith.addi %add3A_919, %add3A_1020 : vector<16xi32>
      %gather3A_1022 = tpu.vector_load_idx %arg10[%add3A_1021] : memref<16384xi32, #tpu.memory_space<vmem>>[vector<16xi32>], vector<16xi32>,
      %lt3A_1023 = arith.cmpi slt, %gather3A_1022, %get3A_178 : vector<16xi32>
      %jit3A_1024 = arith.constant 64 : i32
      %jit3A_1025 = arith.constant 0 : i32
      %broadcast_in_dim3A_1026 = vector.broadcast %jit3A_1024 : i32 to vector<16xi32>
      %broadcast_in_dim3A_1027 = vector.broadcast %jit3A_1025 : i32 to vector<16xi32>
      %select_n3A_1028 = arith.select %lt3A_1023, %broadcast_in_dim3A_1026, %broadcast_in_dim3A_1027 : vector<16xi1>, vector<16xi32>
      %add3A_1029 = arith.addi %add3A_919, %select_n3A_1028 : vector<16xi32>
      %add3A_1030 = arith.constant 63 : i32
      %add3A_1031 = vector.broadcast %add3A_1030 : i32 to vector<16xi32>
      %add3A_1032 = arith.addi %add3A_930, %add3A_1031 : vector<16xi32>
      %gather3A_1033 = tpu.vector_load_idx %arg10[%add3A_1032] : memref<16384xi32, #tpu.memory_space<vmem>>[vector<16xi32>], vector<16xi32>,
      %lt3A_1034 = arith.cmpi slt, %gather3A_1033, %get3A_182 : vector<16xi32>
      %jit3A_1035 = arith.constant 64 : i32
      %jit3A_1036 = arith.constant 0 : i32
      %broadcast_in_dim3A_1037 = vector.broadcast %jit3A_1035 : i32 to vector<16xi32>
      %broadcast_in_dim3A_1038 = vector.broadcast %jit3A_1036 : i32 to vector<16xi32>
      %select_n3A_1039 = arith.select %lt3A_1034, %broadcast_in_dim3A_1037, %broadcast_in_dim3A_1038 : vector<16xi1>, vector<16xi32>
      %add3A_1040 = arith.addi %add3A_930, %select_n3A_1039 : vector<16xi32>
      %add3A_1041 = arith.constant 63 : i32
      %add3A_1042 = vector.broadcast %add3A_1041 : i32 to vector<16xi32>
      %add3A_1043 = arith.addi %add3A_941, %add3A_1042 : vector<16xi32>
      %gather3A_1044 = tpu.vector_load_idx %arg10[%add3A_1043] : memref<16384xi32, #tpu.memory_space<vmem>>[vector<16xi32>], vector<16xi32>,
      %lt3A_1045 = arith.cmpi slt, %gather3A_1044, %get3A_186 : vector<16xi32>
      %jit3A_1046 = arith.constant 64 : i32
      %jit3A_1047 = arith.constant 0 : i32
      %broadcast_in_dim3A_1048 = vector.broadcast %jit3A_1046 : i32 to vector<16xi32>
      %broadcast_in_dim3A_1049 = vector.broadcast %jit3A_1047 : i32 to vector<16xi32>
      %select_n3A_1050 = arith.select %lt3A_1045, %broadcast_in_dim3A_1048, %broadcast_in_dim3A_1049 : vector<16xi1>, vector<16xi32>
      %add3A_1051 = arith.addi %add3A_941, %select_n3A_1050 : vector<16xi32>
      %add3A_1052 = arith.constant 63 : i32
      %add3A_1053 = vector.broadcast %add3A_1052 : i32 to vector<16xi32>
      %add3A_1054 = arith.addi %add3A_952, %add3A_1053 : vector<16xi32>
      %gather3A_1055 = tpu.vector_load_idx %arg10[%add3A_1054] : memref<16384xi32, #tpu.memory_space<vmem>>[vector<16xi32>], vector<16xi32>,
      %lt3A_1056 = arith.cmpi slt, %gather3A_1055, %get3A_190 : vector<16xi32>
      %jit3A_1057 = arith.constant 64 : i32
      %jit3A_1058 = arith.constant 0 : i32
      %broadcast_in_dim3A_1059 = vector.broadcast %jit3A_1057 : i32 to vector<16xi32>
      %broadcast_in_dim3A_1060 = vector.broadcast %jit3A_1058 : i32 to vector<16xi32>
      %select_n3A_1061 = arith.select %lt3A_1056, %broadcast_in_dim3A_1059, %broadcast_in_dim3A_1060 : vector<16xi1>, vector<16xi32>
      %add3A_1062 = arith.addi %add3A_952, %select_n3A_1061 : vector<16xi32>
      %add3A_1063 = arith.constant 63 : i32
      %add3A_1064 = vector.broadcast %add3A_1063 : i32 to vector<16xi32>
      %add3A_1065 = arith.addi %add3A_963, %add3A_1064 : vector<16xi32>
      %gather3A_1066 = tpu.vector_load_idx %arg10[%add3A_1065] : memref<16384xi32, #tpu.memory_space<vmem>>[vector<16xi32>], vector<16xi32>,
      %lt3A_1067 = arith.cmpi slt, %gather3A_1066, %get3A_194 : vector<16xi32>
      %jit3A_1068 = arith.constant 64 : i32
      %jit3A_1069 = arith.constant 0 : i32
      %broadcast_in_dim3A_1070 = vector.broadcast %jit3A_1068 : i32 to vector<16xi32>
      %broadcast_in_dim3A_1071 = vector.broadcast %jit3A_1069 : i32 to vector<16xi32>
      %select_n3A_1072 = arith.select %lt3A_1067, %broadcast_in_dim3A_1070, %broadcast_in_dim3A_1071 : vector<16xi1>, vector<16xi32>
      %add3A_1073 = arith.addi %add3A_963, %select_n3A_1072 : vector<16xi32>
      %add3A_1074 = arith.constant 63 : i32
      %add3A_1075 = vector.broadcast %add3A_1074 : i32 to vector<16xi32>
      %add3A_1076 = arith.addi %add3A_974, %add3A_1075 : vector<16xi32>
      %gather3A_1077 = tpu.vector_load_idx %arg10[%add3A_1076] : memref<16384xi32, #tpu.memory_space<vmem>>[vector<16xi32>], vector<16xi32>,
      %lt3A_1078 = arith.cmpi slt, %gather3A_1077, %get3A_198 : vector<16xi32>
      %jit3A_1079 = arith.constant 64 : i32
      %jit3A_1080 = arith.constant 0 : i32
      %broadcast_in_dim3A_1081 = vector.broadcast %jit3A_1079 : i32 to vector<16xi32>
      %broadcast_in_dim3A_1082 = vector.broadcast %jit3A_1080 : i32 to vector<16xi32>
      %select_n3A_1083 = arith.select %lt3A_1078, %broadcast_in_dim3A_1081, %broadcast_in_dim3A_1082 : vector<16xi1>, vector<16xi32>
      %add3A_1084 = arith.addi %add3A_974, %select_n3A_1083 : vector<16xi32>
      %add3A_1085 = arith.constant 63 : i32
      %add3A_1086 = vector.broadcast %add3A_1085 : i32 to vector<16xi32>
      %add3A_1087 = arith.addi %add3A_985, %add3A_1086 : vector<16xi32>
      %gather3A_1088 = tpu.vector_load_idx %arg10[%add3A_1087] : memref<16384xi32, #tpu.memory_space<vmem>>[vector<16xi32>], vector<16xi32>,
      %lt3A_1089 = arith.cmpi slt, %gather3A_1088, %get3A_202 : vector<16xi32>
      %jit3A_1090 = arith.constant 64 : i32
      %jit3A_1091 = arith.constant 0 : i32
      %broadcast_in_dim3A_1092 = vector.broadcast %jit3A_1090 : i32 to vector<16xi32>
      %broadcast_in_dim3A_1093 = vector.broadcast %jit3A_1091 : i32 to vector<16xi32>
      %select_n3A_1094 = arith.select %lt3A_1089, %broadcast_in_dim3A_1092, %broadcast_in_dim3A_1093 : vector<16xi1>, vector<16xi32>
      %add3A_1095 = arith.addi %add3A_985, %select_n3A_1094 : vector<16xi32>
      %add3A_1096 = arith.constant 63 : i32
      %add3A_1097 = vector.broadcast %add3A_1096 : i32 to vector<16xi32>
      %add3A_1098 = arith.addi %add3A_996, %add3A_1097 : vector<16xi32>
      %gather3A_1099 = tpu.vector_load_idx %arg10[%add3A_1098] : memref<16384xi32, #tpu.memory_space<vmem>>[vector<16xi32>], vector<16xi32>,
      %lt3A_1100 = arith.cmpi slt, %gather3A_1099, %get3A_206 : vector<16xi32>
      %jit3A_1101 = arith.constant 64 : i32
      %jit3A_1102 = arith.constant 0 : i32
      %broadcast_in_dim3A_1103 = vector.broadcast %jit3A_1101 : i32 to vector<16xi32>
      %broadcast_in_dim3A_1104 = vector.broadcast %jit3A_1102 : i32 to vector<16xi32>
      %select_n3A_1105 = arith.select %lt3A_1100, %broadcast_in_dim3A_1103, %broadcast_in_dim3A_1104 : vector<16xi1>, vector<16xi32>
      %add3A_1106 = arith.addi %add3A_996, %select_n3A_1105 : vector<16xi32>
      %add3A_1107 = arith.constant 31 : i32
      %add3A_1108 = vector.broadcast %add3A_1107 : i32 to vector<16xi32>
      %add3A_1109 = arith.addi %add3A_1007, %add3A_1108 : vector<16xi32>
      %gather3A_1110 = tpu.vector_load_idx %arg10[%add3A_1109] : memref<16384xi32, #tpu.memory_space<vmem>>[vector<16xi32>], vector<16xi32>,
      %lt3A_1111 = arith.cmpi slt, %gather3A_1110, %get3A_170 : vector<16xi32>
      %jit3A_1112 = arith.constant 32 : i32
      %jit3A_1113 = arith.constant 0 : i32
      %broadcast_in_dim3A_1114 = vector.broadcast %jit3A_1112 : i32 to vector<16xi32>
      %broadcast_in_dim3A_1115 = vector.broadcast %jit3A_1113 : i32 to vector<16xi32>
      %select_n3A_1116 = arith.select %lt3A_1111, %broadcast_in_dim3A_1114, %broadcast_in_dim3A_1115 : vector<16xi1>, vector<16xi32>
      %add3A_1117 = arith.addi %add3A_1007, %select_n3A_1116 : vector<16xi32>
      %add3A_1118 = arith.constant 31 : i32
      %add3A_1119 = vector.broadcast %add3A_1118 : i32 to vector<16xi32>
      %add3A_1120 = arith.addi %add3A_1018, %add3A_1119 : vector<16xi32>
      %gather3A_1121 = tpu.vector_load_idx %arg10[%add3A_1120] : memref<16384xi32, #tpu.memory_space<vmem>>[vector<16xi32>], vector<16xi32>,
      %lt3A_1122 = arith.cmpi slt, %gather3A_1121, %get3A_174 : vector<16xi32>
      %jit3A_1123 = arith.constant 32 : i32
      %jit3A_1124 = arith.constant 0 : i32
      %broadcast_in_dim3A_1125 = vector.broadcast %jit3A_1123 : i32 to vector<16xi32>
      %broadcast_in_dim3A_1126 = vector.broadcast %jit3A_1124 : i32 to vector<16xi32>
      %select_n3A_1127 = arith.select %lt3A_1122, %broadcast_in_dim3A_1125, %broadcast_in_dim3A_1126 : vector<16xi1>, vector<16xi32>
      %add3A_1128 = arith.addi %add3A_1018, %select_n3A_1127 : vector<16xi32>
      %add3A_1129 = arith.constant 31 : i32
      %add3A_1130 = vector.broadcast %add3A_1129 : i32 to vector<16xi32>
      %add3A_1131 = arith.addi %add3A_1029, %add3A_1130 : vector<16xi32>
      %gather3A_1132 = tpu.vector_load_idx %arg10[%add3A_1131] : memref<16384xi32, #tpu.memory_space<vmem>>[vector<16xi32>], vector<16xi32>,
      %lt3A_1133 = arith.cmpi slt, %gather3A_1132, %get3A_178 : vector<16xi32>
      %jit3A_1134 = arith.constant 32 : i32
      %jit3A_1135 = arith.constant 0 : i32
      %broadcast_in_dim3A_1136 = vector.broadcast %jit3A_1134 : i32 to vector<16xi32>
      %broadcast_in_dim3A_1137 = vector.broadcast %jit3A_1135 : i32 to vector<16xi32>
      %select_n3A_1138 = arith.select %lt3A_1133, %broadcast_in_dim3A_1136, %broadcast_in_dim3A_1137 : vector<16xi1>, vector<16xi32>
      %add3A_1139 = arith.addi %add3A_1029, %select_n3A_1138 : vector<16xi32>
      %add3A_1140 = arith.constant 31 : i32
      %add3A_1141 = vector.broadcast %add3A_1140 : i32 to vector<16xi32>
      %add3A_1142 = arith.addi %add3A_1040, %add3A_1141 : vector<16xi32>
      %gather3A_1143 = tpu.vector_load_idx %arg10[%add3A_1142] : memref<16384xi32, #tpu.memory_space<vmem>>[vector<16xi32>], vector<16xi32>,
      %lt3A_1144 = arith.cmpi slt, %gather3A_1143, %get3A_182 : vector<16xi32>
      %jit3A_1145 = arith.constant 32 : i32
      %jit3A_1146 = arith.constant 0 : i32
      %broadcast_in_dim3A_1147 = vector.broadcast %jit3A_1145 : i32 to vector<16xi32>
      %broadcast_in_dim3A_1148 = vector.broadcast %jit3A_1146 : i32 to vector<16xi32>
      %select_n3A_1149 = arith.select %lt3A_1144, %broadcast_in_dim3A_1147, %broadcast_in_dim3A_1148 : vector<16xi1>, vector<16xi32>
      %add3A_1150 = arith.addi %add3A_1040, %select_n3A_1149 : vector<16xi32>
      %add3A_1151 = arith.constant 31 : i32
      %add3A_1152 = vector.broadcast %add3A_1151 : i32 to vector<16xi32>
      %add3A_1153 = arith.addi %add3A_1051, %add3A_1152 : vector<16xi32>
      %gather3A_1154 = tpu.vector_load_idx %arg10[%add3A_1153] : memref<16384xi32, #tpu.memory_space<vmem>>[vector<16xi32>], vector<16xi32>,
      %lt3A_1155 = arith.cmpi slt, %gather3A_1154, %get3A_186 : vector<16xi32>
      %jit3A_1156 = arith.constant 32 : i32
      %jit3A_1157 = arith.constant 0 : i32
      %broadcast_in_dim3A_1158 = vector.broadcast %jit3A_1156 : i32 to vector<16xi32>
      %broadcast_in_dim3A_1159 = vector.broadcast %jit3A_1157 : i32 to vector<16xi32>
      %select_n3A_1160 = arith.select %lt3A_1155, %broadcast_in_dim3A_1158, %broadcast_in_dim3A_1159 : vector<16xi1>, vector<16xi32>
      %add3A_1161 = arith.addi %add3A_1051, %select_n3A_1160 : vector<16xi32>
      %add3A_1162 = arith.constant 31 : i32
      %add3A_1163 = vector.broadcast %add3A_1162 : i32 to vector<16xi32>
      %add3A_1164 = arith.addi %add3A_1062, %add3A_1163 : vector<16xi32>
      %gather3A_1165 = tpu.vector_load_idx %arg10[%add3A_1164] : memref<16384xi32, #tpu.memory_space<vmem>>[vector<16xi32>], vector<16xi32>,
      %lt3A_1166 = arith.cmpi slt, %gather3A_1165, %get3A_190 : vector<16xi32>
      %jit3A_1167 = arith.constant 32 : i32
      %jit3A_1168 = arith.constant 0 : i32
      %broadcast_in_dim3A_1169 = vector.broadcast %jit3A_1167 : i32 to vector<16xi32>
      %broadcast_in_dim3A_1170 = vector.broadcast %jit3A_1168 : i32 to vector<16xi32>
      %select_n3A_1171 = arith.select %lt3A_1166, %broadcast_in_dim3A_1169, %broadcast_in_dim3A_1170 : vector<16xi1>, vector<16xi32>
      %add3A_1172 = arith.addi %add3A_1062, %select_n3A_1171 : vector<16xi32>
      %add3A_1173 = arith.constant 31 : i32
      %add3A_1174 = vector.broadcast %add3A_1173 : i32 to vector<16xi32>
      %add3A_1175 = arith.addi %add3A_1073, %add3A_1174 : vector<16xi32>
      %gather3A_1176 = tpu.vector_load_idx %arg10[%add3A_1175] : memref<16384xi32, #tpu.memory_space<vmem>>[vector<16xi32>], vector<16xi32>,
      %lt3A_1177 = arith.cmpi slt, %gather3A_1176, %get3A_194 : vector<16xi32>
      %jit3A_1178 = arith.constant 32 : i32
      %jit3A_1179 = arith.constant 0 : i32
      %broadcast_in_dim3A_1180 = vector.broadcast %jit3A_1178 : i32 to vector<16xi32>
      %broadcast_in_dim3A_1181 = vector.broadcast %jit3A_1179 : i32 to vector<16xi32>
      %select_n3A_1182 = arith.select %lt3A_1177, %broadcast_in_dim3A_1180, %broadcast_in_dim3A_1181 : vector<16xi1>, vector<16xi32>
      %add3A_1183 = arith.addi %add3A_1073, %select_n3A_1182 : vector<16xi32>
      %add3A_1184 = arith.constant 31 : i32
      %add3A_1185 = vector.broadcast %add3A_1184 : i32 to vector<16xi32>
      %add3A_1186 = arith.addi %add3A_1084, %add3A_1185 : vector<16xi32>
      %gather3A_1187 = tpu.vector_load_idx %arg10[%add3A_1186] : memref<16384xi32, #tpu.memory_space<vmem>>[vector<16xi32>], vector<16xi32>,
      %lt3A_1188 = arith.cmpi slt, %gather3A_1187, %get3A_198 : vector<16xi32>
      %jit3A_1189 = arith.constant 32 : i32
      %jit3A_1190 = arith.constant 0 : i32
      %broadcast_in_dim3A_1191 = vector.broadcast %jit3A_1189 : i32 to vector<16xi32>
      %broadcast_in_dim3A_1192 = vector.broadcast %jit3A_1190 : i32 to vector<16xi32>
      %select_n3A_1193 = arith.select %lt3A_1188, %broadcast_in_dim3A_1191, %broadcast_in_dim3A_1192 : vector<16xi1>, vector<16xi32>
      %add3A_1194 = arith.addi %add3A_1084, %select_n3A_1193 : vector<16xi32>
      %add3A_1195 = arith.constant 31 : i32
      %add3A_1196 = vector.broadcast %add3A_1195 : i32 to vector<16xi32>
      %add3A_1197 = arith.addi %add3A_1095, %add3A_1196 : vector<16xi32>
      %gather3A_1198 = tpu.vector_load_idx %arg10[%add3A_1197] : memref<16384xi32, #tpu.memory_space<vmem>>[vector<16xi32>], vector<16xi32>,
      %lt3A_1199 = arith.cmpi slt, %gather3A_1198, %get3A_202 : vector<16xi32>
      %jit3A_1200 = arith.constant 32 : i32
      %jit3A_1201 = arith.constant 0 : i32
      %broadcast_in_dim3A_1202 = vector.broadcast %jit3A_1200 : i32 to vector<16xi32>
      %broadcast_in_dim3A_1203 = vector.broadcast %jit3A_1201 : i32 to vector<16xi32>
      %select_n3A_1204 = arith.select %lt3A_1199, %broadcast_in_dim3A_1202, %broadcast_in_dim3A_1203 : vector<16xi1>, vector<16xi32>
      %add3A_1205 = arith.addi %add3A_1095, %select_n3A_1204 : vector<16xi32>
      %add3A_1206 = arith.constant 31 : i32
      %add3A_1207 = vector.broadcast %add3A_1206 : i32 to vector<16xi32>
      %add3A_1208 = arith.addi %add3A_1106, %add3A_1207 : vector<16xi32>
      %gather3A_1209 = tpu.vector_load_idx %arg10[%add3A_1208] : memref<16384xi32, #tpu.memory_space<vmem>>[vector<16xi32>], vector<16xi32>,
      %lt3A_1210 = arith.cmpi slt, %gather3A_1209, %get3A_206 : vector<16xi32>
      %jit3A_1211 = arith.constant 32 : i32
      %jit3A_1212 = arith.constant 0 : i32
      %broadcast_in_dim3A_1213 = vector.broadcast %jit3A_1211 : i32 to vector<16xi32>
      %broadcast_in_dim3A_1214 = vector.broadcast %jit3A_1212 : i32 to vector<16xi32>
      %select_n3A_1215 = arith.select %lt3A_1210, %broadcast_in_dim3A_1213, %broadcast_in_dim3A_1214 : vector<16xi1>, vector<16xi32>
      %add3A_1216 = arith.addi %add3A_1106, %select_n3A_1215 : vector<16xi32>
      %add3A_1217 = arith.constant 15 : i32
      %add3A_1218 = vector.broadcast %add3A_1217 : i32 to vector<16xi32>
      %add3A_1219 = arith.addi %add3A_1117, %add3A_1218 : vector<16xi32>
      %gather3A_1220 = tpu.vector_load_idx %arg10[%add3A_1219] : memref<16384xi32, #tpu.memory_space<vmem>>[vector<16xi32>], vector<16xi32>,
      %lt3A_1221 = arith.cmpi slt, %gather3A_1220, %get3A_170 : vector<16xi32>
      %jit3A_1222 = arith.constant 16 : i32
      %jit3A_1223 = arith.constant 0 : i32
      %broadcast_in_dim3A_1224 = vector.broadcast %jit3A_1222 : i32 to vector<16xi32>
      %broadcast_in_dim3A_1225 = vector.broadcast %jit3A_1223 : i32 to vector<16xi32>
      %select_n3A_1226 = arith.select %lt3A_1221, %broadcast_in_dim3A_1224, %broadcast_in_dim3A_1225 : vector<16xi1>, vector<16xi32>
      %add3A_1227 = arith.addi %add3A_1117, %select_n3A_1226 : vector<16xi32>
      %add3A_1228 = arith.constant 15 : i32
      %add3A_1229 = vector.broadcast %add3A_1228 : i32 to vector<16xi32>
      %add3A_1230 = arith.addi %add3A_1128, %add3A_1229 : vector<16xi32>
      %gather3A_1231 = tpu.vector_load_idx %arg10[%add3A_1230] : memref<16384xi32, #tpu.memory_space<vmem>>[vector<16xi32>], vector<16xi32>,
      %lt3A_1232 = arith.cmpi slt, %gather3A_1231, %get3A_174 : vector<16xi32>
      %jit3A_1233 = arith.constant 16 : i32
      %jit3A_1234 = arith.constant 0 : i32
      %broadcast_in_dim3A_1235 = vector.broadcast %jit3A_1233 : i32 to vector<16xi32>
      %broadcast_in_dim3A_1236 = vector.broadcast %jit3A_1234 : i32 to vector<16xi32>
      %select_n3A_1237 = arith.select %lt3A_1232, %broadcast_in_dim3A_1235, %broadcast_in_dim3A_1236 : vector<16xi1>, vector<16xi32>
      %add3A_1238 = arith.addi %add3A_1128, %select_n3A_1237 : vector<16xi32>
      %add3A_1239 = arith.constant 15 : i32
      %add3A_1240 = vector.broadcast %add3A_1239 : i32 to vector<16xi32>
      %add3A_1241 = arith.addi %add3A_1139, %add3A_1240 : vector<16xi32>
      %gather3A_1242 = tpu.vector_load_idx %arg10[%add3A_1241] : memref<16384xi32, #tpu.memory_space<vmem>>[vector<16xi32>], vector<16xi32>,
      %lt3A_1243 = arith.cmpi slt, %gather3A_1242, %get3A_178 : vector<16xi32>
      %jit3A_1244 = arith.constant 16 : i32
      %jit3A_1245 = arith.constant 0 : i32
      %broadcast_in_dim3A_1246 = vector.broadcast %jit3A_1244 : i32 to vector<16xi32>
      %broadcast_in_dim3A_1247 = vector.broadcast %jit3A_1245 : i32 to vector<16xi32>
      %select_n3A_1248 = arith.select %lt3A_1243, %broadcast_in_dim3A_1246, %broadcast_in_dim3A_1247 : vector<16xi1>, vector<16xi32>
      %add3A_1249 = arith.addi %add3A_1139, %select_n3A_1248 : vector<16xi32>
      %add3A_1250 = arith.constant 15 : i32
      %add3A_1251 = vector.broadcast %add3A_1250 : i32 to vector<16xi32>
      %add3A_1252 = arith.addi %add3A_1150, %add3A_1251 : vector<16xi32>
      %gather3A_1253 = tpu.vector_load_idx %arg10[%add3A_1252] : memref<16384xi32, #tpu.memory_space<vmem>>[vector<16xi32>], vector<16xi32>,
      %lt3A_1254 = arith.cmpi slt, %gather3A_1253, %get3A_182 : vector<16xi32>
      %jit3A_1255 = arith.constant 16 : i32
      %jit3A_1256 = arith.constant 0 : i32
      %broadcast_in_dim3A_1257 = vector.broadcast %jit3A_1255 : i32 to vector<16xi32>
      %broadcast_in_dim3A_1258 = vector.broadcast %jit3A_1256 : i32 to vector<16xi32>
      %select_n3A_1259 = arith.select %lt3A_1254, %broadcast_in_dim3A_1257, %broadcast_in_dim3A_1258 : vector<16xi1>, vector<16xi32>
      %add3A_1260 = arith.addi %add3A_1150, %select_n3A_1259 : vector<16xi32>
      %add3A_1261 = arith.constant 15 : i32
      %add3A_1262 = vector.broadcast %add3A_1261 : i32 to vector<16xi32>
      %add3A_1263 = arith.addi %add3A_1161, %add3A_1262 : vector<16xi32>
      %gather3A_1264 = tpu.vector_load_idx %arg10[%add3A_1263] : memref<16384xi32, #tpu.memory_space<vmem>>[vector<16xi32>], vector<16xi32>,
      %lt3A_1265 = arith.cmpi slt, %gather3A_1264, %get3A_186 : vector<16xi32>
      %jit3A_1266 = arith.constant 16 : i32
      %jit3A_1267 = arith.constant 0 : i32
      %broadcast_in_dim3A_1268 = vector.broadcast %jit3A_1266 : i32 to vector<16xi32>
      %broadcast_in_dim3A_1269 = vector.broadcast %jit3A_1267 : i32 to vector<16xi32>
      %select_n3A_1270 = arith.select %lt3A_1265, %broadcast_in_dim3A_1268, %broadcast_in_dim3A_1269 : vector<16xi1>, vector<16xi32>
      %add3A_1271 = arith.addi %add3A_1161, %select_n3A_1270 : vector<16xi32>
      %add3A_1272 = arith.constant 15 : i32
      %add3A_1273 = vector.broadcast %add3A_1272 : i32 to vector<16xi32>
      %add3A_1274 = arith.addi %add3A_1172, %add3A_1273 : vector<16xi32>
      %gather3A_1275 = tpu.vector_load_idx %arg10[%add3A_1274] : memref<16384xi32, #tpu.memory_space<vmem>>[vector<16xi32>], vector<16xi32>,
      %lt3A_1276 = arith.cmpi slt, %gather3A_1275, %get3A_190 : vector<16xi32>
      %jit3A_1277 = arith.constant 16 : i32
      %jit3A_1278 = arith.constant 0 : i32
      %broadcast_in_dim3A_1279 = vector.broadcast %jit3A_1277 : i32 to vector<16xi32>
      %broadcast_in_dim3A_1280 = vector.broadcast %jit3A_1278 : i32 to vector<16xi32>
      %select_n3A_1281 = arith.select %lt3A_1276, %broadcast_in_dim3A_1279, %broadcast_in_dim3A_1280 : vector<16xi1>, vector<16xi32>
      %add3A_1282 = arith.addi %add3A_1172, %select_n3A_1281 : vector<16xi32>
      %add3A_1283 = arith.constant 15 : i32
      %add3A_1284 = vector.broadcast %add3A_1283 : i32 to vector<16xi32>
      %add3A_1285 = arith.addi %add3A_1183, %add3A_1284 : vector<16xi32>
      %gather3A_1286 = tpu.vector_load_idx %arg10[%add3A_1285] : memref<16384xi32, #tpu.memory_space<vmem>>[vector<16xi32>], vector<16xi32>,
      %lt3A_1287 = arith.cmpi slt, %gather3A_1286, %get3A_194 : vector<16xi32>
      %jit3A_1288 = arith.constant 16 : i32
      %jit3A_1289 = arith.constant 0 : i32
      %broadcast_in_dim3A_1290 = vector.broadcast %jit3A_1288 : i32 to vector<16xi32>
      %broadcast_in_dim3A_1291 = vector.broadcast %jit3A_1289 : i32 to vector<16xi32>
      %select_n3A_1292 = arith.select %lt3A_1287, %broadcast_in_dim3A_1290, %broadcast_in_dim3A_1291 : vector<16xi1>, vector<16xi32>
      %add3A_1293 = arith.addi %add3A_1183, %select_n3A_1292 : vector<16xi32>
      %add3A_1294 = arith.constant 15 : i32
      %add3A_1295 = vector.broadcast %add3A_1294 : i32 to vector<16xi32>
      %add3A_1296 = arith.addi %add3A_1194, %add3A_1295 : vector<16xi32>
      %gather3A_1297 = tpu.vector_load_idx %arg10[%add3A_1296] : memref<16384xi32, #tpu.memory_space<vmem>>[vector<16xi32>], vector<16xi32>,
      %lt3A_1298 = arith.cmpi slt, %gather3A_1297, %get3A_198 : vector<16xi32>
      %jit3A_1299 = arith.constant 16 : i32
      %jit3A_1300 = arith.constant 0 : i32
      %broadcast_in_dim3A_1301 = vector.broadcast %jit3A_1299 : i32 to vector<16xi32>
      %broadcast_in_dim3A_1302 = vector.broadcast %jit3A_1300 : i32 to vector<16xi32>
      %select_n3A_1303 = arith.select %lt3A_1298, %broadcast_in_dim3A_1301, %broadcast_in_dim3A_1302 : vector<16xi1>, vector<16xi32>
      %add3A_1304 = arith.addi %add3A_1194, %select_n3A_1303 : vector<16xi32>
      %add3A_1305 = arith.constant 15 : i32
      %add3A_1306 = vector.broadcast %add3A_1305 : i32 to vector<16xi32>
      %add3A_1307 = arith.addi %add3A_1205, %add3A_1306 : vector<16xi32>
      %gather3A_1308 = tpu.vector_load_idx %arg10[%add3A_1307] : memref<16384xi32, #tpu.memory_space<vmem>>[vector<16xi32>], vector<16xi32>,
      %lt3A_1309 = arith.cmpi slt, %gather3A_1308, %get3A_202 : vector<16xi32>
      %jit3A_1310 = arith.constant 16 : i32
      %jit3A_1311 = arith.constant 0 : i32
      %broadcast_in_dim3A_1312 = vector.broadcast %jit3A_1310 : i32 to vector<16xi32>
      %broadcast_in_dim3A_1313 = vector.broadcast %jit3A_1311 : i32 to vector<16xi32>
      %select_n3A_1314 = arith.select %lt3A_1309, %broadcast_in_dim3A_1312, %broadcast_in_dim3A_1313 : vector<16xi1>, vector<16xi32>
      %add3A_1315 = arith.addi %add3A_1205, %select_n3A_1314 : vector<16xi32>
      %add3A_1316 = arith.constant 15 : i32
      %add3A_1317 = vector.broadcast %add3A_1316 : i32 to vector<16xi32>
      %add3A_1318 = arith.addi %add3A_1216, %add3A_1317 : vector<16xi32>
      %gather3A_1319 = tpu.vector_load_idx %arg10[%add3A_1318] : memref<16384xi32, #tpu.memory_space<vmem>>[vector<16xi32>], vector<16xi32>,
      %lt3A_1320 = arith.cmpi slt, %gather3A_1319, %get3A_206 : vector<16xi32>
      %jit3A_1321 = arith.constant 16 : i32
      %jit3A_1322 = arith.constant 0 : i32
      %broadcast_in_dim3A_1323 = vector.broadcast %jit3A_1321 : i32 to vector<16xi32>
      %broadcast_in_dim3A_1324 = vector.broadcast %jit3A_1322 : i32 to vector<16xi32>
      %select_n3A_1325 = arith.select %lt3A_1320, %broadcast_in_dim3A_1323, %broadcast_in_dim3A_1324 : vector<16xi1>, vector<16xi32>
      %add3A_1326 = arith.addi %add3A_1216, %select_n3A_1325 : vector<16xi32>
      %add3A_1327 = arith.constant 7 : i32
      %add3A_1328 = vector.broadcast %add3A_1327 : i32 to vector<16xi32>
      %add3A_1329 = arith.addi %add3A_1227, %add3A_1328 : vector<16xi32>
      %gather3A_1330 = tpu.vector_load_idx %arg10[%add3A_1329] : memref<16384xi32, #tpu.memory_space<vmem>>[vector<16xi32>], vector<16xi32>,
      %lt3A_1331 = arith.cmpi slt, %gather3A_1330, %get3A_170 : vector<16xi32>
      %jit3A_1332 = arith.constant 8 : i32
      %jit3A_1333 = arith.constant 0 : i32
      %broadcast_in_dim3A_1334 = vector.broadcast %jit3A_1332 : i32 to vector<16xi32>
      %broadcast_in_dim3A_1335 = vector.broadcast %jit3A_1333 : i32 to vector<16xi32>
      %select_n3A_1336 = arith.select %lt3A_1331, %broadcast_in_dim3A_1334, %broadcast_in_dim3A_1335 : vector<16xi1>, vector<16xi32>
      %add3A_1337 = arith.addi %add3A_1227, %select_n3A_1336 : vector<16xi32>
      %add3A_1338 = arith.constant 7 : i32
      %add3A_1339 = vector.broadcast %add3A_1338 : i32 to vector<16xi32>
      %add3A_1340 = arith.addi %add3A_1238, %add3A_1339 : vector<16xi32>
      %gather3A_1341 = tpu.vector_load_idx %arg10[%add3A_1340] : memref<16384xi32, #tpu.memory_space<vmem>>[vector<16xi32>], vector<16xi32>,
      %lt3A_1342 = arith.cmpi slt, %gather3A_1341, %get3A_174 : vector<16xi32>
      %jit3A_1343 = arith.constant 8 : i32
      %jit3A_1344 = arith.constant 0 : i32
      %broadcast_in_dim3A_1345 = vector.broadcast %jit3A_1343 : i32 to vector<16xi32>
      %broadcast_in_dim3A_1346 = vector.broadcast %jit3A_1344 : i32 to vector<16xi32>
      %select_n3A_1347 = arith.select %lt3A_1342, %broadcast_in_dim3A_1345, %broadcast_in_dim3A_1346 : vector<16xi1>, vector<16xi32>
      %add3A_1348 = arith.addi %add3A_1238, %select_n3A_1347 : vector<16xi32>
      %add3A_1349 = arith.constant 7 : i32
      %add3A_1350 = vector.broadcast %add3A_1349 : i32 to vector<16xi32>
      %add3A_1351 = arith.addi %add3A_1249, %add3A_1350 : vector<16xi32>
      %gather3A_1352 = tpu.vector_load_idx %arg10[%add3A_1351] : memref<16384xi32, #tpu.memory_space<vmem>>[vector<16xi32>], vector<16xi32>,
      %lt3A_1353 = arith.cmpi slt, %gather3A_1352, %get3A_178 : vector<16xi32>
      %jit3A_1354 = arith.constant 8 : i32
      %jit3A_1355 = arith.constant 0 : i32
      %broadcast_in_dim3A_1356 = vector.broadcast %jit3A_1354 : i32 to vector<16xi32>
      %broadcast_in_dim3A_1357 = vector.broadcast %jit3A_1355 : i32 to vector<16xi32>
      %select_n3A_1358 = arith.select %lt3A_1353, %broadcast_in_dim3A_1356, %broadcast_in_dim3A_1357 : vector<16xi1>, vector<16xi32>
      %add3A_1359 = arith.addi %add3A_1249, %select_n3A_1358 : vector<16xi32>
      %add3A_1360 = arith.constant 7 : i32
      %add3A_1361 = vector.broadcast %add3A_1360 : i32 to vector<16xi32>
      %add3A_1362 = arith.addi %add3A_1260, %add3A_1361 : vector<16xi32>
      %gather3A_1363 = tpu.vector_load_idx %arg10[%add3A_1362] : memref<16384xi32, #tpu.memory_space<vmem>>[vector<16xi32>], vector<16xi32>,
      %lt3A_1364 = arith.cmpi slt, %gather3A_1363, %get3A_182 : vector<16xi32>
      %jit3A_1365 = arith.constant 8 : i32
      %jit3A_1366 = arith.constant 0 : i32
      %broadcast_in_dim3A_1367 = vector.broadcast %jit3A_1365 : i32 to vector<16xi32>
      %broadcast_in_dim3A_1368 = vector.broadcast %jit3A_1366 : i32 to vector<16xi32>
      %select_n3A_1369 = arith.select %lt3A_1364, %broadcast_in_dim3A_1367, %broadcast_in_dim3A_1368 : vector<16xi1>, vector<16xi32>
      %add3A_1370 = arith.addi %add3A_1260, %select_n3A_1369 : vector<16xi32>
      %add3A_1371 = arith.constant 7 : i32
      %add3A_1372 = vector.broadcast %add3A_1371 : i32 to vector<16xi32>
      %add3A_1373 = arith.addi %add3A_1271, %add3A_1372 : vector<16xi32>
      %gather3A_1374 = tpu.vector_load_idx %arg10[%add3A_1373] : memref<16384xi32, #tpu.memory_space<vmem>>[vector<16xi32>], vector<16xi32>,
      %lt3A_1375 = arith.cmpi slt, %gather3A_1374, %get3A_186 : vector<16xi32>
      %jit3A_1376 = arith.constant 8 : i32
      %jit3A_1377 = arith.constant 0 : i32
      %broadcast_in_dim3A_1378 = vector.broadcast %jit3A_1376 : i32 to vector<16xi32>
      %broadcast_in_dim3A_1379 = vector.broadcast %jit3A_1377 : i32 to vector<16xi32>
      %select_n3A_1380 = arith.select %lt3A_1375, %broadcast_in_dim3A_1378, %broadcast_in_dim3A_1379 : vector<16xi1>, vector<16xi32>
      %add3A_1381 = arith.addi %add3A_1271, %select_n3A_1380 : vector<16xi32>
      %add3A_1382 = arith.constant 7 : i32
      %add3A_1383 = vector.broadcast %add3A_1382 : i32 to vector<16xi32>
      %add3A_1384 = arith.addi %add3A_1282, %add3A_1383 : vector<16xi32>
      %gather3A_1385 = tpu.vector_load_idx %arg10[%add3A_1384] : memref<16384xi32, #tpu.memory_space<vmem>>[vector<16xi32>], vector<16xi32>,
      %lt3A_1386 = arith.cmpi slt, %gather3A_1385, %get3A_190 : vector<16xi32>
      %jit3A_1387 = arith.constant 8 : i32
      %jit3A_1388 = arith.constant 0 : i32
      %broadcast_in_dim3A_1389 = vector.broadcast %jit3A_1387 : i32 to vector<16xi32>
      %broadcast_in_dim3A_1390 = vector.broadcast %jit3A_1388 : i32 to vector<16xi32>
      %select_n3A_1391 = arith.select %lt3A_1386, %broadcast_in_dim3A_1389, %broadcast_in_dim3A_1390 : vector<16xi1>, vector<16xi32>
      %add3A_1392 = arith.addi %add3A_1282, %select_n3A_1391 : vector<16xi32>
      %add3A_1393 = arith.constant 7 : i32
      %add3A_1394 = vector.broadcast %add3A_1393 : i32 to vector<16xi32>
      %add3A_1395 = arith.addi %add3A_1293, %add3A_1394 : vector<16xi32>
      %gather3A_1396 = tpu.vector_load_idx %arg10[%add3A_1395] : memref<16384xi32, #tpu.memory_space<vmem>>[vector<16xi32>], vector<16xi32>,
      %lt3A_1397 = arith.cmpi slt, %gather3A_1396, %get3A_194 : vector<16xi32>
      %jit3A_1398 = arith.constant 8 : i32
      %jit3A_1399 = arith.constant 0 : i32
      %broadcast_in_dim3A_1400 = vector.broadcast %jit3A_1398 : i32 to vector<16xi32>
      %broadcast_in_dim3A_1401 = vector.broadcast %jit3A_1399 : i32 to vector<16xi32>
      %select_n3A_1402 = arith.select %lt3A_1397, %broadcast_in_dim3A_1400, %broadcast_in_dim3A_1401 : vector<16xi1>, vector<16xi32>
      %add3A_1403 = arith.addi %add3A_1293, %select_n3A_1402 : vector<16xi32>
      %add3A_1404 = arith.constant 7 : i32
      %add3A_1405 = vector.broadcast %add3A_1404 : i32 to vector<16xi32>
      %add3A_1406 = arith.addi %add3A_1304, %add3A_1405 : vector<16xi32>
      %gather3A_1407 = tpu.vector_load_idx %arg10[%add3A_1406] : memref<16384xi32, #tpu.memory_space<vmem>>[vector<16xi32>], vector<16xi32>,
      %lt3A_1408 = arith.cmpi slt, %gather3A_1407, %get3A_198 : vector<16xi32>
      %jit3A_1409 = arith.constant 8 : i32
      %jit3A_1410 = arith.constant 0 : i32
      %broadcast_in_dim3A_1411 = vector.broadcast %jit3A_1409 : i32 to vector<16xi32>
      %broadcast_in_dim3A_1412 = vector.broadcast %jit3A_1410 : i32 to vector<16xi32>
      %select_n3A_1413 = arith.select %lt3A_1408, %broadcast_in_dim3A_1411, %broadcast_in_dim3A_1412 : vector<16xi1>, vector<16xi32>
      %add3A_1414 = arith.addi %add3A_1304, %select_n3A_1413 : vector<16xi32>
      %add3A_1415 = arith.constant 7 : i32
      %add3A_1416 = vector.broadcast %add3A_1415 : i32 to vector<16xi32>
      %add3A_1417 = arith.addi %add3A_1315, %add3A_1416 : vector<16xi32>
      %gather3A_1418 = tpu.vector_load_idx %arg10[%add3A_1417] : memref<16384xi32, #tpu.memory_space<vmem>>[vector<16xi32>], vector<16xi32>,
      %lt3A_1419 = arith.cmpi slt, %gather3A_1418, %get3A_202 : vector<16xi32>
      %jit3A_1420 = arith.constant 8 : i32
      %jit3A_1421 = arith.constant 0 : i32
      %broadcast_in_dim3A_1422 = vector.broadcast %jit3A_1420 : i32 to vector<16xi32>
      %broadcast_in_dim3A_1423 = vector.broadcast %jit3A_1421 : i32 to vector<16xi32>
      %select_n3A_1424 = arith.select %lt3A_1419, %broadcast_in_dim3A_1422, %broadcast_in_dim3A_1423 : vector<16xi1>, vector<16xi32>
      %add3A_1425 = arith.addi %add3A_1315, %select_n3A_1424 : vector<16xi32>
      %add3A_1426 = arith.constant 7 : i32
      %add3A_1427 = vector.broadcast %add3A_1426 : i32 to vector<16xi32>
      %add3A_1428 = arith.addi %add3A_1326, %add3A_1427 : vector<16xi32>
      %gather3A_1429 = tpu.vector_load_idx %arg10[%add3A_1428] : memref<16384xi32, #tpu.memory_space<vmem>>[vector<16xi32>], vector<16xi32>,
      %lt3A_1430 = arith.cmpi slt, %gather3A_1429, %get3A_206 : vector<16xi32>
      %jit3A_1431 = arith.constant 8 : i32
      %jit3A_1432 = arith.constant 0 : i32
      %broadcast_in_dim3A_1433 = vector.broadcast %jit3A_1431 : i32 to vector<16xi32>
      %broadcast_in_dim3A_1434 = vector.broadcast %jit3A_1432 : i32 to vector<16xi32>
      %select_n3A_1435 = arith.select %lt3A_1430, %broadcast_in_dim3A_1433, %broadcast_in_dim3A_1434 : vector<16xi1>, vector<16xi32>
      %add3A_1436 = arith.addi %add3A_1326, %select_n3A_1435 : vector<16xi32>
      %add3A_1437 = arith.constant 3 : i32
      %add3A_1438 = vector.broadcast %add3A_1437 : i32 to vector<16xi32>
      %add3A_1439 = arith.addi %add3A_1337, %add3A_1438 : vector<16xi32>
      %gather3A_1440 = tpu.vector_load_idx %arg10[%add3A_1439] : memref<16384xi32, #tpu.memory_space<vmem>>[vector<16xi32>], vector<16xi32>,
      %lt3A_1441 = arith.cmpi slt, %gather3A_1440, %get3A_170 : vector<16xi32>
      %jit3A_1442 = arith.constant 4 : i32
      %jit3A_1443 = arith.constant 0 : i32
      %broadcast_in_dim3A_1444 = vector.broadcast %jit3A_1442 : i32 to vector<16xi32>
      %broadcast_in_dim3A_1445 = vector.broadcast %jit3A_1443 : i32 to vector<16xi32>
      %select_n3A_1446 = arith.select %lt3A_1441, %broadcast_in_dim3A_1444, %broadcast_in_dim3A_1445 : vector<16xi1>, vector<16xi32>
      %add3A_1447 = arith.addi %add3A_1337, %select_n3A_1446 : vector<16xi32>
      %add3A_1448 = arith.constant 3 : i32
      %add3A_1449 = vector.broadcast %add3A_1448 : i32 to vector<16xi32>
      %add3A_1450 = arith.addi %add3A_1348, %add3A_1449 : vector<16xi32>
      %gather3A_1451 = tpu.vector_load_idx %arg10[%add3A_1450] : memref<16384xi32, #tpu.memory_space<vmem>>[vector<16xi32>], vector<16xi32>,
      %lt3A_1452 = arith.cmpi slt, %gather3A_1451, %get3A_174 : vector<16xi32>
      %jit3A_1453 = arith.constant 4 : i32
      %jit3A_1454 = arith.constant 0 : i32
      %broadcast_in_dim3A_1455 = vector.broadcast %jit3A_1453 : i32 to vector<16xi32>
      %broadcast_in_dim3A_1456 = vector.broadcast %jit3A_1454 : i32 to vector<16xi32>
      %select_n3A_1457 = arith.select %lt3A_1452, %broadcast_in_dim3A_1455, %broadcast_in_dim3A_1456 : vector<16xi1>, vector<16xi32>
      %add3A_1458 = arith.addi %add3A_1348, %select_n3A_1457 : vector<16xi32>
      %add3A_1459 = arith.constant 3 : i32
      %add3A_1460 = vector.broadcast %add3A_1459 : i32 to vector<16xi32>
      %add3A_1461 = arith.addi %add3A_1359, %add3A_1460 : vector<16xi32>
      %gather3A_1462 = tpu.vector_load_idx %arg10[%add3A_1461] : memref<16384xi32, #tpu.memory_space<vmem>>[vector<16xi32>], vector<16xi32>,
      %lt3A_1463 = arith.cmpi slt, %gather3A_1462, %get3A_178 : vector<16xi32>
      %jit3A_1464 = arith.constant 4 : i32
      %jit3A_1465 = arith.constant 0 : i32
      %broadcast_in_dim3A_1466 = vector.broadcast %jit3A_1464 : i32 to vector<16xi32>
      %broadcast_in_dim3A_1467 = vector.broadcast %jit3A_1465 : i32 to vector<16xi32>
      %select_n3A_1468 = arith.select %lt3A_1463, %broadcast_in_dim3A_1466, %broadcast_in_dim3A_1467 : vector<16xi1>, vector<16xi32>
      %add3A_1469 = arith.addi %add3A_1359, %select_n3A_1468 : vector<16xi32>
      %add3A_1470 = arith.constant 3 : i32
      %add3A_1471 = vector.broadcast %add3A_1470 : i32 to vector<16xi32>
      %add3A_1472 = arith.addi %add3A_1370, %add3A_1471 : vector<16xi32>
      %gather3A_1473 = tpu.vector_load_idx %arg10[%add3A_1472] : memref<16384xi32, #tpu.memory_space<vmem>>[vector<16xi32>], vector<16xi32>,
      %lt3A_1474 = arith.cmpi slt, %gather3A_1473, %get3A_182 : vector<16xi32>
      %jit3A_1475 = arith.constant 4 : i32
      %jit3A_1476 = arith.constant 0 : i32
      %broadcast_in_dim3A_1477 = vector.broadcast %jit3A_1475 : i32 to vector<16xi32>
      %broadcast_in_dim3A_1478 = vector.broadcast %jit3A_1476 : i32 to vector<16xi32>
      %select_n3A_1479 = arith.select %lt3A_1474, %broadcast_in_dim3A_1477, %broadcast_in_dim3A_1478 : vector<16xi1>, vector<16xi32>
      %add3A_1480 = arith.addi %add3A_1370, %select_n3A_1479 : vector<16xi32>
      %add3A_1481 = arith.constant 3 : i32
      %add3A_1482 = vector.broadcast %add3A_1481 : i32 to vector<16xi32>
      %add3A_1483 = arith.addi %add3A_1381, %add3A_1482 : vector<16xi32>
      %gather3A_1484 = tpu.vector_load_idx %arg10[%add3A_1483] : memref<16384xi32, #tpu.memory_space<vmem>>[vector<16xi32>], vector<16xi32>,
      %lt3A_1485 = arith.cmpi slt, %gather3A_1484, %get3A_186 : vector<16xi32>
      %jit3A_1486 = arith.constant 4 : i32
      %jit3A_1487 = arith.constant 0 : i32
      %broadcast_in_dim3A_1488 = vector.broadcast %jit3A_1486 : i32 to vector<16xi32>
      %broadcast_in_dim3A_1489 = vector.broadcast %jit3A_1487 : i32 to vector<16xi32>
      %select_n3A_1490 = arith.select %lt3A_1485, %broadcast_in_dim3A_1488, %broadcast_in_dim3A_1489 : vector<16xi1>, vector<16xi32>
      %add3A_1491 = arith.addi %add3A_1381, %select_n3A_1490 : vector<16xi32>
      %add3A_1492 = arith.constant 3 : i32
      %add3A_1493 = vector.broadcast %add3A_1492 : i32 to vector<16xi32>
      %add3A_1494 = arith.addi %add3A_1392, %add3A_1493 : vector<16xi32>
      %gather3A_1495 = tpu.vector_load_idx %arg10[%add3A_1494] : memref<16384xi32, #tpu.memory_space<vmem>>[vector<16xi32>], vector<16xi32>,
      %lt3A_1496 = arith.cmpi slt, %gather3A_1495, %get3A_190 : vector<16xi32>
      %jit3A_1497 = arith.constant 4 : i32
      %jit3A_1498 = arith.constant 0 : i32
      %broadcast_in_dim3A_1499 = vector.broadcast %jit3A_1497 : i32 to vector<16xi32>
      %broadcast_in_dim3A_1500 = vector.broadcast %jit3A_1498 : i32 to vector<16xi32>
      %select_n3A_1501 = arith.select %lt3A_1496, %broadcast_in_dim3A_1499, %broadcast_in_dim3A_1500 : vector<16xi1>, vector<16xi32>
      %add3A_1502 = arith.addi %add3A_1392, %select_n3A_1501 : vector<16xi32>
      %add3A_1503 = arith.constant 3 : i32
      %add3A_1504 = vector.broadcast %add3A_1503 : i32 to vector<16xi32>
      %add3A_1505 = arith.addi %add3A_1403, %add3A_1504 : vector<16xi32>
      %gather3A_1506 = tpu.vector_load_idx %arg10[%add3A_1505] : memref<16384xi32, #tpu.memory_space<vmem>>[vector<16xi32>], vector<16xi32>,
      %lt3A_1507 = arith.cmpi slt, %gather3A_1506, %get3A_194 : vector<16xi32>
      %jit3A_1508 = arith.constant 4 : i32
      %jit3A_1509 = arith.constant 0 : i32
      %broadcast_in_dim3A_1510 = vector.broadcast %jit3A_1508 : i32 to vector<16xi32>
      %broadcast_in_dim3A_1511 = vector.broadcast %jit3A_1509 : i32 to vector<16xi32>
      %select_n3A_1512 = arith.select %lt3A_1507, %broadcast_in_dim3A_1510, %broadcast_in_dim3A_1511 : vector<16xi1>, vector<16xi32>
      %add3A_1513 = arith.addi %add3A_1403, %select_n3A_1512 : vector<16xi32>
      %add3A_1514 = arith.constant 3 : i32
      %add3A_1515 = vector.broadcast %add3A_1514 : i32 to vector<16xi32>
      %add3A_1516 = arith.addi %add3A_1414, %add3A_1515 : vector<16xi32>
      %gather3A_1517 = tpu.vector_load_idx %arg10[%add3A_1516] : memref<16384xi32, #tpu.memory_space<vmem>>[vector<16xi32>], vector<16xi32>,
      %lt3A_1518 = arith.cmpi slt, %gather3A_1517, %get3A_198 : vector<16xi32>
      %jit3A_1519 = arith.constant 4 : i32
      %jit3A_1520 = arith.constant 0 : i32
      %broadcast_in_dim3A_1521 = vector.broadcast %jit3A_1519 : i32 to vector<16xi32>
      %broadcast_in_dim3A_1522 = vector.broadcast %jit3A_1520 : i32 to vector<16xi32>
      %select_n3A_1523 = arith.select %lt3A_1518, %broadcast_in_dim3A_1521, %broadcast_in_dim3A_1522 : vector<16xi1>, vector<16xi32>
      %add3A_1524 = arith.addi %add3A_1414, %select_n3A_1523 : vector<16xi32>
      %add3A_1525 = arith.constant 3 : i32
      %add3A_1526 = vector.broadcast %add3A_1525 : i32 to vector<16xi32>
      %add3A_1527 = arith.addi %add3A_1425, %add3A_1526 : vector<16xi32>
      %gather3A_1528 = tpu.vector_load_idx %arg10[%add3A_1527] : memref<16384xi32, #tpu.memory_space<vmem>>[vector<16xi32>], vector<16xi32>,
      %lt3A_1529 = arith.cmpi slt, %gather3A_1528, %get3A_202 : vector<16xi32>
      %jit3A_1530 = arith.constant 4 : i32
      %jit3A_1531 = arith.constant 0 : i32
      %broadcast_in_dim3A_1532 = vector.broadcast %jit3A_1530 : i32 to vector<16xi32>
      %broadcast_in_dim3A_1533 = vector.broadcast %jit3A_1531 : i32 to vector<16xi32>
      %select_n3A_1534 = arith.select %lt3A_1529, %broadcast_in_dim3A_1532, %broadcast_in_dim3A_1533 : vector<16xi1>, vector<16xi32>
      %add3A_1535 = arith.addi %add3A_1425, %select_n3A_1534 : vector<16xi32>
      %add3A_1536 = arith.constant 3 : i32
      %add3A_1537 = vector.broadcast %add3A_1536 : i32 to vector<16xi32>
      %add3A_1538 = arith.addi %add3A_1436, %add3A_1537 : vector<16xi32>
      %gather3A_1539 = tpu.vector_load_idx %arg10[%add3A_1538] : memref<16384xi32, #tpu.memory_space<vmem>>[vector<16xi32>], vector<16xi32>,
      %lt3A_1540 = arith.cmpi slt, %gather3A_1539, %get3A_206 : vector<16xi32>
      %jit3A_1541 = arith.constant 4 : i32
      %jit3A_1542 = arith.constant 0 : i32
      %broadcast_in_dim3A_1543 = vector.broadcast %jit3A_1541 : i32 to vector<16xi32>
      %broadcast_in_dim3A_1544 = vector.broadcast %jit3A_1542 : i32 to vector<16xi32>
      %select_n3A_1545 = arith.select %lt3A_1540, %broadcast_in_dim3A_1543, %broadcast_in_dim3A_1544 : vector<16xi1>, vector<16xi32>
      %add3A_1546 = arith.addi %add3A_1436, %select_n3A_1545 : vector<16xi32>
      %add3A_1547 = arith.constant 1 : i32
      %add3A_1548 = vector.broadcast %add3A_1547 : i32 to vector<16xi32>
      %add3A_1549 = arith.addi %add3A_1447, %add3A_1548 : vector<16xi32>
      %gather3A_1550 = tpu.vector_load_idx %arg10[%add3A_1549] : memref<16384xi32, #tpu.memory_space<vmem>>[vector<16xi32>], vector<16xi32>,
      %lt3A_1551 = arith.cmpi slt, %gather3A_1550, %get3A_170 : vector<16xi32>
      %jit3A_1552 = arith.constant 2 : i32
      %jit3A_1553 = arith.constant 0 : i32
      %broadcast_in_dim3A_1554 = vector.broadcast %jit3A_1552 : i32 to vector<16xi32>
      %broadcast_in_dim3A_1555 = vector.broadcast %jit3A_1553 : i32 to vector<16xi32>
      %select_n3A_1556 = arith.select %lt3A_1551, %broadcast_in_dim3A_1554, %broadcast_in_dim3A_1555 : vector<16xi1>, vector<16xi32>
      %add3A_1557 = arith.addi %add3A_1447, %select_n3A_1556 : vector<16xi32>
      %add3A_1558 = arith.constant 1 : i32
      %add3A_1559 = vector.broadcast %add3A_1558 : i32 to vector<16xi32>
      %add3A_1560 = arith.addi %add3A_1458, %add3A_1559 : vector<16xi32>
      %gather3A_1561 = tpu.vector_load_idx %arg10[%add3A_1560] : memref<16384xi32, #tpu.memory_space<vmem>>[vector<16xi32>], vector<16xi32>,
      %lt3A_1562 = arith.cmpi slt, %gather3A_1561, %get3A_174 : vector<16xi32>
      %jit3A_1563 = arith.constant 2 : i32
      %jit3A_1564 = arith.constant 0 : i32
      %broadcast_in_dim3A_1565 = vector.broadcast %jit3A_1563 : i32 to vector<16xi32>
      %broadcast_in_dim3A_1566 = vector.broadcast %jit3A_1564 : i32 to vector<16xi32>
      %select_n3A_1567 = arith.select %lt3A_1562, %broadcast_in_dim3A_1565, %broadcast_in_dim3A_1566 : vector<16xi1>, vector<16xi32>
      %add3A_1568 = arith.addi %add3A_1458, %select_n3A_1567 : vector<16xi32>
      %add3A_1569 = arith.constant 1 : i32
      %add3A_1570 = vector.broadcast %add3A_1569 : i32 to vector<16xi32>
      %add3A_1571 = arith.addi %add3A_1469, %add3A_1570 : vector<16xi32>
      %gather3A_1572 = tpu.vector_load_idx %arg10[%add3A_1571] : memref<16384xi32, #tpu.memory_space<vmem>>[vector<16xi32>], vector<16xi32>,
      %lt3A_1573 = arith.cmpi slt, %gather3A_1572, %get3A_178 : vector<16xi32>
      %jit3A_1574 = arith.constant 2 : i32
      %jit3A_1575 = arith.constant 0 : i32
      %broadcast_in_dim3A_1576 = vector.broadcast %jit3A_1574 : i32 to vector<16xi32>
      %broadcast_in_dim3A_1577 = vector.broadcast %jit3A_1575 : i32 to vector<16xi32>
      %select_n3A_1578 = arith.select %lt3A_1573, %broadcast_in_dim3A_1576, %broadcast_in_dim3A_1577 : vector<16xi1>, vector<16xi32>
      %add3A_1579 = arith.addi %add3A_1469, %select_n3A_1578 : vector<16xi32>
      %add3A_1580 = arith.constant 1 : i32
      %add3A_1581 = vector.broadcast %add3A_1580 : i32 to vector<16xi32>
      %add3A_1582 = arith.addi %add3A_1480, %add3A_1581 : vector<16xi32>
      %gather3A_1583 = tpu.vector_load_idx %arg10[%add3A_1582] : memref<16384xi32, #tpu.memory_space<vmem>>[vector<16xi32>], vector<16xi32>,
      %lt3A_1584 = arith.cmpi slt, %gather3A_1583, %get3A_182 : vector<16xi32>
      %jit3A_1585 = arith.constant 2 : i32
      %jit3A_1586 = arith.constant 0 : i32
      %broadcast_in_dim3A_1587 = vector.broadcast %jit3A_1585 : i32 to vector<16xi32>
      %broadcast_in_dim3A_1588 = vector.broadcast %jit3A_1586 : i32 to vector<16xi32>
      %select_n3A_1589 = arith.select %lt3A_1584, %broadcast_in_dim3A_1587, %broadcast_in_dim3A_1588 : vector<16xi1>, vector<16xi32>
      %add3A_1590 = arith.addi %add3A_1480, %select_n3A_1589 : vector<16xi32>
      %add3A_1591 = arith.constant 1 : i32
      %add3A_1592 = vector.broadcast %add3A_1591 : i32 to vector<16xi32>
      %add3A_1593 = arith.addi %add3A_1491, %add3A_1592 : vector<16xi32>
      %gather3A_1594 = tpu.vector_load_idx %arg10[%add3A_1593] : memref<16384xi32, #tpu.memory_space<vmem>>[vector<16xi32>], vector<16xi32>,
      %lt3A_1595 = arith.cmpi slt, %gather3A_1594, %get3A_186 : vector<16xi32>
      %jit3A_1596 = arith.constant 2 : i32
      %jit3A_1597 = arith.constant 0 : i32
      %broadcast_in_dim3A_1598 = vector.broadcast %jit3A_1596 : i32 to vector<16xi32>
      %broadcast_in_dim3A_1599 = vector.broadcast %jit3A_1597 : i32 to vector<16xi32>
      %select_n3A_1600 = arith.select %lt3A_1595, %broadcast_in_dim3A_1598, %broadcast_in_dim3A_1599 : vector<16xi1>, vector<16xi32>
      %add3A_1601 = arith.addi %add3A_1491, %select_n3A_1600 : vector<16xi32>
      %add3A_1602 = arith.constant 1 : i32
      %add3A_1603 = vector.broadcast %add3A_1602 : i32 to vector<16xi32>
      %add3A_1604 = arith.addi %add3A_1502, %add3A_1603 : vector<16xi32>
      %gather3A_1605 = tpu.vector_load_idx %arg10[%add3A_1604] : memref<16384xi32, #tpu.memory_space<vmem>>[vector<16xi32>], vector<16xi32>,
      %lt3A_1606 = arith.cmpi slt, %gather3A_1605, %get3A_190 : vector<16xi32>
      %jit3A_1607 = arith.constant 2 : i32
      %jit3A_1608 = arith.constant 0 : i32
      %broadcast_in_dim3A_1609 = vector.broadcast %jit3A_1607 : i32 to vector<16xi32>
      %broadcast_in_dim3A_1610 = vector.broadcast %jit3A_1608 : i32 to vector<16xi32>
      %select_n3A_1611 = arith.select %lt3A_1606, %broadcast_in_dim3A_1609, %broadcast_in_dim3A_1610 : vector<16xi1>, vector<16xi32>
      %add3A_1612 = arith.addi %add3A_1502, %select_n3A_1611 : vector<16xi32>
      %add3A_1613 = arith.constant 1 : i32
      %add3A_1614 = vector.broadcast %add3A_1613 : i32 to vector<16xi32>
      %add3A_1615 = arith.addi %add3A_1513, %add3A_1614 : vector<16xi32>
      %gather3A_1616 = tpu.vector_load_idx %arg10[%add3A_1615] : memref<16384xi32, #tpu.memory_space<vmem>>[vector<16xi32>], vector<16xi32>,
      %lt3A_1617 = arith.cmpi slt, %gather3A_1616, %get3A_194 : vector<16xi32>
      %jit3A_1618 = arith.constant 2 : i32
      %jit3A_1619 = arith.constant 0 : i32
      %broadcast_in_dim3A_1620 = vector.broadcast %jit3A_1618 : i32 to vector<16xi32>
      %broadcast_in_dim3A_1621 = vector.broadcast %jit3A_1619 : i32 to vector<16xi32>
      %select_n3A_1622 = arith.select %lt3A_1617, %broadcast_in_dim3A_1620, %broadcast_in_dim3A_1621 : vector<16xi1>, vector<16xi32>
      %add3A_1623 = arith.addi %add3A_1513, %select_n3A_1622 : vector<16xi32>
      %add3A_1624 = arith.constant 1 : i32
      %add3A_1625 = vector.broadcast %add3A_1624 : i32 to vector<16xi32>
      %add3A_1626 = arith.addi %add3A_1524, %add3A_1625 : vector<16xi32>
      %gather3A_1627 = tpu.vector_load_idx %arg10[%add3A_1626] : memref<16384xi32, #tpu.memory_space<vmem>>[vector<16xi32>], vector<16xi32>,
      %lt3A_1628 = arith.cmpi slt, %gather3A_1627, %get3A_198 : vector<16xi32>
      %jit3A_1629 = arith.constant 2 : i32
      %jit3A_1630 = arith.constant 0 : i32
      %broadcast_in_dim3A_1631 = vector.broadcast %jit3A_1629 : i32 to vector<16xi32>
      %broadcast_in_dim3A_1632 = vector.broadcast %jit3A_1630 : i32 to vector<16xi32>
      %select_n3A_1633 = arith.select %lt3A_1628, %broadcast_in_dim3A_1631, %broadcast_in_dim3A_1632 : vector<16xi1>, vector<16xi32>
      %add3A_1634 = arith.addi %add3A_1524, %select_n3A_1633 : vector<16xi32>
      %add3A_1635 = arith.constant 1 : i32
      %add3A_1636 = vector.broadcast %add3A_1635 : i32 to vector<16xi32>
      %add3A_1637 = arith.addi %add3A_1535, %add3A_1636 : vector<16xi32>
      %gather3A_1638 = tpu.vector_load_idx %arg10[%add3A_1637] : memref<16384xi32, #tpu.memory_space<vmem>>[vector<16xi32>], vector<16xi32>,
      %lt3A_1639 = arith.cmpi slt, %gather3A_1638, %get3A_202 : vector<16xi32>
      %jit3A_1640 = arith.constant 2 : i32
      %jit3A_1641 = arith.constant 0 : i32
      %broadcast_in_dim3A_1642 = vector.broadcast %jit3A_1640 : i32 to vector<16xi32>
      %broadcast_in_dim3A_1643 = vector.broadcast %jit3A_1641 : i32 to vector<16xi32>
      %select_n3A_1644 = arith.select %lt3A_1639, %broadcast_in_dim3A_1642, %broadcast_in_dim3A_1643 : vector<16xi1>, vector<16xi32>
      %add3A_1645 = arith.addi %add3A_1535, %select_n3A_1644 : vector<16xi32>
      %add3A_1646 = arith.constant 1 : i32
      %add3A_1647 = vector.broadcast %add3A_1646 : i32 to vector<16xi32>
      %add3A_1648 = arith.addi %add3A_1546, %add3A_1647 : vector<16xi32>
      %gather3A_1649 = tpu.vector_load_idx %arg10[%add3A_1648] : memref<16384xi32, #tpu.memory_space<vmem>>[vector<16xi32>], vector<16xi32>,
      %lt3A_1650 = arith.cmpi slt, %gather3A_1649, %get3A_206 : vector<16xi32>
      %jit3A_1651 = arith.constant 2 : i32
      %jit3A_1652 = arith.constant 0 : i32
      %broadcast_in_dim3A_1653 = vector.broadcast %jit3A_1651 : i32 to vector<16xi32>
      %broadcast_in_dim3A_1654 = vector.broadcast %jit3A_1652 : i32 to vector<16xi32>
      %select_n3A_1655 = arith.select %lt3A_1650, %broadcast_in_dim3A_1653, %broadcast_in_dim3A_1654 : vector<16xi1>, vector<16xi32>
      %add3A_1656 = arith.addi %add3A_1546, %select_n3A_1655 : vector<16xi32>
      %add3A_1657 = arith.constant 0 : i32
      %add3A_1658 = vector.broadcast %add3A_1657 : i32 to vector<16xi32>
      %add3A_1659 = arith.addi %add3A_1557, %add3A_1658 : vector<16xi32>
      %gather3A_1660 = tpu.vector_load_idx %arg10[%add3A_1659] : memref<16384xi32, #tpu.memory_space<vmem>>[vector<16xi32>], vector<16xi32>,
      %lt3A_1661 = arith.cmpi slt, %gather3A_1660, %get3A_170 : vector<16xi32>
      %jit3A_1662 = arith.constant 1 : i32
      %jit3A_1663 = arith.constant 0 : i32
      %broadcast_in_dim3A_1664 = vector.broadcast %jit3A_1662 : i32 to vector<16xi32>
      %broadcast_in_dim3A_1665 = vector.broadcast %jit3A_1663 : i32 to vector<16xi32>
      %select_n3A_1666 = arith.select %lt3A_1661, %broadcast_in_dim3A_1664, %broadcast_in_dim3A_1665 : vector<16xi1>, vector<16xi32>
      %add3A_1667 = arith.addi %add3A_1557, %select_n3A_1666 : vector<16xi32>
      %add3A_1668 = arith.constant 0 : i32
      %add3A_1669 = vector.broadcast %add3A_1668 : i32 to vector<16xi32>
      %add3A_1670 = arith.addi %add3A_1568, %add3A_1669 : vector<16xi32>
      %gather3A_1671 = tpu.vector_load_idx %arg10[%add3A_1670] : memref<16384xi32, #tpu.memory_space<vmem>>[vector<16xi32>], vector<16xi32>,
      %lt3A_1672 = arith.cmpi slt, %gather3A_1671, %get3A_174 : vector<16xi32>
      %jit3A_1673 = arith.constant 1 : i32
      %jit3A_1674 = arith.constant 0 : i32
      %broadcast_in_dim3A_1675 = vector.broadcast %jit3A_1673 : i32 to vector<16xi32>
      %broadcast_in_dim3A_1676 = vector.broadcast %jit3A_1674 : i32 to vector<16xi32>
      %select_n3A_1677 = arith.select %lt3A_1672, %broadcast_in_dim3A_1675, %broadcast_in_dim3A_1676 : vector<16xi1>, vector<16xi32>
      %add3A_1678 = arith.addi %add3A_1568, %select_n3A_1677 : vector<16xi32>
      %add3A_1679 = arith.constant 0 : i32
      %add3A_1680 = vector.broadcast %add3A_1679 : i32 to vector<16xi32>
      %add3A_1681 = arith.addi %add3A_1579, %add3A_1680 : vector<16xi32>
      %gather3A_1682 = tpu.vector_load_idx %arg10[%add3A_1681] : memref<16384xi32, #tpu.memory_space<vmem>>[vector<16xi32>], vector<16xi32>,
      %lt3A_1683 = arith.cmpi slt, %gather3A_1682, %get3A_178 : vector<16xi32>
      %jit3A_1684 = arith.constant 1 : i32
      %jit3A_1685 = arith.constant 0 : i32
      %broadcast_in_dim3A_1686 = vector.broadcast %jit3A_1684 : i32 to vector<16xi32>
      %broadcast_in_dim3A_1687 = vector.broadcast %jit3A_1685 : i32 to vector<16xi32>
      %select_n3A_1688 = arith.select %lt3A_1683, %broadcast_in_dim3A_1686, %broadcast_in_dim3A_1687 : vector<16xi1>, vector<16xi32>
      %add3A_1689 = arith.addi %add3A_1579, %select_n3A_1688 : vector<16xi32>
      %add3A_1690 = arith.constant 0 : i32
      %add3A_1691 = vector.broadcast %add3A_1690 : i32 to vector<16xi32>
      %add3A_1692 = arith.addi %add3A_1590, %add3A_1691 : vector<16xi32>
      %gather3A_1693 = tpu.vector_load_idx %arg10[%add3A_1692] : memref<16384xi32, #tpu.memory_space<vmem>>[vector<16xi32>], vector<16xi32>,
      %lt3A_1694 = arith.cmpi slt, %gather3A_1693, %get3A_182 : vector<16xi32>
      %jit3A_1695 = arith.constant 1 : i32
      %jit3A_1696 = arith.constant 0 : i32
      %broadcast_in_dim3A_1697 = vector.broadcast %jit3A_1695 : i32 to vector<16xi32>
      %broadcast_in_dim3A_1698 = vector.broadcast %jit3A_1696 : i32 to vector<16xi32>
      %select_n3A_1699 = arith.select %lt3A_1694, %broadcast_in_dim3A_1697, %broadcast_in_dim3A_1698 : vector<16xi1>, vector<16xi32>
      %add3A_1700 = arith.addi %add3A_1590, %select_n3A_1699 : vector<16xi32>
      %add3A_1701 = arith.constant 0 : i32
      %add3A_1702 = vector.broadcast %add3A_1701 : i32 to vector<16xi32>
      %add3A_1703 = arith.addi %add3A_1601, %add3A_1702 : vector<16xi32>
      %gather3A_1704 = tpu.vector_load_idx %arg10[%add3A_1703] : memref<16384xi32, #tpu.memory_space<vmem>>[vector<16xi32>], vector<16xi32>,
      %lt3A_1705 = arith.cmpi slt, %gather3A_1704, %get3A_186 : vector<16xi32>
      %jit3A_1706 = arith.constant 1 : i32
      %jit3A_1707 = arith.constant 0 : i32
      %broadcast_in_dim3A_1708 = vector.broadcast %jit3A_1706 : i32 to vector<16xi32>
      %broadcast_in_dim3A_1709 = vector.broadcast %jit3A_1707 : i32 to vector<16xi32>
      %select_n3A_1710 = arith.select %lt3A_1705, %broadcast_in_dim3A_1708, %broadcast_in_dim3A_1709 : vector<16xi1>, vector<16xi32>
      %add3A_1711 = arith.addi %add3A_1601, %select_n3A_1710 : vector<16xi32>
      %add3A_1712 = arith.constant 0 : i32
      %add3A_1713 = vector.broadcast %add3A_1712 : i32 to vector<16xi32>
      %add3A_1714 = arith.addi %add3A_1612, %add3A_1713 : vector<16xi32>
      %gather3A_1715 = tpu.vector_load_idx %arg10[%add3A_1714] : memref<16384xi32, #tpu.memory_space<vmem>>[vector<16xi32>], vector<16xi32>,
      %lt3A_1716 = arith.cmpi slt, %gather3A_1715, %get3A_190 : vector<16xi32>
      %jit3A_1717 = arith.constant 1 : i32
      %jit3A_1718 = arith.constant 0 : i32
      %broadcast_in_dim3A_1719 = vector.broadcast %jit3A_1717 : i32 to vector<16xi32>
      %broadcast_in_dim3A_1720 = vector.broadcast %jit3A_1718 : i32 to vector<16xi32>
      %select_n3A_1721 = arith.select %lt3A_1716, %broadcast_in_dim3A_1719, %broadcast_in_dim3A_1720 : vector<16xi1>, vector<16xi32>
      %add3A_1722 = arith.addi %add3A_1612, %select_n3A_1721 : vector<16xi32>
      %add3A_1723 = arith.constant 0 : i32
      %add3A_1724 = vector.broadcast %add3A_1723 : i32 to vector<16xi32>
      %add3A_1725 = arith.addi %add3A_1623, %add3A_1724 : vector<16xi32>
      %gather3A_1726 = tpu.vector_load_idx %arg10[%add3A_1725] : memref<16384xi32, #tpu.memory_space<vmem>>[vector<16xi32>], vector<16xi32>,
      %lt3A_1727 = arith.cmpi slt, %gather3A_1726, %get3A_194 : vector<16xi32>
      %jit3A_1728 = arith.constant 1 : i32
      %jit3A_1729 = arith.constant 0 : i32
      %broadcast_in_dim3A_1730 = vector.broadcast %jit3A_1728 : i32 to vector<16xi32>
      %broadcast_in_dim3A_1731 = vector.broadcast %jit3A_1729 : i32 to vector<16xi32>
      %select_n3A_1732 = arith.select %lt3A_1727, %broadcast_in_dim3A_1730, %broadcast_in_dim3A_1731 : vector<16xi1>, vector<16xi32>
      %add3A_1733 = arith.addi %add3A_1623, %select_n3A_1732 : vector<16xi32>
      %add3A_1734 = arith.constant 0 : i32
      %add3A_1735 = vector.broadcast %add3A_1734 : i32 to vector<16xi32>
      %add3A_1736 = arith.addi %add3A_1634, %add3A_1735 : vector<16xi32>
      %gather3A_1737 = tpu.vector_load_idx %arg10[%add3A_1736] : memref<16384xi32, #tpu.memory_space<vmem>>[vector<16xi32>], vector<16xi32>,
      %lt3A_1738 = arith.cmpi slt, %gather3A_1737, %get3A_198 : vector<16xi32>
      %jit3A_1739 = arith.constant 1 : i32
      %jit3A_1740 = arith.constant 0 : i32
      %broadcast_in_dim3A_1741 = vector.broadcast %jit3A_1739 : i32 to vector<16xi32>
      %broadcast_in_dim3A_1742 = vector.broadcast %jit3A_1740 : i32 to vector<16xi32>
      %select_n3A_1743 = arith.select %lt3A_1738, %broadcast_in_dim3A_1741, %broadcast_in_dim3A_1742 : vector<16xi1>, vector<16xi32>
      %add3A_1744 = arith.addi %add3A_1634, %select_n3A_1743 : vector<16xi32>
      %add3A_1745 = arith.constant 0 : i32
      %add3A_1746 = vector.broadcast %add3A_1745 : i32 to vector<16xi32>
      %add3A_1747 = arith.addi %add3A_1645, %add3A_1746 : vector<16xi32>
      %gather3A_1748 = tpu.vector_load_idx %arg10[%add3A_1747] : memref<16384xi32, #tpu.memory_space<vmem>>[vector<16xi32>], vector<16xi32>,
      %lt3A_1749 = arith.cmpi slt, %gather3A_1748, %get3A_202 : vector<16xi32>
      %jit3A_1750 = arith.constant 1 : i32
      %jit3A_1751 = arith.constant 0 : i32
      %broadcast_in_dim3A_1752 = vector.broadcast %jit3A_1750 : i32 to vector<16xi32>
      %broadcast_in_dim3A_1753 = vector.broadcast %jit3A_1751 : i32 to vector<16xi32>
      %select_n3A_1754 = arith.select %lt3A_1749, %broadcast_in_dim3A_1752, %broadcast_in_dim3A_1753 : vector<16xi1>, vector<16xi32>
      %add3A_1755 = arith.addi %add3A_1645, %select_n3A_1754 : vector<16xi32>
      %add3A_1756 = arith.constant 0 : i32
      %add3A_1757 = vector.broadcast %add3A_1756 : i32 to vector<16xi32>
      %add3A_1758 = arith.addi %add3A_1656, %add3A_1757 : vector<16xi32>
      %gather3A_1759 = tpu.vector_load_idx %arg10[%add3A_1758] : memref<16384xi32, #tpu.memory_space<vmem>>[vector<16xi32>], vector<16xi32>,
      %lt3A_1760 = arith.cmpi slt, %gather3A_1759, %get3A_206 : vector<16xi32>
      %jit3A_1761 = arith.constant 1 : i32
      %jit3A_1762 = arith.constant 0 : i32
      %broadcast_in_dim3A_1763 = vector.broadcast %jit3A_1761 : i32 to vector<16xi32>
      %broadcast_in_dim3A_1764 = vector.broadcast %jit3A_1762 : i32 to vector<16xi32>
      %select_n3A_1765 = arith.select %lt3A_1760, %broadcast_in_dim3A_1763, %broadcast_in_dim3A_1764 : vector<16xi1>, vector<16xi32>
      %add3A_1766 = arith.addi %add3A_1656, %select_n3A_1765 : vector<16xi32>
      %add3A_1767 = arith.constant 0 : i32
      %add3A_1768 = vector.broadcast %add3A_1767 : i32 to vector<16xi32>
      %add3A_1769 = arith.addi %add3A_1667, %add3A_1768 : vector<16xi32>
      %gather3A_1770 = tpu.vector_load_idx %arg10[%add3A_1769] : memref<16384xi32, #tpu.memory_space<vmem>>[vector<16xi32>], vector<16xi32>,
      %lt3A_1771 = arith.cmpi slt, %gather3A_1770, %get3A_170 : vector<16xi32>
      %jit3A_1772 = arith.constant 1 : i32
      %jit3A_1773 = arith.constant 0 : i32
      %broadcast_in_dim3A_1774 = vector.broadcast %jit3A_1772 : i32 to vector<16xi32>
      %broadcast_in_dim3A_1775 = vector.broadcast %jit3A_1773 : i32 to vector<16xi32>
      %select_n3A_1776 = arith.select %lt3A_1771, %broadcast_in_dim3A_1774, %broadcast_in_dim3A_1775 : vector<16xi1>, vector<16xi32>
      %add3A_1777 = arith.addi %add3A_1667, %select_n3A_1776 : vector<16xi32>
      %add3A_1778 = arith.constant 0 : i32
      %add3A_1779 = vector.broadcast %add3A_1778 : i32 to vector<16xi32>
      %add3A_1780 = arith.addi %add3A_1678, %add3A_1779 : vector<16xi32>
      %gather3A_1781 = tpu.vector_load_idx %arg10[%add3A_1780] : memref<16384xi32, #tpu.memory_space<vmem>>[vector<16xi32>], vector<16xi32>,
      %lt3A_1782 = arith.cmpi slt, %gather3A_1781, %get3A_174 : vector<16xi32>
      %jit3A_1783 = arith.constant 1 : i32
      %jit3A_1784 = arith.constant 0 : i32
      %broadcast_in_dim3A_1785 = vector.broadcast %jit3A_1783 : i32 to vector<16xi32>
      %broadcast_in_dim3A_1786 = vector.broadcast %jit3A_1784 : i32 to vector<16xi32>
      %select_n3A_1787 = arith.select %lt3A_1782, %broadcast_in_dim3A_1785, %broadcast_in_dim3A_1786 : vector<16xi1>, vector<16xi32>
      %add3A_1788 = arith.addi %add3A_1678, %select_n3A_1787 : vector<16xi32>
      %add3A_1789 = arith.constant 0 : i32
      %add3A_1790 = vector.broadcast %add3A_1789 : i32 to vector<16xi32>
      %add3A_1791 = arith.addi %add3A_1689, %add3A_1790 : vector<16xi32>
      %gather3A_1792 = tpu.vector_load_idx %arg10[%add3A_1791] : memref<16384xi32, #tpu.memory_space<vmem>>[vector<16xi32>], vector<16xi32>,
      %lt3A_1793 = arith.cmpi slt, %gather3A_1792, %get3A_178 : vector<16xi32>
      %jit3A_1794 = arith.constant 1 : i32
      %jit3A_1795 = arith.constant 0 : i32
      %broadcast_in_dim3A_1796 = vector.broadcast %jit3A_1794 : i32 to vector<16xi32>
      %broadcast_in_dim3A_1797 = vector.broadcast %jit3A_1795 : i32 to vector<16xi32>
      %select_n3A_1798 = arith.select %lt3A_1793, %broadcast_in_dim3A_1796, %broadcast_in_dim3A_1797 : vector<16xi1>, vector<16xi32>
      %add3A_1799 = arith.addi %add3A_1689, %select_n3A_1798 : vector<16xi32>
      %add3A_1800 = arith.constant 0 : i32
      %add3A_1801 = vector.broadcast %add3A_1800 : i32 to vector<16xi32>
      %add3A_1802 = arith.addi %add3A_1700, %add3A_1801 : vector<16xi32>
      %gather3A_1803 = tpu.vector_load_idx %arg10[%add3A_1802] : memref<16384xi32, #tpu.memory_space<vmem>>[vector<16xi32>], vector<16xi32>,
      %lt3A_1804 = arith.cmpi slt, %gather3A_1803, %get3A_182 : vector<16xi32>
      %jit3A_1805 = arith.constant 1 : i32
      %jit3A_1806 = arith.constant 0 : i32
      %broadcast_in_dim3A_1807 = vector.broadcast %jit3A_1805 : i32 to vector<16xi32>
      %broadcast_in_dim3A_1808 = vector.broadcast %jit3A_1806 : i32 to vector<16xi32>
      %select_n3A_1809 = arith.select %lt3A_1804, %broadcast_in_dim3A_1807, %broadcast_in_dim3A_1808 : vector<16xi1>, vector<16xi32>
      %add3A_1810 = arith.addi %add3A_1700, %select_n3A_1809 : vector<16xi32>
      %add3A_1811 = arith.constant 0 : i32
      %add3A_1812 = vector.broadcast %add3A_1811 : i32 to vector<16xi32>
      %add3A_1813 = arith.addi %add3A_1711, %add3A_1812 : vector<16xi32>
      %gather3A_1814 = tpu.vector_load_idx %arg10[%add3A_1813] : memref<16384xi32, #tpu.memory_space<vmem>>[vector<16xi32>], vector<16xi32>,
      %lt3A_1815 = arith.cmpi slt, %gather3A_1814, %get3A_186 : vector<16xi32>
      %jit3A_1816 = arith.constant 1 : i32
      %jit3A_1817 = arith.constant 0 : i32
      %broadcast_in_dim3A_1818 = vector.broadcast %jit3A_1816 : i32 to vector<16xi32>
      %broadcast_in_dim3A_1819 = vector.broadcast %jit3A_1817 : i32 to vector<16xi32>
      %select_n3A_1820 = arith.select %lt3A_1815, %broadcast_in_dim3A_1818, %broadcast_in_dim3A_1819 : vector<16xi1>, vector<16xi32>
      %add3A_1821 = arith.addi %add3A_1711, %select_n3A_1820 : vector<16xi32>
      %add3A_1822 = arith.constant 0 : i32
      %add3A_1823 = vector.broadcast %add3A_1822 : i32 to vector<16xi32>
      %add3A_1824 = arith.addi %add3A_1722, %add3A_1823 : vector<16xi32>
      %gather3A_1825 = tpu.vector_load_idx %arg10[%add3A_1824] : memref<16384xi32, #tpu.memory_space<vmem>>[vector<16xi32>], vector<16xi32>,
      %lt3A_1826 = arith.cmpi slt, %gather3A_1825, %get3A_190 : vector<16xi32>
      %jit3A_1827 = arith.constant 1 : i32
      %jit3A_1828 = arith.constant 0 : i32
      %broadcast_in_dim3A_1829 = vector.broadcast %jit3A_1827 : i32 to vector<16xi32>
      %broadcast_in_dim3A_1830 = vector.broadcast %jit3A_1828 : i32 to vector<16xi32>
      %select_n3A_1831 = arith.select %lt3A_1826, %broadcast_in_dim3A_1829, %broadcast_in_dim3A_1830 : vector<16xi1>, vector<16xi32>
      %add3A_1832 = arith.addi %add3A_1722, %select_n3A_1831 : vector<16xi32>
      %add3A_1833 = arith.constant 0 : i32
      %add3A_1834 = vector.broadcast %add3A_1833 : i32 to vector<16xi32>
      %add3A_1835 = arith.addi %add3A_1733, %add3A_1834 : vector<16xi32>
      %gather3A_1836 = tpu.vector_load_idx %arg10[%add3A_1835] : memref<16384xi32, #tpu.memory_space<vmem>>[vector<16xi32>], vector<16xi32>,
      %lt3A_1837 = arith.cmpi slt, %gather3A_1836, %get3A_194 : vector<16xi32>
      %jit3A_1838 = arith.constant 1 : i32
      %jit3A_1839 = arith.constant 0 : i32
      %broadcast_in_dim3A_1840 = vector.broadcast %jit3A_1838 : i32 to vector<16xi32>
      %broadcast_in_dim3A_1841 = vector.broadcast %jit3A_1839 : i32 to vector<16xi32>
      %select_n3A_1842 = arith.select %lt3A_1837, %broadcast_in_dim3A_1840, %broadcast_in_dim3A_1841 : vector<16xi1>, vector<16xi32>
      %add3A_1843 = arith.addi %add3A_1733, %select_n3A_1842 : vector<16xi32>
      %add3A_1844 = arith.constant 0 : i32
      %add3A_1845 = vector.broadcast %add3A_1844 : i32 to vector<16xi32>
      %add3A_1846 = arith.addi %add3A_1744, %add3A_1845 : vector<16xi32>
      %gather3A_1847 = tpu.vector_load_idx %arg10[%add3A_1846] : memref<16384xi32, #tpu.memory_space<vmem>>[vector<16xi32>], vector<16xi32>,
      %lt3A_1848 = arith.cmpi slt, %gather3A_1847, %get3A_198 : vector<16xi32>
      %jit3A_1849 = arith.constant 1 : i32
      %jit3A_1850 = arith.constant 0 : i32
      %broadcast_in_dim3A_1851 = vector.broadcast %jit3A_1849 : i32 to vector<16xi32>
      %broadcast_in_dim3A_1852 = vector.broadcast %jit3A_1850 : i32 to vector<16xi32>
      %select_n3A_1853 = arith.select %lt3A_1848, %broadcast_in_dim3A_1851, %broadcast_in_dim3A_1852 : vector<16xi1>, vector<16xi32>
      %add3A_1854 = arith.addi %add3A_1744, %select_n3A_1853 : vector<16xi32>
      %add3A_1855 = arith.constant 0 : i32
      %add3A_1856 = vector.broadcast %add3A_1855 : i32 to vector<16xi32>
      %add3A_1857 = arith.addi %add3A_1755, %add3A_1856 : vector<16xi32>
      %gather3A_1858 = tpu.vector_load_idx %arg10[%add3A_1857] : memref<16384xi32, #tpu.memory_space<vmem>>[vector<16xi32>], vector<16xi32>,
      %lt3A_1859 = arith.cmpi slt, %gather3A_1858, %get3A_202 : vector<16xi32>
      %jit3A_1860 = arith.constant 1 : i32
      %jit3A_1861 = arith.constant 0 : i32
      %broadcast_in_dim3A_1862 = vector.broadcast %jit3A_1860 : i32 to vector<16xi32>
      %broadcast_in_dim3A_1863 = vector.broadcast %jit3A_1861 : i32 to vector<16xi32>
      %select_n3A_1864 = arith.select %lt3A_1859, %broadcast_in_dim3A_1862, %broadcast_in_dim3A_1863 : vector<16xi1>, vector<16xi32>
      %add3A_1865 = arith.addi %add3A_1755, %select_n3A_1864 : vector<16xi32>
      %add3A_1866 = arith.constant 0 : i32
      %add3A_1867 = vector.broadcast %add3A_1866 : i32 to vector<16xi32>
      %add3A_1868 = arith.addi %add3A_1766, %add3A_1867 : vector<16xi32>
      %gather3A_1869 = tpu.vector_load_idx %arg10[%add3A_1868] : memref<16384xi32, #tpu.memory_space<vmem>>[vector<16xi32>], vector<16xi32>,
      %lt3A_1870 = arith.cmpi slt, %gather3A_1869, %get3A_206 : vector<16xi32>
      %jit3A_1871 = arith.constant 1 : i32
      %jit3A_1872 = arith.constant 0 : i32
      %broadcast_in_dim3A_1873 = vector.broadcast %jit3A_1871 : i32 to vector<16xi32>
      %broadcast_in_dim3A_1874 = vector.broadcast %jit3A_1872 : i32 to vector<16xi32>
      %select_n3A_1875 = arith.select %lt3A_1870, %broadcast_in_dim3A_1873, %broadcast_in_dim3A_1874 : vector<16xi1>, vector<16xi32>
      %add3A_1876 = arith.addi %add3A_1766, %select_n3A_1875 : vector<16xi32>
      %min3A_1877 = arith.constant 16383 : i32
      %min3A_1878 = vector.broadcast %min3A_1877 : i32 to vector<16xi32>
      %min3A_1879 = arith.minsi %add3A_1777, %min3A_1878 : vector<16xi32>
      %gather3A_1880 = tpu.vector_load_idx %arg10[%min3A_1879] : memref<16384xi32, #tpu.memory_space<vmem>>[vector<16xi32>], vector<16xi32>,
      %gather3A_1881 = tpu.vector_load_idx %arg11[%min3A_1879] : memref<16384xf32, #tpu.memory_space<vmem>>[vector<16xi32>], vector<16xf32>,
      %eq3A_1882 = arith.cmpi eq, %gather3A_1880, %get3A_170 : vector<16xi32>
      %jit3A_1883 = arith.constant 0.000000e+00 : f32
      %broadcast_in_dim3A_1884 = vector.broadcast %jit3A_1883 : f32 to vector<16xf32>
      %select_n3A_1885 = arith.select %eq3A_1882, %gather3A_1881, %broadcast_in_dim3A_1884 : vector<16xi1>, vector<16xf32>
      %min3A_1886 = arith.constant 16383 : i32
      %min3A_1887 = vector.broadcast %min3A_1886 : i32 to vector<16xi32>
      %min3A_1888 = arith.minsi %add3A_1788, %min3A_1887 : vector<16xi32>
      %gather3A_1889 = tpu.vector_load_idx %arg10[%min3A_1888] : memref<16384xi32, #tpu.memory_space<vmem>>[vector<16xi32>], vector<16xi32>,
      %gather3A_1890 = tpu.vector_load_idx %arg11[%min3A_1888] : memref<16384xf32, #tpu.memory_space<vmem>>[vector<16xi32>], vector<16xf32>,
      %eq3A_1891 = arith.cmpi eq, %gather3A_1889, %get3A_174 : vector<16xi32>
      %jit3A_1892 = arith.constant 0.000000e+00 : f32
      %broadcast_in_dim3A_1893 = vector.broadcast %jit3A_1892 : f32 to vector<16xf32>
      %select_n3A_1894 = arith.select %eq3A_1891, %gather3A_1890, %broadcast_in_dim3A_1893 : vector<16xi1>, vector<16xf32>
      %min3A_1895 = arith.constant 16383 : i32
      %min3A_1896 = vector.broadcast %min3A_1895 : i32 to vector<16xi32>
      %min3A_1897 = arith.minsi %add3A_1799, %min3A_1896 : vector<16xi32>
      %gather3A_1898 = tpu.vector_load_idx %arg10[%min3A_1897] : memref<16384xi32, #tpu.memory_space<vmem>>[vector<16xi32>], vector<16xi32>,
      %gather3A_1899 = tpu.vector_load_idx %arg11[%min3A_1897] : memref<16384xf32, #tpu.memory_space<vmem>>[vector<16xi32>], vector<16xf32>,
      %eq3A_1900 = arith.cmpi eq, %gather3A_1898, %get3A_178 : vector<16xi32>
      %jit3A_1901 = arith.constant 0.000000e+00 : f32
      %broadcast_in_dim3A_1902 = vector.broadcast %jit3A_1901 : f32 to vector<16xf32>
      %select_n3A_1903 = arith.select %eq3A_1900, %gather3A_1899, %broadcast_in_dim3A_1902 : vector<16xi1>, vector<16xf32>
      %min3A_1904 = arith.constant 16383 : i32
      %min3A_1905 = vector.broadcast %min3A_1904 : i32 to vector<16xi32>
      %min3A_1906 = arith.minsi %add3A_1810, %min3A_1905 : vector<16xi32>
      %gather3A_1907 = tpu.vector_load_idx %arg10[%min3A_1906] : memref<16384xi32, #tpu.memory_space<vmem>>[vector<16xi32>], vector<16xi32>,
      %gather3A_1908 = tpu.vector_load_idx %arg11[%min3A_1906] : memref<16384xf32, #tpu.memory_space<vmem>>[vector<16xi32>], vector<16xf32>,
      %eq3A_1909 = arith.cmpi eq, %gather3A_1907, %get3A_182 : vector<16xi32>
      %jit3A_1910 = arith.constant 0.000000e+00 : f32
      %broadcast_in_dim3A_1911 = vector.broadcast %jit3A_1910 : f32 to vector<16xf32>
      %select_n3A_1912 = arith.select %eq3A_1909, %gather3A_1908, %broadcast_in_dim3A_1911 : vector<16xi1>, vector<16xf32>
      %min3A_1913 = arith.constant 16383 : i32
      %min3A_1914 = vector.broadcast %min3A_1913 : i32 to vector<16xi32>
      %min3A_1915 = arith.minsi %add3A_1821, %min3A_1914 : vector<16xi32>
      %gather3A_1916 = tpu.vector_load_idx %arg10[%min3A_1915] : memref<16384xi32, #tpu.memory_space<vmem>>[vector<16xi32>], vector<16xi32>,
      %gather3A_1917 = tpu.vector_load_idx %arg11[%min3A_1915] : memref<16384xf32, #tpu.memory_space<vmem>>[vector<16xi32>], vector<16xf32>,
      %eq3A_1918 = arith.cmpi eq, %gather3A_1916, %get3A_186 : vector<16xi32>
      %jit3A_1919 = arith.constant 0.000000e+00 : f32
      %broadcast_in_dim3A_1920 = vector.broadcast %jit3A_1919 : f32 to vector<16xf32>
      %select_n3A_1921 = arith.select %eq3A_1918, %gather3A_1917, %broadcast_in_dim3A_1920 : vector<16xi1>, vector<16xf32>
      %min3A_1922 = arith.constant 16383 : i32
      %min3A_1923 = vector.broadcast %min3A_1922 : i32 to vector<16xi32>
      %min3A_1924 = arith.minsi %add3A_1832, %min3A_1923 : vector<16xi32>
      %gather3A_1925 = tpu.vector_load_idx %arg10[%min3A_1924] : memref<16384xi32, #tpu.memory_space<vmem>>[vector<16xi32>], vector<16xi32>,
      %gather3A_1926 = tpu.vector_load_idx %arg11[%min3A_1924] : memref<16384xf32, #tpu.memory_space<vmem>>[vector<16xi32>], vector<16xf32>,
      %eq3A_1927 = arith.cmpi eq, %gather3A_1925, %get3A_190 : vector<16xi32>
      %jit3A_1928 = arith.constant 0.000000e+00 : f32
      %broadcast_in_dim3A_1929 = vector.broadcast %jit3A_1928 : f32 to vector<16xf32>
      %select_n3A_1930 = arith.select %eq3A_1927, %gather3A_1926, %broadcast_in_dim3A_1929 : vector<16xi1>, vector<16xf32>
      %min3A_1931 = arith.constant 16383 : i32
      %min3A_1932 = vector.broadcast %min3A_1931 : i32 to vector<16xi32>
      %min3A_1933 = arith.minsi %add3A_1843, %min3A_1932 : vector<16xi32>
      %gather3A_1934 = tpu.vector_load_idx %arg10[%min3A_1933] : memref<16384xi32, #tpu.memory_space<vmem>>[vector<16xi32>], vector<16xi32>,
      %gather3A_1935 = tpu.vector_load_idx %arg11[%min3A_1933] : memref<16384xf32, #tpu.memory_space<vmem>>[vector<16xi32>], vector<16xf32>,
      %eq3A_1936 = arith.cmpi eq, %gather3A_1934, %get3A_194 : vector<16xi32>
      %jit3A_1937 = arith.constant 0.000000e+00 : f32
      %broadcast_in_dim3A_1938 = vector.broadcast %jit3A_1937 : f32 to vector<16xf32>
      %select_n3A_1939 = arith.select %eq3A_1936, %gather3A_1935, %broadcast_in_dim3A_1938 : vector<16xi1>, vector<16xf32>
      %min3A_1940 = arith.constant 16383 : i32
      %min3A_1941 = vector.broadcast %min3A_1940 : i32 to vector<16xi32>
      %min3A_1942 = arith.minsi %add3A_1854, %min3A_1941 : vector<16xi32>
      %gather3A_1943 = tpu.vector_load_idx %arg10[%min3A_1942] : memref<16384xi32, #tpu.memory_space<vmem>>[vector<16xi32>], vector<16xi32>,
      %gather3A_1944 = tpu.vector_load_idx %arg11[%min3A_1942] : memref<16384xf32, #tpu.memory_space<vmem>>[vector<16xi32>], vector<16xf32>,
      %eq3A_1945 = arith.cmpi eq, %gather3A_1943, %get3A_198 : vector<16xi32>
      %jit3A_1946 = arith.constant 0.000000e+00 : f32
      %broadcast_in_dim3A_1947 = vector.broadcast %jit3A_1946 : f32 to vector<16xf32>
      %select_n3A_1948 = arith.select %eq3A_1945, %gather3A_1944, %broadcast_in_dim3A_1947 : vector<16xi1>, vector<16xf32>
      %min3A_1949 = arith.constant 16383 : i32
      %min3A_1950 = vector.broadcast %min3A_1949 : i32 to vector<16xi32>
      %min3A_1951 = arith.minsi %add3A_1865, %min3A_1950 : vector<16xi32>
      %gather3A_1952 = tpu.vector_load_idx %arg10[%min3A_1951] : memref<16384xi32, #tpu.memory_space<vmem>>[vector<16xi32>], vector<16xi32>,
      %gather3A_1953 = tpu.vector_load_idx %arg11[%min3A_1951] : memref<16384xf32, #tpu.memory_space<vmem>>[vector<16xi32>], vector<16xf32>,
      %eq3A_1954 = arith.cmpi eq, %gather3A_1952, %get3A_202 : vector<16xi32>
      %jit3A_1955 = arith.constant 0.000000e+00 : f32
      %broadcast_in_dim3A_1956 = vector.broadcast %jit3A_1955 : f32 to vector<16xf32>
      %select_n3A_1957 = arith.select %eq3A_1954, %gather3A_1953, %broadcast_in_dim3A_1956 : vector<16xi1>, vector<16xf32>
      %min3A_1958 = arith.constant 16383 : i32
      %min3A_1959 = vector.broadcast %min3A_1958 : i32 to vector<16xi32>
      %min3A_1960 = arith.minsi %add3A_1876, %min3A_1959 : vector<16xi32>
      %gather3A_1961 = tpu.vector_load_idx %arg10[%min3A_1960] : memref<16384xi32, #tpu.memory_space<vmem>>[vector<16xi32>], vector<16xi32>,
      %gather3A_1962 = tpu.vector_load_idx %arg11[%min3A_1960] : memref<16384xf32, #tpu.memory_space<vmem>>[vector<16xi32>], vector<16xf32>,
      %eq3A_1963 = arith.cmpi eq, %gather3A_1961, %get3A_206 : vector<16xi32>
      %jit3A_1964 = arith.constant 0.000000e+00 : f32
      %broadcast_in_dim3A_1965 = vector.broadcast %jit3A_1964 : f32 to vector<16xf32>
      %select_n3A_1966 = arith.select %eq3A_1963, %gather3A_1962, %broadcast_in_dim3A_1965 : vector<16xi1>, vector<16xf32>
      %add3A_1967 = arith.constant 0 : i32
      %add3A_1968 = arith.addi %mul3A_166, %add3A_1967 : i32
      %swap3A_1969 = arith.index_cast %add3A_1968 : i32 to index
      %swap3A_1970 = tpu.vector_load %arg15[%swap3A_1969] {strides = array<i32>} : memref<1600xf32, #tpu.memory_space<vmem>>, vector<16xf32>,
      tpu.vector_store %arg15[%swap3A_1969], %select_n3A_1885 {strides = array<i32>} : memref<1600xf32, #tpu.memory_space<vmem>>, vector<16xf32>,
      %add3A_1971 = arith.constant 16 : i32
      %add3A_1972 = arith.addi %mul3A_166, %add3A_1971 : i32
      %swap3A_1973 = arith.index_cast %add3A_1972 : i32 to index
      %swap3A_1974 = tpu.vector_load %arg15[%swap3A_1973] {strides = array<i32>} : memref<1600xf32, #tpu.memory_space<vmem>>, vector<16xf32>,
      tpu.vector_store %arg15[%swap3A_1973], %select_n3A_1894 {strides = array<i32>} : memref<1600xf32, #tpu.memory_space<vmem>>, vector<16xf32>,
      %add3A_1975 = arith.constant 32 : i32
      %add3A_1976 = arith.addi %mul3A_166, %add3A_1975 : i32
      %swap3A_1977 = arith.index_cast %add3A_1976 : i32 to index
      %swap3A_1978 = tpu.vector_load %arg15[%swap3A_1977] {strides = array<i32>} : memref<1600xf32, #tpu.memory_space<vmem>>, vector<16xf32>,
      tpu.vector_store %arg15[%swap3A_1977], %select_n3A_1903 {strides = array<i32>} : memref<1600xf32, #tpu.memory_space<vmem>>, vector<16xf32>,
      %add3A_1979 = arith.constant 48 : i32
      %add3A_1980 = arith.addi %mul3A_166, %add3A_1979 : i32
      %swap3A_1981 = arith.index_cast %add3A_1980 : i32 to index
      %swap3A_1982 = tpu.vector_load %arg15[%swap3A_1981] {strides = array<i32>} : memref<1600xf32, #tpu.memory_space<vmem>>, vector<16xf32>,
      tpu.vector_store %arg15[%swap3A_1981], %select_n3A_1912 {strides = array<i32>} : memref<1600xf32, #tpu.memory_space<vmem>>, vector<16xf32>,
      %add3A_1983 = arith.constant 64 : i32
      %add3A_1984 = arith.addi %mul3A_166, %add3A_1983 : i32
      %swap3A_1985 = arith.index_cast %add3A_1984 : i32 to index
      %swap3A_1986 = tpu.vector_load %arg15[%swap3A_1985] {strides = array<i32>} : memref<1600xf32, #tpu.memory_space<vmem>>, vector<16xf32>,
      tpu.vector_store %arg15[%swap3A_1985], %select_n3A_1921 {strides = array<i32>} : memref<1600xf32, #tpu.memory_space<vmem>>, vector<16xf32>,
      %add3A_1987 = arith.constant 80 : i32
      %add3A_1988 = arith.addi %mul3A_166, %add3A_1987 : i32
      %swap3A_1989 = arith.index_cast %add3A_1988 : i32 to index
      %swap3A_1990 = tpu.vector_load %arg15[%swap3A_1989] {strides = array<i32>} : memref<1600xf32, #tpu.memory_space<vmem>>, vector<16xf32>,
      tpu.vector_store %arg15[%swap3A_1989], %select_n3A_1930 {strides = array<i32>} : memref<1600xf32, #tpu.memory_space<vmem>>, vector<16xf32>,
      %add3A_1991 = arith.constant 96 : i32
      %add3A_1992 = arith.addi %mul3A_166, %add3A_1991 : i32
      %swap3A_1993 = arith.index_cast %add3A_1992 : i32 to index
      %swap3A_1994 = tpu.vector_load %arg15[%swap3A_1993] {strides = array<i32>} : memref<1600xf32, #tpu.memory_space<vmem>>, vector<16xf32>,
      tpu.vector_store %arg15[%swap3A_1993], %select_n3A_1939 {strides = array<i32>} : memref<1600xf32, #tpu.memory_space<vmem>>, vector<16xf32>,
      %add3A_1995 = arith.constant 112 : i32
      %add3A_1996 = arith.addi %mul3A_166, %add3A_1995 : i32
      %swap3A_1997 = arith.index_cast %add3A_1996 : i32 to index
      %swap3A_1998 = tpu.vector_load %arg15[%swap3A_1997] {strides = array<i32>} : memref<1600xf32, #tpu.memory_space<vmem>>, vector<16xf32>,
      tpu.vector_store %arg15[%swap3A_1997], %select_n3A_1948 {strides = array<i32>} : memref<1600xf32, #tpu.memory_space<vmem>>, vector<16xf32>,
      %add3A_1999 = arith.constant 128 : i32
      %add3A_2000 = arith.addi %mul3A_166, %add3A_1999 : i32
      %swap3A_2001 = arith.index_cast %add3A_2000 : i32 to index
      %swap3A_2002 = tpu.vector_load %arg15[%swap3A_2001] {strides = array<i32>} : memref<1600xf32, #tpu.memory_space<vmem>>, vector<16xf32>,
      tpu.vector_store %arg15[%swap3A_2001], %select_n3A_1957 {strides = array<i32>} : memref<1600xf32, #tpu.memory_space<vmem>>, vector<16xf32>,
      %add3A_2003 = arith.constant 144 : i32
      %add3A_2004 = arith.addi %mul3A_166, %add3A_2003 : i32
      %swap3A_2005 = arith.index_cast %add3A_2004 : i32 to index
      %swap3A_2006 = tpu.vector_load %arg15[%swap3A_2005] {strides = array<i32>} : memref<1600xf32, #tpu.memory_space<vmem>>, vector<16xf32>,
      tpu.vector_store %arg15[%swap3A_2005], %select_n3A_1966 {strides = array<i32>} : memref<1600xf32, #tpu.memory_space<vmem>>, vector<16xf32>,
    }
    %scan3A_14 = arith.constant 10 : i32
    %get3A = arith.constant 0 : index
    %get3A_15 = tpu.vector_load %arg16[%get3A] {strides = array<i32>} : memref<16xi32, #tpu.memory_space<vmem>>, vector<16xi32>,
    %broadcast_in_dim3A = arith.constant 0 : i32
    %broadcast_in_dim3A_16 = vector.broadcast %broadcast_in_dim3A : i32 to vector<16xi32>
    %add3A_17 = arith.constant 2047 : i32
    %add3A_18 = vector.broadcast %add3A_17 : i32 to vector<16xi32>
    %add3A_19 = arith.addi %broadcast_in_dim3A_16, %add3A_18 : vector<16xi32>
    %gather3A = tpu.vector_load_idx %arg12[%add3A_19] : memref<4096xi32, #tpu.memory_space<vmem>>[vector<16xi32>], vector<16xi32>,
    %lt3A = arith.cmpi slt, %gather3A, %get3A_15 : vector<16xi32>
    %jit3A = arith.constant 2048 : i32
    %jit3A_20 = arith.constant 0 : i32
    %broadcast_in_dim3A_21 = vector.broadcast %jit3A : i32 to vector<16xi32>
    %broadcast_in_dim3A_22 = vector.broadcast %jit3A_20 : i32 to vector<16xi32>
    %select_n3A = arith.select %lt3A, %broadcast_in_dim3A_21, %broadcast_in_dim3A_22 : vector<16xi1>, vector<16xi32>
    %add3A_23 = arith.addi %broadcast_in_dim3A_16, %select_n3A : vector<16xi32>
    %add3A_24 = arith.constant 1023 : i32
    %add3A_25 = vector.broadcast %add3A_24 : i32 to vector<16xi32>
    %add3A_26 = arith.addi %add3A_23, %add3A_25 : vector<16xi32>
    %gather3A_27 = tpu.vector_load_idx %arg12[%add3A_26] : memref<4096xi32, #tpu.memory_space<vmem>>[vector<16xi32>], vector<16xi32>,
    %lt3A_28 = arith.cmpi slt, %gather3A_27, %get3A_15 : vector<16xi32>
    %jit3A_29 = arith.constant 1024 : i32
    %jit3A_30 = arith.constant 0 : i32
    %broadcast_in_dim3A_31 = vector.broadcast %jit3A_29 : i32 to vector<16xi32>
    %broadcast_in_dim3A_32 = vector.broadcast %jit3A_30 : i32 to vector<16xi32>
    %select_n3A_33 = arith.select %lt3A_28, %broadcast_in_dim3A_31, %broadcast_in_dim3A_32 : vector<16xi1>, vector<16xi32>
    %add3A_34 = arith.addi %add3A_23, %select_n3A_33 : vector<16xi32>
    %add3A_35 = arith.constant 511 : i32
    %add3A_36 = vector.broadcast %add3A_35 : i32 to vector<16xi32>
    %add3A_37 = arith.addi %add3A_34, %add3A_36 : vector<16xi32>
    %gather3A_38 = tpu.vector_load_idx %arg12[%add3A_37] : memref<4096xi32, #tpu.memory_space<vmem>>[vector<16xi32>], vector<16xi32>,
    %lt3A_39 = arith.cmpi slt, %gather3A_38, %get3A_15 : vector<16xi32>
    %jit3A_40 = arith.constant 512 : i32
    %jit3A_41 = arith.constant 0 : i32
    %broadcast_in_dim3A_42 = vector.broadcast %jit3A_40 : i32 to vector<16xi32>
    %broadcast_in_dim3A_43 = vector.broadcast %jit3A_41 : i32 to vector<16xi32>
    %select_n3A_44 = arith.select %lt3A_39, %broadcast_in_dim3A_42, %broadcast_in_dim3A_43 : vector<16xi1>, vector<16xi32>
    %add3A_45 = arith.addi %add3A_34, %select_n3A_44 : vector<16xi32>
    %add3A_46 = arith.constant 255 : i32
    %add3A_47 = vector.broadcast %add3A_46 : i32 to vector<16xi32>
    %add3A_48 = arith.addi %add3A_45, %add3A_47 : vector<16xi32>
    %gather3A_49 = tpu.vector_load_idx %arg12[%add3A_48] : memref<4096xi32, #tpu.memory_space<vmem>>[vector<16xi32>], vector<16xi32>,
    %lt3A_50 = arith.cmpi slt, %gather3A_49, %get3A_15 : vector<16xi32>
    %jit3A_51 = arith.constant 256 : i32
    %jit3A_52 = arith.constant 0 : i32
    %broadcast_in_dim3A_53 = vector.broadcast %jit3A_51 : i32 to vector<16xi32>
    %broadcast_in_dim3A_54 = vector.broadcast %jit3A_52 : i32 to vector<16xi32>
    %select_n3A_55 = arith.select %lt3A_50, %broadcast_in_dim3A_53, %broadcast_in_dim3A_54 : vector<16xi1>, vector<16xi32>
    %add3A_56 = arith.addi %add3A_45, %select_n3A_55 : vector<16xi32>
    %add3A_57 = arith.constant 127 : i32
    %add3A_58 = vector.broadcast %add3A_57 : i32 to vector<16xi32>
    %add3A_59 = arith.addi %add3A_56, %add3A_58 : vector<16xi32>
    %gather3A_60 = tpu.vector_load_idx %arg12[%add3A_59] : memref<4096xi32, #tpu.memory_space<vmem>>[vector<16xi32>], vector<16xi32>,
    %lt3A_61 = arith.cmpi slt, %gather3A_60, %get3A_15 : vector<16xi32>
    %jit3A_62 = arith.constant 128 : i32
    %jit3A_63 = arith.constant 0 : i32
    %broadcast_in_dim3A_64 = vector.broadcast %jit3A_62 : i32 to vector<16xi32>
    %broadcast_in_dim3A_65 = vector.broadcast %jit3A_63 : i32 to vector<16xi32>
    %select_n3A_66 = arith.select %lt3A_61, %broadcast_in_dim3A_64, %broadcast_in_dim3A_65 : vector<16xi1>, vector<16xi32>
    %add3A_67 = arith.addi %add3A_56, %select_n3A_66 : vector<16xi32>
    %add3A_68 = arith.constant 63 : i32
    %add3A_69 = vector.broadcast %add3A_68 : i32 to vector<16xi32>
    %add3A_70 = arith.addi %add3A_67, %add3A_69 : vector<16xi32>
    %gather3A_71 = tpu.vector_load_idx %arg12[%add3A_70] : memref<4096xi32, #tpu.memory_space<vmem>>[vector<16xi32>], vector<16xi32>,
    %lt3A_72 = arith.cmpi slt, %gather3A_71, %get3A_15 : vector<16xi32>
    %jit3A_73 = arith.constant 64 : i32
    %jit3A_74 = arith.constant 0 : i32
    %broadcast_in_dim3A_75 = vector.broadcast %jit3A_73 : i32 to vector<16xi32>
    %broadcast_in_dim3A_76 = vector.broadcast %jit3A_74 : i32 to vector<16xi32>
    %select_n3A_77 = arith.select %lt3A_72, %broadcast_in_dim3A_75, %broadcast_in_dim3A_76 : vector<16xi1>, vector<16xi32>
    %add3A_78 = arith.addi %add3A_67, %select_n3A_77 : vector<16xi32>
    %add3A_79 = arith.constant 31 : i32
    %add3A_80 = vector.broadcast %add3A_79 : i32 to vector<16xi32>
    %add3A_81 = arith.addi %add3A_78, %add3A_80 : vector<16xi32>
    %gather3A_82 = tpu.vector_load_idx %arg12[%add3A_81] : memref<4096xi32, #tpu.memory_space<vmem>>[vector<16xi32>], vector<16xi32>,
    %lt3A_83 = arith.cmpi slt, %gather3A_82, %get3A_15 : vector<16xi32>
    %jit3A_84 = arith.constant 32 : i32
    %jit3A_85 = arith.constant 0 : i32
    %broadcast_in_dim3A_86 = vector.broadcast %jit3A_84 : i32 to vector<16xi32>
    %broadcast_in_dim3A_87 = vector.broadcast %jit3A_85 : i32 to vector<16xi32>
    %select_n3A_88 = arith.select %lt3A_83, %broadcast_in_dim3A_86, %broadcast_in_dim3A_87 : vector<16xi1>, vector<16xi32>
    %add3A_89 = arith.addi %add3A_78, %select_n3A_88 : vector<16xi32>
    %add3A_90 = arith.constant 15 : i32
    %add3A_91 = vector.broadcast %add3A_90 : i32 to vector<16xi32>
    %add3A_92 = arith.addi %add3A_89, %add3A_91 : vector<16xi32>
    %gather3A_93 = tpu.vector_load_idx %arg12[%add3A_92] : memref<4096xi32, #tpu.memory_space<vmem>>[vector<16xi32>], vector<16xi32>,
    %lt3A_94 = arith.cmpi slt, %gather3A_93, %get3A_15 : vector<16xi32>
    %jit3A_95 = arith.constant 16 : i32
    %jit3A_96 = arith.constant 0 : i32
    %broadcast_in_dim3A_97 = vector.broadcast %jit3A_95 : i32 to vector<16xi32>
    %broadcast_in_dim3A_98 = vector.broadcast %jit3A_96 : i32 to vector<16xi32>
    %select_n3A_99 = arith.select %lt3A_94, %broadcast_in_dim3A_97, %broadcast_in_dim3A_98 : vector<16xi1>, vector<16xi32>
    %add3A_100 = arith.addi %add3A_89, %select_n3A_99 : vector<16xi32>
    %add3A_101 = arith.constant 7 : i32
    %add3A_102 = vector.broadcast %add3A_101 : i32 to vector<16xi32>
    %add3A_103 = arith.addi %add3A_100, %add3A_102 : vector<16xi32>
    %gather3A_104 = tpu.vector_load_idx %arg12[%add3A_103] : memref<4096xi32, #tpu.memory_space<vmem>>[vector<16xi32>], vector<16xi32>,
    %lt3A_105 = arith.cmpi slt, %gather3A_104, %get3A_15 : vector<16xi32>
    %jit3A_106 = arith.constant 8 : i32
    %jit3A_107 = arith.constant 0 : i32
    %broadcast_in_dim3A_108 = vector.broadcast %jit3A_106 : i32 to vector<16xi32>
    %broadcast_in_dim3A_109 = vector.broadcast %jit3A_107 : i32 to vector<16xi32>
    %select_n3A_110 = arith.select %lt3A_105, %broadcast_in_dim3A_108, %broadcast_in_dim3A_109 : vector<16xi1>, vector<16xi32>
    %add3A_111 = arith.addi %add3A_100, %select_n3A_110 : vector<16xi32>
    %add3A_112 = arith.constant 3 : i32
    %add3A_113 = vector.broadcast %add3A_112 : i32 to vector<16xi32>
    %add3A_114 = arith.addi %add3A_111, %add3A_113 : vector<16xi32>
    %gather3A_115 = tpu.vector_load_idx %arg12[%add3A_114] : memref<4096xi32, #tpu.memory_space<vmem>>[vector<16xi32>], vector<16xi32>,
    %lt3A_116 = arith.cmpi slt, %gather3A_115, %get3A_15 : vector<16xi32>
    %jit3A_117 = arith.constant 4 : i32
    %jit3A_118 = arith.constant 0 : i32
    %broadcast_in_dim3A_119 = vector.broadcast %jit3A_117 : i32 to vector<16xi32>
    %broadcast_in_dim3A_120 = vector.broadcast %jit3A_118 : i32 to vector<16xi32>
    %select_n3A_121 = arith.select %lt3A_116, %broadcast_in_dim3A_119, %broadcast_in_dim3A_120 : vector<16xi1>, vector<16xi32>
    %add3A_122 = arith.addi %add3A_111, %select_n3A_121 : vector<16xi32>
    %add3A_123 = arith.constant 1 : i32
    %add3A_124 = vector.broadcast %add3A_123 : i32 to vector<16xi32>
    %add3A_125 = arith.addi %add3A_122, %add3A_124 : vector<16xi32>
    %gather3A_126 = tpu.vector_load_idx %arg12[%add3A_125] : memref<4096xi32, #tpu.memory_space<vmem>>[vector<16xi32>], vector<16xi32>,
    %lt3A_127 = arith.cmpi slt, %gather3A_126, %get3A_15 : vector<16xi32>
    %jit3A_128 = arith.constant 2 : i32
    %jit3A_129 = arith.constant 0 : i32
    %broadcast_in_dim3A_130 = vector.broadcast %jit3A_128 : i32 to vector<16xi32>
    %broadcast_in_dim3A_131 = vector.broadcast %jit3A_129 : i32 to vector<16xi32>
    %select_n3A_132 = arith.select %lt3A_127, %broadcast_in_dim3A_130, %broadcast_in_dim3A_131 : vector<16xi1>, vector<16xi32>
    %add3A_133 = arith.addi %add3A_122, %select_n3A_132 : vector<16xi32>
    %add3A_134 = arith.constant 0 : i32
    %add3A_135 = vector.broadcast %add3A_134 : i32 to vector<16xi32>
    %add3A_136 = arith.addi %add3A_133, %add3A_135 : vector<16xi32>
    %gather3A_137 = tpu.vector_load_idx %arg12[%add3A_136] : memref<4096xi32, #tpu.memory_space<vmem>>[vector<16xi32>], vector<16xi32>,
    %lt3A_138 = arith.cmpi slt, %gather3A_137, %get3A_15 : vector<16xi32>
    %jit3A_139 = arith.constant 1 : i32
    %jit3A_140 = arith.constant 0 : i32
    %broadcast_in_dim3A_141 = vector.broadcast %jit3A_139 : i32 to vector<16xi32>
    %broadcast_in_dim3A_142 = vector.broadcast %jit3A_140 : i32 to vector<16xi32>
    %select_n3A_143 = arith.select %lt3A_138, %broadcast_in_dim3A_141, %broadcast_in_dim3A_142 : vector<16xi1>, vector<16xi32>
    %add3A_144 = arith.addi %add3A_133, %select_n3A_143 : vector<16xi32>
    %add3A_145 = arith.constant 0 : i32
    %add3A_146 = vector.broadcast %add3A_145 : i32 to vector<16xi32>
    %add3A_147 = arith.addi %add3A_144, %add3A_146 : vector<16xi32>
    %gather3A_148 = tpu.vector_load_idx %arg12[%add3A_147] : memref<4096xi32, #tpu.memory_space<vmem>>[vector<16xi32>], vector<16xi32>,
    %lt3A_149 = arith.cmpi slt, %gather3A_148, %get3A_15 : vector<16xi32>
    %jit3A_150 = arith.constant 1 : i32
    %jit3A_151 = arith.constant 0 : i32
    %broadcast_in_dim3A_152 = vector.broadcast %jit3A_150 : i32 to vector<16xi32>
    %broadcast_in_dim3A_153 = vector.broadcast %jit3A_151 : i32 to vector<16xi32>
    %select_n3A_154 = arith.select %lt3A_149, %broadcast_in_dim3A_152, %broadcast_in_dim3A_153 : vector<16xi1>, vector<16xi32>
    %add3A_155 = arith.addi %add3A_144, %select_n3A_154 : vector<16xi32>
    %min3A = arith.constant 4095 : i32
    %min3A_156 = vector.broadcast %min3A : i32 to vector<16xi32>
    %min3A_157 = arith.minsi %add3A_155, %min3A_156 : vector<16xi32>
    %gather3A_158 = tpu.vector_load_idx %arg12[%min3A_157] : memref<4096xi32, #tpu.memory_space<vmem>>[vector<16xi32>], vector<16xi32>,
    %gather3A_159 = tpu.vector_load_idx %arg13[%min3A_157] : memref<4096xf32, #tpu.memory_space<vmem>>[vector<16xi32>], vector<16xf32>,
    %eq3A = arith.cmpi eq, %gather3A_158, %get3A_15 : vector<16xi32>
    %jit3A_160 = arith.constant 0.000000e+00 : f32
    %broadcast_in_dim3A_161 = vector.broadcast %jit3A_160 : f32 to vector<16xf32>
    %select_n3A_162 = arith.select %eq3A, %gather3A_159, %broadcast_in_dim3A_161 : vector<16xi1>, vector<16xf32>
    %swap3A = arith.constant 0 : index
    %swap3A_163 = tpu.vector_load %arg17[%swap3A] {strides = array<i32>} : memref<16xf32, #tpu.memory_space<vmem>>, vector<16xf32>,
    tpu.vector_store %arg17[%swap3A], %select_n3A_162 {strides = array<i32>} : memref<16xf32, #tpu.memory_space<vmem>>, vector<16xf32>,
    "tpu.region"() ({
      %run_scoped3A = tpu.sem_alloc : memref<!tpu.dma_semaphore, #tpu.memory_space<semaphore_mem>>
      %dma_start3A_164 = tpu.memref_slice %arg8[%mul3A_2] : memref<51200xf32, #tpu.memory_space<hbm>> -> memref<1600xf32, #tpu.memory_space<hbm>>
      %dma_start3A_165 = tpu.memref_slice %arg8[%mul3A_2] : memref<51200xf32, #tpu.memory_space<hbm>> -> memref<1600xf32, #tpu.memory_space<hbm>>
      tpu.enqueue_dma source(%arg15 : memref<1600xf32, #tpu.memory_space<vmem>>) target(%dma_start3A_165 : memref<1600xf32, #tpu.memory_space<hbm>>) target_semaphore(%run_scoped3A : memref<!tpu.dma_semaphore, #tpu.memory_space<semaphore_mem>>)
      %dma_wait3A_166 = tpu.memref_slice %arg8[%mul3A_2] : memref<51200xf32, #tpu.memory_space<hbm>> -> memref<1600xf32, #tpu.memory_space<hbm>>
      %dma_wait3A_167 = tpu.memref_slice %arg8[%mul3A_2] : memref<51200xf32, #tpu.memory_space<hbm>> -> memref<1600xf32, #tpu.memory_space<hbm>>
      tpu.wait_dma2 semaphore(%run_scoped3A : memref<!tpu.dma_semaphore, #tpu.memory_space<semaphore_mem>>) src(%arg15 : memref<1600xf32, #tpu.memory_space<vmem>>) dst(%dma_wait3A_167 : memref<1600xf32, #tpu.memory_space<hbm>>)
      tpu.yield
    }) : () -> ()
    "tpu.region"() ({
      %run_scoped3A = tpu.sem_alloc : memref<!tpu.dma_semaphore, #tpu.memory_space<semaphore_mem>>
      %dma_start3A_164 = tpu.memref_slice %arg9[%mul3A_4] : memref<512xf32, #tpu.memory_space<hbm>> -> memref<16xf32, #tpu.memory_space<hbm>>
      %dma_start3A_165 = tpu.memref_slice %arg9[%mul3A_4] : memref<512xf32, #tpu.memory_space<hbm>> -> memref<16xf32, #tpu.memory_space<hbm>>
      tpu.enqueue_dma source(%arg17 : memref<16xf32, #tpu.memory_space<vmem>>) target(%dma_start3A_165 : memref<16xf32, #tpu.memory_space<hbm>>) target_semaphore(%run_scoped3A : memref<!tpu.dma_semaphore, #tpu.memory_space<semaphore_mem>>)
      %dma_wait3A_166 = tpu.memref_slice %arg9[%mul3A_4] : memref<512xf32, #tpu.memory_space<hbm>> -> memref<16xf32, #tpu.memory_space<hbm>>
      %dma_wait3A_167 = tpu.memref_slice %arg9[%mul3A_4] : memref<512xf32, #tpu.memory_space<hbm>> -> memref<16xf32, #tpu.memory_space<hbm>>
      tpu.wait_dma2 semaphore(%run_scoped3A : memref<!tpu.dma_semaphore, #tpu.memory_space<semaphore_mem>>) src(%arg17 : memref<16xf32, #tpu.memory_space<vmem>>) dst(%dma_wait3A_167 : memref<16xf32, #tpu.memory_space<hbm>>)
      tpu.yield
    }) : () -> ()
    return
  }
}

module attributes {stable_mosaic.version = 14 : i64} {
  func.func @_topk_body(%arg0: memref<128x128xf32, #tpu.memory_space<vmem>>, %arg1: memref<128x128xi32, #tpu.memory_space<vmem>>, %arg2: memref<1x1024xi32, #tpu.memory_space<vmem>>) attributes {dimension_semantics = [], scalar_prefetch = 0 : i64, scratch_operands = 0 : i64, tpu.core_type = #tpu.core_type<tc>} {
    %get3A = arith.constant 0 : index
    %get3A_0 = arith.constant 0 : index
    %get3A_1 = vector.load %arg0[%get3A, %get3A_0] : memref<128x128xf32, #tpu.memory_space<vmem>>, vector<128x128xf32>
    %eq3A = arith.constant 0.000000e+00 : f32
    %eq3A_2 = vector.broadcast %eq3A : f32 to vector<128x128xf32>
    %eq3A_3 = arith.cmpf oeq, %get3A_1, %eq3A_2 : vector<128x128xf32>
    %jit3A = arith.constant 0.000000e+00 : f32
    %broadcast_in_dim3A = vector.broadcast %jit3A : f32 to vector<128x128xf32>
    %select_n3A = arith.select %eq3A_3, %broadcast_in_dim3A, %get3A_1 : vector<128x128xi1>, vector<128x128xf32>
    %bitcast_convert_type3A = tpu.bitcast %select_n3A : vector<128x128xf32> -> vector<128x128xi32>
    %ge3A = arith.constant 0 : i32
    %ge3A_4 = vector.broadcast %ge3A : i32 to vector<128x128xi32>
    %ge3A_5 = arith.cmpi sge, %bitcast_convert_type3A, %ge3A_4 : vector<128x128xi32>
    %xor3A = arith.constant -2147483648 : i32
    %xor3A_6 = vector.broadcast %xor3A : i32 to vector<128x128xi32>
    %xor3A_7 = arith.xori %bitcast_convert_type3A, %xor3A_6 : vector<128x128xi32>
    %not3A = arith.constant dense<-1> : vector<128x128xi32>
    %not3A_8 = arith.xori %bitcast_convert_type3A, %not3A : vector<128x128xi32>
    %select_n3A_9 = arith.select %ge3A_5, %xor3A_7, %not3A_8 : vector<128x128xi1>, vector<128x128xi32>
    %not3A_10 = arith.constant dense<-1> : vector<128x128xi32>
    %not3A_11 = arith.xori %select_n3A_9, %not3A_10 : vector<128x128xi32>
    %xor3A_12 = arith.constant -2147483648 : i32
    %xor3A_13 = vector.broadcast %xor3A_12 : i32 to vector<128x128xi32>
    %xor3A_14 = arith.xori %not3A_11, %xor3A_13 : vector<128x128xi32>
    %xor3A_15 = arith.constant -2147483648 : i32
    %xor3A_16 = vector.broadcast %xor3A_15 : i32 to vector<128x128xi32>
    %xor3A_17 = arith.xori %xor3A_14, %xor3A_16 : vector<128x128xi32>
    %get3A_18 = arith.constant 0 : index
    %get3A_19 = arith.constant 0 : index
    %get3A_20 = vector.load %arg1[%get3A_18, %get3A_19] : memref<128x128xi32, #tpu.memory_space<vmem>>, vector<128x128xi32>
    %broadcast_in_dim3A_21 = arith.constant true
    %broadcast_in_dim3A_22 = vector.broadcast %broadcast_in_dim3A_21 : i1 to vector<128x128xi1>
    %shift_right_logical3A = arith.constant 28 : i32
    %shift_right_logical3A_23 = vector.broadcast %shift_right_logical3A : i32 to vector<128x128xi32>
    %shift_right_logical3A_24 = arith.shrui %xor3A_17, %shift_right_logical3A_23 : vector<128x128xi32>
    %and3A = arith.constant 15 : i32
    %and3A_25 = vector.broadcast %and3A : i32 to vector<128x128xi32>
    %and3A_26 = arith.andi %shift_right_logical3A_24, %and3A_25 : vector<128x128xi32>
    %eq3A_27 = arith.constant 0 : i32
    %eq3A_28 = vector.broadcast %eq3A_27 : i32 to vector<128x128xi32>
    %eq3A_29 = arith.cmpi eq, %and3A_26, %eq3A_28 : vector<128x128xi32>
    %and3A_30 = arith.andi %broadcast_in_dim3A_22, %eq3A_29 : vector<128x128xi1>
    %jit3A_31 = arith.constant 1 : i32
    %jit3A_32 = arith.constant 0 : i32
    %broadcast_in_dim3A_33 = vector.broadcast %jit3A_31 : i32 to vector<128x128xi32>
    %broadcast_in_dim3A_34 = vector.broadcast %jit3A_32 : i32 to vector<128x128xi32>
    %select_n3A_35 = arith.select %and3A_30, %broadcast_in_dim3A_33, %broadcast_in_dim3A_34 : vector<128x128xi1>, vector<128x128xi32>
    %reduce_sum3A = vector.shape_cast %select_n3A_35 : vector<128x128xi32> to vector<1x128x128xi32>
    %reduce_sum3A_36 = arith.constant dense<0> : vector<1xi32>
    %reduce_sum3A_37 = vector.multi_reduction <add>, %reduce_sum3A, %reduce_sum3A_36 [1, 2] : vector<1x128x128xi32> to vector<1xi32>
    %reduce_sum3A_38 = vector.shape_cast %reduce_sum3A_37 : vector<1xi32> to vector<1x1x1xi32>
    %reduce_sum3A_39 = vector.extract %reduce_sum3A_38[0, 0, 0] : i32 from vector<1x1x1xi32>
    %eq3A_40 = arith.constant 1 : i32
    %eq3A_41 = vector.broadcast %eq3A_40 : i32 to vector<128x128xi32>
    %eq3A_42 = arith.cmpi eq, %and3A_26, %eq3A_41 : vector<128x128xi32>
    %and3A_43 = arith.andi %broadcast_in_dim3A_22, %eq3A_42 : vector<128x128xi1>
    %jit3A_44 = arith.constant 1 : i32
    %jit3A_45 = arith.constant 0 : i32
    %broadcast_in_dim3A_46 = vector.broadcast %jit3A_44 : i32 to vector<128x128xi32>
    %broadcast_in_dim3A_47 = vector.broadcast %jit3A_45 : i32 to vector<128x128xi32>
    %select_n3A_48 = arith.select %and3A_43, %broadcast_in_dim3A_46, %broadcast_in_dim3A_47 : vector<128x128xi1>, vector<128x128xi32>
    %reduce_sum3A_49 = vector.shape_cast %select_n3A_48 : vector<128x128xi32> to vector<1x128x128xi32>
    %reduce_sum3A_50 = arith.constant dense<0> : vector<1xi32>
    %reduce_sum3A_51 = vector.multi_reduction <add>, %reduce_sum3A_49, %reduce_sum3A_50 [1, 2] : vector<1x128x128xi32> to vector<1xi32>
    %reduce_sum3A_52 = vector.shape_cast %reduce_sum3A_51 : vector<1xi32> to vector<1x1x1xi32>
    %reduce_sum3A_53 = vector.extract %reduce_sum3A_52[0, 0, 0] : i32 from vector<1x1x1xi32>
    %eq3A_54 = arith.constant 2 : i32
    %eq3A_55 = vector.broadcast %eq3A_54 : i32 to vector<128x128xi32>
    %eq3A_56 = arith.cmpi eq, %and3A_26, %eq3A_55 : vector<128x128xi32>
    %and3A_57 = arith.andi %broadcast_in_dim3A_22, %eq3A_56 : vector<128x128xi1>
    %jit3A_58 = arith.constant 1 : i32
    %jit3A_59 = arith.constant 0 : i32
    %broadcast_in_dim3A_60 = vector.broadcast %jit3A_58 : i32 to vector<128x128xi32>
    %broadcast_in_dim3A_61 = vector.broadcast %jit3A_59 : i32 to vector<128x128xi32>
    %select_n3A_62 = arith.select %and3A_57, %broadcast_in_dim3A_60, %broadcast_in_dim3A_61 : vector<128x128xi1>, vector<128x128xi32>
    %reduce_sum3A_63 = vector.shape_cast %select_n3A_62 : vector<128x128xi32> to vector<1x128x128xi32>
    %reduce_sum3A_64 = arith.constant dense<0> : vector<1xi32>
    %reduce_sum3A_65 = vector.multi_reduction <add>, %reduce_sum3A_63, %reduce_sum3A_64 [1, 2] : vector<1x128x128xi32> to vector<1xi32>
    %reduce_sum3A_66 = vector.shape_cast %reduce_sum3A_65 : vector<1xi32> to vector<1x1x1xi32>
    %reduce_sum3A_67 = vector.extract %reduce_sum3A_66[0, 0, 0] : i32 from vector<1x1x1xi32>
    %eq3A_68 = arith.constant 3 : i32
    %eq3A_69 = vector.broadcast %eq3A_68 : i32 to vector<128x128xi32>
    %eq3A_70 = arith.cmpi eq, %and3A_26, %eq3A_69 : vector<128x128xi32>
    %and3A_71 = arith.andi %broadcast_in_dim3A_22, %eq3A_70 : vector<128x128xi1>
    %jit3A_72 = arith.constant 1 : i32
    %jit3A_73 = arith.constant 0 : i32
    %broadcast_in_dim3A_74 = vector.broadcast %jit3A_72 : i32 to vector<128x128xi32>
    %broadcast_in_dim3A_75 = vector.broadcast %jit3A_73 : i32 to vector<128x128xi32>
    %select_n3A_76 = arith.select %and3A_71, %broadcast_in_dim3A_74, %broadcast_in_dim3A_75 : vector<128x128xi1>, vector<128x128xi32>
    %reduce_sum3A_77 = vector.shape_cast %select_n3A_76 : vector<128x128xi32> to vector<1x128x128xi32>
    %reduce_sum3A_78 = arith.constant dense<0> : vector<1xi32>
    %reduce_sum3A_79 = vector.multi_reduction <add>, %reduce_sum3A_77, %reduce_sum3A_78 [1, 2] : vector<1x128x128xi32> to vector<1xi32>
    %reduce_sum3A_80 = vector.shape_cast %reduce_sum3A_79 : vector<1xi32> to vector<1x1x1xi32>
    %reduce_sum3A_81 = vector.extract %reduce_sum3A_80[0, 0, 0] : i32 from vector<1x1x1xi32>
    %eq3A_82 = arith.constant 4 : i32
    %eq3A_83 = vector.broadcast %eq3A_82 : i32 to vector<128x128xi32>
    %eq3A_84 = arith.cmpi eq, %and3A_26, %eq3A_83 : vector<128x128xi32>
    %and3A_85 = arith.andi %broadcast_in_dim3A_22, %eq3A_84 : vector<128x128xi1>
    %jit3A_86 = arith.constant 1 : i32
    %jit3A_87 = arith.constant 0 : i32
    %broadcast_in_dim3A_88 = vector.broadcast %jit3A_86 : i32 to vector<128x128xi32>
    %broadcast_in_dim3A_89 = vector.broadcast %jit3A_87 : i32 to vector<128x128xi32>
    %select_n3A_90 = arith.select %and3A_85, %broadcast_in_dim3A_88, %broadcast_in_dim3A_89 : vector<128x128xi1>, vector<128x128xi32>
    %reduce_sum3A_91 = vector.shape_cast %select_n3A_90 : vector<128x128xi32> to vector<1x128x128xi32>
    %reduce_sum3A_92 = arith.constant dense<0> : vector<1xi32>
    %reduce_sum3A_93 = vector.multi_reduction <add>, %reduce_sum3A_91, %reduce_sum3A_92 [1, 2] : vector<1x128x128xi32> to vector<1xi32>
    %reduce_sum3A_94 = vector.shape_cast %reduce_sum3A_93 : vector<1xi32> to vector<1x1x1xi32>
    %reduce_sum3A_95 = vector.extract %reduce_sum3A_94[0, 0, 0] : i32 from vector<1x1x1xi32>
    %eq3A_96 = arith.constant 5 : i32
    %eq3A_97 = vector.broadcast %eq3A_96 : i32 to vector<128x128xi32>
    %eq3A_98 = arith.cmpi eq, %and3A_26, %eq3A_97 : vector<128x128xi32>
    %and3A_99 = arith.andi %broadcast_in_dim3A_22, %eq3A_98 : vector<128x128xi1>
    %jit3A_100 = arith.constant 1 : i32
    %jit3A_101 = arith.constant 0 : i32
    %broadcast_in_dim3A_102 = vector.broadcast %jit3A_100 : i32 to vector<128x128xi32>
    %broadcast_in_dim3A_103 = vector.broadcast %jit3A_101 : i32 to vector<128x128xi32>
    %select_n3A_104 = arith.select %and3A_99, %broadcast_in_dim3A_102, %broadcast_in_dim3A_103 : vector<128x128xi1>, vector<128x128xi32>
    %reduce_sum3A_105 = vector.shape_cast %select_n3A_104 : vector<128x128xi32> to vector<1x128x128xi32>
    %reduce_sum3A_106 = arith.constant dense<0> : vector<1xi32>
    %reduce_sum3A_107 = vector.multi_reduction <add>, %reduce_sum3A_105, %reduce_sum3A_106 [1, 2] : vector<1x128x128xi32> to vector<1xi32>
    %reduce_sum3A_108 = vector.shape_cast %reduce_sum3A_107 : vector<1xi32> to vector<1x1x1xi32>
    %reduce_sum3A_109 = vector.extract %reduce_sum3A_108[0, 0, 0] : i32 from vector<1x1x1xi32>
    %eq3A_110 = arith.constant 6 : i32
    %eq3A_111 = vector.broadcast %eq3A_110 : i32 to vector<128x128xi32>
    %eq3A_112 = arith.cmpi eq, %and3A_26, %eq3A_111 : vector<128x128xi32>
    %and3A_113 = arith.andi %broadcast_in_dim3A_22, %eq3A_112 : vector<128x128xi1>
    %jit3A_114 = arith.constant 1 : i32
    %jit3A_115 = arith.constant 0 : i32
    %broadcast_in_dim3A_116 = vector.broadcast %jit3A_114 : i32 to vector<128x128xi32>
    %broadcast_in_dim3A_117 = vector.broadcast %jit3A_115 : i32 to vector<128x128xi32>
    %select_n3A_118 = arith.select %and3A_113, %broadcast_in_dim3A_116, %broadcast_in_dim3A_117 : vector<128x128xi1>, vector<128x128xi32>
    %reduce_sum3A_119 = vector.shape_cast %select_n3A_118 : vector<128x128xi32> to vector<1x128x128xi32>
    %reduce_sum3A_120 = arith.constant dense<0> : vector<1xi32>
    %reduce_sum3A_121 = vector.multi_reduction <add>, %reduce_sum3A_119, %reduce_sum3A_120 [1, 2] : vector<1x128x128xi32> to vector<1xi32>
    %reduce_sum3A_122 = vector.shape_cast %reduce_sum3A_121 : vector<1xi32> to vector<1x1x1xi32>
    %reduce_sum3A_123 = vector.extract %reduce_sum3A_122[0, 0, 0] : i32 from vector<1x1x1xi32>
    %eq3A_124 = arith.constant 7 : i32
    %eq3A_125 = vector.broadcast %eq3A_124 : i32 to vector<128x128xi32>
    %eq3A_126 = arith.cmpi eq, %and3A_26, %eq3A_125 : vector<128x128xi32>
    %and3A_127 = arith.andi %broadcast_in_dim3A_22, %eq3A_126 : vector<128x128xi1>
    %jit3A_128 = arith.constant 1 : i32
    %jit3A_129 = arith.constant 0 : i32
    %broadcast_in_dim3A_130 = vector.broadcast %jit3A_128 : i32 to vector<128x128xi32>
    %broadcast_in_dim3A_131 = vector.broadcast %jit3A_129 : i32 to vector<128x128xi32>
    %select_n3A_132 = arith.select %and3A_127, %broadcast_in_dim3A_130, %broadcast_in_dim3A_131 : vector<128x128xi1>, vector<128x128xi32>
    %reduce_sum3A_133 = vector.shape_cast %select_n3A_132 : vector<128x128xi32> to vector<1x128x128xi32>
    %reduce_sum3A_134 = arith.constant dense<0> : vector<1xi32>
    %reduce_sum3A_135 = vector.multi_reduction <add>, %reduce_sum3A_133, %reduce_sum3A_134 [1, 2] : vector<1x128x128xi32> to vector<1xi32>
    %reduce_sum3A_136 = vector.shape_cast %reduce_sum3A_135 : vector<1xi32> to vector<1x1x1xi32>
    %reduce_sum3A_137 = vector.extract %reduce_sum3A_136[0, 0, 0] : i32 from vector<1x1x1xi32>
    %eq3A_138 = arith.constant 8 : i32
    %eq3A_139 = vector.broadcast %eq3A_138 : i32 to vector<128x128xi32>
    %eq3A_140 = arith.cmpi eq, %and3A_26, %eq3A_139 : vector<128x128xi32>
    %and3A_141 = arith.andi %broadcast_in_dim3A_22, %eq3A_140 : vector<128x128xi1>
    %jit3A_142 = arith.constant 1 : i32
    %jit3A_143 = arith.constant 0 : i32
    %broadcast_in_dim3A_144 = vector.broadcast %jit3A_142 : i32 to vector<128x128xi32>
    %broadcast_in_dim3A_145 = vector.broadcast %jit3A_143 : i32 to vector<128x128xi32>
    %select_n3A_146 = arith.select %and3A_141, %broadcast_in_dim3A_144, %broadcast_in_dim3A_145 : vector<128x128xi1>, vector<128x128xi32>
    %reduce_sum3A_147 = vector.shape_cast %select_n3A_146 : vector<128x128xi32> to vector<1x128x128xi32>
    %reduce_sum3A_148 = arith.constant dense<0> : vector<1xi32>
    %reduce_sum3A_149 = vector.multi_reduction <add>, %reduce_sum3A_147, %reduce_sum3A_148 [1, 2] : vector<1x128x128xi32> to vector<1xi32>
    %reduce_sum3A_150 = vector.shape_cast %reduce_sum3A_149 : vector<1xi32> to vector<1x1x1xi32>
    %reduce_sum3A_151 = vector.extract %reduce_sum3A_150[0, 0, 0] : i32 from vector<1x1x1xi32>
    %eq3A_152 = arith.constant 9 : i32
    %eq3A_153 = vector.broadcast %eq3A_152 : i32 to vector<128x128xi32>
    %eq3A_154 = arith.cmpi eq, %and3A_26, %eq3A_153 : vector<128x128xi32>
    %and3A_155 = arith.andi %broadcast_in_dim3A_22, %eq3A_154 : vector<128x128xi1>
    %jit3A_156 = arith.constant 1 : i32
    %jit3A_157 = arith.constant 0 : i32
    %broadcast_in_dim3A_158 = vector.broadcast %jit3A_156 : i32 to vector<128x128xi32>
    %broadcast_in_dim3A_159 = vector.broadcast %jit3A_157 : i32 to vector<128x128xi32>
    %select_n3A_160 = arith.select %and3A_155, %broadcast_in_dim3A_158, %broadcast_in_dim3A_159 : vector<128x128xi1>, vector<128x128xi32>
    %reduce_sum3A_161 = vector.shape_cast %select_n3A_160 : vector<128x128xi32> to vector<1x128x128xi32>
    %reduce_sum3A_162 = arith.constant dense<0> : vector<1xi32>
    %reduce_sum3A_163 = vector.multi_reduction <add>, %reduce_sum3A_161, %reduce_sum3A_162 [1, 2] : vector<1x128x128xi32> to vector<1xi32>
    %reduce_sum3A_164 = vector.shape_cast %reduce_sum3A_163 : vector<1xi32> to vector<1x1x1xi32>
    %reduce_sum3A_165 = vector.extract %reduce_sum3A_164[0, 0, 0] : i32 from vector<1x1x1xi32>
    %eq3A_166 = arith.constant 10 : i32
    %eq3A_167 = vector.broadcast %eq3A_166 : i32 to vector<128x128xi32>
    %eq3A_168 = arith.cmpi eq, %and3A_26, %eq3A_167 : vector<128x128xi32>
    %and3A_169 = arith.andi %broadcast_in_dim3A_22, %eq3A_168 : vector<128x128xi1>
    %jit3A_170 = arith.constant 1 : i32
    %jit3A_171 = arith.constant 0 : i32
    %broadcast_in_dim3A_172 = vector.broadcast %jit3A_170 : i32 to vector<128x128xi32>
    %broadcast_in_dim3A_173 = vector.broadcast %jit3A_171 : i32 to vector<128x128xi32>
    %select_n3A_174 = arith.select %and3A_169, %broadcast_in_dim3A_172, %broadcast_in_dim3A_173 : vector<128x128xi1>, vector<128x128xi32>
    %reduce_sum3A_175 = vector.shape_cast %select_n3A_174 : vector<128x128xi32> to vector<1x128x128xi32>
    %reduce_sum3A_176 = arith.constant dense<0> : vector<1xi32>
    %reduce_sum3A_177 = vector.multi_reduction <add>, %reduce_sum3A_175, %reduce_sum3A_176 [1, 2] : vector<1x128x128xi32> to vector<1xi32>
    %reduce_sum3A_178 = vector.shape_cast %reduce_sum3A_177 : vector<1xi32> to vector<1x1x1xi32>
    %reduce_sum3A_179 = vector.extract %reduce_sum3A_178[0, 0, 0] : i32 from vector<1x1x1xi32>
    %eq3A_180 = arith.constant 11 : i32
    %eq3A_181 = vector.broadcast %eq3A_180 : i32 to vector<128x128xi32>
    %eq3A_182 = arith.cmpi eq, %and3A_26, %eq3A_181 : vector<128x128xi32>
    %and3A_183 = arith.andi %broadcast_in_dim3A_22, %eq3A_182 : vector<128x128xi1>
    %jit3A_184 = arith.constant 1 : i32
    %jit3A_185 = arith.constant 0 : i32
    %broadcast_in_dim3A_186 = vector.broadcast %jit3A_184 : i32 to vector<128x128xi32>
    %broadcast_in_dim3A_187 = vector.broadcast %jit3A_185 : i32 to vector<128x128xi32>
    %select_n3A_188 = arith.select %and3A_183, %broadcast_in_dim3A_186, %broadcast_in_dim3A_187 : vector<128x128xi1>, vector<128x128xi32>
    %reduce_sum3A_189 = vector.shape_cast %select_n3A_188 : vector<128x128xi32> to vector<1x128x128xi32>
    %reduce_sum3A_190 = arith.constant dense<0> : vector<1xi32>
    %reduce_sum3A_191 = vector.multi_reduction <add>, %reduce_sum3A_189, %reduce_sum3A_190 [1, 2] : vector<1x128x128xi32> to vector<1xi32>
    %reduce_sum3A_192 = vector.shape_cast %reduce_sum3A_191 : vector<1xi32> to vector<1x1x1xi32>
    %reduce_sum3A_193 = vector.extract %reduce_sum3A_192[0, 0, 0] : i32 from vector<1x1x1xi32>
    %eq3A_194 = arith.constant 12 : i32
    %eq3A_195 = vector.broadcast %eq3A_194 : i32 to vector<128x128xi32>
    %eq3A_196 = arith.cmpi eq, %and3A_26, %eq3A_195 : vector<128x128xi32>
    %and3A_197 = arith.andi %broadcast_in_dim3A_22, %eq3A_196 : vector<128x128xi1>
    %jit3A_198 = arith.constant 1 : i32
    %jit3A_199 = arith.constant 0 : i32
    %broadcast_in_dim3A_200 = vector.broadcast %jit3A_198 : i32 to vector<128x128xi32>
    %broadcast_in_dim3A_201 = vector.broadcast %jit3A_199 : i32 to vector<128x128xi32>
    %select_n3A_202 = arith.select %and3A_197, %broadcast_in_dim3A_200, %broadcast_in_dim3A_201 : vector<128x128xi1>, vector<128x128xi32>
    %reduce_sum3A_203 = vector.shape_cast %select_n3A_202 : vector<128x128xi32> to vector<1x128x128xi32>
    %reduce_sum3A_204 = arith.constant dense<0> : vector<1xi32>
    %reduce_sum3A_205 = vector.multi_reduction <add>, %reduce_sum3A_203, %reduce_sum3A_204 [1, 2] : vector<1x128x128xi32> to vector<1xi32>
    %reduce_sum3A_206 = vector.shape_cast %reduce_sum3A_205 : vector<1xi32> to vector<1x1x1xi32>
    %reduce_sum3A_207 = vector.extract %reduce_sum3A_206[0, 0, 0] : i32 from vector<1x1x1xi32>
    %eq3A_208 = arith.constant 13 : i32
    %eq3A_209 = vector.broadcast %eq3A_208 : i32 to vector<128x128xi32>
    %eq3A_210 = arith.cmpi eq, %and3A_26, %eq3A_209 : vector<128x128xi32>
    %and3A_211 = arith.andi %broadcast_in_dim3A_22, %eq3A_210 : vector<128x128xi1>
    %jit3A_212 = arith.constant 1 : i32
    %jit3A_213 = arith.constant 0 : i32
    %broadcast_in_dim3A_214 = vector.broadcast %jit3A_212 : i32 to vector<128x128xi32>
    %broadcast_in_dim3A_215 = vector.broadcast %jit3A_213 : i32 to vector<128x128xi32>
    %select_n3A_216 = arith.select %and3A_211, %broadcast_in_dim3A_214, %broadcast_in_dim3A_215 : vector<128x128xi1>, vector<128x128xi32>
    %reduce_sum3A_217 = vector.shape_cast %select_n3A_216 : vector<128x128xi32> to vector<1x128x128xi32>
    %reduce_sum3A_218 = arith.constant dense<0> : vector<1xi32>
    %reduce_sum3A_219 = vector.multi_reduction <add>, %reduce_sum3A_217, %reduce_sum3A_218 [1, 2] : vector<1x128x128xi32> to vector<1xi32>
    %reduce_sum3A_220 = vector.shape_cast %reduce_sum3A_219 : vector<1xi32> to vector<1x1x1xi32>
    %reduce_sum3A_221 = vector.extract %reduce_sum3A_220[0, 0, 0] : i32 from vector<1x1x1xi32>
    %eq3A_222 = arith.constant 14 : i32
    %eq3A_223 = vector.broadcast %eq3A_222 : i32 to vector<128x128xi32>
    %eq3A_224 = arith.cmpi eq, %and3A_26, %eq3A_223 : vector<128x128xi32>
    %and3A_225 = arith.andi %broadcast_in_dim3A_22, %eq3A_224 : vector<128x128xi1>
    %jit3A_226 = arith.constant 1 : i32
    %jit3A_227 = arith.constant 0 : i32
    %broadcast_in_dim3A_228 = vector.broadcast %jit3A_226 : i32 to vector<128x128xi32>
    %broadcast_in_dim3A_229 = vector.broadcast %jit3A_227 : i32 to vector<128x128xi32>
    %select_n3A_230 = arith.select %and3A_225, %broadcast_in_dim3A_228, %broadcast_in_dim3A_229 : vector<128x128xi1>, vector<128x128xi32>
    %reduce_sum3A_231 = vector.shape_cast %select_n3A_230 : vector<128x128xi32> to vector<1x128x128xi32>
    %reduce_sum3A_232 = arith.constant dense<0> : vector<1xi32>
    %reduce_sum3A_233 = vector.multi_reduction <add>, %reduce_sum3A_231, %reduce_sum3A_232 [1, 2] : vector<1x128x128xi32> to vector<1xi32>
    %reduce_sum3A_234 = vector.shape_cast %reduce_sum3A_233 : vector<1xi32> to vector<1x1x1xi32>
    %reduce_sum3A_235 = vector.extract %reduce_sum3A_234[0, 0, 0] : i32 from vector<1x1x1xi32>
    %add3A = arith.constant 0 : i32
    %add3A_236 = arith.addi %add3A, %reduce_sum3A_39 : i32
    %add3A_237 = arith.addi %add3A_236, %reduce_sum3A_53 : i32
    %add3A_238 = arith.addi %add3A_237, %reduce_sum3A_67 : i32
    %add3A_239 = arith.addi %add3A_238, %reduce_sum3A_81 : i32
    %add3A_240 = arith.addi %add3A_239, %reduce_sum3A_95 : i32
    %add3A_241 = arith.addi %add3A_240, %reduce_sum3A_109 : i32
    %add3A_242 = arith.addi %add3A_241, %reduce_sum3A_123 : i32
    %add3A_243 = arith.addi %add3A_242, %reduce_sum3A_137 : i32
    %add3A_244 = arith.addi %add3A_243, %reduce_sum3A_151 : i32
    %add3A_245 = arith.addi %add3A_244, %reduce_sum3A_165 : i32
    %add3A_246 = arith.addi %add3A_245, %reduce_sum3A_179 : i32
    %add3A_247 = arith.addi %add3A_246, %reduce_sum3A_193 : i32
    %add3A_248 = arith.addi %add3A_247, %reduce_sum3A_207 : i32
    %add3A_249 = arith.addi %add3A_248, %reduce_sum3A_221 : i32
    %add3A_250 = arith.addi %add3A_249, %reduce_sum3A_235 : i32
    %le3A = arith.constant 999 : i32
    %le3A_251 = arith.cmpi sle, %add3A_236, %le3A : i32
    %jit3A_252 = arith.constant 1 : i32
    %jit3A_253 = arith.constant 0 : i32
    %select_n3A_254 = arith.select %le3A_251, %jit3A_252, %jit3A_253 : i32
    %add3A_255 = arith.constant 0 : i32
    %add3A_256 = arith.addi %add3A_255, %select_n3A_254 : i32
    %le3A_257 = arith.constant 999 : i32
    %le3A_258 = arith.cmpi sle, %add3A_237, %le3A_257 : i32
    %jit3A_259 = arith.constant 1 : i32
    %jit3A_260 = arith.constant 0 : i32
    %select_n3A_261 = arith.select %le3A_258, %jit3A_259, %jit3A_260 : i32
    %add3A_262 = arith.addi %add3A_256, %select_n3A_261 : i32
    %le3A_263 = arith.constant 999 : i32
    %le3A_264 = arith.cmpi sle, %add3A_238, %le3A_263 : i32
    %jit3A_265 = arith.constant 1 : i32
    %jit3A_266 = arith.constant 0 : i32
    %select_n3A_267 = arith.select %le3A_264, %jit3A_265, %jit3A_266 : i32
    %add3A_268 = arith.addi %add3A_262, %select_n3A_267 : i32
    %le3A_269 = arith.constant 999 : i32
    %le3A_270 = arith.cmpi sle, %add3A_239, %le3A_269 : i32
    %jit3A_271 = arith.constant 1 : i32
    %jit3A_272 = arith.constant 0 : i32
    %select_n3A_273 = arith.select %le3A_270, %jit3A_271, %jit3A_272 : i32
    %add3A_274 = arith.addi %add3A_268, %select_n3A_273 : i32
    %le3A_275 = arith.constant 999 : i32
    %le3A_276 = arith.cmpi sle, %add3A_240, %le3A_275 : i32
    %jit3A_277 = arith.constant 1 : i32
    %jit3A_278 = arith.constant 0 : i32
    %select_n3A_279 = arith.select %le3A_276, %jit3A_277, %jit3A_278 : i32
    %add3A_280 = arith.addi %add3A_274, %select_n3A_279 : i32
    %le3A_281 = arith.constant 999 : i32
    %le3A_282 = arith.cmpi sle, %add3A_241, %le3A_281 : i32
    %jit3A_283 = arith.constant 1 : i32
    %jit3A_284 = arith.constant 0 : i32
    %select_n3A_285 = arith.select %le3A_282, %jit3A_283, %jit3A_284 : i32
    %add3A_286 = arith.addi %add3A_280, %select_n3A_285 : i32
    %le3A_287 = arith.constant 999 : i32
    %le3A_288 = arith.cmpi sle, %add3A_242, %le3A_287 : i32
    %jit3A_289 = arith.constant 1 : i32
    %jit3A_290 = arith.constant 0 : i32
    %select_n3A_291 = arith.select %le3A_288, %jit3A_289, %jit3A_290 : i32
    %add3A_292 = arith.addi %add3A_286, %select_n3A_291 : i32
    %le3A_293 = arith.constant 999 : i32
    %le3A_294 = arith.cmpi sle, %add3A_243, %le3A_293 : i32
    %jit3A_295 = arith.constant 1 : i32
    %jit3A_296 = arith.constant 0 : i32
    %select_n3A_297 = arith.select %le3A_294, %jit3A_295, %jit3A_296 : i32
    %add3A_298 = arith.addi %add3A_292, %select_n3A_297 : i32
    %le3A_299 = arith.constant 999 : i32
    %le3A_300 = arith.cmpi sle, %add3A_244, %le3A_299 : i32
    %jit3A_301 = arith.constant 1 : i32
    %jit3A_302 = arith.constant 0 : i32
    %select_n3A_303 = arith.select %le3A_300, %jit3A_301, %jit3A_302 : i32
    %add3A_304 = arith.addi %add3A_298, %select_n3A_303 : i32
    %le3A_305 = arith.constant 999 : i32
    %le3A_306 = arith.cmpi sle, %add3A_245, %le3A_305 : i32
    %jit3A_307 = arith.constant 1 : i32
    %jit3A_308 = arith.constant 0 : i32
    %select_n3A_309 = arith.select %le3A_306, %jit3A_307, %jit3A_308 : i32
    %add3A_310 = arith.addi %add3A_304, %select_n3A_309 : i32
    %le3A_311 = arith.constant 999 : i32
    %le3A_312 = arith.cmpi sle, %add3A_246, %le3A_311 : i32
    %jit3A_313 = arith.constant 1 : i32
    %jit3A_314 = arith.constant 0 : i32
    %select_n3A_315 = arith.select %le3A_312, %jit3A_313, %jit3A_314 : i32
    %add3A_316 = arith.addi %add3A_310, %select_n3A_315 : i32
    %le3A_317 = arith.constant 999 : i32
    %le3A_318 = arith.cmpi sle, %add3A_247, %le3A_317 : i32
    %jit3A_319 = arith.constant 1 : i32
    %jit3A_320 = arith.constant 0 : i32
    %select_n3A_321 = arith.select %le3A_318, %jit3A_319, %jit3A_320 : i32
    %add3A_322 = arith.addi %add3A_316, %select_n3A_321 : i32
    %le3A_323 = arith.constant 999 : i32
    %le3A_324 = arith.cmpi sle, %add3A_248, %le3A_323 : i32
    %jit3A_325 = arith.constant 1 : i32
    %jit3A_326 = arith.constant 0 : i32
    %select_n3A_327 = arith.select %le3A_324, %jit3A_325, %jit3A_326 : i32
    %add3A_328 = arith.addi %add3A_322, %select_n3A_327 : i32
    %le3A_329 = arith.constant 999 : i32
    %le3A_330 = arith.cmpi sle, %add3A_249, %le3A_329 : i32
    %jit3A_331 = arith.constant 1 : i32
    %jit3A_332 = arith.constant 0 : i32
    %select_n3A_333 = arith.select %le3A_330, %jit3A_331, %jit3A_332 : i32
    %add3A_334 = arith.addi %add3A_328, %select_n3A_333 : i32
    %le3A_335 = arith.constant 999 : i32
    %le3A_336 = arith.cmpi sle, %add3A_250, %le3A_335 : i32
    %jit3A_337 = arith.constant 1 : i32
    %jit3A_338 = arith.constant 0 : i32
    %select_n3A_339 = arith.select %le3A_336, %jit3A_337, %jit3A_338 : i32
    %add3A_340 = arith.addi %add3A_334, %select_n3A_339 : i32
    %eq3A_341 = arith.constant 0 : i32
    %eq3A_342 = arith.cmpi eq, %add3A_340, %eq3A_341 : i32
    %jit3A_343 = arith.constant 0 : i32
    %jit3A_344 = arith.constant 0 : i32
    %select_n3A_345 = arith.select %eq3A_342, %jit3A_343, %jit3A_344 : i32
    %add3A_346 = arith.constant 0 : i32
    %add3A_347 = arith.addi %add3A_346, %select_n3A_345 : i32
    %eq3A_348 = arith.constant 1 : i32
    %eq3A_349 = arith.cmpi eq, %add3A_340, %eq3A_348 : i32
    %jit3A_350 = arith.constant 0 : i32
    %select_n3A_351 = arith.select %eq3A_349, %add3A_236, %jit3A_350 : i32
    %add3A_352 = arith.addi %add3A_347, %select_n3A_351 : i32
    %eq3A_353 = arith.constant 2 : i32
    %eq3A_354 = arith.cmpi eq, %add3A_340, %eq3A_353 : i32
    %jit3A_355 = arith.constant 0 : i32
    %select_n3A_356 = arith.select %eq3A_354, %add3A_237, %jit3A_355 : i32
    %add3A_357 = arith.addi %add3A_352, %select_n3A_356 : i32
    %eq3A_358 = arith.constant 3 : i32
    %eq3A_359 = arith.cmpi eq, %add3A_340, %eq3A_358 : i32
    %jit3A_360 = arith.constant 0 : i32
    %select_n3A_361 = arith.select %eq3A_359, %add3A_238, %jit3A_360 : i32
    %add3A_362 = arith.addi %add3A_357, %select_n3A_361 : i32
    %eq3A_363 = arith.constant 4 : i32
    %eq3A_364 = arith.cmpi eq, %add3A_340, %eq3A_363 : i32
    %jit3A_365 = arith.constant 0 : i32
    %select_n3A_366 = arith.select %eq3A_364, %add3A_239, %jit3A_365 : i32
    %add3A_367 = arith.addi %add3A_362, %select_n3A_366 : i32
    %eq3A_368 = arith.constant 5 : i32
    %eq3A_369 = arith.cmpi eq, %add3A_340, %eq3A_368 : i32
    %jit3A_370 = arith.constant 0 : i32
    %select_n3A_371 = arith.select %eq3A_369, %add3A_240, %jit3A_370 : i32
    %add3A_372 = arith.addi %add3A_367, %select_n3A_371 : i32
    %eq3A_373 = arith.constant 6 : i32
    %eq3A_374 = arith.cmpi eq, %add3A_340, %eq3A_373 : i32
    %jit3A_375 = arith.constant 0 : i32
    %select_n3A_376 = arith.select %eq3A_374, %add3A_241, %jit3A_375 : i32
    %add3A_377 = arith.addi %add3A_372, %select_n3A_376 : i32
    %eq3A_378 = arith.constant 7 : i32
    %eq3A_379 = arith.cmpi eq, %add3A_340, %eq3A_378 : i32
    %jit3A_380 = arith.constant 0 : i32
    %select_n3A_381 = arith.select %eq3A_379, %add3A_242, %jit3A_380 : i32
    %add3A_382 = arith.addi %add3A_377, %select_n3A_381 : i32
    %eq3A_383 = arith.constant 8 : i32
    %eq3A_384 = arith.cmpi eq, %add3A_340, %eq3A_383 : i32
    %jit3A_385 = arith.constant 0 : i32
    %select_n3A_386 = arith.select %eq3A_384, %add3A_243, %jit3A_385 : i32
    %add3A_387 = arith.addi %add3A_382, %select_n3A_386 : i32
    %eq3A_388 = arith.constant 9 : i32
    %eq3A_389 = arith.cmpi eq, %add3A_340, %eq3A_388 : i32
    %jit3A_390 = arith.constant 0 : i32
    %select_n3A_391 = arith.select %eq3A_389, %add3A_244, %jit3A_390 : i32
    %add3A_392 = arith.addi %add3A_387, %select_n3A_391 : i32
    %eq3A_393 = arith.constant 10 : i32
    %eq3A_394 = arith.cmpi eq, %add3A_340, %eq3A_393 : i32
    %jit3A_395 = arith.constant 0 : i32
    %select_n3A_396 = arith.select %eq3A_394, %add3A_245, %jit3A_395 : i32
    %add3A_397 = arith.addi %add3A_392, %select_n3A_396 : i32
    %eq3A_398 = arith.constant 11 : i32
    %eq3A_399 = arith.cmpi eq, %add3A_340, %eq3A_398 : i32
    %jit3A_400 = arith.constant 0 : i32
    %select_n3A_401 = arith.select %eq3A_399, %add3A_246, %jit3A_400 : i32
    %add3A_402 = arith.addi %add3A_397, %select_n3A_401 : i32
    %eq3A_403 = arith.constant 12 : i32
    %eq3A_404 = arith.cmpi eq, %add3A_340, %eq3A_403 : i32
    %jit3A_405 = arith.constant 0 : i32
    %select_n3A_406 = arith.select %eq3A_404, %add3A_247, %jit3A_405 : i32
    %add3A_407 = arith.addi %add3A_402, %select_n3A_406 : i32
    %eq3A_408 = arith.constant 13 : i32
    %eq3A_409 = arith.cmpi eq, %add3A_340, %eq3A_408 : i32
    %jit3A_410 = arith.constant 0 : i32
    %select_n3A_411 = arith.select %eq3A_409, %add3A_248, %jit3A_410 : i32
    %add3A_412 = arith.addi %add3A_407, %select_n3A_411 : i32
    %eq3A_413 = arith.constant 14 : i32
    %eq3A_414 = arith.cmpi eq, %add3A_340, %eq3A_413 : i32
    %jit3A_415 = arith.constant 0 : i32
    %select_n3A_416 = arith.select %eq3A_414, %add3A_249, %jit3A_415 : i32
    %add3A_417 = arith.addi %add3A_412, %select_n3A_416 : i32
    %eq3A_418 = arith.constant 15 : i32
    %eq3A_419 = arith.cmpi eq, %add3A_340, %eq3A_418 : i32
    %jit3A_420 = arith.constant 0 : i32
    %select_n3A_421 = arith.select %eq3A_419, %add3A_250, %jit3A_420 : i32
    %add3A_422 = arith.addi %add3A_417, %select_n3A_421 : i32
    %sub3A = arith.constant 999 : i32
    %sub3A_423 = arith.subi %sub3A, %add3A_422 : i32
    %shift_left3A = arith.constant 28 : i32
    %shift_left3A_424 = arith.shli %add3A_340, %shift_left3A : i32
    %or3A = arith.constant 0 : i32
    %or3A_425 = arith.ori %or3A, %shift_left3A_424 : i32
    %eq3A_426 = vector.broadcast %add3A_340 : i32 to vector<128x128xi32>
    %eq3A_427 = arith.cmpi eq, %and3A_26, %eq3A_426 : vector<128x128xi32>
    %and3A_428 = arith.andi %broadcast_in_dim3A_22, %eq3A_427 : vector<128x128xi1>
    %shift_right_logical3A_429 = arith.constant 24 : i32
    %shift_right_logical3A_430 = vector.broadcast %shift_right_logical3A_429 : i32 to vector<128x128xi32>
    %shift_right_logical3A_431 = arith.shrui %xor3A_17, %shift_right_logical3A_430 : vector<128x128xi32>
    %and3A_432 = arith.constant 15 : i32
    %and3A_433 = vector.broadcast %and3A_432 : i32 to vector<128x128xi32>
    %and3A_434 = arith.andi %shift_right_logical3A_431, %and3A_433 : vector<128x128xi32>
    %eq3A_435 = arith.constant 0 : i32
    %eq3A_436 = vector.broadcast %eq3A_435 : i32 to vector<128x128xi32>
    %eq3A_437 = arith.cmpi eq, %and3A_434, %eq3A_436 : vector<128x128xi32>
    %and3A_438 = arith.andi %and3A_428, %eq3A_437 : vector<128x128xi1>
    %jit3A_439 = arith.constant 1 : i32
    %jit3A_440 = arith.constant 0 : i32
    %broadcast_in_dim3A_441 = vector.broadcast %jit3A_439 : i32 to vector<128x128xi32>
    %broadcast_in_dim3A_442 = vector.broadcast %jit3A_440 : i32 to vector<128x128xi32>
    %select_n3A_443 = arith.select %and3A_438, %broadcast_in_dim3A_441, %broadcast_in_dim3A_442 : vector<128x128xi1>, vector<128x128xi32>
    %reduce_sum3A_444 = vector.shape_cast %select_n3A_443 : vector<128x128xi32> to vector<1x128x128xi32>
    %reduce_sum3A_445 = arith.constant dense<0> : vector<1xi32>
    %reduce_sum3A_446 = vector.multi_reduction <add>, %reduce_sum3A_444, %reduce_sum3A_445 [1, 2] : vector<1x128x128xi32> to vector<1xi32>
    %reduce_sum3A_447 = vector.shape_cast %reduce_sum3A_446 : vector<1xi32> to vector<1x1x1xi32>
    %reduce_sum3A_448 = vector.extract %reduce_sum3A_447[0, 0, 0] : i32 from vector<1x1x1xi32>
    %eq3A_449 = arith.constant 1 : i32
    %eq3A_450 = vector.broadcast %eq3A_449 : i32 to vector<128x128xi32>
    %eq3A_451 = arith.cmpi eq, %and3A_434, %eq3A_450 : vector<128x128xi32>
    %and3A_452 = arith.andi %and3A_428, %eq3A_451 : vector<128x128xi1>
    %jit3A_453 = arith.constant 1 : i32
    %jit3A_454 = arith.constant 0 : i32
    %broadcast_in_dim3A_455 = vector.broadcast %jit3A_453 : i32 to vector<128x128xi32>
    %broadcast_in_dim3A_456 = vector.broadcast %jit3A_454 : i32 to vector<128x128xi32>
    %select_n3A_457 = arith.select %and3A_452, %broadcast_in_dim3A_455, %broadcast_in_dim3A_456 : vector<128x128xi1>, vector<128x128xi32>
    %reduce_sum3A_458 = vector.shape_cast %select_n3A_457 : vector<128x128xi32> to vector<1x128x128xi32>
    %reduce_sum3A_459 = arith.constant dense<0> : vector<1xi32>
    %reduce_sum3A_460 = vector.multi_reduction <add>, %reduce_sum3A_458, %reduce_sum3A_459 [1, 2] : vector<1x128x128xi32> to vector<1xi32>
    %reduce_sum3A_461 = vector.shape_cast %reduce_sum3A_460 : vector<1xi32> to vector<1x1x1xi32>
    %reduce_sum3A_462 = vector.extract %reduce_sum3A_461[0, 0, 0] : i32 from vector<1x1x1xi32>
    %eq3A_463 = arith.constant 2 : i32
    %eq3A_464 = vector.broadcast %eq3A_463 : i32 to vector<128x128xi32>
    %eq3A_465 = arith.cmpi eq, %and3A_434, %eq3A_464 : vector<128x128xi32>
    %and3A_466 = arith.andi %and3A_428, %eq3A_465 : vector<128x128xi1>
    %jit3A_467 = arith.constant 1 : i32
    %jit3A_468 = arith.constant 0 : i32
    %broadcast_in_dim3A_469 = vector.broadcast %jit3A_467 : i32 to vector<128x128xi32>
    %broadcast_in_dim3A_470 = vector.broadcast %jit3A_468 : i32 to vector<128x128xi32>
    %select_n3A_471 = arith.select %and3A_466, %broadcast_in_dim3A_469, %broadcast_in_dim3A_470 : vector<128x128xi1>, vector<128x128xi32>
    %reduce_sum3A_472 = vector.shape_cast %select_n3A_471 : vector<128x128xi32> to vector<1x128x128xi32>
    %reduce_sum3A_473 = arith.constant dense<0> : vector<1xi32>
    %reduce_sum3A_474 = vector.multi_reduction <add>, %reduce_sum3A_472, %reduce_sum3A_473 [1, 2] : vector<1x128x128xi32> to vector<1xi32>
    %reduce_sum3A_475 = vector.shape_cast %reduce_sum3A_474 : vector<1xi32> to vector<1x1x1xi32>
    %reduce_sum3A_476 = vector.extract %reduce_sum3A_475[0, 0, 0] : i32 from vector<1x1x1xi32>
    %eq3A_477 = arith.constant 3 : i32
    %eq3A_478 = vector.broadcast %eq3A_477 : i32 to vector<128x128xi32>
    %eq3A_479 = arith.cmpi eq, %and3A_434, %eq3A_478 : vector<128x128xi32>
    %and3A_480 = arith.andi %and3A_428, %eq3A_479 : vector<128x128xi1>
    %jit3A_481 = arith.constant 1 : i32
    %jit3A_482 = arith.constant 0 : i32
    %broadcast_in_dim3A_483 = vector.broadcast %jit3A_481 : i32 to vector<128x128xi32>
    %broadcast_in_dim3A_484 = vector.broadcast %jit3A_482 : i32 to vector<128x128xi32>
    %select_n3A_485 = arith.select %and3A_480, %broadcast_in_dim3A_483, %broadcast_in_dim3A_484 : vector<128x128xi1>, vector<128x128xi32>
    %reduce_sum3A_486 = vector.shape_cast %select_n3A_485 : vector<128x128xi32> to vector<1x128x128xi32>
    %reduce_sum3A_487 = arith.constant dense<0> : vector<1xi32>
    %reduce_sum3A_488 = vector.multi_reduction <add>, %reduce_sum3A_486, %reduce_sum3A_487 [1, 2] : vector<1x128x128xi32> to vector<1xi32>
    %reduce_sum3A_489 = vector.shape_cast %reduce_sum3A_488 : vector<1xi32> to vector<1x1x1xi32>
    %reduce_sum3A_490 = vector.extract %reduce_sum3A_489[0, 0, 0] : i32 from vector<1x1x1xi32>
    %eq3A_491 = arith.constant 4 : i32
    %eq3A_492 = vector.broadcast %eq3A_491 : i32 to vector<128x128xi32>
    %eq3A_493 = arith.cmpi eq, %and3A_434, %eq3A_492 : vector<128x128xi32>
    %and3A_494 = arith.andi %and3A_428, %eq3A_493 : vector<128x128xi1>
    %jit3A_495 = arith.constant 1 : i32
    %jit3A_496 = arith.constant 0 : i32
    %broadcast_in_dim3A_497 = vector.broadcast %jit3A_495 : i32 to vector<128x128xi32>
    %broadcast_in_dim3A_498 = vector.broadcast %jit3A_496 : i32 to vector<128x128xi32>
    %select_n3A_499 = arith.select %and3A_494, %broadcast_in_dim3A_497, %broadcast_in_dim3A_498 : vector<128x128xi1>, vector<128x128xi32>
    %reduce_sum3A_500 = vector.shape_cast %select_n3A_499 : vector<128x128xi32> to vector<1x128x128xi32>
    %reduce_sum3A_501 = arith.constant dense<0> : vector<1xi32>
    %reduce_sum3A_502 = vector.multi_reduction <add>, %reduce_sum3A_500, %reduce_sum3A_501 [1, 2] : vector<1x128x128xi32> to vector<1xi32>
    %reduce_sum3A_503 = vector.shape_cast %reduce_sum3A_502 : vector<1xi32> to vector<1x1x1xi32>
    %reduce_sum3A_504 = vector.extract %reduce_sum3A_503[0, 0, 0] : i32 from vector<1x1x1xi32>
    %eq3A_505 = arith.constant 5 : i32
    %eq3A_506 = vector.broadcast %eq3A_505 : i32 to vector<128x128xi32>
    %eq3A_507 = arith.cmpi eq, %and3A_434, %eq3A_506 : vector<128x128xi32>
    %and3A_508 = arith.andi %and3A_428, %eq3A_507 : vector<128x128xi1>
    %jit3A_509 = arith.constant 1 : i32
    %jit3A_510 = arith.constant 0 : i32
    %broadcast_in_dim3A_511 = vector.broadcast %jit3A_509 : i32 to vector<128x128xi32>
    %broadcast_in_dim3A_512 = vector.broadcast %jit3A_510 : i32 to vector<128x128xi32>
    %select_n3A_513 = arith.select %and3A_508, %broadcast_in_dim3A_511, %broadcast_in_dim3A_512 : vector<128x128xi1>, vector<128x128xi32>
    %reduce_sum3A_514 = vector.shape_cast %select_n3A_513 : vector<128x128xi32> to vector<1x128x128xi32>
    %reduce_sum3A_515 = arith.constant dense<0> : vector<1xi32>
    %reduce_sum3A_516 = vector.multi_reduction <add>, %reduce_sum3A_514, %reduce_sum3A_515 [1, 2] : vector<1x128x128xi32> to vector<1xi32>
    %reduce_sum3A_517 = vector.shape_cast %reduce_sum3A_516 : vector<1xi32> to vector<1x1x1xi32>
    %reduce_sum3A_518 = vector.extract %reduce_sum3A_517[0, 0, 0] : i32 from vector<1x1x1xi32>
    %eq3A_519 = arith.constant 6 : i32
    %eq3A_520 = vector.broadcast %eq3A_519 : i32 to vector<128x128xi32>
    %eq3A_521 = arith.cmpi eq, %and3A_434, %eq3A_520 : vector<128x128xi32>
    %and3A_522 = arith.andi %and3A_428, %eq3A_521 : vector<128x128xi1>
    %jit3A_523 = arith.constant 1 : i32
    %jit3A_524 = arith.constant 0 : i32
    %broadcast_in_dim3A_525 = vector.broadcast %jit3A_523 : i32 to vector<128x128xi32>
    %broadcast_in_dim3A_526 = vector.broadcast %jit3A_524 : i32 to vector<128x128xi32>
    %select_n3A_527 = arith.select %and3A_522, %broadcast_in_dim3A_525, %broadcast_in_dim3A_526 : vector<128x128xi1>, vector<128x128xi32>
    %reduce_sum3A_528 = vector.shape_cast %select_n3A_527 : vector<128x128xi32> to vector<1x128x128xi32>
    %reduce_sum3A_529 = arith.constant dense<0> : vector<1xi32>
    %reduce_sum3A_530 = vector.multi_reduction <add>, %reduce_sum3A_528, %reduce_sum3A_529 [1, 2] : vector<1x128x128xi32> to vector<1xi32>
    %reduce_sum3A_531 = vector.shape_cast %reduce_sum3A_530 : vector<1xi32> to vector<1x1x1xi32>
    %reduce_sum3A_532 = vector.extract %reduce_sum3A_531[0, 0, 0] : i32 from vector<1x1x1xi32>
    %eq3A_533 = arith.constant 7 : i32
    %eq3A_534 = vector.broadcast %eq3A_533 : i32 to vector<128x128xi32>
    %eq3A_535 = arith.cmpi eq, %and3A_434, %eq3A_534 : vector<128x128xi32>
    %and3A_536 = arith.andi %and3A_428, %eq3A_535 : vector<128x128xi1>
    %jit3A_537 = arith.constant 1 : i32
    %jit3A_538 = arith.constant 0 : i32
    %broadcast_in_dim3A_539 = vector.broadcast %jit3A_537 : i32 to vector<128x128xi32>
    %broadcast_in_dim3A_540 = vector.broadcast %jit3A_538 : i32 to vector<128x128xi32>
    %select_n3A_541 = arith.select %and3A_536, %broadcast_in_dim3A_539, %broadcast_in_dim3A_540 : vector<128x128xi1>, vector<128x128xi32>
    %reduce_sum3A_542 = vector.shape_cast %select_n3A_541 : vector<128x128xi32> to vector<1x128x128xi32>
    %reduce_sum3A_543 = arith.constant dense<0> : vector<1xi32>
    %reduce_sum3A_544 = vector.multi_reduction <add>, %reduce_sum3A_542, %reduce_sum3A_543 [1, 2] : vector<1x128x128xi32> to vector<1xi32>
    %reduce_sum3A_545 = vector.shape_cast %reduce_sum3A_544 : vector<1xi32> to vector<1x1x1xi32>
    %reduce_sum3A_546 = vector.extract %reduce_sum3A_545[0, 0, 0] : i32 from vector<1x1x1xi32>
    %eq3A_547 = arith.constant 8 : i32
    %eq3A_548 = vector.broadcast %eq3A_547 : i32 to vector<128x128xi32>
    %eq3A_549 = arith.cmpi eq, %and3A_434, %eq3A_548 : vector<128x128xi32>
    %and3A_550 = arith.andi %and3A_428, %eq3A_549 : vector<128x128xi1>
    %jit3A_551 = arith.constant 1 : i32
    %jit3A_552 = arith.constant 0 : i32
    %broadcast_in_dim3A_553 = vector.broadcast %jit3A_551 : i32 to vector<128x128xi32>
    %broadcast_in_dim3A_554 = vector.broadcast %jit3A_552 : i32 to vector<128x128xi32>
    %select_n3A_555 = arith.select %and3A_550, %broadcast_in_dim3A_553, %broadcast_in_dim3A_554 : vector<128x128xi1>, vector<128x128xi32>
    %reduce_sum3A_556 = vector.shape_cast %select_n3A_555 : vector<128x128xi32> to vector<1x128x128xi32>
    %reduce_sum3A_557 = arith.constant dense<0> : vector<1xi32>
    %reduce_sum3A_558 = vector.multi_reduction <add>, %reduce_sum3A_556, %reduce_sum3A_557 [1, 2] : vector<1x128x128xi32> to vector<1xi32>
    %reduce_sum3A_559 = vector.shape_cast %reduce_sum3A_558 : vector<1xi32> to vector<1x1x1xi32>
    %reduce_sum3A_560 = vector.extract %reduce_sum3A_559[0, 0, 0] : i32 from vector<1x1x1xi32>
    %eq3A_561 = arith.constant 9 : i32
    %eq3A_562 = vector.broadcast %eq3A_561 : i32 to vector<128x128xi32>
    %eq3A_563 = arith.cmpi eq, %and3A_434, %eq3A_562 : vector<128x128xi32>
    %and3A_564 = arith.andi %and3A_428, %eq3A_563 : vector<128x128xi1>
    %jit3A_565 = arith.constant 1 : i32
    %jit3A_566 = arith.constant 0 : i32
    %broadcast_in_dim3A_567 = vector.broadcast %jit3A_565 : i32 to vector<128x128xi32>
    %broadcast_in_dim3A_568 = vector.broadcast %jit3A_566 : i32 to vector<128x128xi32>
    %select_n3A_569 = arith.select %and3A_564, %broadcast_in_dim3A_567, %broadcast_in_dim3A_568 : vector<128x128xi1>, vector<128x128xi32>
    %reduce_sum3A_570 = vector.shape_cast %select_n3A_569 : vector<128x128xi32> to vector<1x128x128xi32>
    %reduce_sum3A_571 = arith.constant dense<0> : vector<1xi32>
    %reduce_sum3A_572 = vector.multi_reduction <add>, %reduce_sum3A_570, %reduce_sum3A_571 [1, 2] : vector<1x128x128xi32> to vector<1xi32>
    %reduce_sum3A_573 = vector.shape_cast %reduce_sum3A_572 : vector<1xi32> to vector<1x1x1xi32>
    %reduce_sum3A_574 = vector.extract %reduce_sum3A_573[0, 0, 0] : i32 from vector<1x1x1xi32>
    %eq3A_575 = arith.constant 10 : i32
    %eq3A_576 = vector.broadcast %eq3A_575 : i32 to vector<128x128xi32>
    %eq3A_577 = arith.cmpi eq, %and3A_434, %eq3A_576 : vector<128x128xi32>
    %and3A_578 = arith.andi %and3A_428, %eq3A_577 : vector<128x128xi1>
    %jit3A_579 = arith.constant 1 : i32
    %jit3A_580 = arith.constant 0 : i32
    %broadcast_in_dim3A_581 = vector.broadcast %jit3A_579 : i32 to vector<128x128xi32>
    %broadcast_in_dim3A_582 = vector.broadcast %jit3A_580 : i32 to vector<128x128xi32>
    %select_n3A_583 = arith.select %and3A_578, %broadcast_in_dim3A_581, %broadcast_in_dim3A_582 : vector<128x128xi1>, vector<128x128xi32>
    %reduce_sum3A_584 = vector.shape_cast %select_n3A_583 : vector<128x128xi32> to vector<1x128x128xi32>
    %reduce_sum3A_585 = arith.constant dense<0> : vector<1xi32>
    %reduce_sum3A_586 = vector.multi_reduction <add>, %reduce_sum3A_584, %reduce_sum3A_585 [1, 2] : vector<1x128x128xi32> to vector<1xi32>
    %reduce_sum3A_587 = vector.shape_cast %reduce_sum3A_586 : vector<1xi32> to vector<1x1x1xi32>
    %reduce_sum3A_588 = vector.extract %reduce_sum3A_587[0, 0, 0] : i32 from vector<1x1x1xi32>
    %eq3A_589 = arith.constant 11 : i32
    %eq3A_590 = vector.broadcast %eq3A_589 : i32 to vector<128x128xi32>
    %eq3A_591 = arith.cmpi eq, %and3A_434, %eq3A_590 : vector<128x128xi32>
    %and3A_592 = arith.andi %and3A_428, %eq3A_591 : vector<128x128xi1>
    %jit3A_593 = arith.constant 1 : i32
    %jit3A_594 = arith.constant 0 : i32
    %broadcast_in_dim3A_595 = vector.broadcast %jit3A_593 : i32 to vector<128x128xi32>
    %broadcast_in_dim3A_596 = vector.broadcast %jit3A_594 : i32 to vector<128x128xi32>
    %select_n3A_597 = arith.select %and3A_592, %broadcast_in_dim3A_595, %broadcast_in_dim3A_596 : vector<128x128xi1>, vector<128x128xi32>
    %reduce_sum3A_598 = vector.shape_cast %select_n3A_597 : vector<128x128xi32> to vector<1x128x128xi32>
    %reduce_sum3A_599 = arith.constant dense<0> : vector<1xi32>
    %reduce_sum3A_600 = vector.multi_reduction <add>, %reduce_sum3A_598, %reduce_sum3A_599 [1, 2] : vector<1x128x128xi32> to vector<1xi32>
    %reduce_sum3A_601 = vector.shape_cast %reduce_sum3A_600 : vector<1xi32> to vector<1x1x1xi32>
    %reduce_sum3A_602 = vector.extract %reduce_sum3A_601[0, 0, 0] : i32 from vector<1x1x1xi32>
    %eq3A_603 = arith.constant 12 : i32
    %eq3A_604 = vector.broadcast %eq3A_603 : i32 to vector<128x128xi32>
    %eq3A_605 = arith.cmpi eq, %and3A_434, %eq3A_604 : vector<128x128xi32>
    %and3A_606 = arith.andi %and3A_428, %eq3A_605 : vector<128x128xi1>
    %jit3A_607 = arith.constant 1 : i32
    %jit3A_608 = arith.constant 0 : i32
    %broadcast_in_dim3A_609 = vector.broadcast %jit3A_607 : i32 to vector<128x128xi32>
    %broadcast_in_dim3A_610 = vector.broadcast %jit3A_608 : i32 to vector<128x128xi32>
    %select_n3A_611 = arith.select %and3A_606, %broadcast_in_dim3A_609, %broadcast_in_dim3A_610 : vector<128x128xi1>, vector<128x128xi32>
    %reduce_sum3A_612 = vector.shape_cast %select_n3A_611 : vector<128x128xi32> to vector<1x128x128xi32>
    %reduce_sum3A_613 = arith.constant dense<0> : vector<1xi32>
    %reduce_sum3A_614 = vector.multi_reduction <add>, %reduce_sum3A_612, %reduce_sum3A_613 [1, 2] : vector<1x128x128xi32> to vector<1xi32>
    %reduce_sum3A_615 = vector.shape_cast %reduce_sum3A_614 : vector<1xi32> to vector<1x1x1xi32>
    %reduce_sum3A_616 = vector.extract %reduce_sum3A_615[0, 0, 0] : i32 from vector<1x1x1xi32>
    %eq3A_617 = arith.constant 13 : i32
    %eq3A_618 = vector.broadcast %eq3A_617 : i32 to vector<128x128xi32>
    %eq3A_619 = arith.cmpi eq, %and3A_434, %eq3A_618 : vector<128x128xi32>
    %and3A_620 = arith.andi %and3A_428, %eq3A_619 : vector<128x128xi1>
    %jit3A_621 = arith.constant 1 : i32
    %jit3A_622 = arith.constant 0 : i32
    %broadcast_in_dim3A_623 = vector.broadcast %jit3A_621 : i32 to vector<128x128xi32>
    %broadcast_in_dim3A_624 = vector.broadcast %jit3A_622 : i32 to vector<128x128xi32>
    %select_n3A_625 = arith.select %and3A_620, %broadcast_in_dim3A_623, %broadcast_in_dim3A_624 : vector<128x128xi1>, vector<128x128xi32>
    %reduce_sum3A_626 = vector.shape_cast %select_n3A_625 : vector<128x128xi32> to vector<1x128x128xi32>
    %reduce_sum3A_627 = arith.constant dense<0> : vector<1xi32>
    %reduce_sum3A_628 = vector.multi_reduction <add>, %reduce_sum3A_626, %reduce_sum3A_627 [1, 2] : vector<1x128x128xi32> to vector<1xi32>
    %reduce_sum3A_629 = vector.shape_cast %reduce_sum3A_628 : vector<1xi32> to vector<1x1x1xi32>
    %reduce_sum3A_630 = vector.extract %reduce_sum3A_629[0, 0, 0] : i32 from vector<1x1x1xi32>
    %eq3A_631 = arith.constant 14 : i32
    %eq3A_632 = vector.broadcast %eq3A_631 : i32 to vector<128x128xi32>
    %eq3A_633 = arith.cmpi eq, %and3A_434, %eq3A_632 : vector<128x128xi32>
    %and3A_634 = arith.andi %and3A_428, %eq3A_633 : vector<128x128xi1>
    %jit3A_635 = arith.constant 1 : i32
    %jit3A_636 = arith.constant 0 : i32
    %broadcast_in_dim3A_637 = vector.broadcast %jit3A_635 : i32 to vector<128x128xi32>
    %broadcast_in_dim3A_638 = vector.broadcast %jit3A_636 : i32 to vector<128x128xi32>
    %select_n3A_639 = arith.select %and3A_634, %broadcast_in_dim3A_637, %broadcast_in_dim3A_638 : vector<128x128xi1>, vector<128x128xi32>
    %reduce_sum3A_640 = vector.shape_cast %select_n3A_639 : vector<128x128xi32> to vector<1x128x128xi32>
    %reduce_sum3A_641 = arith.constant dense<0> : vector<1xi32>
    %reduce_sum3A_642 = vector.multi_reduction <add>, %reduce_sum3A_640, %reduce_sum3A_641 [1, 2] : vector<1x128x128xi32> to vector<1xi32>
    %reduce_sum3A_643 = vector.shape_cast %reduce_sum3A_642 : vector<1xi32> to vector<1x1x1xi32>
    %reduce_sum3A_644 = vector.extract %reduce_sum3A_643[0, 0, 0] : i32 from vector<1x1x1xi32>
    %add3A_645 = arith.constant 0 : i32
    %add3A_646 = arith.addi %add3A_645, %reduce_sum3A_448 : i32
    %add3A_647 = arith.addi %add3A_646, %reduce_sum3A_462 : i32
    %add3A_648 = arith.addi %add3A_647, %reduce_sum3A_476 : i32
    %add3A_649 = arith.addi %add3A_648, %reduce_sum3A_490 : i32
    %add3A_650 = arith.addi %add3A_649, %reduce_sum3A_504 : i32
    %add3A_651 = arith.addi %add3A_650, %reduce_sum3A_518 : i32
    %add3A_652 = arith.addi %add3A_651, %reduce_sum3A_532 : i32
    %add3A_653 = arith.addi %add3A_652, %reduce_sum3A_546 : i32
    %add3A_654 = arith.addi %add3A_653, %reduce_sum3A_560 : i32
    %add3A_655 = arith.addi %add3A_654, %reduce_sum3A_574 : i32
    %add3A_656 = arith.addi %add3A_655, %reduce_sum3A_588 : i32
    %add3A_657 = arith.addi %add3A_656, %reduce_sum3A_602 : i32
    %add3A_658 = arith.addi %add3A_657, %reduce_sum3A_616 : i32
    %add3A_659 = arith.addi %add3A_658, %reduce_sum3A_630 : i32
    %add3A_660 = arith.addi %add3A_659, %reduce_sum3A_644 : i32
    %le3A_661 = arith.cmpi sle, %add3A_646, %sub3A_423 : i32
    %jit3A_662 = arith.constant 1 : i32
    %jit3A_663 = arith.constant 0 : i32
    %select_n3A_664 = arith.select %le3A_661, %jit3A_662, %jit3A_663 : i32
    %add3A_665 = arith.constant 0 : i32
    %add3A_666 = arith.addi %add3A_665, %select_n3A_664 : i32
    %le3A_667 = arith.cmpi sle, %add3A_647, %sub3A_423 : i32
    %jit3A_668 = arith.constant 1 : i32
    %jit3A_669 = arith.constant 0 : i32
    %select_n3A_670 = arith.select %le3A_667, %jit3A_668, %jit3A_669 : i32
    %add3A_671 = arith.addi %add3A_666, %select_n3A_670 : i32
    %le3A_672 = arith.cmpi sle, %add3A_648, %sub3A_423 : i32
    %jit3A_673 = arith.constant 1 : i32
    %jit3A_674 = arith.constant 0 : i32
    %select_n3A_675 = arith.select %le3A_672, %jit3A_673, %jit3A_674 : i32
    %add3A_676 = arith.addi %add3A_671, %select_n3A_675 : i32
    %le3A_677 = arith.cmpi sle, %add3A_649, %sub3A_423 : i32
    %jit3A_678 = arith.constant 1 : i32
    %jit3A_679 = arith.constant 0 : i32
    %select_n3A_680 = arith.select %le3A_677, %jit3A_678, %jit3A_679 : i32
    %add3A_681 = arith.addi %add3A_676, %select_n3A_680 : i32
    %le3A_682 = arith.cmpi sle, %add3A_650, %sub3A_423 : i32
    %jit3A_683 = arith.constant 1 : i32
    %jit3A_684 = arith.constant 0 : i32
    %select_n3A_685 = arith.select %le3A_682, %jit3A_683, %jit3A_684 : i32
    %add3A_686 = arith.addi %add3A_681, %select_n3A_685 : i32
    %le3A_687 = arith.cmpi sle, %add3A_651, %sub3A_423 : i32
    %jit3A_688 = arith.constant 1 : i32
    %jit3A_689 = arith.constant 0 : i32
    %select_n3A_690 = arith.select %le3A_687, %jit3A_688, %jit3A_689 : i32
    %add3A_691 = arith.addi %add3A_686, %select_n3A_690 : i32
    %le3A_692 = arith.cmpi sle, %add3A_652, %sub3A_423 : i32
    %jit3A_693 = arith.constant 1 : i32
    %jit3A_694 = arith.constant 0 : i32
    %select_n3A_695 = arith.select %le3A_692, %jit3A_693, %jit3A_694 : i32
    %add3A_696 = arith.addi %add3A_691, %select_n3A_695 : i32
    %le3A_697 = arith.cmpi sle, %add3A_653, %sub3A_423 : i32
    %jit3A_698 = arith.constant 1 : i32
    %jit3A_699 = arith.constant 0 : i32
    %select_n3A_700 = arith.select %le3A_697, %jit3A_698, %jit3A_699 : i32
    %add3A_701 = arith.addi %add3A_696, %select_n3A_700 : i32
    %le3A_702 = arith.cmpi sle, %add3A_654, %sub3A_423 : i32
    %jit3A_703 = arith.constant 1 : i32
    %jit3A_704 = arith.constant 0 : i32
    %select_n3A_705 = arith.select %le3A_702, %jit3A_703, %jit3A_704 : i32
    %add3A_706 = arith.addi %add3A_701, %select_n3A_705 : i32
    %le3A_707 = arith.cmpi sle, %add3A_655, %sub3A_423 : i32
    %jit3A_708 = arith.constant 1 : i32
    %jit3A_709 = arith.constant 0 : i32
    %select_n3A_710 = arith.select %le3A_707, %jit3A_708, %jit3A_709 : i32
    %add3A_711 = arith.addi %add3A_706, %select_n3A_710 : i32
    %le3A_712 = arith.cmpi sle, %add3A_656, %sub3A_423 : i32
    %jit3A_713 = arith.constant 1 : i32
    %jit3A_714 = arith.constant 0 : i32
    %select_n3A_715 = arith.select %le3A_712, %jit3A_713, %jit3A_714 : i32
    %add3A_716 = arith.addi %add3A_711, %select_n3A_715 : i32
    %le3A_717 = arith.cmpi sle, %add3A_657, %sub3A_423 : i32
    %jit3A_718 = arith.constant 1 : i32
    %jit3A_719 = arith.constant 0 : i32
    %select_n3A_720 = arith.select %le3A_717, %jit3A_718, %jit3A_719 : i32
    %add3A_721 = arith.addi %add3A_716, %select_n3A_720 : i32
    %le3A_722 = arith.cmpi sle, %add3A_658, %sub3A_423 : i32
    %jit3A_723 = arith.constant 1 : i32
    %jit3A_724 = arith.constant 0 : i32
    %select_n3A_725 = arith.select %le3A_722, %jit3A_723, %jit3A_724 : i32
    %add3A_726 = arith.addi %add3A_721, %select_n3A_725 : i32
    %le3A_727 = arith.cmpi sle, %add3A_659, %sub3A_423 : i32
    %jit3A_728 = arith.constant 1 : i32
    %jit3A_729 = arith.constant 0 : i32
    %select_n3A_730 = arith.select %le3A_727, %jit3A_728, %jit3A_729 : i32
    %add3A_731 = arith.addi %add3A_726, %select_n3A_730 : i32
    %le3A_732 = arith.cmpi sle, %add3A_660, %sub3A_423 : i32
    %jit3A_733 = arith.constant 1 : i32
    %jit3A_734 = arith.constant 0 : i32
    %select_n3A_735 = arith.select %le3A_732, %jit3A_733, %jit3A_734 : i32
    %add3A_736 = arith.addi %add3A_731, %select_n3A_735 : i32
    %eq3A_737 = arith.constant 0 : i32
    %eq3A_738 = arith.cmpi eq, %add3A_736, %eq3A_737 : i32
    %jit3A_739 = arith.constant 0 : i32
    %jit3A_740 = arith.constant 0 : i32
    %select_n3A_741 = arith.select %eq3A_738, %jit3A_739, %jit3A_740 : i32
    %add3A_742 = arith.constant 0 : i32
    %add3A_743 = arith.addi %add3A_742, %select_n3A_741 : i32
    %eq3A_744 = arith.constant 1 : i32
    %eq3A_745 = arith.cmpi eq, %add3A_736, %eq3A_744 : i32
    %jit3A_746 = arith.constant 0 : i32
    %select_n3A_747 = arith.select %eq3A_745, %add3A_646, %jit3A_746 : i32
    %add3A_748 = arith.addi %add3A_743, %select_n3A_747 : i32
    %eq3A_749 = arith.constant 2 : i32
    %eq3A_750 = arith.cmpi eq, %add3A_736, %eq3A_749 : i32
    %jit3A_751 = arith.constant 0 : i32
    %select_n3A_752 = arith.select %eq3A_750, %add3A_647, %jit3A_751 : i32
    %add3A_753 = arith.addi %add3A_748, %select_n3A_752 : i32
    %eq3A_754 = arith.constant 3 : i32
    %eq3A_755 = arith.cmpi eq, %add3A_736, %eq3A_754 : i32
    %jit3A_756 = arith.constant 0 : i32
    %select_n3A_757 = arith.select %eq3A_755, %add3A_648, %jit3A_756 : i32
    %add3A_758 = arith.addi %add3A_753, %select_n3A_757 : i32
    %eq3A_759 = arith.constant 4 : i32
    %eq3A_760 = arith.cmpi eq, %add3A_736, %eq3A_759 : i32
    %jit3A_761 = arith.constant 0 : i32
    %select_n3A_762 = arith.select %eq3A_760, %add3A_649, %jit3A_761 : i32
    %add3A_763 = arith.addi %add3A_758, %select_n3A_762 : i32
    %eq3A_764 = arith.constant 5 : i32
    %eq3A_765 = arith.cmpi eq, %add3A_736, %eq3A_764 : i32
    %jit3A_766 = arith.constant 0 : i32
    %select_n3A_767 = arith.select %eq3A_765, %add3A_650, %jit3A_766 : i32
    %add3A_768 = arith.addi %add3A_763, %select_n3A_767 : i32
    %eq3A_769 = arith.constant 6 : i32
    %eq3A_770 = arith.cmpi eq, %add3A_736, %eq3A_769 : i32
    %jit3A_771 = arith.constant 0 : i32
    %select_n3A_772 = arith.select %eq3A_770, %add3A_651, %jit3A_771 : i32
    %add3A_773 = arith.addi %add3A_768, %select_n3A_772 : i32
    %eq3A_774 = arith.constant 7 : i32
    %eq3A_775 = arith.cmpi eq, %add3A_736, %eq3A_774 : i32
    %jit3A_776 = arith.constant 0 : i32
    %select_n3A_777 = arith.select %eq3A_775, %add3A_652, %jit3A_776 : i32
    %add3A_778 = arith.addi %add3A_773, %select_n3A_777 : i32
    %eq3A_779 = arith.constant 8 : i32
    %eq3A_780 = arith.cmpi eq, %add3A_736, %eq3A_779 : i32
    %jit3A_781 = arith.constant 0 : i32
    %select_n3A_782 = arith.select %eq3A_780, %add3A_653, %jit3A_781 : i32
    %add3A_783 = arith.addi %add3A_778, %select_n3A_782 : i32
    %eq3A_784 = arith.constant 9 : i32
    %eq3A_785 = arith.cmpi eq, %add3A_736, %eq3A_784 : i32
    %jit3A_786 = arith.constant 0 : i32
    %select_n3A_787 = arith.select %eq3A_785, %add3A_654, %jit3A_786 : i32
    %add3A_788 = arith.addi %add3A_783, %select_n3A_787 : i32
    %eq3A_789 = arith.constant 10 : i32
    %eq3A_790 = arith.cmpi eq, %add3A_736, %eq3A_789 : i32
    %jit3A_791 = arith.constant 0 : i32
    %select_n3A_792 = arith.select %eq3A_790, %add3A_655, %jit3A_791 : i32
    %add3A_793 = arith.addi %add3A_788, %select_n3A_792 : i32
    %eq3A_794 = arith.constant 11 : i32
    %eq3A_795 = arith.cmpi eq, %add3A_736, %eq3A_794 : i32
    %jit3A_796 = arith.constant 0 : i32
    %select_n3A_797 = arith.select %eq3A_795, %add3A_656, %jit3A_796 : i32
    %add3A_798 = arith.addi %add3A_793, %select_n3A_797 : i32
    %eq3A_799 = arith.constant 12 : i32
    %eq3A_800 = arith.cmpi eq, %add3A_736, %eq3A_799 : i32
    %jit3A_801 = arith.constant 0 : i32
    %select_n3A_802 = arith.select %eq3A_800, %add3A_657, %jit3A_801 : i32
    %add3A_803 = arith.addi %add3A_798, %select_n3A_802 : i32
    %eq3A_804 = arith.constant 13 : i32
    %eq3A_805 = arith.cmpi eq, %add3A_736, %eq3A_804 : i32
    %jit3A_806 = arith.constant 0 : i32
    %select_n3A_807 = arith.select %eq3A_805, %add3A_658, %jit3A_806 : i32
    %add3A_808 = arith.addi %add3A_803, %select_n3A_807 : i32
    %eq3A_809 = arith.constant 14 : i32
    %eq3A_810 = arith.cmpi eq, %add3A_736, %eq3A_809 : i32
    %jit3A_811 = arith.constant 0 : i32
    %select_n3A_812 = arith.select %eq3A_810, %add3A_659, %jit3A_811 : i32
    %add3A_813 = arith.addi %add3A_808, %select_n3A_812 : i32
    %eq3A_814 = arith.constant 15 : i32
    %eq3A_815 = arith.cmpi eq, %add3A_736, %eq3A_814 : i32
    %jit3A_816 = arith.constant 0 : i32
    %select_n3A_817 = arith.select %eq3A_815, %add3A_660, %jit3A_816 : i32
    %add3A_818 = arith.addi %add3A_813, %select_n3A_817 : i32
    %sub3A_819 = arith.subi %sub3A_423, %add3A_818 : i32
    %shift_left3A_820 = arith.constant 24 : i32
    %shift_left3A_821 = arith.shli %add3A_736, %shift_left3A_820 : i32
    %or3A_822 = arith.ori %or3A_425, %shift_left3A_821 : i32
    %eq3A_823 = vector.broadcast %add3A_736 : i32 to vector<128x128xi32>
    %eq3A_824 = arith.cmpi eq, %and3A_434, %eq3A_823 : vector<128x128xi32>
    %and3A_825 = arith.andi %and3A_428, %eq3A_824 : vector<128x128xi1>
    %shift_right_logical3A_826 = arith.constant 20 : i32
    %shift_right_logical3A_827 = vector.broadcast %shift_right_logical3A_826 : i32 to vector<128x128xi32>
    %shift_right_logical3A_828 = arith.shrui %xor3A_17, %shift_right_logical3A_827 : vector<128x128xi32>
    %and3A_829 = arith.constant 15 : i32
    %and3A_830 = vector.broadcast %and3A_829 : i32 to vector<128x128xi32>
    %and3A_831 = arith.andi %shift_right_logical3A_828, %and3A_830 : vector<128x128xi32>
    %eq3A_832 = arith.constant 0 : i32
    %eq3A_833 = vector.broadcast %eq3A_832 : i32 to vector<128x128xi32>
    %eq3A_834 = arith.cmpi eq, %and3A_831, %eq3A_833 : vector<128x128xi32>
    %and3A_835 = arith.andi %and3A_825, %eq3A_834 : vector<128x128xi1>
    %jit3A_836 = arith.constant 1 : i32
    %jit3A_837 = arith.constant 0 : i32
    %broadcast_in_dim3A_838 = vector.broadcast %jit3A_836 : i32 to vector<128x128xi32>
    %broadcast_in_dim3A_839 = vector.broadcast %jit3A_837 : i32 to vector<128x128xi32>
    %select_n3A_840 = arith.select %and3A_835, %broadcast_in_dim3A_838, %broadcast_in_dim3A_839 : vector<128x128xi1>, vector<128x128xi32>
    %reduce_sum3A_841 = vector.shape_cast %select_n3A_840 : vector<128x128xi32> to vector<1x128x128xi32>
    %reduce_sum3A_842 = arith.constant dense<0> : vector<1xi32>
    %reduce_sum3A_843 = vector.multi_reduction <add>, %reduce_sum3A_841, %reduce_sum3A_842 [1, 2] : vector<1x128x128xi32> to vector<1xi32>
    %reduce_sum3A_844 = vector.shape_cast %reduce_sum3A_843 : vector<1xi32> to vector<1x1x1xi32>
    %reduce_sum3A_845 = vector.extract %reduce_sum3A_844[0, 0, 0] : i32 from vector<1x1x1xi32>
    %eq3A_846 = arith.constant 1 : i32
    %eq3A_847 = vector.broadcast %eq3A_846 : i32 to vector<128x128xi32>
    %eq3A_848 = arith.cmpi eq, %and3A_831, %eq3A_847 : vector<128x128xi32>
    %and3A_849 = arith.andi %and3A_825, %eq3A_848 : vector<128x128xi1>
    %jit3A_850 = arith.constant 1 : i32
    %jit3A_851 = arith.constant 0 : i32
    %broadcast_in_dim3A_852 = vector.broadcast %jit3A_850 : i32 to vector<128x128xi32>
    %broadcast_in_dim3A_853 = vector.broadcast %jit3A_851 : i32 to vector<128x128xi32>
    %select_n3A_854 = arith.select %and3A_849, %broadcast_in_dim3A_852, %broadcast_in_dim3A_853 : vector<128x128xi1>, vector<128x128xi32>
    %reduce_sum3A_855 = vector.shape_cast %select_n3A_854 : vector<128x128xi32> to vector<1x128x128xi32>
    %reduce_sum3A_856 = arith.constant dense<0> : vector<1xi32>
    %reduce_sum3A_857 = vector.multi_reduction <add>, %reduce_sum3A_855, %reduce_sum3A_856 [1, 2] : vector<1x128x128xi32> to vector<1xi32>
    %reduce_sum3A_858 = vector.shape_cast %reduce_sum3A_857 : vector<1xi32> to vector<1x1x1xi32>
    %reduce_sum3A_859 = vector.extract %reduce_sum3A_858[0, 0, 0] : i32 from vector<1x1x1xi32>
    %eq3A_860 = arith.constant 2 : i32
    %eq3A_861 = vector.broadcast %eq3A_860 : i32 to vector<128x128xi32>
    %eq3A_862 = arith.cmpi eq, %and3A_831, %eq3A_861 : vector<128x128xi32>
    %and3A_863 = arith.andi %and3A_825, %eq3A_862 : vector<128x128xi1>
    %jit3A_864 = arith.constant 1 : i32
    %jit3A_865 = arith.constant 0 : i32
    %broadcast_in_dim3A_866 = vector.broadcast %jit3A_864 : i32 to vector<128x128xi32>
    %broadcast_in_dim3A_867 = vector.broadcast %jit3A_865 : i32 to vector<128x128xi32>
    %select_n3A_868 = arith.select %and3A_863, %broadcast_in_dim3A_866, %broadcast_in_dim3A_867 : vector<128x128xi1>, vector<128x128xi32>
    %reduce_sum3A_869 = vector.shape_cast %select_n3A_868 : vector<128x128xi32> to vector<1x128x128xi32>
    %reduce_sum3A_870 = arith.constant dense<0> : vector<1xi32>
    %reduce_sum3A_871 = vector.multi_reduction <add>, %reduce_sum3A_869, %reduce_sum3A_870 [1, 2] : vector<1x128x128xi32> to vector<1xi32>
    %reduce_sum3A_872 = vector.shape_cast %reduce_sum3A_871 : vector<1xi32> to vector<1x1x1xi32>
    %reduce_sum3A_873 = vector.extract %reduce_sum3A_872[0, 0, 0] : i32 from vector<1x1x1xi32>
    %eq3A_874 = arith.constant 3 : i32
    %eq3A_875 = vector.broadcast %eq3A_874 : i32 to vector<128x128xi32>
    %eq3A_876 = arith.cmpi eq, %and3A_831, %eq3A_875 : vector<128x128xi32>
    %and3A_877 = arith.andi %and3A_825, %eq3A_876 : vector<128x128xi1>
    %jit3A_878 = arith.constant 1 : i32
    %jit3A_879 = arith.constant 0 : i32
    %broadcast_in_dim3A_880 = vector.broadcast %jit3A_878 : i32 to vector<128x128xi32>
    %broadcast_in_dim3A_881 = vector.broadcast %jit3A_879 : i32 to vector<128x128xi32>
    %select_n3A_882 = arith.select %and3A_877, %broadcast_in_dim3A_880, %broadcast_in_dim3A_881 : vector<128x128xi1>, vector<128x128xi32>
    %reduce_sum3A_883 = vector.shape_cast %select_n3A_882 : vector<128x128xi32> to vector<1x128x128xi32>
    %reduce_sum3A_884 = arith.constant dense<0> : vector<1xi32>
    %reduce_sum3A_885 = vector.multi_reduction <add>, %reduce_sum3A_883, %reduce_sum3A_884 [1, 2] : vector<1x128x128xi32> to vector<1xi32>
    %reduce_sum3A_886 = vector.shape_cast %reduce_sum3A_885 : vector<1xi32> to vector<1x1x1xi32>
    %reduce_sum3A_887 = vector.extract %reduce_sum3A_886[0, 0, 0] : i32 from vector<1x1x1xi32>
    %eq3A_888 = arith.constant 4 : i32
    %eq3A_889 = vector.broadcast %eq3A_888 : i32 to vector<128x128xi32>
    %eq3A_890 = arith.cmpi eq, %and3A_831, %eq3A_889 : vector<128x128xi32>
    %and3A_891 = arith.andi %and3A_825, %eq3A_890 : vector<128x128xi1>
    %jit3A_892 = arith.constant 1 : i32
    %jit3A_893 = arith.constant 0 : i32
    %broadcast_in_dim3A_894 = vector.broadcast %jit3A_892 : i32 to vector<128x128xi32>
    %broadcast_in_dim3A_895 = vector.broadcast %jit3A_893 : i32 to vector<128x128xi32>
    %select_n3A_896 = arith.select %and3A_891, %broadcast_in_dim3A_894, %broadcast_in_dim3A_895 : vector<128x128xi1>, vector<128x128xi32>
    %reduce_sum3A_897 = vector.shape_cast %select_n3A_896 : vector<128x128xi32> to vector<1x128x128xi32>
    %reduce_sum3A_898 = arith.constant dense<0> : vector<1xi32>
    %reduce_sum3A_899 = vector.multi_reduction <add>, %reduce_sum3A_897, %reduce_sum3A_898 [1, 2] : vector<1x128x128xi32> to vector<1xi32>
    %reduce_sum3A_900 = vector.shape_cast %reduce_sum3A_899 : vector<1xi32> to vector<1x1x1xi32>
    %reduce_sum3A_901 = vector.extract %reduce_sum3A_900[0, 0, 0] : i32 from vector<1x1x1xi32>
    %eq3A_902 = arith.constant 5 : i32
    %eq3A_903 = vector.broadcast %eq3A_902 : i32 to vector<128x128xi32>
    %eq3A_904 = arith.cmpi eq, %and3A_831, %eq3A_903 : vector<128x128xi32>
    %and3A_905 = arith.andi %and3A_825, %eq3A_904 : vector<128x128xi1>
    %jit3A_906 = arith.constant 1 : i32
    %jit3A_907 = arith.constant 0 : i32
    %broadcast_in_dim3A_908 = vector.broadcast %jit3A_906 : i32 to vector<128x128xi32>
    %broadcast_in_dim3A_909 = vector.broadcast %jit3A_907 : i32 to vector<128x128xi32>
    %select_n3A_910 = arith.select %and3A_905, %broadcast_in_dim3A_908, %broadcast_in_dim3A_909 : vector<128x128xi1>, vector<128x128xi32>
    %reduce_sum3A_911 = vector.shape_cast %select_n3A_910 : vector<128x128xi32> to vector<1x128x128xi32>
    %reduce_sum3A_912 = arith.constant dense<0> : vector<1xi32>
    %reduce_sum3A_913 = vector.multi_reduction <add>, %reduce_sum3A_911, %reduce_sum3A_912 [1, 2] : vector<1x128x128xi32> to vector<1xi32>
    %reduce_sum3A_914 = vector.shape_cast %reduce_sum3A_913 : vector<1xi32> to vector<1x1x1xi32>
    %reduce_sum3A_915 = vector.extract %reduce_sum3A_914[0, 0, 0] : i32 from vector<1x1x1xi32>
    %eq3A_916 = arith.constant 6 : i32
    %eq3A_917 = vector.broadcast %eq3A_916 : i32 to vector<128x128xi32>
    %eq3A_918 = arith.cmpi eq, %and3A_831, %eq3A_917 : vector<128x128xi32>
    %and3A_919 = arith.andi %and3A_825, %eq3A_918 : vector<128x128xi1>
    %jit3A_920 = arith.constant 1 : i32
    %jit3A_921 = arith.constant 0 : i32
    %broadcast_in_dim3A_922 = vector.broadcast %jit3A_920 : i32 to vector<128x128xi32>
    %broadcast_in_dim3A_923 = vector.broadcast %jit3A_921 : i32 to vector<128x128xi32>
    %select_n3A_924 = arith.select %and3A_919, %broadcast_in_dim3A_922, %broadcast_in_dim3A_923 : vector<128x128xi1>, vector<128x128xi32>
    %reduce_sum3A_925 = vector.shape_cast %select_n3A_924 : vector<128x128xi32> to vector<1x128x128xi32>
    %reduce_sum3A_926 = arith.constant dense<0> : vector<1xi32>
    %reduce_sum3A_927 = vector.multi_reduction <add>, %reduce_sum3A_925, %reduce_sum3A_926 [1, 2] : vector<1x128x128xi32> to vector<1xi32>
    %reduce_sum3A_928 = vector.shape_cast %reduce_sum3A_927 : vector<1xi32> to vector<1x1x1xi32>
    %reduce_sum3A_929 = vector.extract %reduce_sum3A_928[0, 0, 0] : i32 from vector<1x1x1xi32>
    %eq3A_930 = arith.constant 7 : i32
    %eq3A_931 = vector.broadcast %eq3A_930 : i32 to vector<128x128xi32>
    %eq3A_932 = arith.cmpi eq, %and3A_831, %eq3A_931 : vector<128x128xi32>
    %and3A_933 = arith.andi %and3A_825, %eq3A_932 : vector<128x128xi1>
    %jit3A_934 = arith.constant 1 : i32
    %jit3A_935 = arith.constant 0 : i32
    %broadcast_in_dim3A_936 = vector.broadcast %jit3A_934 : i32 to vector<128x128xi32>
    %broadcast_in_dim3A_937 = vector.broadcast %jit3A_935 : i32 to vector<128x128xi32>
    %select_n3A_938 = arith.select %and3A_933, %broadcast_in_dim3A_936, %broadcast_in_dim3A_937 : vector<128x128xi1>, vector<128x128xi32>
    %reduce_sum3A_939 = vector.shape_cast %select_n3A_938 : vector<128x128xi32> to vector<1x128x128xi32>
    %reduce_sum3A_940 = arith.constant dense<0> : vector<1xi32>
    %reduce_sum3A_941 = vector.multi_reduction <add>, %reduce_sum3A_939, %reduce_sum3A_940 [1, 2] : vector<1x128x128xi32> to vector<1xi32>
    %reduce_sum3A_942 = vector.shape_cast %reduce_sum3A_941 : vector<1xi32> to vector<1x1x1xi32>
    %reduce_sum3A_943 = vector.extract %reduce_sum3A_942[0, 0, 0] : i32 from vector<1x1x1xi32>
    %eq3A_944 = arith.constant 8 : i32
    %eq3A_945 = vector.broadcast %eq3A_944 : i32 to vector<128x128xi32>
    %eq3A_946 = arith.cmpi eq, %and3A_831, %eq3A_945 : vector<128x128xi32>
    %and3A_947 = arith.andi %and3A_825, %eq3A_946 : vector<128x128xi1>
    %jit3A_948 = arith.constant 1 : i32
    %jit3A_949 = arith.constant 0 : i32
    %broadcast_in_dim3A_950 = vector.broadcast %jit3A_948 : i32 to vector<128x128xi32>
    %broadcast_in_dim3A_951 = vector.broadcast %jit3A_949 : i32 to vector<128x128xi32>
    %select_n3A_952 = arith.select %and3A_947, %broadcast_in_dim3A_950, %broadcast_in_dim3A_951 : vector<128x128xi1>, vector<128x128xi32>
    %reduce_sum3A_953 = vector.shape_cast %select_n3A_952 : vector<128x128xi32> to vector<1x128x128xi32>
    %reduce_sum3A_954 = arith.constant dense<0> : vector<1xi32>
    %reduce_sum3A_955 = vector.multi_reduction <add>, %reduce_sum3A_953, %reduce_sum3A_954 [1, 2] : vector<1x128x128xi32> to vector<1xi32>
    %reduce_sum3A_956 = vector.shape_cast %reduce_sum3A_955 : vector<1xi32> to vector<1x1x1xi32>
    %reduce_sum3A_957 = vector.extract %reduce_sum3A_956[0, 0, 0] : i32 from vector<1x1x1xi32>
    %eq3A_958 = arith.constant 9 : i32
    %eq3A_959 = vector.broadcast %eq3A_958 : i32 to vector<128x128xi32>
    %eq3A_960 = arith.cmpi eq, %and3A_831, %eq3A_959 : vector<128x128xi32>
    %and3A_961 = arith.andi %and3A_825, %eq3A_960 : vector<128x128xi1>
    %jit3A_962 = arith.constant 1 : i32
    %jit3A_963 = arith.constant 0 : i32
    %broadcast_in_dim3A_964 = vector.broadcast %jit3A_962 : i32 to vector<128x128xi32>
    %broadcast_in_dim3A_965 = vector.broadcast %jit3A_963 : i32 to vector<128x128xi32>
    %select_n3A_966 = arith.select %and3A_961, %broadcast_in_dim3A_964, %broadcast_in_dim3A_965 : vector<128x128xi1>, vector<128x128xi32>
    %reduce_sum3A_967 = vector.shape_cast %select_n3A_966 : vector<128x128xi32> to vector<1x128x128xi32>
    %reduce_sum3A_968 = arith.constant dense<0> : vector<1xi32>
    %reduce_sum3A_969 = vector.multi_reduction <add>, %reduce_sum3A_967, %reduce_sum3A_968 [1, 2] : vector<1x128x128xi32> to vector<1xi32>
    %reduce_sum3A_970 = vector.shape_cast %reduce_sum3A_969 : vector<1xi32> to vector<1x1x1xi32>
    %reduce_sum3A_971 = vector.extract %reduce_sum3A_970[0, 0, 0] : i32 from vector<1x1x1xi32>
    %eq3A_972 = arith.constant 10 : i32
    %eq3A_973 = vector.broadcast %eq3A_972 : i32 to vector<128x128xi32>
    %eq3A_974 = arith.cmpi eq, %and3A_831, %eq3A_973 : vector<128x128xi32>
    %and3A_975 = arith.andi %and3A_825, %eq3A_974 : vector<128x128xi1>
    %jit3A_976 = arith.constant 1 : i32
    %jit3A_977 = arith.constant 0 : i32
    %broadcast_in_dim3A_978 = vector.broadcast %jit3A_976 : i32 to vector<128x128xi32>
    %broadcast_in_dim3A_979 = vector.broadcast %jit3A_977 : i32 to vector<128x128xi32>
    %select_n3A_980 = arith.select %and3A_975, %broadcast_in_dim3A_978, %broadcast_in_dim3A_979 : vector<128x128xi1>, vector<128x128xi32>
    %reduce_sum3A_981 = vector.shape_cast %select_n3A_980 : vector<128x128xi32> to vector<1x128x128xi32>
    %reduce_sum3A_982 = arith.constant dense<0> : vector<1xi32>
    %reduce_sum3A_983 = vector.multi_reduction <add>, %reduce_sum3A_981, %reduce_sum3A_982 [1, 2] : vector<1x128x128xi32> to vector<1xi32>
    %reduce_sum3A_984 = vector.shape_cast %reduce_sum3A_983 : vector<1xi32> to vector<1x1x1xi32>
    %reduce_sum3A_985 = vector.extract %reduce_sum3A_984[0, 0, 0] : i32 from vector<1x1x1xi32>
    %eq3A_986 = arith.constant 11 : i32
    %eq3A_987 = vector.broadcast %eq3A_986 : i32 to vector<128x128xi32>
    %eq3A_988 = arith.cmpi eq, %and3A_831, %eq3A_987 : vector<128x128xi32>
    %and3A_989 = arith.andi %and3A_825, %eq3A_988 : vector<128x128xi1>
    %jit3A_990 = arith.constant 1 : i32
    %jit3A_991 = arith.constant 0 : i32
    %broadcast_in_dim3A_992 = vector.broadcast %jit3A_990 : i32 to vector<128x128xi32>
    %broadcast_in_dim3A_993 = vector.broadcast %jit3A_991 : i32 to vector<128x128xi32>
    %select_n3A_994 = arith.select %and3A_989, %broadcast_in_dim3A_992, %broadcast_in_dim3A_993 : vector<128x128xi1>, vector<128x128xi32>
    %reduce_sum3A_995 = vector.shape_cast %select_n3A_994 : vector<128x128xi32> to vector<1x128x128xi32>
    %reduce_sum3A_996 = arith.constant dense<0> : vector<1xi32>
    %reduce_sum3A_997 = vector.multi_reduction <add>, %reduce_sum3A_995, %reduce_sum3A_996 [1, 2] : vector<1x128x128xi32> to vector<1xi32>
    %reduce_sum3A_998 = vector.shape_cast %reduce_sum3A_997 : vector<1xi32> to vector<1x1x1xi32>
    %reduce_sum3A_999 = vector.extract %reduce_sum3A_998[0, 0, 0] : i32 from vector<1x1x1xi32>
    %eq3A_1000 = arith.constant 12 : i32
    %eq3A_1001 = vector.broadcast %eq3A_1000 : i32 to vector<128x128xi32>
    %eq3A_1002 = arith.cmpi eq, %and3A_831, %eq3A_1001 : vector<128x128xi32>
    %and3A_1003 = arith.andi %and3A_825, %eq3A_1002 : vector<128x128xi1>
    %jit3A_1004 = arith.constant 1 : i32
    %jit3A_1005 = arith.constant 0 : i32
    %broadcast_in_dim3A_1006 = vector.broadcast %jit3A_1004 : i32 to vector<128x128xi32>
    %broadcast_in_dim3A_1007 = vector.broadcast %jit3A_1005 : i32 to vector<128x128xi32>
    %select_n3A_1008 = arith.select %and3A_1003, %broadcast_in_dim3A_1006, %broadcast_in_dim3A_1007 : vector<128x128xi1>, vector<128x128xi32>
    %reduce_sum3A_1009 = vector.shape_cast %select_n3A_1008 : vector<128x128xi32> to vector<1x128x128xi32>
    %reduce_sum3A_1010 = arith.constant dense<0> : vector<1xi32>
    %reduce_sum3A_1011 = vector.multi_reduction <add>, %reduce_sum3A_1009, %reduce_sum3A_1010 [1, 2] : vector<1x128x128xi32> to vector<1xi32>
    %reduce_sum3A_1012 = vector.shape_cast %reduce_sum3A_1011 : vector<1xi32> to vector<1x1x1xi32>
    %reduce_sum3A_1013 = vector.extract %reduce_sum3A_1012[0, 0, 0] : i32 from vector<1x1x1xi32>
    %eq3A_1014 = arith.constant 13 : i32
    %eq3A_1015 = vector.broadcast %eq3A_1014 : i32 to vector<128x128xi32>
    %eq3A_1016 = arith.cmpi eq, %and3A_831, %eq3A_1015 : vector<128x128xi32>
    %and3A_1017 = arith.andi %and3A_825, %eq3A_1016 : vector<128x128xi1>
    %jit3A_1018 = arith.constant 1 : i32
    %jit3A_1019 = arith.constant 0 : i32
    %broadcast_in_dim3A_1020 = vector.broadcast %jit3A_1018 : i32 to vector<128x128xi32>
    %broadcast_in_dim3A_1021 = vector.broadcast %jit3A_1019 : i32 to vector<128x128xi32>
    %select_n3A_1022 = arith.select %and3A_1017, %broadcast_in_dim3A_1020, %broadcast_in_dim3A_1021 : vector<128x128xi1>, vector<128x128xi32>
    %reduce_sum3A_1023 = vector.shape_cast %select_n3A_1022 : vector<128x128xi32> to vector<1x128x128xi32>
    %reduce_sum3A_1024 = arith.constant dense<0> : vector<1xi32>
    %reduce_sum3A_1025 = vector.multi_reduction <add>, %reduce_sum3A_1023, %reduce_sum3A_1024 [1, 2] : vector<1x128x128xi32> to vector<1xi32>
    %reduce_sum3A_1026 = vector.shape_cast %reduce_sum3A_1025 : vector<1xi32> to vector<1x1x1xi32>
    %reduce_sum3A_1027 = vector.extract %reduce_sum3A_1026[0, 0, 0] : i32 from vector<1x1x1xi32>
    %eq3A_1028 = arith.constant 14 : i32
    %eq3A_1029 = vector.broadcast %eq3A_1028 : i32 to vector<128x128xi32>
    %eq3A_1030 = arith.cmpi eq, %and3A_831, %eq3A_1029 : vector<128x128xi32>
    %and3A_1031 = arith.andi %and3A_825, %eq3A_1030 : vector<128x128xi1>
    %jit3A_1032 = arith.constant 1 : i32
    %jit3A_1033 = arith.constant 0 : i32
    %broadcast_in_dim3A_1034 = vector.broadcast %jit3A_1032 : i32 to vector<128x128xi32>
    %broadcast_in_dim3A_1035 = vector.broadcast %jit3A_1033 : i32 to vector<128x128xi32>
    %select_n3A_1036 = arith.select %and3A_1031, %broadcast_in_dim3A_1034, %broadcast_in_dim3A_1035 : vector<128x128xi1>, vector<128x128xi32>
    %reduce_sum3A_1037 = vector.shape_cast %select_n3A_1036 : vector<128x128xi32> to vector<1x128x128xi32>
    %reduce_sum3A_1038 = arith.constant dense<0> : vector<1xi32>
    %reduce_sum3A_1039 = vector.multi_reduction <add>, %reduce_sum3A_1037, %reduce_sum3A_1038 [1, 2] : vector<1x128x128xi32> to vector<1xi32>
    %reduce_sum3A_1040 = vector.shape_cast %reduce_sum3A_1039 : vector<1xi32> to vector<1x1x1xi32>
    %reduce_sum3A_1041 = vector.extract %reduce_sum3A_1040[0, 0, 0] : i32 from vector<1x1x1xi32>
    %add3A_1042 = arith.constant 0 : i32
    %add3A_1043 = arith.addi %add3A_1042, %reduce_sum3A_845 : i32
    %add3A_1044 = arith.addi %add3A_1043, %reduce_sum3A_859 : i32
    %add3A_1045 = arith.addi %add3A_1044, %reduce_sum3A_873 : i32
    %add3A_1046 = arith.addi %add3A_1045, %reduce_sum3A_887 : i32
    %add3A_1047 = arith.addi %add3A_1046, %reduce_sum3A_901 : i32
    %add3A_1048 = arith.addi %add3A_1047, %reduce_sum3A_915 : i32
    %add3A_1049 = arith.addi %add3A_1048, %reduce_sum3A_929 : i32
    %add3A_1050 = arith.addi %add3A_1049, %reduce_sum3A_943 : i32
    %add3A_1051 = arith.addi %add3A_1050, %reduce_sum3A_957 : i32
    %add3A_1052 = arith.addi %add3A_1051, %reduce_sum3A_971 : i32
    %add3A_1053 = arith.addi %add3A_1052, %reduce_sum3A_985 : i32
    %add3A_1054 = arith.addi %add3A_1053, %reduce_sum3A_999 : i32
    %add3A_1055 = arith.addi %add3A_1054, %reduce_sum3A_1013 : i32
    %add3A_1056 = arith.addi %add3A_1055, %reduce_sum3A_1027 : i32
    %add3A_1057 = arith.addi %add3A_1056, %reduce_sum3A_1041 : i32
    %le3A_1058 = arith.cmpi sle, %add3A_1043, %sub3A_819 : i32
    %jit3A_1059 = arith.constant 1 : i32
    %jit3A_1060 = arith.constant 0 : i32
    %select_n3A_1061 = arith.select %le3A_1058, %jit3A_1059, %jit3A_1060 : i32
    %add3A_1062 = arith.constant 0 : i32
    %add3A_1063 = arith.addi %add3A_1062, %select_n3A_1061 : i32
    %le3A_1064 = arith.cmpi sle, %add3A_1044, %sub3A_819 : i32
    %jit3A_1065 = arith.constant 1 : i32
    %jit3A_1066 = arith.constant 0 : i32
    %select_n3A_1067 = arith.select %le3A_1064, %jit3A_1065, %jit3A_1066 : i32
    %add3A_1068 = arith.addi %add3A_1063, %select_n3A_1067 : i32
    %le3A_1069 = arith.cmpi sle, %add3A_1045, %sub3A_819 : i32
    %jit3A_1070 = arith.constant 1 : i32
    %jit3A_1071 = arith.constant 0 : i32
    %select_n3A_1072 = arith.select %le3A_1069, %jit3A_1070, %jit3A_1071 : i32
    %add3A_1073 = arith.addi %add3A_1068, %select_n3A_1072 : i32
    %le3A_1074 = arith.cmpi sle, %add3A_1046, %sub3A_819 : i32
    %jit3A_1075 = arith.constant 1 : i32
    %jit3A_1076 = arith.constant 0 : i32
    %select_n3A_1077 = arith.select %le3A_1074, %jit3A_1075, %jit3A_1076 : i32
    %add3A_1078 = arith.addi %add3A_1073, %select_n3A_1077 : i32
    %le3A_1079 = arith.cmpi sle, %add3A_1047, %sub3A_819 : i32
    %jit3A_1080 = arith.constant 1 : i32
    %jit3A_1081 = arith.constant 0 : i32
    %select_n3A_1082 = arith.select %le3A_1079, %jit3A_1080, %jit3A_1081 : i32
    %add3A_1083 = arith.addi %add3A_1078, %select_n3A_1082 : i32
    %le3A_1084 = arith.cmpi sle, %add3A_1048, %sub3A_819 : i32
    %jit3A_1085 = arith.constant 1 : i32
    %jit3A_1086 = arith.constant 0 : i32
    %select_n3A_1087 = arith.select %le3A_1084, %jit3A_1085, %jit3A_1086 : i32
    %add3A_1088 = arith.addi %add3A_1083, %select_n3A_1087 : i32
    %le3A_1089 = arith.cmpi sle, %add3A_1049, %sub3A_819 : i32
    %jit3A_1090 = arith.constant 1 : i32
    %jit3A_1091 = arith.constant 0 : i32
    %select_n3A_1092 = arith.select %le3A_1089, %jit3A_1090, %jit3A_1091 : i32
    %add3A_1093 = arith.addi %add3A_1088, %select_n3A_1092 : i32
    %le3A_1094 = arith.cmpi sle, %add3A_1050, %sub3A_819 : i32
    %jit3A_1095 = arith.constant 1 : i32
    %jit3A_1096 = arith.constant 0 : i32
    %select_n3A_1097 = arith.select %le3A_1094, %jit3A_1095, %jit3A_1096 : i32
    %add3A_1098 = arith.addi %add3A_1093, %select_n3A_1097 : i32
    %le3A_1099 = arith.cmpi sle, %add3A_1051, %sub3A_819 : i32
    %jit3A_1100 = arith.constant 1 : i32
    %jit3A_1101 = arith.constant 0 : i32
    %select_n3A_1102 = arith.select %le3A_1099, %jit3A_1100, %jit3A_1101 : i32
    %add3A_1103 = arith.addi %add3A_1098, %select_n3A_1102 : i32
    %le3A_1104 = arith.cmpi sle, %add3A_1052, %sub3A_819 : i32
    %jit3A_1105 = arith.constant 1 : i32
    %jit3A_1106 = arith.constant 0 : i32
    %select_n3A_1107 = arith.select %le3A_1104, %jit3A_1105, %jit3A_1106 : i32
    %add3A_1108 = arith.addi %add3A_1103, %select_n3A_1107 : i32
    %le3A_1109 = arith.cmpi sle, %add3A_1053, %sub3A_819 : i32
    %jit3A_1110 = arith.constant 1 : i32
    %jit3A_1111 = arith.constant 0 : i32
    %select_n3A_1112 = arith.select %le3A_1109, %jit3A_1110, %jit3A_1111 : i32
    %add3A_1113 = arith.addi %add3A_1108, %select_n3A_1112 : i32
    %le3A_1114 = arith.cmpi sle, %add3A_1054, %sub3A_819 : i32
    %jit3A_1115 = arith.constant 1 : i32
    %jit3A_1116 = arith.constant 0 : i32
    %select_n3A_1117 = arith.select %le3A_1114, %jit3A_1115, %jit3A_1116 : i32
    %add3A_1118 = arith.addi %add3A_1113, %select_n3A_1117 : i32
    %le3A_1119 = arith.cmpi sle, %add3A_1055, %sub3A_819 : i32
    %jit3A_1120 = arith.constant 1 : i32
    %jit3A_1121 = arith.constant 0 : i32
    %select_n3A_1122 = arith.select %le3A_1119, %jit3A_1120, %jit3A_1121 : i32
    %add3A_1123 = arith.addi %add3A_1118, %select_n3A_1122 : i32
    %le3A_1124 = arith.cmpi sle, %add3A_1056, %sub3A_819 : i32
    %jit3A_1125 = arith.constant 1 : i32
    %jit3A_1126 = arith.constant 0 : i32
    %select_n3A_1127 = arith.select %le3A_1124, %jit3A_1125, %jit3A_1126 : i32
    %add3A_1128 = arith.addi %add3A_1123, %select_n3A_1127 : i32
    %le3A_1129 = arith.cmpi sle, %add3A_1057, %sub3A_819 : i32
    %jit3A_1130 = arith.constant 1 : i32
    %jit3A_1131 = arith.constant 0 : i32
    %select_n3A_1132 = arith.select %le3A_1129, %jit3A_1130, %jit3A_1131 : i32
    %add3A_1133 = arith.addi %add3A_1128, %select_n3A_1132 : i32
    %eq3A_1134 = arith.constant 0 : i32
    %eq3A_1135 = arith.cmpi eq, %add3A_1133, %eq3A_1134 : i32
    %jit3A_1136 = arith.constant 0 : i32
    %jit3A_1137 = arith.constant 0 : i32
    %select_n3A_1138 = arith.select %eq3A_1135, %jit3A_1136, %jit3A_1137 : i32
    %add3A_1139 = arith.constant 0 : i32
    %add3A_1140 = arith.addi %add3A_1139, %select_n3A_1138 : i32
    %eq3A_1141 = arith.constant 1 : i32
    %eq3A_1142 = arith.cmpi eq, %add3A_1133, %eq3A_1141 : i32
    %jit3A_1143 = arith.constant 0 : i32
    %select_n3A_1144 = arith.select %eq3A_1142, %add3A_1043, %jit3A_1143 : i32
    %add3A_1145 = arith.addi %add3A_1140, %select_n3A_1144 : i32
    %eq3A_1146 = arith.constant 2 : i32
    %eq3A_1147 = arith.cmpi eq, %add3A_1133, %eq3A_1146 : i32
    %jit3A_1148 = arith.constant 0 : i32
    %select_n3A_1149 = arith.select %eq3A_1147, %add3A_1044, %jit3A_1148 : i32
    %add3A_1150 = arith.addi %add3A_1145, %select_n3A_1149 : i32
    %eq3A_1151 = arith.constant 3 : i32
    %eq3A_1152 = arith.cmpi eq, %add3A_1133, %eq3A_1151 : i32
    %jit3A_1153 = arith.constant 0 : i32
    %select_n3A_1154 = arith.select %eq3A_1152, %add3A_1045, %jit3A_1153 : i32
    %add3A_1155 = arith.addi %add3A_1150, %select_n3A_1154 : i32
    %eq3A_1156 = arith.constant 4 : i32
    %eq3A_1157 = arith.cmpi eq, %add3A_1133, %eq3A_1156 : i32
    %jit3A_1158 = arith.constant 0 : i32
    %select_n3A_1159 = arith.select %eq3A_1157, %add3A_1046, %jit3A_1158 : i32
    %add3A_1160 = arith.addi %add3A_1155, %select_n3A_1159 : i32
    %eq3A_1161 = arith.constant 5 : i32
    %eq3A_1162 = arith.cmpi eq, %add3A_1133, %eq3A_1161 : i32
    %jit3A_1163 = arith.constant 0 : i32
    %select_n3A_1164 = arith.select %eq3A_1162, %add3A_1047, %jit3A_1163 : i32
    %add3A_1165 = arith.addi %add3A_1160, %select_n3A_1164 : i32
    %eq3A_1166 = arith.constant 6 : i32
    %eq3A_1167 = arith.cmpi eq, %add3A_1133, %eq3A_1166 : i32
    %jit3A_1168 = arith.constant 0 : i32
    %select_n3A_1169 = arith.select %eq3A_1167, %add3A_1048, %jit3A_1168 : i32
    %add3A_1170 = arith.addi %add3A_1165, %select_n3A_1169 : i32
    %eq3A_1171 = arith.constant 7 : i32
    %eq3A_1172 = arith.cmpi eq, %add3A_1133, %eq3A_1171 : i32
    %jit3A_1173 = arith.constant 0 : i32
    %select_n3A_1174 = arith.select %eq3A_1172, %add3A_1049, %jit3A_1173 : i32
    %add3A_1175 = arith.addi %add3A_1170, %select_n3A_1174 : i32
    %eq3A_1176 = arith.constant 8 : i32
    %eq3A_1177 = arith.cmpi eq, %add3A_1133, %eq3A_1176 : i32
    %jit3A_1178 = arith.constant 0 : i32
    %select_n3A_1179 = arith.select %eq3A_1177, %add3A_1050, %jit3A_1178 : i32
    %add3A_1180 = arith.addi %add3A_1175, %select_n3A_1179 : i32
    %eq3A_1181 = arith.constant 9 : i32
    %eq3A_1182 = arith.cmpi eq, %add3A_1133, %eq3A_1181 : i32
    %jit3A_1183 = arith.constant 0 : i32
    %select_n3A_1184 = arith.select %eq3A_1182, %add3A_1051, %jit3A_1183 : i32
    %add3A_1185 = arith.addi %add3A_1180, %select_n3A_1184 : i32
    %eq3A_1186 = arith.constant 10 : i32
    %eq3A_1187 = arith.cmpi eq, %add3A_1133, %eq3A_1186 : i32
    %jit3A_1188 = arith.constant 0 : i32
    %select_n3A_1189 = arith.select %eq3A_1187, %add3A_1052, %jit3A_1188 : i32
    %add3A_1190 = arith.addi %add3A_1185, %select_n3A_1189 : i32
    %eq3A_1191 = arith.constant 11 : i32
    %eq3A_1192 = arith.cmpi eq, %add3A_1133, %eq3A_1191 : i32
    %jit3A_1193 = arith.constant 0 : i32
    %select_n3A_1194 = arith.select %eq3A_1192, %add3A_1053, %jit3A_1193 : i32
    %add3A_1195 = arith.addi %add3A_1190, %select_n3A_1194 : i32
    %eq3A_1196 = arith.constant 12 : i32
    %eq3A_1197 = arith.cmpi eq, %add3A_1133, %eq3A_1196 : i32
    %jit3A_1198 = arith.constant 0 : i32
    %select_n3A_1199 = arith.select %eq3A_1197, %add3A_1054, %jit3A_1198 : i32
    %add3A_1200 = arith.addi %add3A_1195, %select_n3A_1199 : i32
    %eq3A_1201 = arith.constant 13 : i32
    %eq3A_1202 = arith.cmpi eq, %add3A_1133, %eq3A_1201 : i32
    %jit3A_1203 = arith.constant 0 : i32
    %select_n3A_1204 = arith.select %eq3A_1202, %add3A_1055, %jit3A_1203 : i32
    %add3A_1205 = arith.addi %add3A_1200, %select_n3A_1204 : i32
    %eq3A_1206 = arith.constant 14 : i32
    %eq3A_1207 = arith.cmpi eq, %add3A_1133, %eq3A_1206 : i32
    %jit3A_1208 = arith.constant 0 : i32
    %select_n3A_1209 = arith.select %eq3A_1207, %add3A_1056, %jit3A_1208 : i32
    %add3A_1210 = arith.addi %add3A_1205, %select_n3A_1209 : i32
    %eq3A_1211 = arith.constant 15 : i32
    %eq3A_1212 = arith.cmpi eq, %add3A_1133, %eq3A_1211 : i32
    %jit3A_1213 = arith.constant 0 : i32
    %select_n3A_1214 = arith.select %eq3A_1212, %add3A_1057, %jit3A_1213 : i32
    %add3A_1215 = arith.addi %add3A_1210, %select_n3A_1214 : i32
    %sub3A_1216 = arith.subi %sub3A_819, %add3A_1215 : i32
    %shift_left3A_1217 = arith.constant 20 : i32
    %shift_left3A_1218 = arith.shli %add3A_1133, %shift_left3A_1217 : i32
    %or3A_1219 = arith.ori %or3A_822, %shift_left3A_1218 : i32
    %eq3A_1220 = vector.broadcast %add3A_1133 : i32 to vector<128x128xi32>
    %eq3A_1221 = arith.cmpi eq, %and3A_831, %eq3A_1220 : vector<128x128xi32>
    %and3A_1222 = arith.andi %and3A_825, %eq3A_1221 : vector<128x128xi1>
    %shift_right_logical3A_1223 = arith.constant 16 : i32
    %shift_right_logical3A_1224 = vector.broadcast %shift_right_logical3A_1223 : i32 to vector<128x128xi32>
    %shift_right_logical3A_1225 = arith.shrui %xor3A_17, %shift_right_logical3A_1224 : vector<128x128xi32>
    %and3A_1226 = arith.constant 15 : i32
    %and3A_1227 = vector.broadcast %and3A_1226 : i32 to vector<128x128xi32>
    %and3A_1228 = arith.andi %shift_right_logical3A_1225, %and3A_1227 : vector<128x128xi32>
    %eq3A_1229 = arith.constant 0 : i32
    %eq3A_1230 = vector.broadcast %eq3A_1229 : i32 to vector<128x128xi32>
    %eq3A_1231 = arith.cmpi eq, %and3A_1228, %eq3A_1230 : vector<128x128xi32>
    %and3A_1232 = arith.andi %and3A_1222, %eq3A_1231 : vector<128x128xi1>
    %jit3A_1233 = arith.constant 1 : i32
    %jit3A_1234 = arith.constant 0 : i32
    %broadcast_in_dim3A_1235 = vector.broadcast %jit3A_1233 : i32 to vector<128x128xi32>
    %broadcast_in_dim3A_1236 = vector.broadcast %jit3A_1234 : i32 to vector<128x128xi32>
    %select_n3A_1237 = arith.select %and3A_1232, %broadcast_in_dim3A_1235, %broadcast_in_dim3A_1236 : vector<128x128xi1>, vector<128x128xi32>
    %reduce_sum3A_1238 = vector.shape_cast %select_n3A_1237 : vector<128x128xi32> to vector<1x128x128xi32>
    %reduce_sum3A_1239 = arith.constant dense<0> : vector<1xi32>
    %reduce_sum3A_1240 = vector.multi_reduction <add>, %reduce_sum3A_1238, %reduce_sum3A_1239 [1, 2] : vector<1x128x128xi32> to vector<1xi32>
    %reduce_sum3A_1241 = vector.shape_cast %reduce_sum3A_1240 : vector<1xi32> to vector<1x1x1xi32>
    %reduce_sum3A_1242 = vector.extract %reduce_sum3A_1241[0, 0, 0] : i32 from vector<1x1x1xi32>
    %eq3A_1243 = arith.constant 1 : i32
    %eq3A_1244 = vector.broadcast %eq3A_1243 : i32 to vector<128x128xi32>
    %eq3A_1245 = arith.cmpi eq, %and3A_1228, %eq3A_1244 : vector<128x128xi32>
    %and3A_1246 = arith.andi %and3A_1222, %eq3A_1245 : vector<128x128xi1>
    %jit3A_1247 = arith.constant 1 : i32
    %jit3A_1248 = arith.constant 0 : i32
    %broadcast_in_dim3A_1249 = vector.broadcast %jit3A_1247 : i32 to vector<128x128xi32>
    %broadcast_in_dim3A_1250 = vector.broadcast %jit3A_1248 : i32 to vector<128x128xi32>
    %select_n3A_1251 = arith.select %and3A_1246, %broadcast_in_dim3A_1249, %broadcast_in_dim3A_1250 : vector<128x128xi1>, vector<128x128xi32>
    %reduce_sum3A_1252 = vector.shape_cast %select_n3A_1251 : vector<128x128xi32> to vector<1x128x128xi32>
    %reduce_sum3A_1253 = arith.constant dense<0> : vector<1xi32>
    %reduce_sum3A_1254 = vector.multi_reduction <add>, %reduce_sum3A_1252, %reduce_sum3A_1253 [1, 2] : vector<1x128x128xi32> to vector<1xi32>
    %reduce_sum3A_1255 = vector.shape_cast %reduce_sum3A_1254 : vector<1xi32> to vector<1x1x1xi32>
    %reduce_sum3A_1256 = vector.extract %reduce_sum3A_1255[0, 0, 0] : i32 from vector<1x1x1xi32>
    %eq3A_1257 = arith.constant 2 : i32
    %eq3A_1258 = vector.broadcast %eq3A_1257 : i32 to vector<128x128xi32>
    %eq3A_1259 = arith.cmpi eq, %and3A_1228, %eq3A_1258 : vector<128x128xi32>
    %and3A_1260 = arith.andi %and3A_1222, %eq3A_1259 : vector<128x128xi1>
    %jit3A_1261 = arith.constant 1 : i32
    %jit3A_1262 = arith.constant 0 : i32
    %broadcast_in_dim3A_1263 = vector.broadcast %jit3A_1261 : i32 to vector<128x128xi32>
    %broadcast_in_dim3A_1264 = vector.broadcast %jit3A_1262 : i32 to vector<128x128xi32>
    %select_n3A_1265 = arith.select %and3A_1260, %broadcast_in_dim3A_1263, %broadcast_in_dim3A_1264 : vector<128x128xi1>, vector<128x128xi32>
    %reduce_sum3A_1266 = vector.shape_cast %select_n3A_1265 : vector<128x128xi32> to vector<1x128x128xi32>
    %reduce_sum3A_1267 = arith.constant dense<0> : vector<1xi32>
    %reduce_sum3A_1268 = vector.multi_reduction <add>, %reduce_sum3A_1266, %reduce_sum3A_1267 [1, 2] : vector<1x128x128xi32> to vector<1xi32>
    %reduce_sum3A_1269 = vector.shape_cast %reduce_sum3A_1268 : vector<1xi32> to vector<1x1x1xi32>
    %reduce_sum3A_1270 = vector.extract %reduce_sum3A_1269[0, 0, 0] : i32 from vector<1x1x1xi32>
    %eq3A_1271 = arith.constant 3 : i32
    %eq3A_1272 = vector.broadcast %eq3A_1271 : i32 to vector<128x128xi32>
    %eq3A_1273 = arith.cmpi eq, %and3A_1228, %eq3A_1272 : vector<128x128xi32>
    %and3A_1274 = arith.andi %and3A_1222, %eq3A_1273 : vector<128x128xi1>
    %jit3A_1275 = arith.constant 1 : i32
    %jit3A_1276 = arith.constant 0 : i32
    %broadcast_in_dim3A_1277 = vector.broadcast %jit3A_1275 : i32 to vector<128x128xi32>
    %broadcast_in_dim3A_1278 = vector.broadcast %jit3A_1276 : i32 to vector<128x128xi32>
    %select_n3A_1279 = arith.select %and3A_1274, %broadcast_in_dim3A_1277, %broadcast_in_dim3A_1278 : vector<128x128xi1>, vector<128x128xi32>
    %reduce_sum3A_1280 = vector.shape_cast %select_n3A_1279 : vector<128x128xi32> to vector<1x128x128xi32>
    %reduce_sum3A_1281 = arith.constant dense<0> : vector<1xi32>
    %reduce_sum3A_1282 = vector.multi_reduction <add>, %reduce_sum3A_1280, %reduce_sum3A_1281 [1, 2] : vector<1x128x128xi32> to vector<1xi32>
    %reduce_sum3A_1283 = vector.shape_cast %reduce_sum3A_1282 : vector<1xi32> to vector<1x1x1xi32>
    %reduce_sum3A_1284 = vector.extract %reduce_sum3A_1283[0, 0, 0] : i32 from vector<1x1x1xi32>
    %eq3A_1285 = arith.constant 4 : i32
    %eq3A_1286 = vector.broadcast %eq3A_1285 : i32 to vector<128x128xi32>
    %eq3A_1287 = arith.cmpi eq, %and3A_1228, %eq3A_1286 : vector<128x128xi32>
    %and3A_1288 = arith.andi %and3A_1222, %eq3A_1287 : vector<128x128xi1>
    %jit3A_1289 = arith.constant 1 : i32
    %jit3A_1290 = arith.constant 0 : i32
    %broadcast_in_dim3A_1291 = vector.broadcast %jit3A_1289 : i32 to vector<128x128xi32>
    %broadcast_in_dim3A_1292 = vector.broadcast %jit3A_1290 : i32 to vector<128x128xi32>
    %select_n3A_1293 = arith.select %and3A_1288, %broadcast_in_dim3A_1291, %broadcast_in_dim3A_1292 : vector<128x128xi1>, vector<128x128xi32>
    %reduce_sum3A_1294 = vector.shape_cast %select_n3A_1293 : vector<128x128xi32> to vector<1x128x128xi32>
    %reduce_sum3A_1295 = arith.constant dense<0> : vector<1xi32>
    %reduce_sum3A_1296 = vector.multi_reduction <add>, %reduce_sum3A_1294, %reduce_sum3A_1295 [1, 2] : vector<1x128x128xi32> to vector<1xi32>
    %reduce_sum3A_1297 = vector.shape_cast %reduce_sum3A_1296 : vector<1xi32> to vector<1x1x1xi32>
    %reduce_sum3A_1298 = vector.extract %reduce_sum3A_1297[0, 0, 0] : i32 from vector<1x1x1xi32>
    %eq3A_1299 = arith.constant 5 : i32
    %eq3A_1300 = vector.broadcast %eq3A_1299 : i32 to vector<128x128xi32>
    %eq3A_1301 = arith.cmpi eq, %and3A_1228, %eq3A_1300 : vector<128x128xi32>
    %and3A_1302 = arith.andi %and3A_1222, %eq3A_1301 : vector<128x128xi1>
    %jit3A_1303 = arith.constant 1 : i32
    %jit3A_1304 = arith.constant 0 : i32
    %broadcast_in_dim3A_1305 = vector.broadcast %jit3A_1303 : i32 to vector<128x128xi32>
    %broadcast_in_dim3A_1306 = vector.broadcast %jit3A_1304 : i32 to vector<128x128xi32>
    %select_n3A_1307 = arith.select %and3A_1302, %broadcast_in_dim3A_1305, %broadcast_in_dim3A_1306 : vector<128x128xi1>, vector<128x128xi32>
    %reduce_sum3A_1308 = vector.shape_cast %select_n3A_1307 : vector<128x128xi32> to vector<1x128x128xi32>
    %reduce_sum3A_1309 = arith.constant dense<0> : vector<1xi32>
    %reduce_sum3A_1310 = vector.multi_reduction <add>, %reduce_sum3A_1308, %reduce_sum3A_1309 [1, 2] : vector<1x128x128xi32> to vector<1xi32>
    %reduce_sum3A_1311 = vector.shape_cast %reduce_sum3A_1310 : vector<1xi32> to vector<1x1x1xi32>
    %reduce_sum3A_1312 = vector.extract %reduce_sum3A_1311[0, 0, 0] : i32 from vector<1x1x1xi32>
    %eq3A_1313 = arith.constant 6 : i32
    %eq3A_1314 = vector.broadcast %eq3A_1313 : i32 to vector<128x128xi32>
    %eq3A_1315 = arith.cmpi eq, %and3A_1228, %eq3A_1314 : vector<128x128xi32>
    %and3A_1316 = arith.andi %and3A_1222, %eq3A_1315 : vector<128x128xi1>
    %jit3A_1317 = arith.constant 1 : i32
    %jit3A_1318 = arith.constant 0 : i32
    %broadcast_in_dim3A_1319 = vector.broadcast %jit3A_1317 : i32 to vector<128x128xi32>
    %broadcast_in_dim3A_1320 = vector.broadcast %jit3A_1318 : i32 to vector<128x128xi32>
    %select_n3A_1321 = arith.select %and3A_1316, %broadcast_in_dim3A_1319, %broadcast_in_dim3A_1320 : vector<128x128xi1>, vector<128x128xi32>
    %reduce_sum3A_1322 = vector.shape_cast %select_n3A_1321 : vector<128x128xi32> to vector<1x128x128xi32>
    %reduce_sum3A_1323 = arith.constant dense<0> : vector<1xi32>
    %reduce_sum3A_1324 = vector.multi_reduction <add>, %reduce_sum3A_1322, %reduce_sum3A_1323 [1, 2] : vector<1x128x128xi32> to vector<1xi32>
    %reduce_sum3A_1325 = vector.shape_cast %reduce_sum3A_1324 : vector<1xi32> to vector<1x1x1xi32>
    %reduce_sum3A_1326 = vector.extract %reduce_sum3A_1325[0, 0, 0] : i32 from vector<1x1x1xi32>
    %eq3A_1327 = arith.constant 7 : i32
    %eq3A_1328 = vector.broadcast %eq3A_1327 : i32 to vector<128x128xi32>
    %eq3A_1329 = arith.cmpi eq, %and3A_1228, %eq3A_1328 : vector<128x128xi32>
    %and3A_1330 = arith.andi %and3A_1222, %eq3A_1329 : vector<128x128xi1>
    %jit3A_1331 = arith.constant 1 : i32
    %jit3A_1332 = arith.constant 0 : i32
    %broadcast_in_dim3A_1333 = vector.broadcast %jit3A_1331 : i32 to vector<128x128xi32>
    %broadcast_in_dim3A_1334 = vector.broadcast %jit3A_1332 : i32 to vector<128x128xi32>
    %select_n3A_1335 = arith.select %and3A_1330, %broadcast_in_dim3A_1333, %broadcast_in_dim3A_1334 : vector<128x128xi1>, vector<128x128xi32>
    %reduce_sum3A_1336 = vector.shape_cast %select_n3A_1335 : vector<128x128xi32> to vector<1x128x128xi32>
    %reduce_sum3A_1337 = arith.constant dense<0> : vector<1xi32>
    %reduce_sum3A_1338 = vector.multi_reduction <add>, %reduce_sum3A_1336, %reduce_sum3A_1337 [1, 2] : vector<1x128x128xi32> to vector<1xi32>
    %reduce_sum3A_1339 = vector.shape_cast %reduce_sum3A_1338 : vector<1xi32> to vector<1x1x1xi32>
    %reduce_sum3A_1340 = vector.extract %reduce_sum3A_1339[0, 0, 0] : i32 from vector<1x1x1xi32>
    %eq3A_1341 = arith.constant 8 : i32
    %eq3A_1342 = vector.broadcast %eq3A_1341 : i32 to vector<128x128xi32>
    %eq3A_1343 = arith.cmpi eq, %and3A_1228, %eq3A_1342 : vector<128x128xi32>
    %and3A_1344 = arith.andi %and3A_1222, %eq3A_1343 : vector<128x128xi1>
    %jit3A_1345 = arith.constant 1 : i32
    %jit3A_1346 = arith.constant 0 : i32
    %broadcast_in_dim3A_1347 = vector.broadcast %jit3A_1345 : i32 to vector<128x128xi32>
    %broadcast_in_dim3A_1348 = vector.broadcast %jit3A_1346 : i32 to vector<128x128xi32>
    %select_n3A_1349 = arith.select %and3A_1344, %broadcast_in_dim3A_1347, %broadcast_in_dim3A_1348 : vector<128x128xi1>, vector<128x128xi32>
    %reduce_sum3A_1350 = vector.shape_cast %select_n3A_1349 : vector<128x128xi32> to vector<1x128x128xi32>
    %reduce_sum3A_1351 = arith.constant dense<0> : vector<1xi32>
    %reduce_sum3A_1352 = vector.multi_reduction <add>, %reduce_sum3A_1350, %reduce_sum3A_1351 [1, 2] : vector<1x128x128xi32> to vector<1xi32>
    %reduce_sum3A_1353 = vector.shape_cast %reduce_sum3A_1352 : vector<1xi32> to vector<1x1x1xi32>
    %reduce_sum3A_1354 = vector.extract %reduce_sum3A_1353[0, 0, 0] : i32 from vector<1x1x1xi32>
    %eq3A_1355 = arith.constant 9 : i32
    %eq3A_1356 = vector.broadcast %eq3A_1355 : i32 to vector<128x128xi32>
    %eq3A_1357 = arith.cmpi eq, %and3A_1228, %eq3A_1356 : vector<128x128xi32>
    %and3A_1358 = arith.andi %and3A_1222, %eq3A_1357 : vector<128x128xi1>
    %jit3A_1359 = arith.constant 1 : i32
    %jit3A_1360 = arith.constant 0 : i32
    %broadcast_in_dim3A_1361 = vector.broadcast %jit3A_1359 : i32 to vector<128x128xi32>
    %broadcast_in_dim3A_1362 = vector.broadcast %jit3A_1360 : i32 to vector<128x128xi32>
    %select_n3A_1363 = arith.select %and3A_1358, %broadcast_in_dim3A_1361, %broadcast_in_dim3A_1362 : vector<128x128xi1>, vector<128x128xi32>
    %reduce_sum3A_1364 = vector.shape_cast %select_n3A_1363 : vector<128x128xi32> to vector<1x128x128xi32>
    %reduce_sum3A_1365 = arith.constant dense<0> : vector<1xi32>
    %reduce_sum3A_1366 = vector.multi_reduction <add>, %reduce_sum3A_1364, %reduce_sum3A_1365 [1, 2] : vector<1x128x128xi32> to vector<1xi32>
    %reduce_sum3A_1367 = vector.shape_cast %reduce_sum3A_1366 : vector<1xi32> to vector<1x1x1xi32>
    %reduce_sum3A_1368 = vector.extract %reduce_sum3A_1367[0, 0, 0] : i32 from vector<1x1x1xi32>
    %eq3A_1369 = arith.constant 10 : i32
    %eq3A_1370 = vector.broadcast %eq3A_1369 : i32 to vector<128x128xi32>
    %eq3A_1371 = arith.cmpi eq, %and3A_1228, %eq3A_1370 : vector<128x128xi32>
    %and3A_1372 = arith.andi %and3A_1222, %eq3A_1371 : vector<128x128xi1>
    %jit3A_1373 = arith.constant 1 : i32
    %jit3A_1374 = arith.constant 0 : i32
    %broadcast_in_dim3A_1375 = vector.broadcast %jit3A_1373 : i32 to vector<128x128xi32>
    %broadcast_in_dim3A_1376 = vector.broadcast %jit3A_1374 : i32 to vector<128x128xi32>
    %select_n3A_1377 = arith.select %and3A_1372, %broadcast_in_dim3A_1375, %broadcast_in_dim3A_1376 : vector<128x128xi1>, vector<128x128xi32>
    %reduce_sum3A_1378 = vector.shape_cast %select_n3A_1377 : vector<128x128xi32> to vector<1x128x128xi32>
    %reduce_sum3A_1379 = arith.constant dense<0> : vector<1xi32>
    %reduce_sum3A_1380 = vector.multi_reduction <add>, %reduce_sum3A_1378, %reduce_sum3A_1379 [1, 2] : vector<1x128x128xi32> to vector<1xi32>
    %reduce_sum3A_1381 = vector.shape_cast %reduce_sum3A_1380 : vector<1xi32> to vector<1x1x1xi32>
    %reduce_sum3A_1382 = vector.extract %reduce_sum3A_1381[0, 0, 0] : i32 from vector<1x1x1xi32>
    %eq3A_1383 = arith.constant 11 : i32
    %eq3A_1384 = vector.broadcast %eq3A_1383 : i32 to vector<128x128xi32>
    %eq3A_1385 = arith.cmpi eq, %and3A_1228, %eq3A_1384 : vector<128x128xi32>
    %and3A_1386 = arith.andi %and3A_1222, %eq3A_1385 : vector<128x128xi1>
    %jit3A_1387 = arith.constant 1 : i32
    %jit3A_1388 = arith.constant 0 : i32
    %broadcast_in_dim3A_1389 = vector.broadcast %jit3A_1387 : i32 to vector<128x128xi32>
    %broadcast_in_dim3A_1390 = vector.broadcast %jit3A_1388 : i32 to vector<128x128xi32>
    %select_n3A_1391 = arith.select %and3A_1386, %broadcast_in_dim3A_1389, %broadcast_in_dim3A_1390 : vector<128x128xi1>, vector<128x128xi32>
    %reduce_sum3A_1392 = vector.shape_cast %select_n3A_1391 : vector<128x128xi32> to vector<1x128x128xi32>
    %reduce_sum3A_1393 = arith.constant dense<0> : vector<1xi32>
    %reduce_sum3A_1394 = vector.multi_reduction <add>, %reduce_sum3A_1392, %reduce_sum3A_1393 [1, 2] : vector<1x128x128xi32> to vector<1xi32>
    %reduce_sum3A_1395 = vector.shape_cast %reduce_sum3A_1394 : vector<1xi32> to vector<1x1x1xi32>
    %reduce_sum3A_1396 = vector.extract %reduce_sum3A_1395[0, 0, 0] : i32 from vector<1x1x1xi32>
    %eq3A_1397 = arith.constant 12 : i32
    %eq3A_1398 = vector.broadcast %eq3A_1397 : i32 to vector<128x128xi32>
    %eq3A_1399 = arith.cmpi eq, %and3A_1228, %eq3A_1398 : vector<128x128xi32>
    %and3A_1400 = arith.andi %and3A_1222, %eq3A_1399 : vector<128x128xi1>
    %jit3A_1401 = arith.constant 1 : i32
    %jit3A_1402 = arith.constant 0 : i32
    %broadcast_in_dim3A_1403 = vector.broadcast %jit3A_1401 : i32 to vector<128x128xi32>
    %broadcast_in_dim3A_1404 = vector.broadcast %jit3A_1402 : i32 to vector<128x128xi32>
    %select_n3A_1405 = arith.select %and3A_1400, %broadcast_in_dim3A_1403, %broadcast_in_dim3A_1404 : vector<128x128xi1>, vector<128x128xi32>
    %reduce_sum3A_1406 = vector.shape_cast %select_n3A_1405 : vector<128x128xi32> to vector<1x128x128xi32>
    %reduce_sum3A_1407 = arith.constant dense<0> : vector<1xi32>
    %reduce_sum3A_1408 = vector.multi_reduction <add>, %reduce_sum3A_1406, %reduce_sum3A_1407 [1, 2] : vector<1x128x128xi32> to vector<1xi32>
    %reduce_sum3A_1409 = vector.shape_cast %reduce_sum3A_1408 : vector<1xi32> to vector<1x1x1xi32>
    %reduce_sum3A_1410 = vector.extract %reduce_sum3A_1409[0, 0, 0] : i32 from vector<1x1x1xi32>
    %eq3A_1411 = arith.constant 13 : i32
    %eq3A_1412 = vector.broadcast %eq3A_1411 : i32 to vector<128x128xi32>
    %eq3A_1413 = arith.cmpi eq, %and3A_1228, %eq3A_1412 : vector<128x128xi32>
    %and3A_1414 = arith.andi %and3A_1222, %eq3A_1413 : vector<128x128xi1>
    %jit3A_1415 = arith.constant 1 : i32
    %jit3A_1416 = arith.constant 0 : i32
    %broadcast_in_dim3A_1417 = vector.broadcast %jit3A_1415 : i32 to vector<128x128xi32>
    %broadcast_in_dim3A_1418 = vector.broadcast %jit3A_1416 : i32 to vector<128x128xi32>
    %select_n3A_1419 = arith.select %and3A_1414, %broadcast_in_dim3A_1417, %broadcast_in_dim3A_1418 : vector<128x128xi1>, vector<128x128xi32>
    %reduce_sum3A_1420 = vector.shape_cast %select_n3A_1419 : vector<128x128xi32> to vector<1x128x128xi32>
    %reduce_sum3A_1421 = arith.constant dense<0> : vector<1xi32>
    %reduce_sum3A_1422 = vector.multi_reduction <add>, %reduce_sum3A_1420, %reduce_sum3A_1421 [1, 2] : vector<1x128x128xi32> to vector<1xi32>
    %reduce_sum3A_1423 = vector.shape_cast %reduce_sum3A_1422 : vector<1xi32> to vector<1x1x1xi32>
    %reduce_sum3A_1424 = vector.extract %reduce_sum3A_1423[0, 0, 0] : i32 from vector<1x1x1xi32>
    %eq3A_1425 = arith.constant 14 : i32
    %eq3A_1426 = vector.broadcast %eq3A_1425 : i32 to vector<128x128xi32>
    %eq3A_1427 = arith.cmpi eq, %and3A_1228, %eq3A_1426 : vector<128x128xi32>
    %and3A_1428 = arith.andi %and3A_1222, %eq3A_1427 : vector<128x128xi1>
    %jit3A_1429 = arith.constant 1 : i32
    %jit3A_1430 = arith.constant 0 : i32
    %broadcast_in_dim3A_1431 = vector.broadcast %jit3A_1429 : i32 to vector<128x128xi32>
    %broadcast_in_dim3A_1432 = vector.broadcast %jit3A_1430 : i32 to vector<128x128xi32>
    %select_n3A_1433 = arith.select %and3A_1428, %broadcast_in_dim3A_1431, %broadcast_in_dim3A_1432 : vector<128x128xi1>, vector<128x128xi32>
    %reduce_sum3A_1434 = vector.shape_cast %select_n3A_1433 : vector<128x128xi32> to vector<1x128x128xi32>
    %reduce_sum3A_1435 = arith.constant dense<0> : vector<1xi32>
    %reduce_sum3A_1436 = vector.multi_reduction <add>, %reduce_sum3A_1434, %reduce_sum3A_1435 [1, 2] : vector<1x128x128xi32> to vector<1xi32>
    %reduce_sum3A_1437 = vector.shape_cast %reduce_sum3A_1436 : vector<1xi32> to vector<1x1x1xi32>
    %reduce_sum3A_1438 = vector.extract %reduce_sum3A_1437[0, 0, 0] : i32 from vector<1x1x1xi32>
    %add3A_1439 = arith.constant 0 : i32
    %add3A_1440 = arith.addi %add3A_1439, %reduce_sum3A_1242 : i32
    %add3A_1441 = arith.addi %add3A_1440, %reduce_sum3A_1256 : i32
    %add3A_1442 = arith.addi %add3A_1441, %reduce_sum3A_1270 : i32
    %add3A_1443 = arith.addi %add3A_1442, %reduce_sum3A_1284 : i32
    %add3A_1444 = arith.addi %add3A_1443, %reduce_sum3A_1298 : i32
    %add3A_1445 = arith.addi %add3A_1444, %reduce_sum3A_1312 : i32
    %add3A_1446 = arith.addi %add3A_1445, %reduce_sum3A_1326 : i32
    %add3A_1447 = arith.addi %add3A_1446, %reduce_sum3A_1340 : i32
    %add3A_1448 = arith.addi %add3A_1447, %reduce_sum3A_1354 : i32
    %add3A_1449 = arith.addi %add3A_1448, %reduce_sum3A_1368 : i32
    %add3A_1450 = arith.addi %add3A_1449, %reduce_sum3A_1382 : i32
    %add3A_1451 = arith.addi %add3A_1450, %reduce_sum3A_1396 : i32
    %add3A_1452 = arith.addi %add3A_1451, %reduce_sum3A_1410 : i32
    %add3A_1453 = arith.addi %add3A_1452, %reduce_sum3A_1424 : i32
    %add3A_1454 = arith.addi %add3A_1453, %reduce_sum3A_1438 : i32
    %le3A_1455 = arith.cmpi sle, %add3A_1440, %sub3A_1216 : i32
    %jit3A_1456 = arith.constant 1 : i32
    %jit3A_1457 = arith.constant 0 : i32
    %select_n3A_1458 = arith.select %le3A_1455, %jit3A_1456, %jit3A_1457 : i32
    %add3A_1459 = arith.constant 0 : i32
    %add3A_1460 = arith.addi %add3A_1459, %select_n3A_1458 : i32
    %le3A_1461 = arith.cmpi sle, %add3A_1441, %sub3A_1216 : i32
    %jit3A_1462 = arith.constant 1 : i32
    %jit3A_1463 = arith.constant 0 : i32
    %select_n3A_1464 = arith.select %le3A_1461, %jit3A_1462, %jit3A_1463 : i32
    %add3A_1465 = arith.addi %add3A_1460, %select_n3A_1464 : i32
    %le3A_1466 = arith.cmpi sle, %add3A_1442, %sub3A_1216 : i32
    %jit3A_1467 = arith.constant 1 : i32
    %jit3A_1468 = arith.constant 0 : i32
    %select_n3A_1469 = arith.select %le3A_1466, %jit3A_1467, %jit3A_1468 : i32
    %add3A_1470 = arith.addi %add3A_1465, %select_n3A_1469 : i32
    %le3A_1471 = arith.cmpi sle, %add3A_1443, %sub3A_1216 : i32
    %jit3A_1472 = arith.constant 1 : i32
    %jit3A_1473 = arith.constant 0 : i32
    %select_n3A_1474 = arith.select %le3A_1471, %jit3A_1472, %jit3A_1473 : i32
    %add3A_1475 = arith.addi %add3A_1470, %select_n3A_1474 : i32
    %le3A_1476 = arith.cmpi sle, %add3A_1444, %sub3A_1216 : i32
    %jit3A_1477 = arith.constant 1 : i32
    %jit3A_1478 = arith.constant 0 : i32
    %select_n3A_1479 = arith.select %le3A_1476, %jit3A_1477, %jit3A_1478 : i32
    %add3A_1480 = arith.addi %add3A_1475, %select_n3A_1479 : i32
    %le3A_1481 = arith.cmpi sle, %add3A_1445, %sub3A_1216 : i32
    %jit3A_1482 = arith.constant 1 : i32
    %jit3A_1483 = arith.constant 0 : i32
    %select_n3A_1484 = arith.select %le3A_1481, %jit3A_1482, %jit3A_1483 : i32
    %add3A_1485 = arith.addi %add3A_1480, %select_n3A_1484 : i32
    %le3A_1486 = arith.cmpi sle, %add3A_1446, %sub3A_1216 : i32
    %jit3A_1487 = arith.constant 1 : i32
    %jit3A_1488 = arith.constant 0 : i32
    %select_n3A_1489 = arith.select %le3A_1486, %jit3A_1487, %jit3A_1488 : i32
    %add3A_1490 = arith.addi %add3A_1485, %select_n3A_1489 : i32
    %le3A_1491 = arith.cmpi sle, %add3A_1447, %sub3A_1216 : i32
    %jit3A_1492 = arith.constant 1 : i32
    %jit3A_1493 = arith.constant 0 : i32
    %select_n3A_1494 = arith.select %le3A_1491, %jit3A_1492, %jit3A_1493 : i32
    %add3A_1495 = arith.addi %add3A_1490, %select_n3A_1494 : i32
    %le3A_1496 = arith.cmpi sle, %add3A_1448, %sub3A_1216 : i32
    %jit3A_1497 = arith.constant 1 : i32
    %jit3A_1498 = arith.constant 0 : i32
    %select_n3A_1499 = arith.select %le3A_1496, %jit3A_1497, %jit3A_1498 : i32
    %add3A_1500 = arith.addi %add3A_1495, %select_n3A_1499 : i32
    %le3A_1501 = arith.cmpi sle, %add3A_1449, %sub3A_1216 : i32
    %jit3A_1502 = arith.constant 1 : i32
    %jit3A_1503 = arith.constant 0 : i32
    %select_n3A_1504 = arith.select %le3A_1501, %jit3A_1502, %jit3A_1503 : i32
    %add3A_1505 = arith.addi %add3A_1500, %select_n3A_1504 : i32
    %le3A_1506 = arith.cmpi sle, %add3A_1450, %sub3A_1216 : i32
    %jit3A_1507 = arith.constant 1 : i32
    %jit3A_1508 = arith.constant 0 : i32
    %select_n3A_1509 = arith.select %le3A_1506, %jit3A_1507, %jit3A_1508 : i32
    %add3A_1510 = arith.addi %add3A_1505, %select_n3A_1509 : i32
    %le3A_1511 = arith.cmpi sle, %add3A_1451, %sub3A_1216 : i32
    %jit3A_1512 = arith.constant 1 : i32
    %jit3A_1513 = arith.constant 0 : i32
    %select_n3A_1514 = arith.select %le3A_1511, %jit3A_1512, %jit3A_1513 : i32
    %add3A_1515 = arith.addi %add3A_1510, %select_n3A_1514 : i32
    %le3A_1516 = arith.cmpi sle, %add3A_1452, %sub3A_1216 : i32
    %jit3A_1517 = arith.constant 1 : i32
    %jit3A_1518 = arith.constant 0 : i32
    %select_n3A_1519 = arith.select %le3A_1516, %jit3A_1517, %jit3A_1518 : i32
    %add3A_1520 = arith.addi %add3A_1515, %select_n3A_1519 : i32
    %le3A_1521 = arith.cmpi sle, %add3A_1453, %sub3A_1216 : i32
    %jit3A_1522 = arith.constant 1 : i32
    %jit3A_1523 = arith.constant 0 : i32
    %select_n3A_1524 = arith.select %le3A_1521, %jit3A_1522, %jit3A_1523 : i32
    %add3A_1525 = arith.addi %add3A_1520, %select_n3A_1524 : i32
    %le3A_1526 = arith.cmpi sle, %add3A_1454, %sub3A_1216 : i32
    %jit3A_1527 = arith.constant 1 : i32
    %jit3A_1528 = arith.constant 0 : i32
    %select_n3A_1529 = arith.select %le3A_1526, %jit3A_1527, %jit3A_1528 : i32
    %add3A_1530 = arith.addi %add3A_1525, %select_n3A_1529 : i32
    %eq3A_1531 = arith.constant 0 : i32
    %eq3A_1532 = arith.cmpi eq, %add3A_1530, %eq3A_1531 : i32
    %jit3A_1533 = arith.constant 0 : i32
    %jit3A_1534 = arith.constant 0 : i32
    %select_n3A_1535 = arith.select %eq3A_1532, %jit3A_1533, %jit3A_1534 : i32
    %add3A_1536 = arith.constant 0 : i32
    %add3A_1537 = arith.addi %add3A_1536, %select_n3A_1535 : i32
    %eq3A_1538 = arith.constant 1 : i32
    %eq3A_1539 = arith.cmpi eq, %add3A_1530, %eq3A_1538 : i32
    %jit3A_1540 = arith.constant 0 : i32
    %select_n3A_1541 = arith.select %eq3A_1539, %add3A_1440, %jit3A_1540 : i32
    %add3A_1542 = arith.addi %add3A_1537, %select_n3A_1541 : i32
    %eq3A_1543 = arith.constant 2 : i32
    %eq3A_1544 = arith.cmpi eq, %add3A_1530, %eq3A_1543 : i32
    %jit3A_1545 = arith.constant 0 : i32
    %select_n3A_1546 = arith.select %eq3A_1544, %add3A_1441, %jit3A_1545 : i32
    %add3A_1547 = arith.addi %add3A_1542, %select_n3A_1546 : i32
    %eq3A_1548 = arith.constant 3 : i32
    %eq3A_1549 = arith.cmpi eq, %add3A_1530, %eq3A_1548 : i32
    %jit3A_1550 = arith.constant 0 : i32
    %select_n3A_1551 = arith.select %eq3A_1549, %add3A_1442, %jit3A_1550 : i32
    %add3A_1552 = arith.addi %add3A_1547, %select_n3A_1551 : i32
    %eq3A_1553 = arith.constant 4 : i32
    %eq3A_1554 = arith.cmpi eq, %add3A_1530, %eq3A_1553 : i32
    %jit3A_1555 = arith.constant 0 : i32
    %select_n3A_1556 = arith.select %eq3A_1554, %add3A_1443, %jit3A_1555 : i32
    %add3A_1557 = arith.addi %add3A_1552, %select_n3A_1556 : i32
    %eq3A_1558 = arith.constant 5 : i32
    %eq3A_1559 = arith.cmpi eq, %add3A_1530, %eq3A_1558 : i32
    %jit3A_1560 = arith.constant 0 : i32
    %select_n3A_1561 = arith.select %eq3A_1559, %add3A_1444, %jit3A_1560 : i32
    %add3A_1562 = arith.addi %add3A_1557, %select_n3A_1561 : i32
    %eq3A_1563 = arith.constant 6 : i32
    %eq3A_1564 = arith.cmpi eq, %add3A_1530, %eq3A_1563 : i32
    %jit3A_1565 = arith.constant 0 : i32
    %select_n3A_1566 = arith.select %eq3A_1564, %add3A_1445, %jit3A_1565 : i32
    %add3A_1567 = arith.addi %add3A_1562, %select_n3A_1566 : i32
    %eq3A_1568 = arith.constant 7 : i32
    %eq3A_1569 = arith.cmpi eq, %add3A_1530, %eq3A_1568 : i32
    %jit3A_1570 = arith.constant 0 : i32
    %select_n3A_1571 = arith.select %eq3A_1569, %add3A_1446, %jit3A_1570 : i32
    %add3A_1572 = arith.addi %add3A_1567, %select_n3A_1571 : i32
    %eq3A_1573 = arith.constant 8 : i32
    %eq3A_1574 = arith.cmpi eq, %add3A_1530, %eq3A_1573 : i32
    %jit3A_1575 = arith.constant 0 : i32
    %select_n3A_1576 = arith.select %eq3A_1574, %add3A_1447, %jit3A_1575 : i32
    %add3A_1577 = arith.addi %add3A_1572, %select_n3A_1576 : i32
    %eq3A_1578 = arith.constant 9 : i32
    %eq3A_1579 = arith.cmpi eq, %add3A_1530, %eq3A_1578 : i32
    %jit3A_1580 = arith.constant 0 : i32
    %select_n3A_1581 = arith.select %eq3A_1579, %add3A_1448, %jit3A_1580 : i32
    %add3A_1582 = arith.addi %add3A_1577, %select_n3A_1581 : i32
    %eq3A_1583 = arith.constant 10 : i32
    %eq3A_1584 = arith.cmpi eq, %add3A_1530, %eq3A_1583 : i32
    %jit3A_1585 = arith.constant 0 : i32
    %select_n3A_1586 = arith.select %eq3A_1584, %add3A_1449, %jit3A_1585 : i32
    %add3A_1587 = arith.addi %add3A_1582, %select_n3A_1586 : i32
    %eq3A_1588 = arith.constant 11 : i32
    %eq3A_1589 = arith.cmpi eq, %add3A_1530, %eq3A_1588 : i32
    %jit3A_1590 = arith.constant 0 : i32
    %select_n3A_1591 = arith.select %eq3A_1589, %add3A_1450, %jit3A_1590 : i32
    %add3A_1592 = arith.addi %add3A_1587, %select_n3A_1591 : i32
    %eq3A_1593 = arith.constant 12 : i32
    %eq3A_1594 = arith.cmpi eq, %add3A_1530, %eq3A_1593 : i32
    %jit3A_1595 = arith.constant 0 : i32
    %select_n3A_1596 = arith.select %eq3A_1594, %add3A_1451, %jit3A_1595 : i32
    %add3A_1597 = arith.addi %add3A_1592, %select_n3A_1596 : i32
    %eq3A_1598 = arith.constant 13 : i32
    %eq3A_1599 = arith.cmpi eq, %add3A_1530, %eq3A_1598 : i32
    %jit3A_1600 = arith.constant 0 : i32
    %select_n3A_1601 = arith.select %eq3A_1599, %add3A_1452, %jit3A_1600 : i32
    %add3A_1602 = arith.addi %add3A_1597, %select_n3A_1601 : i32
    %eq3A_1603 = arith.constant 14 : i32
    %eq3A_1604 = arith.cmpi eq, %add3A_1530, %eq3A_1603 : i32
    %jit3A_1605 = arith.constant 0 : i32
    %select_n3A_1606 = arith.select %eq3A_1604, %add3A_1453, %jit3A_1605 : i32
    %add3A_1607 = arith.addi %add3A_1602, %select_n3A_1606 : i32
    %eq3A_1608 = arith.constant 15 : i32
    %eq3A_1609 = arith.cmpi eq, %add3A_1530, %eq3A_1608 : i32
    %jit3A_1610 = arith.constant 0 : i32
    %select_n3A_1611 = arith.select %eq3A_1609, %add3A_1454, %jit3A_1610 : i32
    %add3A_1612 = arith.addi %add3A_1607, %select_n3A_1611 : i32
    %sub3A_1613 = arith.subi %sub3A_1216, %add3A_1612 : i32
    %shift_left3A_1614 = arith.constant 16 : i32
    %shift_left3A_1615 = arith.shli %add3A_1530, %shift_left3A_1614 : i32
    %or3A_1616 = arith.ori %or3A_1219, %shift_left3A_1615 : i32
    %eq3A_1617 = vector.broadcast %add3A_1530 : i32 to vector<128x128xi32>
    %eq3A_1618 = arith.cmpi eq, %and3A_1228, %eq3A_1617 : vector<128x128xi32>
    %and3A_1619 = arith.andi %and3A_1222, %eq3A_1618 : vector<128x128xi1>
    %shift_right_logical3A_1620 = arith.constant 12 : i32
    %shift_right_logical3A_1621 = vector.broadcast %shift_right_logical3A_1620 : i32 to vector<128x128xi32>
    %shift_right_logical3A_1622 = arith.shrui %xor3A_17, %shift_right_logical3A_1621 : vector<128x128xi32>
    %and3A_1623 = arith.constant 15 : i32
    %and3A_1624 = vector.broadcast %and3A_1623 : i32 to vector<128x128xi32>
    %and3A_1625 = arith.andi %shift_right_logical3A_1622, %and3A_1624 : vector<128x128xi32>
    %eq3A_1626 = arith.constant 0 : i32
    %eq3A_1627 = vector.broadcast %eq3A_1626 : i32 to vector<128x128xi32>
    %eq3A_1628 = arith.cmpi eq, %and3A_1625, %eq3A_1627 : vector<128x128xi32>
    %and3A_1629 = arith.andi %and3A_1619, %eq3A_1628 : vector<128x128xi1>
    %jit3A_1630 = arith.constant 1 : i32
    %jit3A_1631 = arith.constant 0 : i32
    %broadcast_in_dim3A_1632 = vector.broadcast %jit3A_1630 : i32 to vector<128x128xi32>
    %broadcast_in_dim3A_1633 = vector.broadcast %jit3A_1631 : i32 to vector<128x128xi32>
    %select_n3A_1634 = arith.select %and3A_1629, %broadcast_in_dim3A_1632, %broadcast_in_dim3A_1633 : vector<128x128xi1>, vector<128x128xi32>
    %reduce_sum3A_1635 = vector.shape_cast %select_n3A_1634 : vector<128x128xi32> to vector<1x128x128xi32>
    %reduce_sum3A_1636 = arith.constant dense<0> : vector<1xi32>
    %reduce_sum3A_1637 = vector.multi_reduction <add>, %reduce_sum3A_1635, %reduce_sum3A_1636 [1, 2] : vector<1x128x128xi32> to vector<1xi32>
    %reduce_sum3A_1638 = vector.shape_cast %reduce_sum3A_1637 : vector<1xi32> to vector<1x1x1xi32>
    %reduce_sum3A_1639 = vector.extract %reduce_sum3A_1638[0, 0, 0] : i32 from vector<1x1x1xi32>
    %eq3A_1640 = arith.constant 1 : i32
    %eq3A_1641 = vector.broadcast %eq3A_1640 : i32 to vector<128x128xi32>
    %eq3A_1642 = arith.cmpi eq, %and3A_1625, %eq3A_1641 : vector<128x128xi32>
    %and3A_1643 = arith.andi %and3A_1619, %eq3A_1642 : vector<128x128xi1>
    %jit3A_1644 = arith.constant 1 : i32
    %jit3A_1645 = arith.constant 0 : i32
    %broadcast_in_dim3A_1646 = vector.broadcast %jit3A_1644 : i32 to vector<128x128xi32>
    %broadcast_in_dim3A_1647 = vector.broadcast %jit3A_1645 : i32 to vector<128x128xi32>
    %select_n3A_1648 = arith.select %and3A_1643, %broadcast_in_dim3A_1646, %broadcast_in_dim3A_1647 : vector<128x128xi1>, vector<128x128xi32>
    %reduce_sum3A_1649 = vector.shape_cast %select_n3A_1648 : vector<128x128xi32> to vector<1x128x128xi32>
    %reduce_sum3A_1650 = arith.constant dense<0> : vector<1xi32>
    %reduce_sum3A_1651 = vector.multi_reduction <add>, %reduce_sum3A_1649, %reduce_sum3A_1650 [1, 2] : vector<1x128x128xi32> to vector<1xi32>
    %reduce_sum3A_1652 = vector.shape_cast %reduce_sum3A_1651 : vector<1xi32> to vector<1x1x1xi32>
    %reduce_sum3A_1653 = vector.extract %reduce_sum3A_1652[0, 0, 0] : i32 from vector<1x1x1xi32>
    %eq3A_1654 = arith.constant 2 : i32
    %eq3A_1655 = vector.broadcast %eq3A_1654 : i32 to vector<128x128xi32>
    %eq3A_1656 = arith.cmpi eq, %and3A_1625, %eq3A_1655 : vector<128x128xi32>
    %and3A_1657 = arith.andi %and3A_1619, %eq3A_1656 : vector<128x128xi1>
    %jit3A_1658 = arith.constant 1 : i32
    %jit3A_1659 = arith.constant 0 : i32
    %broadcast_in_dim3A_1660 = vector.broadcast %jit3A_1658 : i32 to vector<128x128xi32>
    %broadcast_in_dim3A_1661 = vector.broadcast %jit3A_1659 : i32 to vector<128x128xi32>
    %select_n3A_1662 = arith.select %and3A_1657, %broadcast_in_dim3A_1660, %broadcast_in_dim3A_1661 : vector<128x128xi1>, vector<128x128xi32>
    %reduce_sum3A_1663 = vector.shape_cast %select_n3A_1662 : vector<128x128xi32> to vector<1x128x128xi32>
    %reduce_sum3A_1664 = arith.constant dense<0> : vector<1xi32>
    %reduce_sum3A_1665 = vector.multi_reduction <add>, %reduce_sum3A_1663, %reduce_sum3A_1664 [1, 2] : vector<1x128x128xi32> to vector<1xi32>
    %reduce_sum3A_1666 = vector.shape_cast %reduce_sum3A_1665 : vector<1xi32> to vector<1x1x1xi32>
    %reduce_sum3A_1667 = vector.extract %reduce_sum3A_1666[0, 0, 0] : i32 from vector<1x1x1xi32>
    %eq3A_1668 = arith.constant 3 : i32
    %eq3A_1669 = vector.broadcast %eq3A_1668 : i32 to vector<128x128xi32>
    %eq3A_1670 = arith.cmpi eq, %and3A_1625, %eq3A_1669 : vector<128x128xi32>
    %and3A_1671 = arith.andi %and3A_1619, %eq3A_1670 : vector<128x128xi1>
    %jit3A_1672 = arith.constant 1 : i32
    %jit3A_1673 = arith.constant 0 : i32
    %broadcast_in_dim3A_1674 = vector.broadcast %jit3A_1672 : i32 to vector<128x128xi32>
    %broadcast_in_dim3A_1675 = vector.broadcast %jit3A_1673 : i32 to vector<128x128xi32>
    %select_n3A_1676 = arith.select %and3A_1671, %broadcast_in_dim3A_1674, %broadcast_in_dim3A_1675 : vector<128x128xi1>, vector<128x128xi32>
    %reduce_sum3A_1677 = vector.shape_cast %select_n3A_1676 : vector<128x128xi32> to vector<1x128x128xi32>
    %reduce_sum3A_1678 = arith.constant dense<0> : vector<1xi32>
    %reduce_sum3A_1679 = vector.multi_reduction <add>, %reduce_sum3A_1677, %reduce_sum3A_1678 [1, 2] : vector<1x128x128xi32> to vector<1xi32>
    %reduce_sum3A_1680 = vector.shape_cast %reduce_sum3A_1679 : vector<1xi32> to vector<1x1x1xi32>
    %reduce_sum3A_1681 = vector.extract %reduce_sum3A_1680[0, 0, 0] : i32 from vector<1x1x1xi32>
    %eq3A_1682 = arith.constant 4 : i32
    %eq3A_1683 = vector.broadcast %eq3A_1682 : i32 to vector<128x128xi32>
    %eq3A_1684 = arith.cmpi eq, %and3A_1625, %eq3A_1683 : vector<128x128xi32>
    %and3A_1685 = arith.andi %and3A_1619, %eq3A_1684 : vector<128x128xi1>
    %jit3A_1686 = arith.constant 1 : i32
    %jit3A_1687 = arith.constant 0 : i32
    %broadcast_in_dim3A_1688 = vector.broadcast %jit3A_1686 : i32 to vector<128x128xi32>
    %broadcast_in_dim3A_1689 = vector.broadcast %jit3A_1687 : i32 to vector<128x128xi32>
    %select_n3A_1690 = arith.select %and3A_1685, %broadcast_in_dim3A_1688, %broadcast_in_dim3A_1689 : vector<128x128xi1>, vector<128x128xi32>
    %reduce_sum3A_1691 = vector.shape_cast %select_n3A_1690 : vector<128x128xi32> to vector<1x128x128xi32>
    %reduce_sum3A_1692 = arith.constant dense<0> : vector<1xi32>
    %reduce_sum3A_1693 = vector.multi_reduction <add>, %reduce_sum3A_1691, %reduce_sum3A_1692 [1, 2] : vector<1x128x128xi32> to vector<1xi32>
    %reduce_sum3A_1694 = vector.shape_cast %reduce_sum3A_1693 : vector<1xi32> to vector<1x1x1xi32>
    %reduce_sum3A_1695 = vector.extract %reduce_sum3A_1694[0, 0, 0] : i32 from vector<1x1x1xi32>
    %eq3A_1696 = arith.constant 5 : i32
    %eq3A_1697 = vector.broadcast %eq3A_1696 : i32 to vector<128x128xi32>
    %eq3A_1698 = arith.cmpi eq, %and3A_1625, %eq3A_1697 : vector<128x128xi32>
    %and3A_1699 = arith.andi %and3A_1619, %eq3A_1698 : vector<128x128xi1>
    %jit3A_1700 = arith.constant 1 : i32
    %jit3A_1701 = arith.constant 0 : i32
    %broadcast_in_dim3A_1702 = vector.broadcast %jit3A_1700 : i32 to vector<128x128xi32>
    %broadcast_in_dim3A_1703 = vector.broadcast %jit3A_1701 : i32 to vector<128x128xi32>
    %select_n3A_1704 = arith.select %and3A_1699, %broadcast_in_dim3A_1702, %broadcast_in_dim3A_1703 : vector<128x128xi1>, vector<128x128xi32>
    %reduce_sum3A_1705 = vector.shape_cast %select_n3A_1704 : vector<128x128xi32> to vector<1x128x128xi32>
    %reduce_sum3A_1706 = arith.constant dense<0> : vector<1xi32>
    %reduce_sum3A_1707 = vector.multi_reduction <add>, %reduce_sum3A_1705, %reduce_sum3A_1706 [1, 2] : vector<1x128x128xi32> to vector<1xi32>
    %reduce_sum3A_1708 = vector.shape_cast %reduce_sum3A_1707 : vector<1xi32> to vector<1x1x1xi32>
    %reduce_sum3A_1709 = vector.extract %reduce_sum3A_1708[0, 0, 0] : i32 from vector<1x1x1xi32>
    %eq3A_1710 = arith.constant 6 : i32
    %eq3A_1711 = vector.broadcast %eq3A_1710 : i32 to vector<128x128xi32>
    %eq3A_1712 = arith.cmpi eq, %and3A_1625, %eq3A_1711 : vector<128x128xi32>
    %and3A_1713 = arith.andi %and3A_1619, %eq3A_1712 : vector<128x128xi1>
    %jit3A_1714 = arith.constant 1 : i32
    %jit3A_1715 = arith.constant 0 : i32
    %broadcast_in_dim3A_1716 = vector.broadcast %jit3A_1714 : i32 to vector<128x128xi32>
    %broadcast_in_dim3A_1717 = vector.broadcast %jit3A_1715 : i32 to vector<128x128xi32>
    %select_n3A_1718 = arith.select %and3A_1713, %broadcast_in_dim3A_1716, %broadcast_in_dim3A_1717 : vector<128x128xi1>, vector<128x128xi32>
    %reduce_sum3A_1719 = vector.shape_cast %select_n3A_1718 : vector<128x128xi32> to vector<1x128x128xi32>
    %reduce_sum3A_1720 = arith.constant dense<0> : vector<1xi32>
    %reduce_sum3A_1721 = vector.multi_reduction <add>, %reduce_sum3A_1719, %reduce_sum3A_1720 [1, 2] : vector<1x128x128xi32> to vector<1xi32>
    %reduce_sum3A_1722 = vector.shape_cast %reduce_sum3A_1721 : vector<1xi32> to vector<1x1x1xi32>
    %reduce_sum3A_1723 = vector.extract %reduce_sum3A_1722[0, 0, 0] : i32 from vector<1x1x1xi32>
    %eq3A_1724 = arith.constant 7 : i32
    %eq3A_1725 = vector.broadcast %eq3A_1724 : i32 to vector<128x128xi32>
    %eq3A_1726 = arith.cmpi eq, %and3A_1625, %eq3A_1725 : vector<128x128xi32>
    %and3A_1727 = arith.andi %and3A_1619, %eq3A_1726 : vector<128x128xi1>
    %jit3A_1728 = arith.constant 1 : i32
    %jit3A_1729 = arith.constant 0 : i32
    %broadcast_in_dim3A_1730 = vector.broadcast %jit3A_1728 : i32 to vector<128x128xi32>
    %broadcast_in_dim3A_1731 = vector.broadcast %jit3A_1729 : i32 to vector<128x128xi32>
    %select_n3A_1732 = arith.select %and3A_1727, %broadcast_in_dim3A_1730, %broadcast_in_dim3A_1731 : vector<128x128xi1>, vector<128x128xi32>
    %reduce_sum3A_1733 = vector.shape_cast %select_n3A_1732 : vector<128x128xi32> to vector<1x128x128xi32>
    %reduce_sum3A_1734 = arith.constant dense<0> : vector<1xi32>
    %reduce_sum3A_1735 = vector.multi_reduction <add>, %reduce_sum3A_1733, %reduce_sum3A_1734 [1, 2] : vector<1x128x128xi32> to vector<1xi32>
    %reduce_sum3A_1736 = vector.shape_cast %reduce_sum3A_1735 : vector<1xi32> to vector<1x1x1xi32>
    %reduce_sum3A_1737 = vector.extract %reduce_sum3A_1736[0, 0, 0] : i32 from vector<1x1x1xi32>
    %eq3A_1738 = arith.constant 8 : i32
    %eq3A_1739 = vector.broadcast %eq3A_1738 : i32 to vector<128x128xi32>
    %eq3A_1740 = arith.cmpi eq, %and3A_1625, %eq3A_1739 : vector<128x128xi32>
    %and3A_1741 = arith.andi %and3A_1619, %eq3A_1740 : vector<128x128xi1>
    %jit3A_1742 = arith.constant 1 : i32
    %jit3A_1743 = arith.constant 0 : i32
    %broadcast_in_dim3A_1744 = vector.broadcast %jit3A_1742 : i32 to vector<128x128xi32>
    %broadcast_in_dim3A_1745 = vector.broadcast %jit3A_1743 : i32 to vector<128x128xi32>
    %select_n3A_1746 = arith.select %and3A_1741, %broadcast_in_dim3A_1744, %broadcast_in_dim3A_1745 : vector<128x128xi1>, vector<128x128xi32>
    %reduce_sum3A_1747 = vector.shape_cast %select_n3A_1746 : vector<128x128xi32> to vector<1x128x128xi32>
    %reduce_sum3A_1748 = arith.constant dense<0> : vector<1xi32>
    %reduce_sum3A_1749 = vector.multi_reduction <add>, %reduce_sum3A_1747, %reduce_sum3A_1748 [1, 2] : vector<1x128x128xi32> to vector<1xi32>
    %reduce_sum3A_1750 = vector.shape_cast %reduce_sum3A_1749 : vector<1xi32> to vector<1x1x1xi32>
    %reduce_sum3A_1751 = vector.extract %reduce_sum3A_1750[0, 0, 0] : i32 from vector<1x1x1xi32>
    %eq3A_1752 = arith.constant 9 : i32
    %eq3A_1753 = vector.broadcast %eq3A_1752 : i32 to vector<128x128xi32>
    %eq3A_1754 = arith.cmpi eq, %and3A_1625, %eq3A_1753 : vector<128x128xi32>
    %and3A_1755 = arith.andi %and3A_1619, %eq3A_1754 : vector<128x128xi1>
    %jit3A_1756 = arith.constant 1 : i32
    %jit3A_1757 = arith.constant 0 : i32
    %broadcast_in_dim3A_1758 = vector.broadcast %jit3A_1756 : i32 to vector<128x128xi32>
    %broadcast_in_dim3A_1759 = vector.broadcast %jit3A_1757 : i32 to vector<128x128xi32>
    %select_n3A_1760 = arith.select %and3A_1755, %broadcast_in_dim3A_1758, %broadcast_in_dim3A_1759 : vector<128x128xi1>, vector<128x128xi32>
    %reduce_sum3A_1761 = vector.shape_cast %select_n3A_1760 : vector<128x128xi32> to vector<1x128x128xi32>
    %reduce_sum3A_1762 = arith.constant dense<0> : vector<1xi32>
    %reduce_sum3A_1763 = vector.multi_reduction <add>, %reduce_sum3A_1761, %reduce_sum3A_1762 [1, 2] : vector<1x128x128xi32> to vector<1xi32>
    %reduce_sum3A_1764 = vector.shape_cast %reduce_sum3A_1763 : vector<1xi32> to vector<1x1x1xi32>
    %reduce_sum3A_1765 = vector.extract %reduce_sum3A_1764[0, 0, 0] : i32 from vector<1x1x1xi32>
    %eq3A_1766 = arith.constant 10 : i32
    %eq3A_1767 = vector.broadcast %eq3A_1766 : i32 to vector<128x128xi32>
    %eq3A_1768 = arith.cmpi eq, %and3A_1625, %eq3A_1767 : vector<128x128xi32>
    %and3A_1769 = arith.andi %and3A_1619, %eq3A_1768 : vector<128x128xi1>
    %jit3A_1770 = arith.constant 1 : i32
    %jit3A_1771 = arith.constant 0 : i32
    %broadcast_in_dim3A_1772 = vector.broadcast %jit3A_1770 : i32 to vector<128x128xi32>
    %broadcast_in_dim3A_1773 = vector.broadcast %jit3A_1771 : i32 to vector<128x128xi32>
    %select_n3A_1774 = arith.select %and3A_1769, %broadcast_in_dim3A_1772, %broadcast_in_dim3A_1773 : vector<128x128xi1>, vector<128x128xi32>
    %reduce_sum3A_1775 = vector.shape_cast %select_n3A_1774 : vector<128x128xi32> to vector<1x128x128xi32>
    %reduce_sum3A_1776 = arith.constant dense<0> : vector<1xi32>
    %reduce_sum3A_1777 = vector.multi_reduction <add>, %reduce_sum3A_1775, %reduce_sum3A_1776 [1, 2] : vector<1x128x128xi32> to vector<1xi32>
    %reduce_sum3A_1778 = vector.shape_cast %reduce_sum3A_1777 : vector<1xi32> to vector<1x1x1xi32>
    %reduce_sum3A_1779 = vector.extract %reduce_sum3A_1778[0, 0, 0] : i32 from vector<1x1x1xi32>
    %eq3A_1780 = arith.constant 11 : i32
    %eq3A_1781 = vector.broadcast %eq3A_1780 : i32 to vector<128x128xi32>
    %eq3A_1782 = arith.cmpi eq, %and3A_1625, %eq3A_1781 : vector<128x128xi32>
    %and3A_1783 = arith.andi %and3A_1619, %eq3A_1782 : vector<128x128xi1>
    %jit3A_1784 = arith.constant 1 : i32
    %jit3A_1785 = arith.constant 0 : i32
    %broadcast_in_dim3A_1786 = vector.broadcast %jit3A_1784 : i32 to vector<128x128xi32>
    %broadcast_in_dim3A_1787 = vector.broadcast %jit3A_1785 : i32 to vector<128x128xi32>
    %select_n3A_1788 = arith.select %and3A_1783, %broadcast_in_dim3A_1786, %broadcast_in_dim3A_1787 : vector<128x128xi1>, vector<128x128xi32>
    %reduce_sum3A_1789 = vector.shape_cast %select_n3A_1788 : vector<128x128xi32> to vector<1x128x128xi32>
    %reduce_sum3A_1790 = arith.constant dense<0> : vector<1xi32>
    %reduce_sum3A_1791 = vector.multi_reduction <add>, %reduce_sum3A_1789, %reduce_sum3A_1790 [1, 2] : vector<1x128x128xi32> to vector<1xi32>
    %reduce_sum3A_1792 = vector.shape_cast %reduce_sum3A_1791 : vector<1xi32> to vector<1x1x1xi32>
    %reduce_sum3A_1793 = vector.extract %reduce_sum3A_1792[0, 0, 0] : i32 from vector<1x1x1xi32>
    %eq3A_1794 = arith.constant 12 : i32
    %eq3A_1795 = vector.broadcast %eq3A_1794 : i32 to vector<128x128xi32>
    %eq3A_1796 = arith.cmpi eq, %and3A_1625, %eq3A_1795 : vector<128x128xi32>
    %and3A_1797 = arith.andi %and3A_1619, %eq3A_1796 : vector<128x128xi1>
    %jit3A_1798 = arith.constant 1 : i32
    %jit3A_1799 = arith.constant 0 : i32
    %broadcast_in_dim3A_1800 = vector.broadcast %jit3A_1798 : i32 to vector<128x128xi32>
    %broadcast_in_dim3A_1801 = vector.broadcast %jit3A_1799 : i32 to vector<128x128xi32>
    %select_n3A_1802 = arith.select %and3A_1797, %broadcast_in_dim3A_1800, %broadcast_in_dim3A_1801 : vector<128x128xi1>, vector<128x128xi32>
    %reduce_sum3A_1803 = vector.shape_cast %select_n3A_1802 : vector<128x128xi32> to vector<1x128x128xi32>
    %reduce_sum3A_1804 = arith.constant dense<0> : vector<1xi32>
    %reduce_sum3A_1805 = vector.multi_reduction <add>, %reduce_sum3A_1803, %reduce_sum3A_1804 [1, 2] : vector<1x128x128xi32> to vector<1xi32>
    %reduce_sum3A_1806 = vector.shape_cast %reduce_sum3A_1805 : vector<1xi32> to vector<1x1x1xi32>
    %reduce_sum3A_1807 = vector.extract %reduce_sum3A_1806[0, 0, 0] : i32 from vector<1x1x1xi32>
    %eq3A_1808 = arith.constant 13 : i32
    %eq3A_1809 = vector.broadcast %eq3A_1808 : i32 to vector<128x128xi32>
    %eq3A_1810 = arith.cmpi eq, %and3A_1625, %eq3A_1809 : vector<128x128xi32>
    %and3A_1811 = arith.andi %and3A_1619, %eq3A_1810 : vector<128x128xi1>
    %jit3A_1812 = arith.constant 1 : i32
    %jit3A_1813 = arith.constant 0 : i32
    %broadcast_in_dim3A_1814 = vector.broadcast %jit3A_1812 : i32 to vector<128x128xi32>
    %broadcast_in_dim3A_1815 = vector.broadcast %jit3A_1813 : i32 to vector<128x128xi32>
    %select_n3A_1816 = arith.select %and3A_1811, %broadcast_in_dim3A_1814, %broadcast_in_dim3A_1815 : vector<128x128xi1>, vector<128x128xi32>
    %reduce_sum3A_1817 = vector.shape_cast %select_n3A_1816 : vector<128x128xi32> to vector<1x128x128xi32>
    %reduce_sum3A_1818 = arith.constant dense<0> : vector<1xi32>
    %reduce_sum3A_1819 = vector.multi_reduction <add>, %reduce_sum3A_1817, %reduce_sum3A_1818 [1, 2] : vector<1x128x128xi32> to vector<1xi32>
    %reduce_sum3A_1820 = vector.shape_cast %reduce_sum3A_1819 : vector<1xi32> to vector<1x1x1xi32>
    %reduce_sum3A_1821 = vector.extract %reduce_sum3A_1820[0, 0, 0] : i32 from vector<1x1x1xi32>
    %eq3A_1822 = arith.constant 14 : i32
    %eq3A_1823 = vector.broadcast %eq3A_1822 : i32 to vector<128x128xi32>
    %eq3A_1824 = arith.cmpi eq, %and3A_1625, %eq3A_1823 : vector<128x128xi32>
    %and3A_1825 = arith.andi %and3A_1619, %eq3A_1824 : vector<128x128xi1>
    %jit3A_1826 = arith.constant 1 : i32
    %jit3A_1827 = arith.constant 0 : i32
    %broadcast_in_dim3A_1828 = vector.broadcast %jit3A_1826 : i32 to vector<128x128xi32>
    %broadcast_in_dim3A_1829 = vector.broadcast %jit3A_1827 : i32 to vector<128x128xi32>
    %select_n3A_1830 = arith.select %and3A_1825, %broadcast_in_dim3A_1828, %broadcast_in_dim3A_1829 : vector<128x128xi1>, vector<128x128xi32>
    %reduce_sum3A_1831 = vector.shape_cast %select_n3A_1830 : vector<128x128xi32> to vector<1x128x128xi32>
    %reduce_sum3A_1832 = arith.constant dense<0> : vector<1xi32>
    %reduce_sum3A_1833 = vector.multi_reduction <add>, %reduce_sum3A_1831, %reduce_sum3A_1832 [1, 2] : vector<1x128x128xi32> to vector<1xi32>
    %reduce_sum3A_1834 = vector.shape_cast %reduce_sum3A_1833 : vector<1xi32> to vector<1x1x1xi32>
    %reduce_sum3A_1835 = vector.extract %reduce_sum3A_1834[0, 0, 0] : i32 from vector<1x1x1xi32>
    %add3A_1836 = arith.constant 0 : i32
    %add3A_1837 = arith.addi %add3A_1836, %reduce_sum3A_1639 : i32
    %add3A_1838 = arith.addi %add3A_1837, %reduce_sum3A_1653 : i32
    %add3A_1839 = arith.addi %add3A_1838, %reduce_sum3A_1667 : i32
    %add3A_1840 = arith.addi %add3A_1839, %reduce_sum3A_1681 : i32
    %add3A_1841 = arith.addi %add3A_1840, %reduce_sum3A_1695 : i32
    %add3A_1842 = arith.addi %add3A_1841, %reduce_sum3A_1709 : i32
    %add3A_1843 = arith.addi %add3A_1842, %reduce_sum3A_1723 : i32
    %add3A_1844 = arith.addi %add3A_1843, %reduce_sum3A_1737 : i32
    %add3A_1845 = arith.addi %add3A_1844, %reduce_sum3A_1751 : i32
    %add3A_1846 = arith.addi %add3A_1845, %reduce_sum3A_1765 : i32
    %add3A_1847 = arith.addi %add3A_1846, %reduce_sum3A_1779 : i32
    %add3A_1848 = arith.addi %add3A_1847, %reduce_sum3A_1793 : i32
    %add3A_1849 = arith.addi %add3A_1848, %reduce_sum3A_1807 : i32
    %add3A_1850 = arith.addi %add3A_1849, %reduce_sum3A_1821 : i32
    %add3A_1851 = arith.addi %add3A_1850, %reduce_sum3A_1835 : i32
    %le3A_1852 = arith.cmpi sle, %add3A_1837, %sub3A_1613 : i32
    %jit3A_1853 = arith.constant 1 : i32
    %jit3A_1854 = arith.constant 0 : i32
    %select_n3A_1855 = arith.select %le3A_1852, %jit3A_1853, %jit3A_1854 : i32
    %add3A_1856 = arith.constant 0 : i32
    %add3A_1857 = arith.addi %add3A_1856, %select_n3A_1855 : i32
    %le3A_1858 = arith.cmpi sle, %add3A_1838, %sub3A_1613 : i32
    %jit3A_1859 = arith.constant 1 : i32
    %jit3A_1860 = arith.constant 0 : i32
    %select_n3A_1861 = arith.select %le3A_1858, %jit3A_1859, %jit3A_1860 : i32
    %add3A_1862 = arith.addi %add3A_1857, %select_n3A_1861 : i32
    %le3A_1863 = arith.cmpi sle, %add3A_1839, %sub3A_1613 : i32
    %jit3A_1864 = arith.constant 1 : i32
    %jit3A_1865 = arith.constant 0 : i32
    %select_n3A_1866 = arith.select %le3A_1863, %jit3A_1864, %jit3A_1865 : i32
    %add3A_1867 = arith.addi %add3A_1862, %select_n3A_1866 : i32
    %le3A_1868 = arith.cmpi sle, %add3A_1840, %sub3A_1613 : i32
    %jit3A_1869 = arith.constant 1 : i32
    %jit3A_1870 = arith.constant 0 : i32
    %select_n3A_1871 = arith.select %le3A_1868, %jit3A_1869, %jit3A_1870 : i32
    %add3A_1872 = arith.addi %add3A_1867, %select_n3A_1871 : i32
    %le3A_1873 = arith.cmpi sle, %add3A_1841, %sub3A_1613 : i32
    %jit3A_1874 = arith.constant 1 : i32
    %jit3A_1875 = arith.constant 0 : i32
    %select_n3A_1876 = arith.select %le3A_1873, %jit3A_1874, %jit3A_1875 : i32
    %add3A_1877 = arith.addi %add3A_1872, %select_n3A_1876 : i32
    %le3A_1878 = arith.cmpi sle, %add3A_1842, %sub3A_1613 : i32
    %jit3A_1879 = arith.constant 1 : i32
    %jit3A_1880 = arith.constant 0 : i32
    %select_n3A_1881 = arith.select %le3A_1878, %jit3A_1879, %jit3A_1880 : i32
    %add3A_1882 = arith.addi %add3A_1877, %select_n3A_1881 : i32
    %le3A_1883 = arith.cmpi sle, %add3A_1843, %sub3A_1613 : i32
    %jit3A_1884 = arith.constant 1 : i32
    %jit3A_1885 = arith.constant 0 : i32
    %select_n3A_1886 = arith.select %le3A_1883, %jit3A_1884, %jit3A_1885 : i32
    %add3A_1887 = arith.addi %add3A_1882, %select_n3A_1886 : i32
    %le3A_1888 = arith.cmpi sle, %add3A_1844, %sub3A_1613 : i32
    %jit3A_1889 = arith.constant 1 : i32
    %jit3A_1890 = arith.constant 0 : i32
    %select_n3A_1891 = arith.select %le3A_1888, %jit3A_1889, %jit3A_1890 : i32
    %add3A_1892 = arith.addi %add3A_1887, %select_n3A_1891 : i32
    %le3A_1893 = arith.cmpi sle, %add3A_1845, %sub3A_1613 : i32
    %jit3A_1894 = arith.constant 1 : i32
    %jit3A_1895 = arith.constant 0 : i32
    %select_n3A_1896 = arith.select %le3A_1893, %jit3A_1894, %jit3A_1895 : i32
    %add3A_1897 = arith.addi %add3A_1892, %select_n3A_1896 : i32
    %le3A_1898 = arith.cmpi sle, %add3A_1846, %sub3A_1613 : i32
    %jit3A_1899 = arith.constant 1 : i32
    %jit3A_1900 = arith.constant 0 : i32
    %select_n3A_1901 = arith.select %le3A_1898, %jit3A_1899, %jit3A_1900 : i32
    %add3A_1902 = arith.addi %add3A_1897, %select_n3A_1901 : i32
    %le3A_1903 = arith.cmpi sle, %add3A_1847, %sub3A_1613 : i32
    %jit3A_1904 = arith.constant 1 : i32
    %jit3A_1905 = arith.constant 0 : i32
    %select_n3A_1906 = arith.select %le3A_1903, %jit3A_1904, %jit3A_1905 : i32
    %add3A_1907 = arith.addi %add3A_1902, %select_n3A_1906 : i32
    %le3A_1908 = arith.cmpi sle, %add3A_1848, %sub3A_1613 : i32
    %jit3A_1909 = arith.constant 1 : i32
    %jit3A_1910 = arith.constant 0 : i32
    %select_n3A_1911 = arith.select %le3A_1908, %jit3A_1909, %jit3A_1910 : i32
    %add3A_1912 = arith.addi %add3A_1907, %select_n3A_1911 : i32
    %le3A_1913 = arith.cmpi sle, %add3A_1849, %sub3A_1613 : i32
    %jit3A_1914 = arith.constant 1 : i32
    %jit3A_1915 = arith.constant 0 : i32
    %select_n3A_1916 = arith.select %le3A_1913, %jit3A_1914, %jit3A_1915 : i32
    %add3A_1917 = arith.addi %add3A_1912, %select_n3A_1916 : i32
    %le3A_1918 = arith.cmpi sle, %add3A_1850, %sub3A_1613 : i32
    %jit3A_1919 = arith.constant 1 : i32
    %jit3A_1920 = arith.constant 0 : i32
    %select_n3A_1921 = arith.select %le3A_1918, %jit3A_1919, %jit3A_1920 : i32
    %add3A_1922 = arith.addi %add3A_1917, %select_n3A_1921 : i32
    %le3A_1923 = arith.cmpi sle, %add3A_1851, %sub3A_1613 : i32
    %jit3A_1924 = arith.constant 1 : i32
    %jit3A_1925 = arith.constant 0 : i32
    %select_n3A_1926 = arith.select %le3A_1923, %jit3A_1924, %jit3A_1925 : i32
    %add3A_1927 = arith.addi %add3A_1922, %select_n3A_1926 : i32
    %eq3A_1928 = arith.constant 0 : i32
    %eq3A_1929 = arith.cmpi eq, %add3A_1927, %eq3A_1928 : i32
    %jit3A_1930 = arith.constant 0 : i32
    %jit3A_1931 = arith.constant 0 : i32
    %select_n3A_1932 = arith.select %eq3A_1929, %jit3A_1930, %jit3A_1931 : i32
    %add3A_1933 = arith.constant 0 : i32
    %add3A_1934 = arith.addi %add3A_1933, %select_n3A_1932 : i32
    %eq3A_1935 = arith.constant 1 : i32
    %eq3A_1936 = arith.cmpi eq, %add3A_1927, %eq3A_1935 : i32
    %jit3A_1937 = arith.constant 0 : i32
    %select_n3A_1938 = arith.select %eq3A_1936, %add3A_1837, %jit3A_1937 : i32
    %add3A_1939 = arith.addi %add3A_1934, %select_n3A_1938 : i32
    %eq3A_1940 = arith.constant 2 : i32
    %eq3A_1941 = arith.cmpi eq, %add3A_1927, %eq3A_1940 : i32
    %jit3A_1942 = arith.constant 0 : i32
    %select_n3A_1943 = arith.select %eq3A_1941, %add3A_1838, %jit3A_1942 : i32
    %add3A_1944 = arith.addi %add3A_1939, %select_n3A_1943 : i32
    %eq3A_1945 = arith.constant 3 : i32
    %eq3A_1946 = arith.cmpi eq, %add3A_1927, %eq3A_1945 : i32
    %jit3A_1947 = arith.constant 0 : i32
    %select_n3A_1948 = arith.select %eq3A_1946, %add3A_1839, %jit3A_1947 : i32
    %add3A_1949 = arith.addi %add3A_1944, %select_n3A_1948 : i32
    %eq3A_1950 = arith.constant 4 : i32
    %eq3A_1951 = arith.cmpi eq, %add3A_1927, %eq3A_1950 : i32
    %jit3A_1952 = arith.constant 0 : i32
    %select_n3A_1953 = arith.select %eq3A_1951, %add3A_1840, %jit3A_1952 : i32
    %add3A_1954 = arith.addi %add3A_1949, %select_n3A_1953 : i32
    %eq3A_1955 = arith.constant 5 : i32
    %eq3A_1956 = arith.cmpi eq, %add3A_1927, %eq3A_1955 : i32
    %jit3A_1957 = arith.constant 0 : i32
    %select_n3A_1958 = arith.select %eq3A_1956, %add3A_1841, %jit3A_1957 : i32
    %add3A_1959 = arith.addi %add3A_1954, %select_n3A_1958 : i32
    %eq3A_1960 = arith.constant 6 : i32
    %eq3A_1961 = arith.cmpi eq, %add3A_1927, %eq3A_1960 : i32
    %jit3A_1962 = arith.constant 0 : i32
    %select_n3A_1963 = arith.select %eq3A_1961, %add3A_1842, %jit3A_1962 : i32
    %add3A_1964 = arith.addi %add3A_1959, %select_n3A_1963 : i32
    %eq3A_1965 = arith.constant 7 : i32
    %eq3A_1966 = arith.cmpi eq, %add3A_1927, %eq3A_1965 : i32
    %jit3A_1967 = arith.constant 0 : i32
    %select_n3A_1968 = arith.select %eq3A_1966, %add3A_1843, %jit3A_1967 : i32
    %add3A_1969 = arith.addi %add3A_1964, %select_n3A_1968 : i32
    %eq3A_1970 = arith.constant 8 : i32
    %eq3A_1971 = arith.cmpi eq, %add3A_1927, %eq3A_1970 : i32
    %jit3A_1972 = arith.constant 0 : i32
    %select_n3A_1973 = arith.select %eq3A_1971, %add3A_1844, %jit3A_1972 : i32
    %add3A_1974 = arith.addi %add3A_1969, %select_n3A_1973 : i32
    %eq3A_1975 = arith.constant 9 : i32
    %eq3A_1976 = arith.cmpi eq, %add3A_1927, %eq3A_1975 : i32
    %jit3A_1977 = arith.constant 0 : i32
    %select_n3A_1978 = arith.select %eq3A_1976, %add3A_1845, %jit3A_1977 : i32
    %add3A_1979 = arith.addi %add3A_1974, %select_n3A_1978 : i32
    %eq3A_1980 = arith.constant 10 : i32
    %eq3A_1981 = arith.cmpi eq, %add3A_1927, %eq3A_1980 : i32
    %jit3A_1982 = arith.constant 0 : i32
    %select_n3A_1983 = arith.select %eq3A_1981, %add3A_1846, %jit3A_1982 : i32
    %add3A_1984 = arith.addi %add3A_1979, %select_n3A_1983 : i32
    %eq3A_1985 = arith.constant 11 : i32
    %eq3A_1986 = arith.cmpi eq, %add3A_1927, %eq3A_1985 : i32
    %jit3A_1987 = arith.constant 0 : i32
    %select_n3A_1988 = arith.select %eq3A_1986, %add3A_1847, %jit3A_1987 : i32
    %add3A_1989 = arith.addi %add3A_1984, %select_n3A_1988 : i32
    %eq3A_1990 = arith.constant 12 : i32
    %eq3A_1991 = arith.cmpi eq, %add3A_1927, %eq3A_1990 : i32
    %jit3A_1992 = arith.constant 0 : i32
    %select_n3A_1993 = arith.select %eq3A_1991, %add3A_1848, %jit3A_1992 : i32
    %add3A_1994 = arith.addi %add3A_1989, %select_n3A_1993 : i32
    %eq3A_1995 = arith.constant 13 : i32
    %eq3A_1996 = arith.cmpi eq, %add3A_1927, %eq3A_1995 : i32
    %jit3A_1997 = arith.constant 0 : i32
    %select_n3A_1998 = arith.select %eq3A_1996, %add3A_1849, %jit3A_1997 : i32
    %add3A_1999 = arith.addi %add3A_1994, %select_n3A_1998 : i32
    %eq3A_2000 = arith.constant 14 : i32
    %eq3A_2001 = arith.cmpi eq, %add3A_1927, %eq3A_2000 : i32
    %jit3A_2002 = arith.constant 0 : i32
    %select_n3A_2003 = arith.select %eq3A_2001, %add3A_1850, %jit3A_2002 : i32
    %add3A_2004 = arith.addi %add3A_1999, %select_n3A_2003 : i32
    %eq3A_2005 = arith.constant 15 : i32
    %eq3A_2006 = arith.cmpi eq, %add3A_1927, %eq3A_2005 : i32
    %jit3A_2007 = arith.constant 0 : i32
    %select_n3A_2008 = arith.select %eq3A_2006, %add3A_1851, %jit3A_2007 : i32
    %add3A_2009 = arith.addi %add3A_2004, %select_n3A_2008 : i32
    %sub3A_2010 = arith.subi %sub3A_1613, %add3A_2009 : i32
    %shift_left3A_2011 = arith.constant 12 : i32
    %shift_left3A_2012 = arith.shli %add3A_1927, %shift_left3A_2011 : i32
    %or3A_2013 = arith.ori %or3A_1616, %shift_left3A_2012 : i32
    %eq3A_2014 = vector.broadcast %add3A_1927 : i32 to vector<128x128xi32>
    %eq3A_2015 = arith.cmpi eq, %and3A_1625, %eq3A_2014 : vector<128x128xi32>
    %and3A_2016 = arith.andi %and3A_1619, %eq3A_2015 : vector<128x128xi1>
    %shift_right_logical3A_2017 = arith.constant 8 : i32
    %shift_right_logical3A_2018 = vector.broadcast %shift_right_logical3A_2017 : i32 to vector<128x128xi32>
    %shift_right_logical3A_2019 = arith.shrui %xor3A_17, %shift_right_logical3A_2018 : vector<128x128xi32>
    %and3A_2020 = arith.constant 15 : i32
    %and3A_2021 = vector.broadcast %and3A_2020 : i32 to vector<128x128xi32>
    %and3A_2022 = arith.andi %shift_right_logical3A_2019, %and3A_2021 : vector<128x128xi32>
    %eq3A_2023 = arith.constant 0 : i32
    %eq3A_2024 = vector.broadcast %eq3A_2023 : i32 to vector<128x128xi32>
    %eq3A_2025 = arith.cmpi eq, %and3A_2022, %eq3A_2024 : vector<128x128xi32>
    %and3A_2026 = arith.andi %and3A_2016, %eq3A_2025 : vector<128x128xi1>
    %jit3A_2027 = arith.constant 1 : i32
    %jit3A_2028 = arith.constant 0 : i32
    %broadcast_in_dim3A_2029 = vector.broadcast %jit3A_2027 : i32 to vector<128x128xi32>
    %broadcast_in_dim3A_2030 = vector.broadcast %jit3A_2028 : i32 to vector<128x128xi32>
    %select_n3A_2031 = arith.select %and3A_2026, %broadcast_in_dim3A_2029, %broadcast_in_dim3A_2030 : vector<128x128xi1>, vector<128x128xi32>
    %reduce_sum3A_2032 = vector.shape_cast %select_n3A_2031 : vector<128x128xi32> to vector<1x128x128xi32>
    %reduce_sum3A_2033 = arith.constant dense<0> : vector<1xi32>
    %reduce_sum3A_2034 = vector.multi_reduction <add>, %reduce_sum3A_2032, %reduce_sum3A_2033 [1, 2] : vector<1x128x128xi32> to vector<1xi32>
    %reduce_sum3A_2035 = vector.shape_cast %reduce_sum3A_2034 : vector<1xi32> to vector<1x1x1xi32>
    %reduce_sum3A_2036 = vector.extract %reduce_sum3A_2035[0, 0, 0] : i32 from vector<1x1x1xi32>
    %eq3A_2037 = arith.constant 1 : i32
    %eq3A_2038 = vector.broadcast %eq3A_2037 : i32 to vector<128x128xi32>
    %eq3A_2039 = arith.cmpi eq, %and3A_2022, %eq3A_2038 : vector<128x128xi32>
    %and3A_2040 = arith.andi %and3A_2016, %eq3A_2039 : vector<128x128xi1>
    %jit3A_2041 = arith.constant 1 : i32
    %jit3A_2042 = arith.constant 0 : i32
    %broadcast_in_dim3A_2043 = vector.broadcast %jit3A_2041 : i32 to vector<128x128xi32>
    %broadcast_in_dim3A_2044 = vector.broadcast %jit3A_2042 : i32 to vector<128x128xi32>
    %select_n3A_2045 = arith.select %and3A_2040, %broadcast_in_dim3A_2043, %broadcast_in_dim3A_2044 : vector<128x128xi1>, vector<128x128xi32>
    %reduce_sum3A_2046 = vector.shape_cast %select_n3A_2045 : vector<128x128xi32> to vector<1x128x128xi32>
    %reduce_sum3A_2047 = arith.constant dense<0> : vector<1xi32>
    %reduce_sum3A_2048 = vector.multi_reduction <add>, %reduce_sum3A_2046, %reduce_sum3A_2047 [1, 2] : vector<1x128x128xi32> to vector<1xi32>
    %reduce_sum3A_2049 = vector.shape_cast %reduce_sum3A_2048 : vector<1xi32> to vector<1x1x1xi32>
    %reduce_sum3A_2050 = vector.extract %reduce_sum3A_2049[0, 0, 0] : i32 from vector<1x1x1xi32>
    %eq3A_2051 = arith.constant 2 : i32
    %eq3A_2052 = vector.broadcast %eq3A_2051 : i32 to vector<128x128xi32>
    %eq3A_2053 = arith.cmpi eq, %and3A_2022, %eq3A_2052 : vector<128x128xi32>
    %and3A_2054 = arith.andi %and3A_2016, %eq3A_2053 : vector<128x128xi1>
    %jit3A_2055 = arith.constant 1 : i32
    %jit3A_2056 = arith.constant 0 : i32
    %broadcast_in_dim3A_2057 = vector.broadcast %jit3A_2055 : i32 to vector<128x128xi32>
    %broadcast_in_dim3A_2058 = vector.broadcast %jit3A_2056 : i32 to vector<128x128xi32>
    %select_n3A_2059 = arith.select %and3A_2054, %broadcast_in_dim3A_2057, %broadcast_in_dim3A_2058 : vector<128x128xi1>, vector<128x128xi32>
    %reduce_sum3A_2060 = vector.shape_cast %select_n3A_2059 : vector<128x128xi32> to vector<1x128x128xi32>
    %reduce_sum3A_2061 = arith.constant dense<0> : vector<1xi32>
    %reduce_sum3A_2062 = vector.multi_reduction <add>, %reduce_sum3A_2060, %reduce_sum3A_2061 [1, 2] : vector<1x128x128xi32> to vector<1xi32>
    %reduce_sum3A_2063 = vector.shape_cast %reduce_sum3A_2062 : vector<1xi32> to vector<1x1x1xi32>
    %reduce_sum3A_2064 = vector.extract %reduce_sum3A_2063[0, 0, 0] : i32 from vector<1x1x1xi32>
    %eq3A_2065 = arith.constant 3 : i32
    %eq3A_2066 = vector.broadcast %eq3A_2065 : i32 to vector<128x128xi32>
    %eq3A_2067 = arith.cmpi eq, %and3A_2022, %eq3A_2066 : vector<128x128xi32>
    %and3A_2068 = arith.andi %and3A_2016, %eq3A_2067 : vector<128x128xi1>
    %jit3A_2069 = arith.constant 1 : i32
    %jit3A_2070 = arith.constant 0 : i32
    %broadcast_in_dim3A_2071 = vector.broadcast %jit3A_2069 : i32 to vector<128x128xi32>
    %broadcast_in_dim3A_2072 = vector.broadcast %jit3A_2070 : i32 to vector<128x128xi32>
    %select_n3A_2073 = arith.select %and3A_2068, %broadcast_in_dim3A_2071, %broadcast_in_dim3A_2072 : vector<128x128xi1>, vector<128x128xi32>
    %reduce_sum3A_2074 = vector.shape_cast %select_n3A_2073 : vector<128x128xi32> to vector<1x128x128xi32>
    %reduce_sum3A_2075 = arith.constant dense<0> : vector<1xi32>
    %reduce_sum3A_2076 = vector.multi_reduction <add>, %reduce_sum3A_2074, %reduce_sum3A_2075 [1, 2] : vector<1x128x128xi32> to vector<1xi32>
    %reduce_sum3A_2077 = vector.shape_cast %reduce_sum3A_2076 : vector<1xi32> to vector<1x1x1xi32>
    %reduce_sum3A_2078 = vector.extract %reduce_sum3A_2077[0, 0, 0] : i32 from vector<1x1x1xi32>
    %eq3A_2079 = arith.constant 4 : i32
    %eq3A_2080 = vector.broadcast %eq3A_2079 : i32 to vector<128x128xi32>
    %eq3A_2081 = arith.cmpi eq, %and3A_2022, %eq3A_2080 : vector<128x128xi32>
    %and3A_2082 = arith.andi %and3A_2016, %eq3A_2081 : vector<128x128xi1>
    %jit3A_2083 = arith.constant 1 : i32
    %jit3A_2084 = arith.constant 0 : i32
    %broadcast_in_dim3A_2085 = vector.broadcast %jit3A_2083 : i32 to vector<128x128xi32>
    %broadcast_in_dim3A_2086 = vector.broadcast %jit3A_2084 : i32 to vector<128x128xi32>
    %select_n3A_2087 = arith.select %and3A_2082, %broadcast_in_dim3A_2085, %broadcast_in_dim3A_2086 : vector<128x128xi1>, vector<128x128xi32>
    %reduce_sum3A_2088 = vector.shape_cast %select_n3A_2087 : vector<128x128xi32> to vector<1x128x128xi32>
    %reduce_sum3A_2089 = arith.constant dense<0> : vector<1xi32>
    %reduce_sum3A_2090 = vector.multi_reduction <add>, %reduce_sum3A_2088, %reduce_sum3A_2089 [1, 2] : vector<1x128x128xi32> to vector<1xi32>
    %reduce_sum3A_2091 = vector.shape_cast %reduce_sum3A_2090 : vector<1xi32> to vector<1x1x1xi32>
    %reduce_sum3A_2092 = vector.extract %reduce_sum3A_2091[0, 0, 0] : i32 from vector<1x1x1xi32>
    %eq3A_2093 = arith.constant 5 : i32
    %eq3A_2094 = vector.broadcast %eq3A_2093 : i32 to vector<128x128xi32>
    %eq3A_2095 = arith.cmpi eq, %and3A_2022, %eq3A_2094 : vector<128x128xi32>
    %and3A_2096 = arith.andi %and3A_2016, %eq3A_2095 : vector<128x128xi1>
    %jit3A_2097 = arith.constant 1 : i32
    %jit3A_2098 = arith.constant 0 : i32
    %broadcast_in_dim3A_2099 = vector.broadcast %jit3A_2097 : i32 to vector<128x128xi32>
    %broadcast_in_dim3A_2100 = vector.broadcast %jit3A_2098 : i32 to vector<128x128xi32>
    %select_n3A_2101 = arith.select %and3A_2096, %broadcast_in_dim3A_2099, %broadcast_in_dim3A_2100 : vector<128x128xi1>, vector<128x128xi32>
    %reduce_sum3A_2102 = vector.shape_cast %select_n3A_2101 : vector<128x128xi32> to vector<1x128x128xi32>
    %reduce_sum3A_2103 = arith.constant dense<0> : vector<1xi32>
    %reduce_sum3A_2104 = vector.multi_reduction <add>, %reduce_sum3A_2102, %reduce_sum3A_2103 [1, 2] : vector<1x128x128xi32> to vector<1xi32>
    %reduce_sum3A_2105 = vector.shape_cast %reduce_sum3A_2104 : vector<1xi32> to vector<1x1x1xi32>
    %reduce_sum3A_2106 = vector.extract %reduce_sum3A_2105[0, 0, 0] : i32 from vector<1x1x1xi32>
    %eq3A_2107 = arith.constant 6 : i32
    %eq3A_2108 = vector.broadcast %eq3A_2107 : i32 to vector<128x128xi32>
    %eq3A_2109 = arith.cmpi eq, %and3A_2022, %eq3A_2108 : vector<128x128xi32>
    %and3A_2110 = arith.andi %and3A_2016, %eq3A_2109 : vector<128x128xi1>
    %jit3A_2111 = arith.constant 1 : i32
    %jit3A_2112 = arith.constant 0 : i32
    %broadcast_in_dim3A_2113 = vector.broadcast %jit3A_2111 : i32 to vector<128x128xi32>
    %broadcast_in_dim3A_2114 = vector.broadcast %jit3A_2112 : i32 to vector<128x128xi32>
    %select_n3A_2115 = arith.select %and3A_2110, %broadcast_in_dim3A_2113, %broadcast_in_dim3A_2114 : vector<128x128xi1>, vector<128x128xi32>
    %reduce_sum3A_2116 = vector.shape_cast %select_n3A_2115 : vector<128x128xi32> to vector<1x128x128xi32>
    %reduce_sum3A_2117 = arith.constant dense<0> : vector<1xi32>
    %reduce_sum3A_2118 = vector.multi_reduction <add>, %reduce_sum3A_2116, %reduce_sum3A_2117 [1, 2] : vector<1x128x128xi32> to vector<1xi32>
    %reduce_sum3A_2119 = vector.shape_cast %reduce_sum3A_2118 : vector<1xi32> to vector<1x1x1xi32>
    %reduce_sum3A_2120 = vector.extract %reduce_sum3A_2119[0, 0, 0] : i32 from vector<1x1x1xi32>
    %eq3A_2121 = arith.constant 7 : i32
    %eq3A_2122 = vector.broadcast %eq3A_2121 : i32 to vector<128x128xi32>
    %eq3A_2123 = arith.cmpi eq, %and3A_2022, %eq3A_2122 : vector<128x128xi32>
    %and3A_2124 = arith.andi %and3A_2016, %eq3A_2123 : vector<128x128xi1>
    %jit3A_2125 = arith.constant 1 : i32
    %jit3A_2126 = arith.constant 0 : i32
    %broadcast_in_dim3A_2127 = vector.broadcast %jit3A_2125 : i32 to vector<128x128xi32>
    %broadcast_in_dim3A_2128 = vector.broadcast %jit3A_2126 : i32 to vector<128x128xi32>
    %select_n3A_2129 = arith.select %and3A_2124, %broadcast_in_dim3A_2127, %broadcast_in_dim3A_2128 : vector<128x128xi1>, vector<128x128xi32>
    %reduce_sum3A_2130 = vector.shape_cast %select_n3A_2129 : vector<128x128xi32> to vector<1x128x128xi32>
    %reduce_sum3A_2131 = arith.constant dense<0> : vector<1xi32>
    %reduce_sum3A_2132 = vector.multi_reduction <add>, %reduce_sum3A_2130, %reduce_sum3A_2131 [1, 2] : vector<1x128x128xi32> to vector<1xi32>
    %reduce_sum3A_2133 = vector.shape_cast %reduce_sum3A_2132 : vector<1xi32> to vector<1x1x1xi32>
    %reduce_sum3A_2134 = vector.extract %reduce_sum3A_2133[0, 0, 0] : i32 from vector<1x1x1xi32>
    %eq3A_2135 = arith.constant 8 : i32
    %eq3A_2136 = vector.broadcast %eq3A_2135 : i32 to vector<128x128xi32>
    %eq3A_2137 = arith.cmpi eq, %and3A_2022, %eq3A_2136 : vector<128x128xi32>
    %and3A_2138 = arith.andi %and3A_2016, %eq3A_2137 : vector<128x128xi1>
    %jit3A_2139 = arith.constant 1 : i32
    %jit3A_2140 = arith.constant 0 : i32
    %broadcast_in_dim3A_2141 = vector.broadcast %jit3A_2139 : i32 to vector<128x128xi32>
    %broadcast_in_dim3A_2142 = vector.broadcast %jit3A_2140 : i32 to vector<128x128xi32>
    %select_n3A_2143 = arith.select %and3A_2138, %broadcast_in_dim3A_2141, %broadcast_in_dim3A_2142 : vector<128x128xi1>, vector<128x128xi32>
    %reduce_sum3A_2144 = vector.shape_cast %select_n3A_2143 : vector<128x128xi32> to vector<1x128x128xi32>
    %reduce_sum3A_2145 = arith.constant dense<0> : vector<1xi32>
    %reduce_sum3A_2146 = vector.multi_reduction <add>, %reduce_sum3A_2144, %reduce_sum3A_2145 [1, 2] : vector<1x128x128xi32> to vector<1xi32>
    %reduce_sum3A_2147 = vector.shape_cast %reduce_sum3A_2146 : vector<1xi32> to vector<1x1x1xi32>
    %reduce_sum3A_2148 = vector.extract %reduce_sum3A_2147[0, 0, 0] : i32 from vector<1x1x1xi32>
    %eq3A_2149 = arith.constant 9 : i32
    %eq3A_2150 = vector.broadcast %eq3A_2149 : i32 to vector<128x128xi32>
    %eq3A_2151 = arith.cmpi eq, %and3A_2022, %eq3A_2150 : vector<128x128xi32>
    %and3A_2152 = arith.andi %and3A_2016, %eq3A_2151 : vector<128x128xi1>
    %jit3A_2153 = arith.constant 1 : i32
    %jit3A_2154 = arith.constant 0 : i32
    %broadcast_in_dim3A_2155 = vector.broadcast %jit3A_2153 : i32 to vector<128x128xi32>
    %broadcast_in_dim3A_2156 = vector.broadcast %jit3A_2154 : i32 to vector<128x128xi32>
    %select_n3A_2157 = arith.select %and3A_2152, %broadcast_in_dim3A_2155, %broadcast_in_dim3A_2156 : vector<128x128xi1>, vector<128x128xi32>
    %reduce_sum3A_2158 = vector.shape_cast %select_n3A_2157 : vector<128x128xi32> to vector<1x128x128xi32>
    %reduce_sum3A_2159 = arith.constant dense<0> : vector<1xi32>
    %reduce_sum3A_2160 = vector.multi_reduction <add>, %reduce_sum3A_2158, %reduce_sum3A_2159 [1, 2] : vector<1x128x128xi32> to vector<1xi32>
    %reduce_sum3A_2161 = vector.shape_cast %reduce_sum3A_2160 : vector<1xi32> to vector<1x1x1xi32>
    %reduce_sum3A_2162 = vector.extract %reduce_sum3A_2161[0, 0, 0] : i32 from vector<1x1x1xi32>
    %eq3A_2163 = arith.constant 10 : i32
    %eq3A_2164 = vector.broadcast %eq3A_2163 : i32 to vector<128x128xi32>
    %eq3A_2165 = arith.cmpi eq, %and3A_2022, %eq3A_2164 : vector<128x128xi32>
    %and3A_2166 = arith.andi %and3A_2016, %eq3A_2165 : vector<128x128xi1>
    %jit3A_2167 = arith.constant 1 : i32
    %jit3A_2168 = arith.constant 0 : i32
    %broadcast_in_dim3A_2169 = vector.broadcast %jit3A_2167 : i32 to vector<128x128xi32>
    %broadcast_in_dim3A_2170 = vector.broadcast %jit3A_2168 : i32 to vector<128x128xi32>
    %select_n3A_2171 = arith.select %and3A_2166, %broadcast_in_dim3A_2169, %broadcast_in_dim3A_2170 : vector<128x128xi1>, vector<128x128xi32>
    %reduce_sum3A_2172 = vector.shape_cast %select_n3A_2171 : vector<128x128xi32> to vector<1x128x128xi32>
    %reduce_sum3A_2173 = arith.constant dense<0> : vector<1xi32>
    %reduce_sum3A_2174 = vector.multi_reduction <add>, %reduce_sum3A_2172, %reduce_sum3A_2173 [1, 2] : vector<1x128x128xi32> to vector<1xi32>
    %reduce_sum3A_2175 = vector.shape_cast %reduce_sum3A_2174 : vector<1xi32> to vector<1x1x1xi32>
    %reduce_sum3A_2176 = vector.extract %reduce_sum3A_2175[0, 0, 0] : i32 from vector<1x1x1xi32>
    %eq3A_2177 = arith.constant 11 : i32
    %eq3A_2178 = vector.broadcast %eq3A_2177 : i32 to vector<128x128xi32>
    %eq3A_2179 = arith.cmpi eq, %and3A_2022, %eq3A_2178 : vector<128x128xi32>
    %and3A_2180 = arith.andi %and3A_2016, %eq3A_2179 : vector<128x128xi1>
    %jit3A_2181 = arith.constant 1 : i32
    %jit3A_2182 = arith.constant 0 : i32
    %broadcast_in_dim3A_2183 = vector.broadcast %jit3A_2181 : i32 to vector<128x128xi32>
    %broadcast_in_dim3A_2184 = vector.broadcast %jit3A_2182 : i32 to vector<128x128xi32>
    %select_n3A_2185 = arith.select %and3A_2180, %broadcast_in_dim3A_2183, %broadcast_in_dim3A_2184 : vector<128x128xi1>, vector<128x128xi32>
    %reduce_sum3A_2186 = vector.shape_cast %select_n3A_2185 : vector<128x128xi32> to vector<1x128x128xi32>
    %reduce_sum3A_2187 = arith.constant dense<0> : vector<1xi32>
    %reduce_sum3A_2188 = vector.multi_reduction <add>, %reduce_sum3A_2186, %reduce_sum3A_2187 [1, 2] : vector<1x128x128xi32> to vector<1xi32>
    %reduce_sum3A_2189 = vector.shape_cast %reduce_sum3A_2188 : vector<1xi32> to vector<1x1x1xi32>
    %reduce_sum3A_2190 = vector.extract %reduce_sum3A_2189[0, 0, 0] : i32 from vector<1x1x1xi32>
    %eq3A_2191 = arith.constant 12 : i32
    %eq3A_2192 = vector.broadcast %eq3A_2191 : i32 to vector<128x128xi32>
    %eq3A_2193 = arith.cmpi eq, %and3A_2022, %eq3A_2192 : vector<128x128xi32>
    %and3A_2194 = arith.andi %and3A_2016, %eq3A_2193 : vector<128x128xi1>
    %jit3A_2195 = arith.constant 1 : i32
    %jit3A_2196 = arith.constant 0 : i32
    %broadcast_in_dim3A_2197 = vector.broadcast %jit3A_2195 : i32 to vector<128x128xi32>
    %broadcast_in_dim3A_2198 = vector.broadcast %jit3A_2196 : i32 to vector<128x128xi32>
    %select_n3A_2199 = arith.select %and3A_2194, %broadcast_in_dim3A_2197, %broadcast_in_dim3A_2198 : vector<128x128xi1>, vector<128x128xi32>
    %reduce_sum3A_2200 = vector.shape_cast %select_n3A_2199 : vector<128x128xi32> to vector<1x128x128xi32>
    %reduce_sum3A_2201 = arith.constant dense<0> : vector<1xi32>
    %reduce_sum3A_2202 = vector.multi_reduction <add>, %reduce_sum3A_2200, %reduce_sum3A_2201 [1, 2] : vector<1x128x128xi32> to vector<1xi32>
    %reduce_sum3A_2203 = vector.shape_cast %reduce_sum3A_2202 : vector<1xi32> to vector<1x1x1xi32>
    %reduce_sum3A_2204 = vector.extract %reduce_sum3A_2203[0, 0, 0] : i32 from vector<1x1x1xi32>
    %eq3A_2205 = arith.constant 13 : i32
    %eq3A_2206 = vector.broadcast %eq3A_2205 : i32 to vector<128x128xi32>
    %eq3A_2207 = arith.cmpi eq, %and3A_2022, %eq3A_2206 : vector<128x128xi32>
    %and3A_2208 = arith.andi %and3A_2016, %eq3A_2207 : vector<128x128xi1>
    %jit3A_2209 = arith.constant 1 : i32
    %jit3A_2210 = arith.constant 0 : i32
    %broadcast_in_dim3A_2211 = vector.broadcast %jit3A_2209 : i32 to vector<128x128xi32>
    %broadcast_in_dim3A_2212 = vector.broadcast %jit3A_2210 : i32 to vector<128x128xi32>
    %select_n3A_2213 = arith.select %and3A_2208, %broadcast_in_dim3A_2211, %broadcast_in_dim3A_2212 : vector<128x128xi1>, vector<128x128xi32>
    %reduce_sum3A_2214 = vector.shape_cast %select_n3A_2213 : vector<128x128xi32> to vector<1x128x128xi32>
    %reduce_sum3A_2215 = arith.constant dense<0> : vector<1xi32>
    %reduce_sum3A_2216 = vector.multi_reduction <add>, %reduce_sum3A_2214, %reduce_sum3A_2215 [1, 2] : vector<1x128x128xi32> to vector<1xi32>
    %reduce_sum3A_2217 = vector.shape_cast %reduce_sum3A_2216 : vector<1xi32> to vector<1x1x1xi32>
    %reduce_sum3A_2218 = vector.extract %reduce_sum3A_2217[0, 0, 0] : i32 from vector<1x1x1xi32>
    %eq3A_2219 = arith.constant 14 : i32
    %eq3A_2220 = vector.broadcast %eq3A_2219 : i32 to vector<128x128xi32>
    %eq3A_2221 = arith.cmpi eq, %and3A_2022, %eq3A_2220 : vector<128x128xi32>
    %and3A_2222 = arith.andi %and3A_2016, %eq3A_2221 : vector<128x128xi1>
    %jit3A_2223 = arith.constant 1 : i32
    %jit3A_2224 = arith.constant 0 : i32
    %broadcast_in_dim3A_2225 = vector.broadcast %jit3A_2223 : i32 to vector<128x128xi32>
    %broadcast_in_dim3A_2226 = vector.broadcast %jit3A_2224 : i32 to vector<128x128xi32>
    %select_n3A_2227 = arith.select %and3A_2222, %broadcast_in_dim3A_2225, %broadcast_in_dim3A_2226 : vector<128x128xi1>, vector<128x128xi32>
    %reduce_sum3A_2228 = vector.shape_cast %select_n3A_2227 : vector<128x128xi32> to vector<1x128x128xi32>
    %reduce_sum3A_2229 = arith.constant dense<0> : vector<1xi32>
    %reduce_sum3A_2230 = vector.multi_reduction <add>, %reduce_sum3A_2228, %reduce_sum3A_2229 [1, 2] : vector<1x128x128xi32> to vector<1xi32>
    %reduce_sum3A_2231 = vector.shape_cast %reduce_sum3A_2230 : vector<1xi32> to vector<1x1x1xi32>
    %reduce_sum3A_2232 = vector.extract %reduce_sum3A_2231[0, 0, 0] : i32 from vector<1x1x1xi32>
    %add3A_2233 = arith.constant 0 : i32
    %add3A_2234 = arith.addi %add3A_2233, %reduce_sum3A_2036 : i32
    %add3A_2235 = arith.addi %add3A_2234, %reduce_sum3A_2050 : i32
    %add3A_2236 = arith.addi %add3A_2235, %reduce_sum3A_2064 : i32
    %add3A_2237 = arith.addi %add3A_2236, %reduce_sum3A_2078 : i32
    %add3A_2238 = arith.addi %add3A_2237, %reduce_sum3A_2092 : i32
    %add3A_2239 = arith.addi %add3A_2238, %reduce_sum3A_2106 : i32
    %add3A_2240 = arith.addi %add3A_2239, %reduce_sum3A_2120 : i32
    %add3A_2241 = arith.addi %add3A_2240, %reduce_sum3A_2134 : i32
    %add3A_2242 = arith.addi %add3A_2241, %reduce_sum3A_2148 : i32
    %add3A_2243 = arith.addi %add3A_2242, %reduce_sum3A_2162 : i32
    %add3A_2244 = arith.addi %add3A_2243, %reduce_sum3A_2176 : i32
    %add3A_2245 = arith.addi %add3A_2244, %reduce_sum3A_2190 : i32
    %add3A_2246 = arith.addi %add3A_2245, %reduce_sum3A_2204 : i32
    %add3A_2247 = arith.addi %add3A_2246, %reduce_sum3A_2218 : i32
    %add3A_2248 = arith.addi %add3A_2247, %reduce_sum3A_2232 : i32
    %le3A_2249 = arith.cmpi sle, %add3A_2234, %sub3A_2010 : i32
    %jit3A_2250 = arith.constant 1 : i32
    %jit3A_2251 = arith.constant 0 : i32
    %select_n3A_2252 = arith.select %le3A_2249, %jit3A_2250, %jit3A_2251 : i32
    %add3A_2253 = arith.constant 0 : i32
    %add3A_2254 = arith.addi %add3A_2253, %select_n3A_2252 : i32
    %le3A_2255 = arith.cmpi sle, %add3A_2235, %sub3A_2010 : i32
    %jit3A_2256 = arith.constant 1 : i32
    %jit3A_2257 = arith.constant 0 : i32
    %select_n3A_2258 = arith.select %le3A_2255, %jit3A_2256, %jit3A_2257 : i32
    %add3A_2259 = arith.addi %add3A_2254, %select_n3A_2258 : i32
    %le3A_2260 = arith.cmpi sle, %add3A_2236, %sub3A_2010 : i32
    %jit3A_2261 = arith.constant 1 : i32
    %jit3A_2262 = arith.constant 0 : i32
    %select_n3A_2263 = arith.select %le3A_2260, %jit3A_2261, %jit3A_2262 : i32
    %add3A_2264 = arith.addi %add3A_2259, %select_n3A_2263 : i32
    %le3A_2265 = arith.cmpi sle, %add3A_2237, %sub3A_2010 : i32
    %jit3A_2266 = arith.constant 1 : i32
    %jit3A_2267 = arith.constant 0 : i32
    %select_n3A_2268 = arith.select %le3A_2265, %jit3A_2266, %jit3A_2267 : i32
    %add3A_2269 = arith.addi %add3A_2264, %select_n3A_2268 : i32
    %le3A_2270 = arith.cmpi sle, %add3A_2238, %sub3A_2010 : i32
    %jit3A_2271 = arith.constant 1 : i32
    %jit3A_2272 = arith.constant 0 : i32
    %select_n3A_2273 = arith.select %le3A_2270, %jit3A_2271, %jit3A_2272 : i32
    %add3A_2274 = arith.addi %add3A_2269, %select_n3A_2273 : i32
    %le3A_2275 = arith.cmpi sle, %add3A_2239, %sub3A_2010 : i32
    %jit3A_2276 = arith.constant 1 : i32
    %jit3A_2277 = arith.constant 0 : i32
    %select_n3A_2278 = arith.select %le3A_2275, %jit3A_2276, %jit3A_2277 : i32
    %add3A_2279 = arith.addi %add3A_2274, %select_n3A_2278 : i32
    %le3A_2280 = arith.cmpi sle, %add3A_2240, %sub3A_2010 : i32
    %jit3A_2281 = arith.constant 1 : i32
    %jit3A_2282 = arith.constant 0 : i32
    %select_n3A_2283 = arith.select %le3A_2280, %jit3A_2281, %jit3A_2282 : i32
    %add3A_2284 = arith.addi %add3A_2279, %select_n3A_2283 : i32
    %le3A_2285 = arith.cmpi sle, %add3A_2241, %sub3A_2010 : i32
    %jit3A_2286 = arith.constant 1 : i32
    %jit3A_2287 = arith.constant 0 : i32
    %select_n3A_2288 = arith.select %le3A_2285, %jit3A_2286, %jit3A_2287 : i32
    %add3A_2289 = arith.addi %add3A_2284, %select_n3A_2288 : i32
    %le3A_2290 = arith.cmpi sle, %add3A_2242, %sub3A_2010 : i32
    %jit3A_2291 = arith.constant 1 : i32
    %jit3A_2292 = arith.constant 0 : i32
    %select_n3A_2293 = arith.select %le3A_2290, %jit3A_2291, %jit3A_2292 : i32
    %add3A_2294 = arith.addi %add3A_2289, %select_n3A_2293 : i32
    %le3A_2295 = arith.cmpi sle, %add3A_2243, %sub3A_2010 : i32
    %jit3A_2296 = arith.constant 1 : i32
    %jit3A_2297 = arith.constant 0 : i32
    %select_n3A_2298 = arith.select %le3A_2295, %jit3A_2296, %jit3A_2297 : i32
    %add3A_2299 = arith.addi %add3A_2294, %select_n3A_2298 : i32
    %le3A_2300 = arith.cmpi sle, %add3A_2244, %sub3A_2010 : i32
    %jit3A_2301 = arith.constant 1 : i32
    %jit3A_2302 = arith.constant 0 : i32
    %select_n3A_2303 = arith.select %le3A_2300, %jit3A_2301, %jit3A_2302 : i32
    %add3A_2304 = arith.addi %add3A_2299, %select_n3A_2303 : i32
    %le3A_2305 = arith.cmpi sle, %add3A_2245, %sub3A_2010 : i32
    %jit3A_2306 = arith.constant 1 : i32
    %jit3A_2307 = arith.constant 0 : i32
    %select_n3A_2308 = arith.select %le3A_2305, %jit3A_2306, %jit3A_2307 : i32
    %add3A_2309 = arith.addi %add3A_2304, %select_n3A_2308 : i32
    %le3A_2310 = arith.cmpi sle, %add3A_2246, %sub3A_2010 : i32
    %jit3A_2311 = arith.constant 1 : i32
    %jit3A_2312 = arith.constant 0 : i32
    %select_n3A_2313 = arith.select %le3A_2310, %jit3A_2311, %jit3A_2312 : i32
    %add3A_2314 = arith.addi %add3A_2309, %select_n3A_2313 : i32
    %le3A_2315 = arith.cmpi sle, %add3A_2247, %sub3A_2010 : i32
    %jit3A_2316 = arith.constant 1 : i32
    %jit3A_2317 = arith.constant 0 : i32
    %select_n3A_2318 = arith.select %le3A_2315, %jit3A_2316, %jit3A_2317 : i32
    %add3A_2319 = arith.addi %add3A_2314, %select_n3A_2318 : i32
    %le3A_2320 = arith.cmpi sle, %add3A_2248, %sub3A_2010 : i32
    %jit3A_2321 = arith.constant 1 : i32
    %jit3A_2322 = arith.constant 0 : i32
    %select_n3A_2323 = arith.select %le3A_2320, %jit3A_2321, %jit3A_2322 : i32
    %add3A_2324 = arith.addi %add3A_2319, %select_n3A_2323 : i32
    %eq3A_2325 = arith.constant 0 : i32
    %eq3A_2326 = arith.cmpi eq, %add3A_2324, %eq3A_2325 : i32
    %jit3A_2327 = arith.constant 0 : i32
    %jit3A_2328 = arith.constant 0 : i32
    %select_n3A_2329 = arith.select %eq3A_2326, %jit3A_2327, %jit3A_2328 : i32
    %add3A_2330 = arith.constant 0 : i32
    %add3A_2331 = arith.addi %add3A_2330, %select_n3A_2329 : i32
    %eq3A_2332 = arith.constant 1 : i32
    %eq3A_2333 = arith.cmpi eq, %add3A_2324, %eq3A_2332 : i32
    %jit3A_2334 = arith.constant 0 : i32
    %select_n3A_2335 = arith.select %eq3A_2333, %add3A_2234, %jit3A_2334 : i32
    %add3A_2336 = arith.addi %add3A_2331, %select_n3A_2335 : i32
    %eq3A_2337 = arith.constant 2 : i32
    %eq3A_2338 = arith.cmpi eq, %add3A_2324, %eq3A_2337 : i32
    %jit3A_2339 = arith.constant 0 : i32
    %select_n3A_2340 = arith.select %eq3A_2338, %add3A_2235, %jit3A_2339 : i32
    %add3A_2341 = arith.addi %add3A_2336, %select_n3A_2340 : i32
    %eq3A_2342 = arith.constant 3 : i32
    %eq3A_2343 = arith.cmpi eq, %add3A_2324, %eq3A_2342 : i32
    %jit3A_2344 = arith.constant 0 : i32
    %select_n3A_2345 = arith.select %eq3A_2343, %add3A_2236, %jit3A_2344 : i32
    %add3A_2346 = arith.addi %add3A_2341, %select_n3A_2345 : i32
    %eq3A_2347 = arith.constant 4 : i32
    %eq3A_2348 = arith.cmpi eq, %add3A_2324, %eq3A_2347 : i32
    %jit3A_2349 = arith.constant 0 : i32
    %select_n3A_2350 = arith.select %eq3A_2348, %add3A_2237, %jit3A_2349 : i32
    %add3A_2351 = arith.addi %add3A_2346, %select_n3A_2350 : i32
    %eq3A_2352 = arith.constant 5 : i32
    %eq3A_2353 = arith.cmpi eq, %add3A_2324, %eq3A_2352 : i32
    %jit3A_2354 = arith.constant 0 : i32
    %select_n3A_2355 = arith.select %eq3A_2353, %add3A_2238, %jit3A_2354 : i32
    %add3A_2356 = arith.addi %add3A_2351, %select_n3A_2355 : i32
    %eq3A_2357 = arith.constant 6 : i32
    %eq3A_2358 = arith.cmpi eq, %add3A_2324, %eq3A_2357 : i32
    %jit3A_2359 = arith.constant 0 : i32
    %select_n3A_2360 = arith.select %eq3A_2358, %add3A_2239, %jit3A_2359 : i32
    %add3A_2361 = arith.addi %add3A_2356, %select_n3A_2360 : i32
    %eq3A_2362 = arith.constant 7 : i32
    %eq3A_2363 = arith.cmpi eq, %add3A_2324, %eq3A_2362 : i32
    %jit3A_2364 = arith.constant 0 : i32
    %select_n3A_2365 = arith.select %eq3A_2363, %add3A_2240, %jit3A_2364 : i32
    %add3A_2366 = arith.addi %add3A_2361, %select_n3A_2365 : i32
    %eq3A_2367 = arith.constant 8 : i32
    %eq3A_2368 = arith.cmpi eq, %add3A_2324, %eq3A_2367 : i32
    %jit3A_2369 = arith.constant 0 : i32
    %select_n3A_2370 = arith.select %eq3A_2368, %add3A_2241, %jit3A_2369 : i32
    %add3A_2371 = arith.addi %add3A_2366, %select_n3A_2370 : i32
    %eq3A_2372 = arith.constant 9 : i32
    %eq3A_2373 = arith.cmpi eq, %add3A_2324, %eq3A_2372 : i32
    %jit3A_2374 = arith.constant 0 : i32
    %select_n3A_2375 = arith.select %eq3A_2373, %add3A_2242, %jit3A_2374 : i32
    %add3A_2376 = arith.addi %add3A_2371, %select_n3A_2375 : i32
    %eq3A_2377 = arith.constant 10 : i32
    %eq3A_2378 = arith.cmpi eq, %add3A_2324, %eq3A_2377 : i32
    %jit3A_2379 = arith.constant 0 : i32
    %select_n3A_2380 = arith.select %eq3A_2378, %add3A_2243, %jit3A_2379 : i32
    %add3A_2381 = arith.addi %add3A_2376, %select_n3A_2380 : i32
    %eq3A_2382 = arith.constant 11 : i32
    %eq3A_2383 = arith.cmpi eq, %add3A_2324, %eq3A_2382 : i32
    %jit3A_2384 = arith.constant 0 : i32
    %select_n3A_2385 = arith.select %eq3A_2383, %add3A_2244, %jit3A_2384 : i32
    %add3A_2386 = arith.addi %add3A_2381, %select_n3A_2385 : i32
    %eq3A_2387 = arith.constant 12 : i32
    %eq3A_2388 = arith.cmpi eq, %add3A_2324, %eq3A_2387 : i32
    %jit3A_2389 = arith.constant 0 : i32
    %select_n3A_2390 = arith.select %eq3A_2388, %add3A_2245, %jit3A_2389 : i32
    %add3A_2391 = arith.addi %add3A_2386, %select_n3A_2390 : i32
    %eq3A_2392 = arith.constant 13 : i32
    %eq3A_2393 = arith.cmpi eq, %add3A_2324, %eq3A_2392 : i32
    %jit3A_2394 = arith.constant 0 : i32
    %select_n3A_2395 = arith.select %eq3A_2393, %add3A_2246, %jit3A_2394 : i32
    %add3A_2396 = arith.addi %add3A_2391, %select_n3A_2395 : i32
    %eq3A_2397 = arith.constant 14 : i32
    %eq3A_2398 = arith.cmpi eq, %add3A_2324, %eq3A_2397 : i32
    %jit3A_2399 = arith.constant 0 : i32
    %select_n3A_2400 = arith.select %eq3A_2398, %add3A_2247, %jit3A_2399 : i32
    %add3A_2401 = arith.addi %add3A_2396, %select_n3A_2400 : i32
    %eq3A_2402 = arith.constant 15 : i32
    %eq3A_2403 = arith.cmpi eq, %add3A_2324, %eq3A_2402 : i32
    %jit3A_2404 = arith.constant 0 : i32
    %select_n3A_2405 = arith.select %eq3A_2403, %add3A_2248, %jit3A_2404 : i32
    %add3A_2406 = arith.addi %add3A_2401, %select_n3A_2405 : i32
    %sub3A_2407 = arith.subi %sub3A_2010, %add3A_2406 : i32
    %shift_left3A_2408 = arith.constant 8 : i32
    %shift_left3A_2409 = arith.shli %add3A_2324, %shift_left3A_2408 : i32
    %or3A_2410 = arith.ori %or3A_2013, %shift_left3A_2409 : i32
    %eq3A_2411 = vector.broadcast %add3A_2324 : i32 to vector<128x128xi32>
    %eq3A_2412 = arith.cmpi eq, %and3A_2022, %eq3A_2411 : vector<128x128xi32>
    %and3A_2413 = arith.andi %and3A_2016, %eq3A_2412 : vector<128x128xi1>
    %shift_right_logical3A_2414 = arith.constant 4 : i32
    %shift_right_logical3A_2415 = vector.broadcast %shift_right_logical3A_2414 : i32 to vector<128x128xi32>
    %shift_right_logical3A_2416 = arith.shrui %xor3A_17, %shift_right_logical3A_2415 : vector<128x128xi32>
    %and3A_2417 = arith.constant 15 : i32
    %and3A_2418 = vector.broadcast %and3A_2417 : i32 to vector<128x128xi32>
    %and3A_2419 = arith.andi %shift_right_logical3A_2416, %and3A_2418 : vector<128x128xi32>
    %eq3A_2420 = arith.constant 0 : i32
    %eq3A_2421 = vector.broadcast %eq3A_2420 : i32 to vector<128x128xi32>
    %eq3A_2422 = arith.cmpi eq, %and3A_2419, %eq3A_2421 : vector<128x128xi32>
    %and3A_2423 = arith.andi %and3A_2413, %eq3A_2422 : vector<128x128xi1>
    %jit3A_2424 = arith.constant 1 : i32
    %jit3A_2425 = arith.constant 0 : i32
    %broadcast_in_dim3A_2426 = vector.broadcast %jit3A_2424 : i32 to vector<128x128xi32>
    %broadcast_in_dim3A_2427 = vector.broadcast %jit3A_2425 : i32 to vector<128x128xi32>
    %select_n3A_2428 = arith.select %and3A_2423, %broadcast_in_dim3A_2426, %broadcast_in_dim3A_2427 : vector<128x128xi1>, vector<128x128xi32>
    %reduce_sum3A_2429 = vector.shape_cast %select_n3A_2428 : vector<128x128xi32> to vector<1x128x128xi32>
    %reduce_sum3A_2430 = arith.constant dense<0> : vector<1xi32>
    %reduce_sum3A_2431 = vector.multi_reduction <add>, %reduce_sum3A_2429, %reduce_sum3A_2430 [1, 2] : vector<1x128x128xi32> to vector<1xi32>
    %reduce_sum3A_2432 = vector.shape_cast %reduce_sum3A_2431 : vector<1xi32> to vector<1x1x1xi32>
    %reduce_sum3A_2433 = vector.extract %reduce_sum3A_2432[0, 0, 0] : i32 from vector<1x1x1xi32>
    %eq3A_2434 = arith.constant 1 : i32
    %eq3A_2435 = vector.broadcast %eq3A_2434 : i32 to vector<128x128xi32>
    %eq3A_2436 = arith.cmpi eq, %and3A_2419, %eq3A_2435 : vector<128x128xi32>
    %and3A_2437 = arith.andi %and3A_2413, %eq3A_2436 : vector<128x128xi1>
    %jit3A_2438 = arith.constant 1 : i32
    %jit3A_2439 = arith.constant 0 : i32
    %broadcast_in_dim3A_2440 = vector.broadcast %jit3A_2438 : i32 to vector<128x128xi32>
    %broadcast_in_dim3A_2441 = vector.broadcast %jit3A_2439 : i32 to vector<128x128xi32>
    %select_n3A_2442 = arith.select %and3A_2437, %broadcast_in_dim3A_2440, %broadcast_in_dim3A_2441 : vector<128x128xi1>, vector<128x128xi32>
    %reduce_sum3A_2443 = vector.shape_cast %select_n3A_2442 : vector<128x128xi32> to vector<1x128x128xi32>
    %reduce_sum3A_2444 = arith.constant dense<0> : vector<1xi32>
    %reduce_sum3A_2445 = vector.multi_reduction <add>, %reduce_sum3A_2443, %reduce_sum3A_2444 [1, 2] : vector<1x128x128xi32> to vector<1xi32>
    %reduce_sum3A_2446 = vector.shape_cast %reduce_sum3A_2445 : vector<1xi32> to vector<1x1x1xi32>
    %reduce_sum3A_2447 = vector.extract %reduce_sum3A_2446[0, 0, 0] : i32 from vector<1x1x1xi32>
    %eq3A_2448 = arith.constant 2 : i32
    %eq3A_2449 = vector.broadcast %eq3A_2448 : i32 to vector<128x128xi32>
    %eq3A_2450 = arith.cmpi eq, %and3A_2419, %eq3A_2449 : vector<128x128xi32>
    %and3A_2451 = arith.andi %and3A_2413, %eq3A_2450 : vector<128x128xi1>
    %jit3A_2452 = arith.constant 1 : i32
    %jit3A_2453 = arith.constant 0 : i32
    %broadcast_in_dim3A_2454 = vector.broadcast %jit3A_2452 : i32 to vector<128x128xi32>
    %broadcast_in_dim3A_2455 = vector.broadcast %jit3A_2453 : i32 to vector<128x128xi32>
    %select_n3A_2456 = arith.select %and3A_2451, %broadcast_in_dim3A_2454, %broadcast_in_dim3A_2455 : vector<128x128xi1>, vector<128x128xi32>
    %reduce_sum3A_2457 = vector.shape_cast %select_n3A_2456 : vector<128x128xi32> to vector<1x128x128xi32>
    %reduce_sum3A_2458 = arith.constant dense<0> : vector<1xi32>
    %reduce_sum3A_2459 = vector.multi_reduction <add>, %reduce_sum3A_2457, %reduce_sum3A_2458 [1, 2] : vector<1x128x128xi32> to vector<1xi32>
    %reduce_sum3A_2460 = vector.shape_cast %reduce_sum3A_2459 : vector<1xi32> to vector<1x1x1xi32>
    %reduce_sum3A_2461 = vector.extract %reduce_sum3A_2460[0, 0, 0] : i32 from vector<1x1x1xi32>
    %eq3A_2462 = arith.constant 3 : i32
    %eq3A_2463 = vector.broadcast %eq3A_2462 : i32 to vector<128x128xi32>
    %eq3A_2464 = arith.cmpi eq, %and3A_2419, %eq3A_2463 : vector<128x128xi32>
    %and3A_2465 = arith.andi %and3A_2413, %eq3A_2464 : vector<128x128xi1>
    %jit3A_2466 = arith.constant 1 : i32
    %jit3A_2467 = arith.constant 0 : i32
    %broadcast_in_dim3A_2468 = vector.broadcast %jit3A_2466 : i32 to vector<128x128xi32>
    %broadcast_in_dim3A_2469 = vector.broadcast %jit3A_2467 : i32 to vector<128x128xi32>
    %select_n3A_2470 = arith.select %and3A_2465, %broadcast_in_dim3A_2468, %broadcast_in_dim3A_2469 : vector<128x128xi1>, vector<128x128xi32>
    %reduce_sum3A_2471 = vector.shape_cast %select_n3A_2470 : vector<128x128xi32> to vector<1x128x128xi32>
    %reduce_sum3A_2472 = arith.constant dense<0> : vector<1xi32>
    %reduce_sum3A_2473 = vector.multi_reduction <add>, %reduce_sum3A_2471, %reduce_sum3A_2472 [1, 2] : vector<1x128x128xi32> to vector<1xi32>
    %reduce_sum3A_2474 = vector.shape_cast %reduce_sum3A_2473 : vector<1xi32> to vector<1x1x1xi32>
    %reduce_sum3A_2475 = vector.extract %reduce_sum3A_2474[0, 0, 0] : i32 from vector<1x1x1xi32>
    %eq3A_2476 = arith.constant 4 : i32
    %eq3A_2477 = vector.broadcast %eq3A_2476 : i32 to vector<128x128xi32>
    %eq3A_2478 = arith.cmpi eq, %and3A_2419, %eq3A_2477 : vector<128x128xi32>
    %and3A_2479 = arith.andi %and3A_2413, %eq3A_2478 : vector<128x128xi1>
    %jit3A_2480 = arith.constant 1 : i32
    %jit3A_2481 = arith.constant 0 : i32
    %broadcast_in_dim3A_2482 = vector.broadcast %jit3A_2480 : i32 to vector<128x128xi32>
    %broadcast_in_dim3A_2483 = vector.broadcast %jit3A_2481 : i32 to vector<128x128xi32>
    %select_n3A_2484 = arith.select %and3A_2479, %broadcast_in_dim3A_2482, %broadcast_in_dim3A_2483 : vector<128x128xi1>, vector<128x128xi32>
    %reduce_sum3A_2485 = vector.shape_cast %select_n3A_2484 : vector<128x128xi32> to vector<1x128x128xi32>
    %reduce_sum3A_2486 = arith.constant dense<0> : vector<1xi32>
    %reduce_sum3A_2487 = vector.multi_reduction <add>, %reduce_sum3A_2485, %reduce_sum3A_2486 [1, 2] : vector<1x128x128xi32> to vector<1xi32>
    %reduce_sum3A_2488 = vector.shape_cast %reduce_sum3A_2487 : vector<1xi32> to vector<1x1x1xi32>
    %reduce_sum3A_2489 = vector.extract %reduce_sum3A_2488[0, 0, 0] : i32 from vector<1x1x1xi32>
    %eq3A_2490 = arith.constant 5 : i32
    %eq3A_2491 = vector.broadcast %eq3A_2490 : i32 to vector<128x128xi32>
    %eq3A_2492 = arith.cmpi eq, %and3A_2419, %eq3A_2491 : vector<128x128xi32>
    %and3A_2493 = arith.andi %and3A_2413, %eq3A_2492 : vector<128x128xi1>
    %jit3A_2494 = arith.constant 1 : i32
    %jit3A_2495 = arith.constant 0 : i32
    %broadcast_in_dim3A_2496 = vector.broadcast %jit3A_2494 : i32 to vector<128x128xi32>
    %broadcast_in_dim3A_2497 = vector.broadcast %jit3A_2495 : i32 to vector<128x128xi32>
    %select_n3A_2498 = arith.select %and3A_2493, %broadcast_in_dim3A_2496, %broadcast_in_dim3A_2497 : vector<128x128xi1>, vector<128x128xi32>
    %reduce_sum3A_2499 = vector.shape_cast %select_n3A_2498 : vector<128x128xi32> to vector<1x128x128xi32>
    %reduce_sum3A_2500 = arith.constant dense<0> : vector<1xi32>
    %reduce_sum3A_2501 = vector.multi_reduction <add>, %reduce_sum3A_2499, %reduce_sum3A_2500 [1, 2] : vector<1x128x128xi32> to vector<1xi32>
    %reduce_sum3A_2502 = vector.shape_cast %reduce_sum3A_2501 : vector<1xi32> to vector<1x1x1xi32>
    %reduce_sum3A_2503 = vector.extract %reduce_sum3A_2502[0, 0, 0] : i32 from vector<1x1x1xi32>
    %eq3A_2504 = arith.constant 6 : i32
    %eq3A_2505 = vector.broadcast %eq3A_2504 : i32 to vector<128x128xi32>
    %eq3A_2506 = arith.cmpi eq, %and3A_2419, %eq3A_2505 : vector<128x128xi32>
    %and3A_2507 = arith.andi %and3A_2413, %eq3A_2506 : vector<128x128xi1>
    %jit3A_2508 = arith.constant 1 : i32
    %jit3A_2509 = arith.constant 0 : i32
    %broadcast_in_dim3A_2510 = vector.broadcast %jit3A_2508 : i32 to vector<128x128xi32>
    %broadcast_in_dim3A_2511 = vector.broadcast %jit3A_2509 : i32 to vector<128x128xi32>
    %select_n3A_2512 = arith.select %and3A_2507, %broadcast_in_dim3A_2510, %broadcast_in_dim3A_2511 : vector<128x128xi1>, vector<128x128xi32>
    %reduce_sum3A_2513 = vector.shape_cast %select_n3A_2512 : vector<128x128xi32> to vector<1x128x128xi32>
    %reduce_sum3A_2514 = arith.constant dense<0> : vector<1xi32>
    %reduce_sum3A_2515 = vector.multi_reduction <add>, %reduce_sum3A_2513, %reduce_sum3A_2514 [1, 2] : vector<1x128x128xi32> to vector<1xi32>
    %reduce_sum3A_2516 = vector.shape_cast %reduce_sum3A_2515 : vector<1xi32> to vector<1x1x1xi32>
    %reduce_sum3A_2517 = vector.extract %reduce_sum3A_2516[0, 0, 0] : i32 from vector<1x1x1xi32>
    %eq3A_2518 = arith.constant 7 : i32
    %eq3A_2519 = vector.broadcast %eq3A_2518 : i32 to vector<128x128xi32>
    %eq3A_2520 = arith.cmpi eq, %and3A_2419, %eq3A_2519 : vector<128x128xi32>
    %and3A_2521 = arith.andi %and3A_2413, %eq3A_2520 : vector<128x128xi1>
    %jit3A_2522 = arith.constant 1 : i32
    %jit3A_2523 = arith.constant 0 : i32
    %broadcast_in_dim3A_2524 = vector.broadcast %jit3A_2522 : i32 to vector<128x128xi32>
    %broadcast_in_dim3A_2525 = vector.broadcast %jit3A_2523 : i32 to vector<128x128xi32>
    %select_n3A_2526 = arith.select %and3A_2521, %broadcast_in_dim3A_2524, %broadcast_in_dim3A_2525 : vector<128x128xi1>, vector<128x128xi32>
    %reduce_sum3A_2527 = vector.shape_cast %select_n3A_2526 : vector<128x128xi32> to vector<1x128x128xi32>
    %reduce_sum3A_2528 = arith.constant dense<0> : vector<1xi32>
    %reduce_sum3A_2529 = vector.multi_reduction <add>, %reduce_sum3A_2527, %reduce_sum3A_2528 [1, 2] : vector<1x128x128xi32> to vector<1xi32>
    %reduce_sum3A_2530 = vector.shape_cast %reduce_sum3A_2529 : vector<1xi32> to vector<1x1x1xi32>
    %reduce_sum3A_2531 = vector.extract %reduce_sum3A_2530[0, 0, 0] : i32 from vector<1x1x1xi32>
    %eq3A_2532 = arith.constant 8 : i32
    %eq3A_2533 = vector.broadcast %eq3A_2532 : i32 to vector<128x128xi32>
    %eq3A_2534 = arith.cmpi eq, %and3A_2419, %eq3A_2533 : vector<128x128xi32>
    %and3A_2535 = arith.andi %and3A_2413, %eq3A_2534 : vector<128x128xi1>
    %jit3A_2536 = arith.constant 1 : i32
    %jit3A_2537 = arith.constant 0 : i32
    %broadcast_in_dim3A_2538 = vector.broadcast %jit3A_2536 : i32 to vector<128x128xi32>
    %broadcast_in_dim3A_2539 = vector.broadcast %jit3A_2537 : i32 to vector<128x128xi32>
    %select_n3A_2540 = arith.select %and3A_2535, %broadcast_in_dim3A_2538, %broadcast_in_dim3A_2539 : vector<128x128xi1>, vector<128x128xi32>
    %reduce_sum3A_2541 = vector.shape_cast %select_n3A_2540 : vector<128x128xi32> to vector<1x128x128xi32>
    %reduce_sum3A_2542 = arith.constant dense<0> : vector<1xi32>
    %reduce_sum3A_2543 = vector.multi_reduction <add>, %reduce_sum3A_2541, %reduce_sum3A_2542 [1, 2] : vector<1x128x128xi32> to vector<1xi32>
    %reduce_sum3A_2544 = vector.shape_cast %reduce_sum3A_2543 : vector<1xi32> to vector<1x1x1xi32>
    %reduce_sum3A_2545 = vector.extract %reduce_sum3A_2544[0, 0, 0] : i32 from vector<1x1x1xi32>
    %eq3A_2546 = arith.constant 9 : i32
    %eq3A_2547 = vector.broadcast %eq3A_2546 : i32 to vector<128x128xi32>
    %eq3A_2548 = arith.cmpi eq, %and3A_2419, %eq3A_2547 : vector<128x128xi32>
    %and3A_2549 = arith.andi %and3A_2413, %eq3A_2548 : vector<128x128xi1>
    %jit3A_2550 = arith.constant 1 : i32
    %jit3A_2551 = arith.constant 0 : i32
    %broadcast_in_dim3A_2552 = vector.broadcast %jit3A_2550 : i32 to vector<128x128xi32>
    %broadcast_in_dim3A_2553 = vector.broadcast %jit3A_2551 : i32 to vector<128x128xi32>
    %select_n3A_2554 = arith.select %and3A_2549, %broadcast_in_dim3A_2552, %broadcast_in_dim3A_2553 : vector<128x128xi1>, vector<128x128xi32>
    %reduce_sum3A_2555 = vector.shape_cast %select_n3A_2554 : vector<128x128xi32> to vector<1x128x128xi32>
    %reduce_sum3A_2556 = arith.constant dense<0> : vector<1xi32>
    %reduce_sum3A_2557 = vector.multi_reduction <add>, %reduce_sum3A_2555, %reduce_sum3A_2556 [1, 2] : vector<1x128x128xi32> to vector<1xi32>
    %reduce_sum3A_2558 = vector.shape_cast %reduce_sum3A_2557 : vector<1xi32> to vector<1x1x1xi32>
    %reduce_sum3A_2559 = vector.extract %reduce_sum3A_2558[0, 0, 0] : i32 from vector<1x1x1xi32>
    %eq3A_2560 = arith.constant 10 : i32
    %eq3A_2561 = vector.broadcast %eq3A_2560 : i32 to vector<128x128xi32>
    %eq3A_2562 = arith.cmpi eq, %and3A_2419, %eq3A_2561 : vector<128x128xi32>
    %and3A_2563 = arith.andi %and3A_2413, %eq3A_2562 : vector<128x128xi1>
    %jit3A_2564 = arith.constant 1 : i32
    %jit3A_2565 = arith.constant 0 : i32
    %broadcast_in_dim3A_2566 = vector.broadcast %jit3A_2564 : i32 to vector<128x128xi32>
    %broadcast_in_dim3A_2567 = vector.broadcast %jit3A_2565 : i32 to vector<128x128xi32>
    %select_n3A_2568 = arith.select %and3A_2563, %broadcast_in_dim3A_2566, %broadcast_in_dim3A_2567 : vector<128x128xi1>, vector<128x128xi32>
    %reduce_sum3A_2569 = vector.shape_cast %select_n3A_2568 : vector<128x128xi32> to vector<1x128x128xi32>
    %reduce_sum3A_2570 = arith.constant dense<0> : vector<1xi32>
    %reduce_sum3A_2571 = vector.multi_reduction <add>, %reduce_sum3A_2569, %reduce_sum3A_2570 [1, 2] : vector<1x128x128xi32> to vector<1xi32>
    %reduce_sum3A_2572 = vector.shape_cast %reduce_sum3A_2571 : vector<1xi32> to vector<1x1x1xi32>
    %reduce_sum3A_2573 = vector.extract %reduce_sum3A_2572[0, 0, 0] : i32 from vector<1x1x1xi32>
    %eq3A_2574 = arith.constant 11 : i32
    %eq3A_2575 = vector.broadcast %eq3A_2574 : i32 to vector<128x128xi32>
    %eq3A_2576 = arith.cmpi eq, %and3A_2419, %eq3A_2575 : vector<128x128xi32>
    %and3A_2577 = arith.andi %and3A_2413, %eq3A_2576 : vector<128x128xi1>
    %jit3A_2578 = arith.constant 1 : i32
    %jit3A_2579 = arith.constant 0 : i32
    %broadcast_in_dim3A_2580 = vector.broadcast %jit3A_2578 : i32 to vector<128x128xi32>
    %broadcast_in_dim3A_2581 = vector.broadcast %jit3A_2579 : i32 to vector<128x128xi32>
    %select_n3A_2582 = arith.select %and3A_2577, %broadcast_in_dim3A_2580, %broadcast_in_dim3A_2581 : vector<128x128xi1>, vector<128x128xi32>
    %reduce_sum3A_2583 = vector.shape_cast %select_n3A_2582 : vector<128x128xi32> to vector<1x128x128xi32>
    %reduce_sum3A_2584 = arith.constant dense<0> : vector<1xi32>
    %reduce_sum3A_2585 = vector.multi_reduction <add>, %reduce_sum3A_2583, %reduce_sum3A_2584 [1, 2] : vector<1x128x128xi32> to vector<1xi32>
    %reduce_sum3A_2586 = vector.shape_cast %reduce_sum3A_2585 : vector<1xi32> to vector<1x1x1xi32>
    %reduce_sum3A_2587 = vector.extract %reduce_sum3A_2586[0, 0, 0] : i32 from vector<1x1x1xi32>
    %eq3A_2588 = arith.constant 12 : i32
    %eq3A_2589 = vector.broadcast %eq3A_2588 : i32 to vector<128x128xi32>
    %eq3A_2590 = arith.cmpi eq, %and3A_2419, %eq3A_2589 : vector<128x128xi32>
    %and3A_2591 = arith.andi %and3A_2413, %eq3A_2590 : vector<128x128xi1>
    %jit3A_2592 = arith.constant 1 : i32
    %jit3A_2593 = arith.constant 0 : i32
    %broadcast_in_dim3A_2594 = vector.broadcast %jit3A_2592 : i32 to vector<128x128xi32>
    %broadcast_in_dim3A_2595 = vector.broadcast %jit3A_2593 : i32 to vector<128x128xi32>
    %select_n3A_2596 = arith.select %and3A_2591, %broadcast_in_dim3A_2594, %broadcast_in_dim3A_2595 : vector<128x128xi1>, vector<128x128xi32>
    %reduce_sum3A_2597 = vector.shape_cast %select_n3A_2596 : vector<128x128xi32> to vector<1x128x128xi32>
    %reduce_sum3A_2598 = arith.constant dense<0> : vector<1xi32>
    %reduce_sum3A_2599 = vector.multi_reduction <add>, %reduce_sum3A_2597, %reduce_sum3A_2598 [1, 2] : vector<1x128x128xi32> to vector<1xi32>
    %reduce_sum3A_2600 = vector.shape_cast %reduce_sum3A_2599 : vector<1xi32> to vector<1x1x1xi32>
    %reduce_sum3A_2601 = vector.extract %reduce_sum3A_2600[0, 0, 0] : i32 from vector<1x1x1xi32>
    %eq3A_2602 = arith.constant 13 : i32
    %eq3A_2603 = vector.broadcast %eq3A_2602 : i32 to vector<128x128xi32>
    %eq3A_2604 = arith.cmpi eq, %and3A_2419, %eq3A_2603 : vector<128x128xi32>
    %and3A_2605 = arith.andi %and3A_2413, %eq3A_2604 : vector<128x128xi1>
    %jit3A_2606 = arith.constant 1 : i32
    %jit3A_2607 = arith.constant 0 : i32
    %broadcast_in_dim3A_2608 = vector.broadcast %jit3A_2606 : i32 to vector<128x128xi32>
    %broadcast_in_dim3A_2609 = vector.broadcast %jit3A_2607 : i32 to vector<128x128xi32>
    %select_n3A_2610 = arith.select %and3A_2605, %broadcast_in_dim3A_2608, %broadcast_in_dim3A_2609 : vector<128x128xi1>, vector<128x128xi32>
    %reduce_sum3A_2611 = vector.shape_cast %select_n3A_2610 : vector<128x128xi32> to vector<1x128x128xi32>
    %reduce_sum3A_2612 = arith.constant dense<0> : vector<1xi32>
    %reduce_sum3A_2613 = vector.multi_reduction <add>, %reduce_sum3A_2611, %reduce_sum3A_2612 [1, 2] : vector<1x128x128xi32> to vector<1xi32>
    %reduce_sum3A_2614 = vector.shape_cast %reduce_sum3A_2613 : vector<1xi32> to vector<1x1x1xi32>
    %reduce_sum3A_2615 = vector.extract %reduce_sum3A_2614[0, 0, 0] : i32 from vector<1x1x1xi32>
    %eq3A_2616 = arith.constant 14 : i32
    %eq3A_2617 = vector.broadcast %eq3A_2616 : i32 to vector<128x128xi32>
    %eq3A_2618 = arith.cmpi eq, %and3A_2419, %eq3A_2617 : vector<128x128xi32>
    %and3A_2619 = arith.andi %and3A_2413, %eq3A_2618 : vector<128x128xi1>
    %jit3A_2620 = arith.constant 1 : i32
    %jit3A_2621 = arith.constant 0 : i32
    %broadcast_in_dim3A_2622 = vector.broadcast %jit3A_2620 : i32 to vector<128x128xi32>
    %broadcast_in_dim3A_2623 = vector.broadcast %jit3A_2621 : i32 to vector<128x128xi32>
    %select_n3A_2624 = arith.select %and3A_2619, %broadcast_in_dim3A_2622, %broadcast_in_dim3A_2623 : vector<128x128xi1>, vector<128x128xi32>
    %reduce_sum3A_2625 = vector.shape_cast %select_n3A_2624 : vector<128x128xi32> to vector<1x128x128xi32>
    %reduce_sum3A_2626 = arith.constant dense<0> : vector<1xi32>
    %reduce_sum3A_2627 = vector.multi_reduction <add>, %reduce_sum3A_2625, %reduce_sum3A_2626 [1, 2] : vector<1x128x128xi32> to vector<1xi32>
    %reduce_sum3A_2628 = vector.shape_cast %reduce_sum3A_2627 : vector<1xi32> to vector<1x1x1xi32>
    %reduce_sum3A_2629 = vector.extract %reduce_sum3A_2628[0, 0, 0] : i32 from vector<1x1x1xi32>
    %add3A_2630 = arith.constant 0 : i32
    %add3A_2631 = arith.addi %add3A_2630, %reduce_sum3A_2433 : i32
    %add3A_2632 = arith.addi %add3A_2631, %reduce_sum3A_2447 : i32
    %add3A_2633 = arith.addi %add3A_2632, %reduce_sum3A_2461 : i32
    %add3A_2634 = arith.addi %add3A_2633, %reduce_sum3A_2475 : i32
    %add3A_2635 = arith.addi %add3A_2634, %reduce_sum3A_2489 : i32
    %add3A_2636 = arith.addi %add3A_2635, %reduce_sum3A_2503 : i32
    %add3A_2637 = arith.addi %add3A_2636, %reduce_sum3A_2517 : i32
    %add3A_2638 = arith.addi %add3A_2637, %reduce_sum3A_2531 : i32
    %add3A_2639 = arith.addi %add3A_2638, %reduce_sum3A_2545 : i32
    %add3A_2640 = arith.addi %add3A_2639, %reduce_sum3A_2559 : i32
    %add3A_2641 = arith.addi %add3A_2640, %reduce_sum3A_2573 : i32
    %add3A_2642 = arith.addi %add3A_2641, %reduce_sum3A_2587 : i32
    %add3A_2643 = arith.addi %add3A_2642, %reduce_sum3A_2601 : i32
    %add3A_2644 = arith.addi %add3A_2643, %reduce_sum3A_2615 : i32
    %add3A_2645 = arith.addi %add3A_2644, %reduce_sum3A_2629 : i32
    %le3A_2646 = arith.cmpi sle, %add3A_2631, %sub3A_2407 : i32
    %jit3A_2647 = arith.constant 1 : i32
    %jit3A_2648 = arith.constant 0 : i32
    %select_n3A_2649 = arith.select %le3A_2646, %jit3A_2647, %jit3A_2648 : i32
    %add3A_2650 = arith.constant 0 : i32
    %add3A_2651 = arith.addi %add3A_2650, %select_n3A_2649 : i32
    %le3A_2652 = arith.cmpi sle, %add3A_2632, %sub3A_2407 : i32
    %jit3A_2653 = arith.constant 1 : i32
    %jit3A_2654 = arith.constant 0 : i32
    %select_n3A_2655 = arith.select %le3A_2652, %jit3A_2653, %jit3A_2654 : i32
    %add3A_2656 = arith.addi %add3A_2651, %select_n3A_2655 : i32
    %le3A_2657 = arith.cmpi sle, %add3A_2633, %sub3A_2407 : i32
    %jit3A_2658 = arith.constant 1 : i32
    %jit3A_2659 = arith.constant 0 : i32
    %select_n3A_2660 = arith.select %le3A_2657, %jit3A_2658, %jit3A_2659 : i32
    %add3A_2661 = arith.addi %add3A_2656, %select_n3A_2660 : i32
    %le3A_2662 = arith.cmpi sle, %add3A_2634, %sub3A_2407 : i32
    %jit3A_2663 = arith.constant 1 : i32
    %jit3A_2664 = arith.constant 0 : i32
    %select_n3A_2665 = arith.select %le3A_2662, %jit3A_2663, %jit3A_2664 : i32
    %add3A_2666 = arith.addi %add3A_2661, %select_n3A_2665 : i32
    %le3A_2667 = arith.cmpi sle, %add3A_2635, %sub3A_2407 : i32
    %jit3A_2668 = arith.constant 1 : i32
    %jit3A_2669 = arith.constant 0 : i32
    %select_n3A_2670 = arith.select %le3A_2667, %jit3A_2668, %jit3A_2669 : i32
    %add3A_2671 = arith.addi %add3A_2666, %select_n3A_2670 : i32
    %le3A_2672 = arith.cmpi sle, %add3A_2636, %sub3A_2407 : i32
    %jit3A_2673 = arith.constant 1 : i32
    %jit3A_2674 = arith.constant 0 : i32
    %select_n3A_2675 = arith.select %le3A_2672, %jit3A_2673, %jit3A_2674 : i32
    %add3A_2676 = arith.addi %add3A_2671, %select_n3A_2675 : i32
    %le3A_2677 = arith.cmpi sle, %add3A_2637, %sub3A_2407 : i32
    %jit3A_2678 = arith.constant 1 : i32
    %jit3A_2679 = arith.constant 0 : i32
    %select_n3A_2680 = arith.select %le3A_2677, %jit3A_2678, %jit3A_2679 : i32
    %add3A_2681 = arith.addi %add3A_2676, %select_n3A_2680 : i32
    %le3A_2682 = arith.cmpi sle, %add3A_2638, %sub3A_2407 : i32
    %jit3A_2683 = arith.constant 1 : i32
    %jit3A_2684 = arith.constant 0 : i32
    %select_n3A_2685 = arith.select %le3A_2682, %jit3A_2683, %jit3A_2684 : i32
    %add3A_2686 = arith.addi %add3A_2681, %select_n3A_2685 : i32
    %le3A_2687 = arith.cmpi sle, %add3A_2639, %sub3A_2407 : i32
    %jit3A_2688 = arith.constant 1 : i32
    %jit3A_2689 = arith.constant 0 : i32
    %select_n3A_2690 = arith.select %le3A_2687, %jit3A_2688, %jit3A_2689 : i32
    %add3A_2691 = arith.addi %add3A_2686, %select_n3A_2690 : i32
    %le3A_2692 = arith.cmpi sle, %add3A_2640, %sub3A_2407 : i32
    %jit3A_2693 = arith.constant 1 : i32
    %jit3A_2694 = arith.constant 0 : i32
    %select_n3A_2695 = arith.select %le3A_2692, %jit3A_2693, %jit3A_2694 : i32
    %add3A_2696 = arith.addi %add3A_2691, %select_n3A_2695 : i32
    %le3A_2697 = arith.cmpi sle, %add3A_2641, %sub3A_2407 : i32
    %jit3A_2698 = arith.constant 1 : i32
    %jit3A_2699 = arith.constant 0 : i32
    %select_n3A_2700 = arith.select %le3A_2697, %jit3A_2698, %jit3A_2699 : i32
    %add3A_2701 = arith.addi %add3A_2696, %select_n3A_2700 : i32
    %le3A_2702 = arith.cmpi sle, %add3A_2642, %sub3A_2407 : i32
    %jit3A_2703 = arith.constant 1 : i32
    %jit3A_2704 = arith.constant 0 : i32
    %select_n3A_2705 = arith.select %le3A_2702, %jit3A_2703, %jit3A_2704 : i32
    %add3A_2706 = arith.addi %add3A_2701, %select_n3A_2705 : i32
    %le3A_2707 = arith.cmpi sle, %add3A_2643, %sub3A_2407 : i32
    %jit3A_2708 = arith.constant 1 : i32
    %jit3A_2709 = arith.constant 0 : i32
    %select_n3A_2710 = arith.select %le3A_2707, %jit3A_2708, %jit3A_2709 : i32
    %add3A_2711 = arith.addi %add3A_2706, %select_n3A_2710 : i32
    %le3A_2712 = arith.cmpi sle, %add3A_2644, %sub3A_2407 : i32
    %jit3A_2713 = arith.constant 1 : i32
    %jit3A_2714 = arith.constant 0 : i32
    %select_n3A_2715 = arith.select %le3A_2712, %jit3A_2713, %jit3A_2714 : i32
    %add3A_2716 = arith.addi %add3A_2711, %select_n3A_2715 : i32
    %le3A_2717 = arith.cmpi sle, %add3A_2645, %sub3A_2407 : i32
    %jit3A_2718 = arith.constant 1 : i32
    %jit3A_2719 = arith.constant 0 : i32
    %select_n3A_2720 = arith.select %le3A_2717, %jit3A_2718, %jit3A_2719 : i32
    %add3A_2721 = arith.addi %add3A_2716, %select_n3A_2720 : i32
    %eq3A_2722 = arith.constant 0 : i32
    %eq3A_2723 = arith.cmpi eq, %add3A_2721, %eq3A_2722 : i32
    %jit3A_2724 = arith.constant 0 : i32
    %jit3A_2725 = arith.constant 0 : i32
    %select_n3A_2726 = arith.select %eq3A_2723, %jit3A_2724, %jit3A_2725 : i32
    %add3A_2727 = arith.constant 0 : i32
    %add3A_2728 = arith.addi %add3A_2727, %select_n3A_2726 : i32
    %eq3A_2729 = arith.constant 1 : i32
    %eq3A_2730 = arith.cmpi eq, %add3A_2721, %eq3A_2729 : i32
    %jit3A_2731 = arith.constant 0 : i32
    %select_n3A_2732 = arith.select %eq3A_2730, %add3A_2631, %jit3A_2731 : i32
    %add3A_2733 = arith.addi %add3A_2728, %select_n3A_2732 : i32
    %eq3A_2734 = arith.constant 2 : i32
    %eq3A_2735 = arith.cmpi eq, %add3A_2721, %eq3A_2734 : i32
    %jit3A_2736 = arith.constant 0 : i32
    %select_n3A_2737 = arith.select %eq3A_2735, %add3A_2632, %jit3A_2736 : i32
    %add3A_2738 = arith.addi %add3A_2733, %select_n3A_2737 : i32
    %eq3A_2739 = arith.constant 3 : i32
    %eq3A_2740 = arith.cmpi eq, %add3A_2721, %eq3A_2739 : i32
    %jit3A_2741 = arith.constant 0 : i32
    %select_n3A_2742 = arith.select %eq3A_2740, %add3A_2633, %jit3A_2741 : i32
    %add3A_2743 = arith.addi %add3A_2738, %select_n3A_2742 : i32
    %eq3A_2744 = arith.constant 4 : i32
    %eq3A_2745 = arith.cmpi eq, %add3A_2721, %eq3A_2744 : i32
    %jit3A_2746 = arith.constant 0 : i32
    %select_n3A_2747 = arith.select %eq3A_2745, %add3A_2634, %jit3A_2746 : i32
    %add3A_2748 = arith.addi %add3A_2743, %select_n3A_2747 : i32
    %eq3A_2749 = arith.constant 5 : i32
    %eq3A_2750 = arith.cmpi eq, %add3A_2721, %eq3A_2749 : i32
    %jit3A_2751 = arith.constant 0 : i32
    %select_n3A_2752 = arith.select %eq3A_2750, %add3A_2635, %jit3A_2751 : i32
    %add3A_2753 = arith.addi %add3A_2748, %select_n3A_2752 : i32
    %eq3A_2754 = arith.constant 6 : i32
    %eq3A_2755 = arith.cmpi eq, %add3A_2721, %eq3A_2754 : i32
    %jit3A_2756 = arith.constant 0 : i32
    %select_n3A_2757 = arith.select %eq3A_2755, %add3A_2636, %jit3A_2756 : i32
    %add3A_2758 = arith.addi %add3A_2753, %select_n3A_2757 : i32
    %eq3A_2759 = arith.constant 7 : i32
    %eq3A_2760 = arith.cmpi eq, %add3A_2721, %eq3A_2759 : i32
    %jit3A_2761 = arith.constant 0 : i32
    %select_n3A_2762 = arith.select %eq3A_2760, %add3A_2637, %jit3A_2761 : i32
    %add3A_2763 = arith.addi %add3A_2758, %select_n3A_2762 : i32
    %eq3A_2764 = arith.constant 8 : i32
    %eq3A_2765 = arith.cmpi eq, %add3A_2721, %eq3A_2764 : i32
    %jit3A_2766 = arith.constant 0 : i32
    %select_n3A_2767 = arith.select %eq3A_2765, %add3A_2638, %jit3A_2766 : i32
    %add3A_2768 = arith.addi %add3A_2763, %select_n3A_2767 : i32
    %eq3A_2769 = arith.constant 9 : i32
    %eq3A_2770 = arith.cmpi eq, %add3A_2721, %eq3A_2769 : i32
    %jit3A_2771 = arith.constant 0 : i32
    %select_n3A_2772 = arith.select %eq3A_2770, %add3A_2639, %jit3A_2771 : i32
    %add3A_2773 = arith.addi %add3A_2768, %select_n3A_2772 : i32
    %eq3A_2774 = arith.constant 10 : i32
    %eq3A_2775 = arith.cmpi eq, %add3A_2721, %eq3A_2774 : i32
    %jit3A_2776 = arith.constant 0 : i32
    %select_n3A_2777 = arith.select %eq3A_2775, %add3A_2640, %jit3A_2776 : i32
    %add3A_2778 = arith.addi %add3A_2773, %select_n3A_2777 : i32
    %eq3A_2779 = arith.constant 11 : i32
    %eq3A_2780 = arith.cmpi eq, %add3A_2721, %eq3A_2779 : i32
    %jit3A_2781 = arith.constant 0 : i32
    %select_n3A_2782 = arith.select %eq3A_2780, %add3A_2641, %jit3A_2781 : i32
    %add3A_2783 = arith.addi %add3A_2778, %select_n3A_2782 : i32
    %eq3A_2784 = arith.constant 12 : i32
    %eq3A_2785 = arith.cmpi eq, %add3A_2721, %eq3A_2784 : i32
    %jit3A_2786 = arith.constant 0 : i32
    %select_n3A_2787 = arith.select %eq3A_2785, %add3A_2642, %jit3A_2786 : i32
    %add3A_2788 = arith.addi %add3A_2783, %select_n3A_2787 : i32
    %eq3A_2789 = arith.constant 13 : i32
    %eq3A_2790 = arith.cmpi eq, %add3A_2721, %eq3A_2789 : i32
    %jit3A_2791 = arith.constant 0 : i32
    %select_n3A_2792 = arith.select %eq3A_2790, %add3A_2643, %jit3A_2791 : i32
    %add3A_2793 = arith.addi %add3A_2788, %select_n3A_2792 : i32
    %eq3A_2794 = arith.constant 14 : i32
    %eq3A_2795 = arith.cmpi eq, %add3A_2721, %eq3A_2794 : i32
    %jit3A_2796 = arith.constant 0 : i32
    %select_n3A_2797 = arith.select %eq3A_2795, %add3A_2644, %jit3A_2796 : i32
    %add3A_2798 = arith.addi %add3A_2793, %select_n3A_2797 : i32
    %eq3A_2799 = arith.constant 15 : i32
    %eq3A_2800 = arith.cmpi eq, %add3A_2721, %eq3A_2799 : i32
    %jit3A_2801 = arith.constant 0 : i32
    %select_n3A_2802 = arith.select %eq3A_2800, %add3A_2645, %jit3A_2801 : i32
    %add3A_2803 = arith.addi %add3A_2798, %select_n3A_2802 : i32
    %sub3A_2804 = arith.subi %sub3A_2407, %add3A_2803 : i32
    %shift_left3A_2805 = arith.constant 4 : i32
    %shift_left3A_2806 = arith.shli %add3A_2721, %shift_left3A_2805 : i32
    %or3A_2807 = arith.ori %or3A_2410, %shift_left3A_2806 : i32
    %eq3A_2808 = vector.broadcast %add3A_2721 : i32 to vector<128x128xi32>
    %eq3A_2809 = arith.cmpi eq, %and3A_2419, %eq3A_2808 : vector<128x128xi32>
    %and3A_2810 = arith.andi %and3A_2413, %eq3A_2809 : vector<128x128xi1>
    %shift_right_logical3A_2811 = arith.constant 0 : i32
    %shift_right_logical3A_2812 = vector.broadcast %shift_right_logical3A_2811 : i32 to vector<128x128xi32>
    %shift_right_logical3A_2813 = arith.shrui %xor3A_17, %shift_right_logical3A_2812 : vector<128x128xi32>
    %and3A_2814 = arith.constant 15 : i32
    %and3A_2815 = vector.broadcast %and3A_2814 : i32 to vector<128x128xi32>
    %and3A_2816 = arith.andi %shift_right_logical3A_2813, %and3A_2815 : vector<128x128xi32>
    %eq3A_2817 = arith.constant 0 : i32
    %eq3A_2818 = vector.broadcast %eq3A_2817 : i32 to vector<128x128xi32>
    %eq3A_2819 = arith.cmpi eq, %and3A_2816, %eq3A_2818 : vector<128x128xi32>
    %and3A_2820 = arith.andi %and3A_2810, %eq3A_2819 : vector<128x128xi1>
    %jit3A_2821 = arith.constant 1 : i32
    %jit3A_2822 = arith.constant 0 : i32
    %broadcast_in_dim3A_2823 = vector.broadcast %jit3A_2821 : i32 to vector<128x128xi32>
    %broadcast_in_dim3A_2824 = vector.broadcast %jit3A_2822 : i32 to vector<128x128xi32>
    %select_n3A_2825 = arith.select %and3A_2820, %broadcast_in_dim3A_2823, %broadcast_in_dim3A_2824 : vector<128x128xi1>, vector<128x128xi32>
    %reduce_sum3A_2826 = vector.shape_cast %select_n3A_2825 : vector<128x128xi32> to vector<1x128x128xi32>
    %reduce_sum3A_2827 = arith.constant dense<0> : vector<1xi32>
    %reduce_sum3A_2828 = vector.multi_reduction <add>, %reduce_sum3A_2826, %reduce_sum3A_2827 [1, 2] : vector<1x128x128xi32> to vector<1xi32>
    %reduce_sum3A_2829 = vector.shape_cast %reduce_sum3A_2828 : vector<1xi32> to vector<1x1x1xi32>
    %reduce_sum3A_2830 = vector.extract %reduce_sum3A_2829[0, 0, 0] : i32 from vector<1x1x1xi32>
    %eq3A_2831 = arith.constant 1 : i32
    %eq3A_2832 = vector.broadcast %eq3A_2831 : i32 to vector<128x128xi32>
    %eq3A_2833 = arith.cmpi eq, %and3A_2816, %eq3A_2832 : vector<128x128xi32>
    %and3A_2834 = arith.andi %and3A_2810, %eq3A_2833 : vector<128x128xi1>
    %jit3A_2835 = arith.constant 1 : i32
    %jit3A_2836 = arith.constant 0 : i32
    %broadcast_in_dim3A_2837 = vector.broadcast %jit3A_2835 : i32 to vector<128x128xi32>
    %broadcast_in_dim3A_2838 = vector.broadcast %jit3A_2836 : i32 to vector<128x128xi32>
    %select_n3A_2839 = arith.select %and3A_2834, %broadcast_in_dim3A_2837, %broadcast_in_dim3A_2838 : vector<128x128xi1>, vector<128x128xi32>
    %reduce_sum3A_2840 = vector.shape_cast %select_n3A_2839 : vector<128x128xi32> to vector<1x128x128xi32>
    %reduce_sum3A_2841 = arith.constant dense<0> : vector<1xi32>
    %reduce_sum3A_2842 = vector.multi_reduction <add>, %reduce_sum3A_2840, %reduce_sum3A_2841 [1, 2] : vector<1x128x128xi32> to vector<1xi32>
    %reduce_sum3A_2843 = vector.shape_cast %reduce_sum3A_2842 : vector<1xi32> to vector<1x1x1xi32>
    %reduce_sum3A_2844 = vector.extract %reduce_sum3A_2843[0, 0, 0] : i32 from vector<1x1x1xi32>
    %eq3A_2845 = arith.constant 2 : i32
    %eq3A_2846 = vector.broadcast %eq3A_2845 : i32 to vector<128x128xi32>
    %eq3A_2847 = arith.cmpi eq, %and3A_2816, %eq3A_2846 : vector<128x128xi32>
    %and3A_2848 = arith.andi %and3A_2810, %eq3A_2847 : vector<128x128xi1>
    %jit3A_2849 = arith.constant 1 : i32
    %jit3A_2850 = arith.constant 0 : i32
    %broadcast_in_dim3A_2851 = vector.broadcast %jit3A_2849 : i32 to vector<128x128xi32>
    %broadcast_in_dim3A_2852 = vector.broadcast %jit3A_2850 : i32 to vector<128x128xi32>
    %select_n3A_2853 = arith.select %and3A_2848, %broadcast_in_dim3A_2851, %broadcast_in_dim3A_2852 : vector<128x128xi1>, vector<128x128xi32>
    %reduce_sum3A_2854 = vector.shape_cast %select_n3A_2853 : vector<128x128xi32> to vector<1x128x128xi32>
    %reduce_sum3A_2855 = arith.constant dense<0> : vector<1xi32>
    %reduce_sum3A_2856 = vector.multi_reduction <add>, %reduce_sum3A_2854, %reduce_sum3A_2855 [1, 2] : vector<1x128x128xi32> to vector<1xi32>
    %reduce_sum3A_2857 = vector.shape_cast %reduce_sum3A_2856 : vector<1xi32> to vector<1x1x1xi32>
    %reduce_sum3A_2858 = vector.extract %reduce_sum3A_2857[0, 0, 0] : i32 from vector<1x1x1xi32>
    %eq3A_2859 = arith.constant 3 : i32
    %eq3A_2860 = vector.broadcast %eq3A_2859 : i32 to vector<128x128xi32>
    %eq3A_2861 = arith.cmpi eq, %and3A_2816, %eq3A_2860 : vector<128x128xi32>
    %and3A_2862 = arith.andi %and3A_2810, %eq3A_2861 : vector<128x128xi1>
    %jit3A_2863 = arith.constant 1 : i32
    %jit3A_2864 = arith.constant 0 : i32
    %broadcast_in_dim3A_2865 = vector.broadcast %jit3A_2863 : i32 to vector<128x128xi32>
    %broadcast_in_dim3A_2866 = vector.broadcast %jit3A_2864 : i32 to vector<128x128xi32>
    %select_n3A_2867 = arith.select %and3A_2862, %broadcast_in_dim3A_2865, %broadcast_in_dim3A_2866 : vector<128x128xi1>, vector<128x128xi32>
    %reduce_sum3A_2868 = vector.shape_cast %select_n3A_2867 : vector<128x128xi32> to vector<1x128x128xi32>
    %reduce_sum3A_2869 = arith.constant dense<0> : vector<1xi32>
    %reduce_sum3A_2870 = vector.multi_reduction <add>, %reduce_sum3A_2868, %reduce_sum3A_2869 [1, 2] : vector<1x128x128xi32> to vector<1xi32>
    %reduce_sum3A_2871 = vector.shape_cast %reduce_sum3A_2870 : vector<1xi32> to vector<1x1x1xi32>
    %reduce_sum3A_2872 = vector.extract %reduce_sum3A_2871[0, 0, 0] : i32 from vector<1x1x1xi32>
    %eq3A_2873 = arith.constant 4 : i32
    %eq3A_2874 = vector.broadcast %eq3A_2873 : i32 to vector<128x128xi32>
    %eq3A_2875 = arith.cmpi eq, %and3A_2816, %eq3A_2874 : vector<128x128xi32>
    %and3A_2876 = arith.andi %and3A_2810, %eq3A_2875 : vector<128x128xi1>
    %jit3A_2877 = arith.constant 1 : i32
    %jit3A_2878 = arith.constant 0 : i32
    %broadcast_in_dim3A_2879 = vector.broadcast %jit3A_2877 : i32 to vector<128x128xi32>
    %broadcast_in_dim3A_2880 = vector.broadcast %jit3A_2878 : i32 to vector<128x128xi32>
    %select_n3A_2881 = arith.select %and3A_2876, %broadcast_in_dim3A_2879, %broadcast_in_dim3A_2880 : vector<128x128xi1>, vector<128x128xi32>
    %reduce_sum3A_2882 = vector.shape_cast %select_n3A_2881 : vector<128x128xi32> to vector<1x128x128xi32>
    %reduce_sum3A_2883 = arith.constant dense<0> : vector<1xi32>
    %reduce_sum3A_2884 = vector.multi_reduction <add>, %reduce_sum3A_2882, %reduce_sum3A_2883 [1, 2] : vector<1x128x128xi32> to vector<1xi32>
    %reduce_sum3A_2885 = vector.shape_cast %reduce_sum3A_2884 : vector<1xi32> to vector<1x1x1xi32>
    %reduce_sum3A_2886 = vector.extract %reduce_sum3A_2885[0, 0, 0] : i32 from vector<1x1x1xi32>
    %eq3A_2887 = arith.constant 5 : i32
    %eq3A_2888 = vector.broadcast %eq3A_2887 : i32 to vector<128x128xi32>
    %eq3A_2889 = arith.cmpi eq, %and3A_2816, %eq3A_2888 : vector<128x128xi32>
    %and3A_2890 = arith.andi %and3A_2810, %eq3A_2889 : vector<128x128xi1>
    %jit3A_2891 = arith.constant 1 : i32
    %jit3A_2892 = arith.constant 0 : i32
    %broadcast_in_dim3A_2893 = vector.broadcast %jit3A_2891 : i32 to vector<128x128xi32>
    %broadcast_in_dim3A_2894 = vector.broadcast %jit3A_2892 : i32 to vector<128x128xi32>
    %select_n3A_2895 = arith.select %and3A_2890, %broadcast_in_dim3A_2893, %broadcast_in_dim3A_2894 : vector<128x128xi1>, vector<128x128xi32>
    %reduce_sum3A_2896 = vector.shape_cast %select_n3A_2895 : vector<128x128xi32> to vector<1x128x128xi32>
    %reduce_sum3A_2897 = arith.constant dense<0> : vector<1xi32>
    %reduce_sum3A_2898 = vector.multi_reduction <add>, %reduce_sum3A_2896, %reduce_sum3A_2897 [1, 2] : vector<1x128x128xi32> to vector<1xi32>
    %reduce_sum3A_2899 = vector.shape_cast %reduce_sum3A_2898 : vector<1xi32> to vector<1x1x1xi32>
    %reduce_sum3A_2900 = vector.extract %reduce_sum3A_2899[0, 0, 0] : i32 from vector<1x1x1xi32>
    %eq3A_2901 = arith.constant 6 : i32
    %eq3A_2902 = vector.broadcast %eq3A_2901 : i32 to vector<128x128xi32>
    %eq3A_2903 = arith.cmpi eq, %and3A_2816, %eq3A_2902 : vector<128x128xi32>
    %and3A_2904 = arith.andi %and3A_2810, %eq3A_2903 : vector<128x128xi1>
    %jit3A_2905 = arith.constant 1 : i32
    %jit3A_2906 = arith.constant 0 : i32
    %broadcast_in_dim3A_2907 = vector.broadcast %jit3A_2905 : i32 to vector<128x128xi32>
    %broadcast_in_dim3A_2908 = vector.broadcast %jit3A_2906 : i32 to vector<128x128xi32>
    %select_n3A_2909 = arith.select %and3A_2904, %broadcast_in_dim3A_2907, %broadcast_in_dim3A_2908 : vector<128x128xi1>, vector<128x128xi32>
    %reduce_sum3A_2910 = vector.shape_cast %select_n3A_2909 : vector<128x128xi32> to vector<1x128x128xi32>
    %reduce_sum3A_2911 = arith.constant dense<0> : vector<1xi32>
    %reduce_sum3A_2912 = vector.multi_reduction <add>, %reduce_sum3A_2910, %reduce_sum3A_2911 [1, 2] : vector<1x128x128xi32> to vector<1xi32>
    %reduce_sum3A_2913 = vector.shape_cast %reduce_sum3A_2912 : vector<1xi32> to vector<1x1x1xi32>
    %reduce_sum3A_2914 = vector.extract %reduce_sum3A_2913[0, 0, 0] : i32 from vector<1x1x1xi32>
    %eq3A_2915 = arith.constant 7 : i32
    %eq3A_2916 = vector.broadcast %eq3A_2915 : i32 to vector<128x128xi32>
    %eq3A_2917 = arith.cmpi eq, %and3A_2816, %eq3A_2916 : vector<128x128xi32>
    %and3A_2918 = arith.andi %and3A_2810, %eq3A_2917 : vector<128x128xi1>
    %jit3A_2919 = arith.constant 1 : i32
    %jit3A_2920 = arith.constant 0 : i32
    %broadcast_in_dim3A_2921 = vector.broadcast %jit3A_2919 : i32 to vector<128x128xi32>
    %broadcast_in_dim3A_2922 = vector.broadcast %jit3A_2920 : i32 to vector<128x128xi32>
    %select_n3A_2923 = arith.select %and3A_2918, %broadcast_in_dim3A_2921, %broadcast_in_dim3A_2922 : vector<128x128xi1>, vector<128x128xi32>
    %reduce_sum3A_2924 = vector.shape_cast %select_n3A_2923 : vector<128x128xi32> to vector<1x128x128xi32>
    %reduce_sum3A_2925 = arith.constant dense<0> : vector<1xi32>
    %reduce_sum3A_2926 = vector.multi_reduction <add>, %reduce_sum3A_2924, %reduce_sum3A_2925 [1, 2] : vector<1x128x128xi32> to vector<1xi32>
    %reduce_sum3A_2927 = vector.shape_cast %reduce_sum3A_2926 : vector<1xi32> to vector<1x1x1xi32>
    %reduce_sum3A_2928 = vector.extract %reduce_sum3A_2927[0, 0, 0] : i32 from vector<1x1x1xi32>
    %eq3A_2929 = arith.constant 8 : i32
    %eq3A_2930 = vector.broadcast %eq3A_2929 : i32 to vector<128x128xi32>
    %eq3A_2931 = arith.cmpi eq, %and3A_2816, %eq3A_2930 : vector<128x128xi32>
    %and3A_2932 = arith.andi %and3A_2810, %eq3A_2931 : vector<128x128xi1>
    %jit3A_2933 = arith.constant 1 : i32
    %jit3A_2934 = arith.constant 0 : i32
    %broadcast_in_dim3A_2935 = vector.broadcast %jit3A_2933 : i32 to vector<128x128xi32>
    %broadcast_in_dim3A_2936 = vector.broadcast %jit3A_2934 : i32 to vector<128x128xi32>
    %select_n3A_2937 = arith.select %and3A_2932, %broadcast_in_dim3A_2935, %broadcast_in_dim3A_2936 : vector<128x128xi1>, vector<128x128xi32>
    %reduce_sum3A_2938 = vector.shape_cast %select_n3A_2937 : vector<128x128xi32> to vector<1x128x128xi32>
    %reduce_sum3A_2939 = arith.constant dense<0> : vector<1xi32>
    %reduce_sum3A_2940 = vector.multi_reduction <add>, %reduce_sum3A_2938, %reduce_sum3A_2939 [1, 2] : vector<1x128x128xi32> to vector<1xi32>
    %reduce_sum3A_2941 = vector.shape_cast %reduce_sum3A_2940 : vector<1xi32> to vector<1x1x1xi32>
    %reduce_sum3A_2942 = vector.extract %reduce_sum3A_2941[0, 0, 0] : i32 from vector<1x1x1xi32>
    %eq3A_2943 = arith.constant 9 : i32
    %eq3A_2944 = vector.broadcast %eq3A_2943 : i32 to vector<128x128xi32>
    %eq3A_2945 = arith.cmpi eq, %and3A_2816, %eq3A_2944 : vector<128x128xi32>
    %and3A_2946 = arith.andi %and3A_2810, %eq3A_2945 : vector<128x128xi1>
    %jit3A_2947 = arith.constant 1 : i32
    %jit3A_2948 = arith.constant 0 : i32
    %broadcast_in_dim3A_2949 = vector.broadcast %jit3A_2947 : i32 to vector<128x128xi32>
    %broadcast_in_dim3A_2950 = vector.broadcast %jit3A_2948 : i32 to vector<128x128xi32>
    %select_n3A_2951 = arith.select %and3A_2946, %broadcast_in_dim3A_2949, %broadcast_in_dim3A_2950 : vector<128x128xi1>, vector<128x128xi32>
    %reduce_sum3A_2952 = vector.shape_cast %select_n3A_2951 : vector<128x128xi32> to vector<1x128x128xi32>
    %reduce_sum3A_2953 = arith.constant dense<0> : vector<1xi32>
    %reduce_sum3A_2954 = vector.multi_reduction <add>, %reduce_sum3A_2952, %reduce_sum3A_2953 [1, 2] : vector<1x128x128xi32> to vector<1xi32>
    %reduce_sum3A_2955 = vector.shape_cast %reduce_sum3A_2954 : vector<1xi32> to vector<1x1x1xi32>
    %reduce_sum3A_2956 = vector.extract %reduce_sum3A_2955[0, 0, 0] : i32 from vector<1x1x1xi32>
    %eq3A_2957 = arith.constant 10 : i32
    %eq3A_2958 = vector.broadcast %eq3A_2957 : i32 to vector<128x128xi32>
    %eq3A_2959 = arith.cmpi eq, %and3A_2816, %eq3A_2958 : vector<128x128xi32>
    %and3A_2960 = arith.andi %and3A_2810, %eq3A_2959 : vector<128x128xi1>
    %jit3A_2961 = arith.constant 1 : i32
    %jit3A_2962 = arith.constant 0 : i32
    %broadcast_in_dim3A_2963 = vector.broadcast %jit3A_2961 : i32 to vector<128x128xi32>
    %broadcast_in_dim3A_2964 = vector.broadcast %jit3A_2962 : i32 to vector<128x128xi32>
    %select_n3A_2965 = arith.select %and3A_2960, %broadcast_in_dim3A_2963, %broadcast_in_dim3A_2964 : vector<128x128xi1>, vector<128x128xi32>
    %reduce_sum3A_2966 = vector.shape_cast %select_n3A_2965 : vector<128x128xi32> to vector<1x128x128xi32>
    %reduce_sum3A_2967 = arith.constant dense<0> : vector<1xi32>
    %reduce_sum3A_2968 = vector.multi_reduction <add>, %reduce_sum3A_2966, %reduce_sum3A_2967 [1, 2] : vector<1x128x128xi32> to vector<1xi32>
    %reduce_sum3A_2969 = vector.shape_cast %reduce_sum3A_2968 : vector<1xi32> to vector<1x1x1xi32>
    %reduce_sum3A_2970 = vector.extract %reduce_sum3A_2969[0, 0, 0] : i32 from vector<1x1x1xi32>
    %eq3A_2971 = arith.constant 11 : i32
    %eq3A_2972 = vector.broadcast %eq3A_2971 : i32 to vector<128x128xi32>
    %eq3A_2973 = arith.cmpi eq, %and3A_2816, %eq3A_2972 : vector<128x128xi32>
    %and3A_2974 = arith.andi %and3A_2810, %eq3A_2973 : vector<128x128xi1>
    %jit3A_2975 = arith.constant 1 : i32
    %jit3A_2976 = arith.constant 0 : i32
    %broadcast_in_dim3A_2977 = vector.broadcast %jit3A_2975 : i32 to vector<128x128xi32>
    %broadcast_in_dim3A_2978 = vector.broadcast %jit3A_2976 : i32 to vector<128x128xi32>
    %select_n3A_2979 = arith.select %and3A_2974, %broadcast_in_dim3A_2977, %broadcast_in_dim3A_2978 : vector<128x128xi1>, vector<128x128xi32>
    %reduce_sum3A_2980 = vector.shape_cast %select_n3A_2979 : vector<128x128xi32> to vector<1x128x128xi32>
    %reduce_sum3A_2981 = arith.constant dense<0> : vector<1xi32>
    %reduce_sum3A_2982 = vector.multi_reduction <add>, %reduce_sum3A_2980, %reduce_sum3A_2981 [1, 2] : vector<1x128x128xi32> to vector<1xi32>
    %reduce_sum3A_2983 = vector.shape_cast %reduce_sum3A_2982 : vector<1xi32> to vector<1x1x1xi32>
    %reduce_sum3A_2984 = vector.extract %reduce_sum3A_2983[0, 0, 0] : i32 from vector<1x1x1xi32>
    %eq3A_2985 = arith.constant 12 : i32
    %eq3A_2986 = vector.broadcast %eq3A_2985 : i32 to vector<128x128xi32>
    %eq3A_2987 = arith.cmpi eq, %and3A_2816, %eq3A_2986 : vector<128x128xi32>
    %and3A_2988 = arith.andi %and3A_2810, %eq3A_2987 : vector<128x128xi1>
    %jit3A_2989 = arith.constant 1 : i32
    %jit3A_2990 = arith.constant 0 : i32
    %broadcast_in_dim3A_2991 = vector.broadcast %jit3A_2989 : i32 to vector<128x128xi32>
    %broadcast_in_dim3A_2992 = vector.broadcast %jit3A_2990 : i32 to vector<128x128xi32>
    %select_n3A_2993 = arith.select %and3A_2988, %broadcast_in_dim3A_2991, %broadcast_in_dim3A_2992 : vector<128x128xi1>, vector<128x128xi32>
    %reduce_sum3A_2994 = vector.shape_cast %select_n3A_2993 : vector<128x128xi32> to vector<1x128x128xi32>
    %reduce_sum3A_2995 = arith.constant dense<0> : vector<1xi32>
    %reduce_sum3A_2996 = vector.multi_reduction <add>, %reduce_sum3A_2994, %reduce_sum3A_2995 [1, 2] : vector<1x128x128xi32> to vector<1xi32>
    %reduce_sum3A_2997 = vector.shape_cast %reduce_sum3A_2996 : vector<1xi32> to vector<1x1x1xi32>
    %reduce_sum3A_2998 = vector.extract %reduce_sum3A_2997[0, 0, 0] : i32 from vector<1x1x1xi32>
    %eq3A_2999 = arith.constant 13 : i32
    %eq3A_3000 = vector.broadcast %eq3A_2999 : i32 to vector<128x128xi32>
    %eq3A_3001 = arith.cmpi eq, %and3A_2816, %eq3A_3000 : vector<128x128xi32>
    %and3A_3002 = arith.andi %and3A_2810, %eq3A_3001 : vector<128x128xi1>
    %jit3A_3003 = arith.constant 1 : i32
    %jit3A_3004 = arith.constant 0 : i32
    %broadcast_in_dim3A_3005 = vector.broadcast %jit3A_3003 : i32 to vector<128x128xi32>
    %broadcast_in_dim3A_3006 = vector.broadcast %jit3A_3004 : i32 to vector<128x128xi32>
    %select_n3A_3007 = arith.select %and3A_3002, %broadcast_in_dim3A_3005, %broadcast_in_dim3A_3006 : vector<128x128xi1>, vector<128x128xi32>
    %reduce_sum3A_3008 = vector.shape_cast %select_n3A_3007 : vector<128x128xi32> to vector<1x128x128xi32>
    %reduce_sum3A_3009 = arith.constant dense<0> : vector<1xi32>
    %reduce_sum3A_3010 = vector.multi_reduction <add>, %reduce_sum3A_3008, %reduce_sum3A_3009 [1, 2] : vector<1x128x128xi32> to vector<1xi32>
    %reduce_sum3A_3011 = vector.shape_cast %reduce_sum3A_3010 : vector<1xi32> to vector<1x1x1xi32>
    %reduce_sum3A_3012 = vector.extract %reduce_sum3A_3011[0, 0, 0] : i32 from vector<1x1x1xi32>
    %eq3A_3013 = arith.constant 14 : i32
    %eq3A_3014 = vector.broadcast %eq3A_3013 : i32 to vector<128x128xi32>
    %eq3A_3015 = arith.cmpi eq, %and3A_2816, %eq3A_3014 : vector<128x128xi32>
    %and3A_3016 = arith.andi %and3A_2810, %eq3A_3015 : vector<128x128xi1>
    %jit3A_3017 = arith.constant 1 : i32
    %jit3A_3018 = arith.constant 0 : i32
    %broadcast_in_dim3A_3019 = vector.broadcast %jit3A_3017 : i32 to vector<128x128xi32>
    %broadcast_in_dim3A_3020 = vector.broadcast %jit3A_3018 : i32 to vector<128x128xi32>
    %select_n3A_3021 = arith.select %and3A_3016, %broadcast_in_dim3A_3019, %broadcast_in_dim3A_3020 : vector<128x128xi1>, vector<128x128xi32>
    %reduce_sum3A_3022 = vector.shape_cast %select_n3A_3021 : vector<128x128xi32> to vector<1x128x128xi32>
    %reduce_sum3A_3023 = arith.constant dense<0> : vector<1xi32>
    %reduce_sum3A_3024 = vector.multi_reduction <add>, %reduce_sum3A_3022, %reduce_sum3A_3023 [1, 2] : vector<1x128x128xi32> to vector<1xi32>
    %reduce_sum3A_3025 = vector.shape_cast %reduce_sum3A_3024 : vector<1xi32> to vector<1x1x1xi32>
    %reduce_sum3A_3026 = vector.extract %reduce_sum3A_3025[0, 0, 0] : i32 from vector<1x1x1xi32>
    %add3A_3027 = arith.constant 0 : i32
    %add3A_3028 = arith.addi %add3A_3027, %reduce_sum3A_2830 : i32
    %add3A_3029 = arith.addi %add3A_3028, %reduce_sum3A_2844 : i32
    %add3A_3030 = arith.addi %add3A_3029, %reduce_sum3A_2858 : i32
    %add3A_3031 = arith.addi %add3A_3030, %reduce_sum3A_2872 : i32
    %add3A_3032 = arith.addi %add3A_3031, %reduce_sum3A_2886 : i32
    %add3A_3033 = arith.addi %add3A_3032, %reduce_sum3A_2900 : i32
    %add3A_3034 = arith.addi %add3A_3033, %reduce_sum3A_2914 : i32
    %add3A_3035 = arith.addi %add3A_3034, %reduce_sum3A_2928 : i32
    %add3A_3036 = arith.addi %add3A_3035, %reduce_sum3A_2942 : i32
    %add3A_3037 = arith.addi %add3A_3036, %reduce_sum3A_2956 : i32
    %add3A_3038 = arith.addi %add3A_3037, %reduce_sum3A_2970 : i32
    %add3A_3039 = arith.addi %add3A_3038, %reduce_sum3A_2984 : i32
    %add3A_3040 = arith.addi %add3A_3039, %reduce_sum3A_2998 : i32
    %add3A_3041 = arith.addi %add3A_3040, %reduce_sum3A_3012 : i32
    %add3A_3042 = arith.addi %add3A_3041, %reduce_sum3A_3026 : i32
    %le3A_3043 = arith.cmpi sle, %add3A_3028, %sub3A_2804 : i32
    %jit3A_3044 = arith.constant 1 : i32
    %jit3A_3045 = arith.constant 0 : i32
    %select_n3A_3046 = arith.select %le3A_3043, %jit3A_3044, %jit3A_3045 : i32
    %add3A_3047 = arith.constant 0 : i32
    %add3A_3048 = arith.addi %add3A_3047, %select_n3A_3046 : i32
    %le3A_3049 = arith.cmpi sle, %add3A_3029, %sub3A_2804 : i32
    %jit3A_3050 = arith.constant 1 : i32
    %jit3A_3051 = arith.constant 0 : i32
    %select_n3A_3052 = arith.select %le3A_3049, %jit3A_3050, %jit3A_3051 : i32
    %add3A_3053 = arith.addi %add3A_3048, %select_n3A_3052 : i32
    %le3A_3054 = arith.cmpi sle, %add3A_3030, %sub3A_2804 : i32
    %jit3A_3055 = arith.constant 1 : i32
    %jit3A_3056 = arith.constant 0 : i32
    %select_n3A_3057 = arith.select %le3A_3054, %jit3A_3055, %jit3A_3056 : i32
    %add3A_3058 = arith.addi %add3A_3053, %select_n3A_3057 : i32
    %le3A_3059 = arith.cmpi sle, %add3A_3031, %sub3A_2804 : i32
    %jit3A_3060 = arith.constant 1 : i32
    %jit3A_3061 = arith.constant 0 : i32
    %select_n3A_3062 = arith.select %le3A_3059, %jit3A_3060, %jit3A_3061 : i32
    %add3A_3063 = arith.addi %add3A_3058, %select_n3A_3062 : i32
    %le3A_3064 = arith.cmpi sle, %add3A_3032, %sub3A_2804 : i32
    %jit3A_3065 = arith.constant 1 : i32
    %jit3A_3066 = arith.constant 0 : i32
    %select_n3A_3067 = arith.select %le3A_3064, %jit3A_3065, %jit3A_3066 : i32
    %add3A_3068 = arith.addi %add3A_3063, %select_n3A_3067 : i32
    %le3A_3069 = arith.cmpi sle, %add3A_3033, %sub3A_2804 : i32
    %jit3A_3070 = arith.constant 1 : i32
    %jit3A_3071 = arith.constant 0 : i32
    %select_n3A_3072 = arith.select %le3A_3069, %jit3A_3070, %jit3A_3071 : i32
    %add3A_3073 = arith.addi %add3A_3068, %select_n3A_3072 : i32
    %le3A_3074 = arith.cmpi sle, %add3A_3034, %sub3A_2804 : i32
    %jit3A_3075 = arith.constant 1 : i32
    %jit3A_3076 = arith.constant 0 : i32
    %select_n3A_3077 = arith.select %le3A_3074, %jit3A_3075, %jit3A_3076 : i32
    %add3A_3078 = arith.addi %add3A_3073, %select_n3A_3077 : i32
    %le3A_3079 = arith.cmpi sle, %add3A_3035, %sub3A_2804 : i32
    %jit3A_3080 = arith.constant 1 : i32
    %jit3A_3081 = arith.constant 0 : i32
    %select_n3A_3082 = arith.select %le3A_3079, %jit3A_3080, %jit3A_3081 : i32
    %add3A_3083 = arith.addi %add3A_3078, %select_n3A_3082 : i32
    %le3A_3084 = arith.cmpi sle, %add3A_3036, %sub3A_2804 : i32
    %jit3A_3085 = arith.constant 1 : i32
    %jit3A_3086 = arith.constant 0 : i32
    %select_n3A_3087 = arith.select %le3A_3084, %jit3A_3085, %jit3A_3086 : i32
    %add3A_3088 = arith.addi %add3A_3083, %select_n3A_3087 : i32
    %le3A_3089 = arith.cmpi sle, %add3A_3037, %sub3A_2804 : i32
    %jit3A_3090 = arith.constant 1 : i32
    %jit3A_3091 = arith.constant 0 : i32
    %select_n3A_3092 = arith.select %le3A_3089, %jit3A_3090, %jit3A_3091 : i32
    %add3A_3093 = arith.addi %add3A_3088, %select_n3A_3092 : i32
    %le3A_3094 = arith.cmpi sle, %add3A_3038, %sub3A_2804 : i32
    %jit3A_3095 = arith.constant 1 : i32
    %jit3A_3096 = arith.constant 0 : i32
    %select_n3A_3097 = arith.select %le3A_3094, %jit3A_3095, %jit3A_3096 : i32
    %add3A_3098 = arith.addi %add3A_3093, %select_n3A_3097 : i32
    %le3A_3099 = arith.cmpi sle, %add3A_3039, %sub3A_2804 : i32
    %jit3A_3100 = arith.constant 1 : i32
    %jit3A_3101 = arith.constant 0 : i32
    %select_n3A_3102 = arith.select %le3A_3099, %jit3A_3100, %jit3A_3101 : i32
    %add3A_3103 = arith.addi %add3A_3098, %select_n3A_3102 : i32
    %le3A_3104 = arith.cmpi sle, %add3A_3040, %sub3A_2804 : i32
    %jit3A_3105 = arith.constant 1 : i32
    %jit3A_3106 = arith.constant 0 : i32
    %select_n3A_3107 = arith.select %le3A_3104, %jit3A_3105, %jit3A_3106 : i32
    %add3A_3108 = arith.addi %add3A_3103, %select_n3A_3107 : i32
    %le3A_3109 = arith.cmpi sle, %add3A_3041, %sub3A_2804 : i32
    %jit3A_3110 = arith.constant 1 : i32
    %jit3A_3111 = arith.constant 0 : i32
    %select_n3A_3112 = arith.select %le3A_3109, %jit3A_3110, %jit3A_3111 : i32
    %add3A_3113 = arith.addi %add3A_3108, %select_n3A_3112 : i32
    %le3A_3114 = arith.cmpi sle, %add3A_3042, %sub3A_2804 : i32
    %jit3A_3115 = arith.constant 1 : i32
    %jit3A_3116 = arith.constant 0 : i32
    %select_n3A_3117 = arith.select %le3A_3114, %jit3A_3115, %jit3A_3116 : i32
    %add3A_3118 = arith.addi %add3A_3113, %select_n3A_3117 : i32
    %eq3A_3119 = arith.constant 0 : i32
    %eq3A_3120 = arith.cmpi eq, %add3A_3118, %eq3A_3119 : i32
    %jit3A_3121 = arith.constant 0 : i32
    %jit3A_3122 = arith.constant 0 : i32
    %select_n3A_3123 = arith.select %eq3A_3120, %jit3A_3121, %jit3A_3122 : i32
    %add3A_3124 = arith.constant 0 : i32
    %add3A_3125 = arith.addi %add3A_3124, %select_n3A_3123 : i32
    %eq3A_3126 = arith.constant 1 : i32
    %eq3A_3127 = arith.cmpi eq, %add3A_3118, %eq3A_3126 : i32
    %jit3A_3128 = arith.constant 0 : i32
    %select_n3A_3129 = arith.select %eq3A_3127, %add3A_3028, %jit3A_3128 : i32
    %add3A_3130 = arith.addi %add3A_3125, %select_n3A_3129 : i32
    %eq3A_3131 = arith.constant 2 : i32
    %eq3A_3132 = arith.cmpi eq, %add3A_3118, %eq3A_3131 : i32
    %jit3A_3133 = arith.constant 0 : i32
    %select_n3A_3134 = arith.select %eq3A_3132, %add3A_3029, %jit3A_3133 : i32
    %add3A_3135 = arith.addi %add3A_3130, %select_n3A_3134 : i32
    %eq3A_3136 = arith.constant 3 : i32
    %eq3A_3137 = arith.cmpi eq, %add3A_3118, %eq3A_3136 : i32
    %jit3A_3138 = arith.constant 0 : i32
    %select_n3A_3139 = arith.select %eq3A_3137, %add3A_3030, %jit3A_3138 : i32
    %add3A_3140 = arith.addi %add3A_3135, %select_n3A_3139 : i32
    %eq3A_3141 = arith.constant 4 : i32
    %eq3A_3142 = arith.cmpi eq, %add3A_3118, %eq3A_3141 : i32
    %jit3A_3143 = arith.constant 0 : i32
    %select_n3A_3144 = arith.select %eq3A_3142, %add3A_3031, %jit3A_3143 : i32
    %add3A_3145 = arith.addi %add3A_3140, %select_n3A_3144 : i32
    %eq3A_3146 = arith.constant 5 : i32
    %eq3A_3147 = arith.cmpi eq, %add3A_3118, %eq3A_3146 : i32
    %jit3A_3148 = arith.constant 0 : i32
    %select_n3A_3149 = arith.select %eq3A_3147, %add3A_3032, %jit3A_3148 : i32
    %add3A_3150 = arith.addi %add3A_3145, %select_n3A_3149 : i32
    %eq3A_3151 = arith.constant 6 : i32
    %eq3A_3152 = arith.cmpi eq, %add3A_3118, %eq3A_3151 : i32
    %jit3A_3153 = arith.constant 0 : i32
    %select_n3A_3154 = arith.select %eq3A_3152, %add3A_3033, %jit3A_3153 : i32
    %add3A_3155 = arith.addi %add3A_3150, %select_n3A_3154 : i32
    %eq3A_3156 = arith.constant 7 : i32
    %eq3A_3157 = arith.cmpi eq, %add3A_3118, %eq3A_3156 : i32
    %jit3A_3158 = arith.constant 0 : i32
    %select_n3A_3159 = arith.select %eq3A_3157, %add3A_3034, %jit3A_3158 : i32
    %add3A_3160 = arith.addi %add3A_3155, %select_n3A_3159 : i32
    %eq3A_3161 = arith.constant 8 : i32
    %eq3A_3162 = arith.cmpi eq, %add3A_3118, %eq3A_3161 : i32
    %jit3A_3163 = arith.constant 0 : i32
    %select_n3A_3164 = arith.select %eq3A_3162, %add3A_3035, %jit3A_3163 : i32
    %add3A_3165 = arith.addi %add3A_3160, %select_n3A_3164 : i32
    %eq3A_3166 = arith.constant 9 : i32
    %eq3A_3167 = arith.cmpi eq, %add3A_3118, %eq3A_3166 : i32
    %jit3A_3168 = arith.constant 0 : i32
    %select_n3A_3169 = arith.select %eq3A_3167, %add3A_3036, %jit3A_3168 : i32
    %add3A_3170 = arith.addi %add3A_3165, %select_n3A_3169 : i32
    %eq3A_3171 = arith.constant 10 : i32
    %eq3A_3172 = arith.cmpi eq, %add3A_3118, %eq3A_3171 : i32
    %jit3A_3173 = arith.constant 0 : i32
    %select_n3A_3174 = arith.select %eq3A_3172, %add3A_3037, %jit3A_3173 : i32
    %add3A_3175 = arith.addi %add3A_3170, %select_n3A_3174 : i32
    %eq3A_3176 = arith.constant 11 : i32
    %eq3A_3177 = arith.cmpi eq, %add3A_3118, %eq3A_3176 : i32
    %jit3A_3178 = arith.constant 0 : i32
    %select_n3A_3179 = arith.select %eq3A_3177, %add3A_3038, %jit3A_3178 : i32
    %add3A_3180 = arith.addi %add3A_3175, %select_n3A_3179 : i32
    %eq3A_3181 = arith.constant 12 : i32
    %eq3A_3182 = arith.cmpi eq, %add3A_3118, %eq3A_3181 : i32
    %jit3A_3183 = arith.constant 0 : i32
    %select_n3A_3184 = arith.select %eq3A_3182, %add3A_3039, %jit3A_3183 : i32
    %add3A_3185 = arith.addi %add3A_3180, %select_n3A_3184 : i32
    %eq3A_3186 = arith.constant 13 : i32
    %eq3A_3187 = arith.cmpi eq, %add3A_3118, %eq3A_3186 : i32
    %jit3A_3188 = arith.constant 0 : i32
    %select_n3A_3189 = arith.select %eq3A_3187, %add3A_3040, %jit3A_3188 : i32
    %add3A_3190 = arith.addi %add3A_3185, %select_n3A_3189 : i32
    %eq3A_3191 = arith.constant 14 : i32
    %eq3A_3192 = arith.cmpi eq, %add3A_3118, %eq3A_3191 : i32
    %jit3A_3193 = arith.constant 0 : i32
    %select_n3A_3194 = arith.select %eq3A_3192, %add3A_3041, %jit3A_3193 : i32
    %add3A_3195 = arith.addi %add3A_3190, %select_n3A_3194 : i32
    %eq3A_3196 = arith.constant 15 : i32
    %eq3A_3197 = arith.cmpi eq, %add3A_3118, %eq3A_3196 : i32
    %jit3A_3198 = arith.constant 0 : i32
    %select_n3A_3199 = arith.select %eq3A_3197, %add3A_3042, %jit3A_3198 : i32
    %add3A_3200 = arith.addi %add3A_3195, %select_n3A_3199 : i32
    %sub3A_3201 = arith.subi %sub3A_2804, %add3A_3200 : i32
    %shift_left3A_3202 = arith.constant 0 : i32
    %shift_left3A_3203 = arith.shli %add3A_3118, %shift_left3A_3202 : i32
    %or3A_3204 = arith.ori %or3A_2807, %shift_left3A_3203 : i32
    %eq3A_3205 = vector.broadcast %add3A_3118 : i32 to vector<128x128xi32>
    %eq3A_3206 = arith.cmpi eq, %and3A_2816, %eq3A_3205 : vector<128x128xi32>
    %and3A_3207 = arith.andi %and3A_2810, %eq3A_3206 : vector<128x128xi1>
    %xor3A_3208 = arith.constant -2147483648 : i32
    %xor3A_3209 = arith.xori %or3A_3204, %xor3A_3208 : i32
    %lt3A = vector.broadcast %xor3A_3209 : i32 to vector<128x128xi32>
    %lt3A_3210 = arith.cmpi slt, %xor3A_14, %lt3A : vector<128x128xi32>
    %iota3A = tpu.iota {dimensions = array<i32: 0>} : vector<128x128xi32>
    %iota3A_3211 = tpu.iota {dimensions = array<i32: 1>} : vector<128x128xi32>
    %le3A_3212 = arith.cmpi sle, %iota3A, %iota3A_3211 : vector<128x128xi32>
    %convert_element_type3A = arith.extui %le3A_3212 : vector<128x128xi1> to vector<128x128xi32>
    %convert_element_type3A_3213 = arith.sitofp %convert_element_type3A : vector<128x128xi32> to vector<128x128xf32>
    %lt3A_3214 = arith.cmpi slt, %iota3A_3211, %iota3A : vector<128x128xi32>
    %convert_element_type3A_3215 = arith.extui %lt3A_3214 : vector<128x128xi1> to vector<128x128xi32>
    %convert_element_type3A_3216 = arith.sitofp %convert_element_type3A_3215 : vector<128x128xi32> to vector<128x128xf32>
    %convert_element_type3A_3217 = arith.extui %and3A_3207 : vector<128x128xi1> to vector<128x128xi32>
    %convert_element_type3A_3218 = arith.sitofp %convert_element_type3A_3217 : vector<128x128xi32> to vector<128x128xf32>
    %dot_general3A = arith.constant dense<0.000000e+00> : vector<128x128xf32>
    %dot_general3A_3219 = tpu.matmul %convert_element_type3A_3218, %convert_element_type3A_3213, %dot_general3A {dimension_numbers = #tpu.dot_dimension_numbers<[1], [0], [0], [1], [0, 0, 1, 1], [], []>, transpose_lhs_hint = false} : vector<128x128xf32>, vector<128x128xf32>, vector<128x128xf32> -> vector<128x128xf32>
    %slice3A = vector.extract_strided_slice %dot_general3A_3219 {offsets = [0, 127], sizes = [128, 1], strides = [1, 1]} : vector<128x128xf32> to vector<128x1xf32>
    %dot_general3A_3220 = arith.constant dense<0.000000e+00> : vector<128x1xf32>
    %dot_general3A_3221 = tpu.matmul %convert_element_type3A_3216, %slice3A, %dot_general3A_3220 {dimension_numbers = #tpu.dot_dimension_numbers<[1], [0], [0], [1], [0, 0, 1, 1], [], []>, transpose_lhs_hint = false} : vector<128x128xf32>, vector<128x1xf32>, vector<128x1xf32> -> vector<128x1xf32>
    %sub3A_3222 = arith.subf %dot_general3A_3219, %convert_element_type3A_3218 : vector<128x128xf32>
    %add3A_3223 = vector.broadcast %dot_general3A_3221 : vector<128x1xf32> to vector<128x128xf32>
    %add3A_3224 = arith.addf %sub3A_3222, %add3A_3223 : vector<128x128xf32>
    %convert_element_type3A_3225 = arith.fptosi %add3A_3224 : vector<128x128xf32> to vector<128x128xi32>
    %le3A_3226 = vector.broadcast %sub3A_3201 : i32 to vector<128x128xi32>
    %le3A_3227 = arith.cmpi sle, %convert_element_type3A_3225, %le3A_3226 : vector<128x128xi32>
    %and3A_3228 = arith.andi %and3A_3207, %le3A_3227 : vector<128x128xi1>
    %or3A_3229 = arith.ori %lt3A_3210, %and3A_3228 : vector<128x128xi1>
    %convert_element_type3A_3230 = arith.extui %or3A_3229 : vector<128x128xi1> to vector<128x128xi32>
    %convert_element_type3A_3231 = arith.sitofp %convert_element_type3A_3230 : vector<128x128xi32> to vector<128x128xf32>
    %dot_general3A_3232 = arith.constant dense<0.000000e+00> : vector<128x128xf32>
    %dot_general3A_3233 = tpu.matmul %convert_element_type3A_3231, %convert_element_type3A_3213, %dot_general3A_3232 {dimension_numbers = #tpu.dot_dimension_numbers<[1], [0], [0], [1], [0, 0, 1, 1], [], []>, transpose_lhs_hint = false} : vector<128x128xf32>, vector<128x128xf32>, vector<128x128xf32> -> vector<128x128xf32>
    %slice3A_3234 = vector.extract_strided_slice %dot_general3A_3233 {offsets = [0, 127], sizes = [128, 1], strides = [1, 1]} : vector<128x128xf32> to vector<128x1xf32>
    %dot_general3A_3235 = arith.constant dense<0.000000e+00> : vector<128x1xf32>
    %dot_general3A_3236 = tpu.matmul %convert_element_type3A_3216, %slice3A_3234, %dot_general3A_3235 {dimension_numbers = #tpu.dot_dimension_numbers<[1], [0], [0], [1], [0, 0, 1, 1], [], []>, transpose_lhs_hint = false} : vector<128x128xf32>, vector<128x1xf32>, vector<128x1xf32> -> vector<128x1xf32>
    %sub3A_3237 = arith.subf %dot_general3A_3233, %convert_element_type3A_3231 : vector<128x128xf32>
    %add3A_3238 = vector.broadcast %dot_general3A_3236 : vector<128x1xf32> to vector<128x128xf32>
    %add3A_3239 = arith.addf %sub3A_3237, %add3A_3238 : vector<128x128xf32>
    %convert_element_type3A_3240 = arith.fptosi %add3A_3239 : vector<128x128xf32> to vector<128x128xi32>
    %jit3A_3241 = arith.constant -1 : i32
    %broadcast_in_dim3A_3242 = vector.broadcast %jit3A_3241 : i32 to vector<128x128xi32>
    %select_n3A_3243 = arith.select %or3A_3229, %convert_element_type3A_3240, %broadcast_in_dim3A_3242 : vector<128x128xi1>, vector<128x128xi32>
    %iota3A_3244 = tpu.iota {dimensions = array<i32: 2>} : vector<8x128x1024xi32>
    %broadcast_in_dim3A_3245 = arith.constant 0 : i32
    %broadcast_in_dim3A_3246 = vector.broadcast %broadcast_in_dim3A_3245 : i32 to vector<1x1024xi32>
    %broadcast_in_dim3A_3247 = arith.constant 0 : i32
    %broadcast_in_dim3A_3248 = vector.broadcast %broadcast_in_dim3A_3247 : i32 to vector<1x1024xi32>
    %slice3A_3249 = vector.extract_strided_slice %select_n3A_3243 {offsets = [0, 0], sizes = [8, 128], strides = [1, 1]} : vector<128x128xi32> to vector<8x128xi32>
    %broadcast_in_dim3A_3250 = vector.shape_cast %slice3A_3249 : vector<8x128xi32> to vector<8x128x1xi32>
    %slice3A_3251 = vector.extract_strided_slice %xor3A_14 {offsets = [0, 0], sizes = [8, 128], strides = [1, 1]} : vector<128x128xi32> to vector<8x128xi32>
    %broadcast_in_dim3A_3252 = vector.shape_cast %slice3A_3251 : vector<8x128xi32> to vector<8x128x1xi32>
    %slice3A_3253 = vector.extract_strided_slice %get3A_20 {offsets = [0, 0], sizes = [8, 128], strides = [1, 1]} : vector<128x128xi32> to vector<8x128xi32>
    %broadcast_in_dim3A_3254 = vector.shape_cast %slice3A_3253 : vector<8x128xi32> to vector<8x128x1xi32>
    %eq3A_3255 = vector.broadcast %broadcast_in_dim3A_3250 : vector<8x128x1xi32> to vector<8x128x1024xi32>
    %eq3A_3256 = arith.cmpi eq, %eq3A_3255, %iota3A_3244 : vector<8x128x1024xi32>
    %jit3A_3257 = arith.constant 0 : i32
    %broadcast_in_dim3A_3258 = vector.shape_cast %broadcast_in_dim3A_3252 : vector<8x128x1xi32> to vector<8x128x1xi32>
    %broadcast_in_dim3A_3259 = vector.broadcast %broadcast_in_dim3A_3258 : vector<8x128x1xi32> to vector<8x128x1024xi32>
    %broadcast_in_dim3A_3260 = vector.broadcast %jit3A_3257 : i32 to vector<8x128x1024xi32>
    %select_n3A_3261 = arith.select %eq3A_3256, %broadcast_in_dim3A_3259, %broadcast_in_dim3A_3260 : vector<8x128x1024xi1>, vector<8x128x1024xi32>
    %reduce_sum3A_3262 = arith.constant dense<0> : vector<128x1024xi32>
    %reduce_sum3A_3263 = vector.multi_reduction <add>, %select_n3A_3261, %reduce_sum3A_3262 [0] : vector<8x128x1024xi32> to vector<128x1024xi32>
    %reduce_sum3A_3264 = arith.constant dense<0> : vector<1024xi32>
    %reduce_sum3A_3265 = vector.multi_reduction <add>, %reduce_sum3A_3263, %reduce_sum3A_3264 [0] : vector<128x1024xi32> to vector<1024xi32>
    %broadcast_in_dim3A_3266 = vector.shape_cast %reduce_sum3A_3265 : vector<1024xi32> to vector<1x1024xi32>
    %add3A_3267 = arith.addi %broadcast_in_dim3A_3246, %broadcast_in_dim3A_3266 : vector<1x1024xi32>
    %jit3A_3268 = arith.constant 0 : i32
    %broadcast_in_dim3A_3269 = vector.shape_cast %broadcast_in_dim3A_3254 : vector<8x128x1xi32> to vector<8x128x1xi32>
    %broadcast_in_dim3A_3270 = vector.broadcast %broadcast_in_dim3A_3269 : vector<8x128x1xi32> to vector<8x128x1024xi32>
    %broadcast_in_dim3A_3271 = vector.broadcast %jit3A_3268 : i32 to vector<8x128x1024xi32>
    %select_n3A_3272 = arith.select %eq3A_3256, %broadcast_in_dim3A_3270, %broadcast_in_dim3A_3271 : vector<8x128x1024xi1>, vector<8x128x1024xi32>
    %reduce_sum3A_3273 = arith.constant dense<0> : vector<128x1024xi32>
    %reduce_sum3A_3274 = vector.multi_reduction <add>, %select_n3A_3272, %reduce_sum3A_3273 [0] : vector<8x128x1024xi32> to vector<128x1024xi32>
    %reduce_sum3A_3275 = arith.constant dense<0> : vector<1024xi32>
    %reduce_sum3A_3276 = vector.multi_reduction <add>, %reduce_sum3A_3274, %reduce_sum3A_3275 [0] : vector<128x1024xi32> to vector<1024xi32>
    %broadcast_in_dim3A_3277 = vector.shape_cast %reduce_sum3A_3276 : vector<1024xi32> to vector<1x1024xi32>
    %add3A_3278 = arith.addi %broadcast_in_dim3A_3248, %broadcast_in_dim3A_3277 : vector<1x1024xi32>
    %slice3A_3279 = vector.extract_strided_slice %select_n3A_3243 {offsets = [8, 0], sizes = [8, 128], strides = [1, 1]} : vector<128x128xi32> to vector<8x128xi32>
    %broadcast_in_dim3A_3280 = vector.shape_cast %slice3A_3279 : vector<8x128xi32> to vector<8x128x1xi32>
    %slice3A_3281 = vector.extract_strided_slice %xor3A_14 {offsets = [8, 0], sizes = [8, 128], strides = [1, 1]} : vector<128x128xi32> to vector<8x128xi32>
    %broadcast_in_dim3A_3282 = vector.shape_cast %slice3A_3281 : vector<8x128xi32> to vector<8x128x1xi32>
    %slice3A_3283 = vector.extract_strided_slice %get3A_20 {offsets = [8, 0], sizes = [8, 128], strides = [1, 1]} : vector<128x128xi32> to vector<8x128xi32>
    %broadcast_in_dim3A_3284 = vector.shape_cast %slice3A_3283 : vector<8x128xi32> to vector<8x128x1xi32>
    %eq3A_3285 = vector.broadcast %broadcast_in_dim3A_3280 : vector<8x128x1xi32> to vector<8x128x1024xi32>
    %eq3A_3286 = arith.cmpi eq, %eq3A_3285, %iota3A_3244 : vector<8x128x1024xi32>
    %jit3A_3287 = arith.constant 0 : i32
    %broadcast_in_dim3A_3288 = vector.shape_cast %broadcast_in_dim3A_3282 : vector<8x128x1xi32> to vector<8x128x1xi32>
    %broadcast_in_dim3A_3289 = vector.broadcast %broadcast_in_dim3A_3288 : vector<8x128x1xi32> to vector<8x128x1024xi32>
    %broadcast_in_dim3A_3290 = vector.broadcast %jit3A_3287 : i32 to vector<8x128x1024xi32>
    %select_n3A_3291 = arith.select %eq3A_3286, %broadcast_in_dim3A_3289, %broadcast_in_dim3A_3290 : vector<8x128x1024xi1>, vector<8x128x1024xi32>
    %reduce_sum3A_3292 = arith.constant dense<0> : vector<128x1024xi32>
    %reduce_sum3A_3293 = vector.multi_reduction <add>, %select_n3A_3291, %reduce_sum3A_3292 [0] : vector<8x128x1024xi32> to vector<128x1024xi32>
    %reduce_sum3A_3294 = arith.constant dense<0> : vector<1024xi32>
    %reduce_sum3A_3295 = vector.multi_reduction <add>, %reduce_sum3A_3293, %reduce_sum3A_3294 [0] : vector<128x1024xi32> to vector<1024xi32>
    %broadcast_in_dim3A_3296 = vector.shape_cast %reduce_sum3A_3295 : vector<1024xi32> to vector<1x1024xi32>
    %add3A_3297 = arith.addi %add3A_3267, %broadcast_in_dim3A_3296 : vector<1x1024xi32>
    %jit3A_3298 = arith.constant 0 : i32
    %broadcast_in_dim3A_3299 = vector.shape_cast %broadcast_in_dim3A_3284 : vector<8x128x1xi32> to vector<8x128x1xi32>
    %broadcast_in_dim3A_3300 = vector.broadcast %broadcast_in_dim3A_3299 : vector<8x128x1xi32> to vector<8x128x1024xi32>
    %broadcast_in_dim3A_3301 = vector.broadcast %jit3A_3298 : i32 to vector<8x128x1024xi32>
    %select_n3A_3302 = arith.select %eq3A_3286, %broadcast_in_dim3A_3300, %broadcast_in_dim3A_3301 : vector<8x128x1024xi1>, vector<8x128x1024xi32>
    %reduce_sum3A_3303 = arith.constant dense<0> : vector<128x1024xi32>
    %reduce_sum3A_3304 = vector.multi_reduction <add>, %select_n3A_3302, %reduce_sum3A_3303 [0] : vector<8x128x1024xi32> to vector<128x1024xi32>
    %reduce_sum3A_3305 = arith.constant dense<0> : vector<1024xi32>
    %reduce_sum3A_3306 = vector.multi_reduction <add>, %reduce_sum3A_3304, %reduce_sum3A_3305 [0] : vector<128x1024xi32> to vector<1024xi32>
    %broadcast_in_dim3A_3307 = vector.shape_cast %reduce_sum3A_3306 : vector<1024xi32> to vector<1x1024xi32>
    %add3A_3308 = arith.addi %add3A_3278, %broadcast_in_dim3A_3307 : vector<1x1024xi32>
    %slice3A_3309 = vector.extract_strided_slice %select_n3A_3243 {offsets = [16, 0], sizes = [8, 128], strides = [1, 1]} : vector<128x128xi32> to vector<8x128xi32>
    %broadcast_in_dim3A_3310 = vector.shape_cast %slice3A_3309 : vector<8x128xi32> to vector<8x128x1xi32>
    %slice3A_3311 = vector.extract_strided_slice %xor3A_14 {offsets = [16, 0], sizes = [8, 128], strides = [1, 1]} : vector<128x128xi32> to vector<8x128xi32>
    %broadcast_in_dim3A_3312 = vector.shape_cast %slice3A_3311 : vector<8x128xi32> to vector<8x128x1xi32>
    %slice3A_3313 = vector.extract_strided_slice %get3A_20 {offsets = [16, 0], sizes = [8, 128], strides = [1, 1]} : vector<128x128xi32> to vector<8x128xi32>
    %broadcast_in_dim3A_3314 = vector.shape_cast %slice3A_3313 : vector<8x128xi32> to vector<8x128x1xi32>
    %eq3A_3315 = vector.broadcast %broadcast_in_dim3A_3310 : vector<8x128x1xi32> to vector<8x128x1024xi32>
    %eq3A_3316 = arith.cmpi eq, %eq3A_3315, %iota3A_3244 : vector<8x128x1024xi32>
    %jit3A_3317 = arith.constant 0 : i32
    %broadcast_in_dim3A_3318 = vector.shape_cast %broadcast_in_dim3A_3312 : vector<8x128x1xi32> to vector<8x128x1xi32>
    %broadcast_in_dim3A_3319 = vector.broadcast %broadcast_in_dim3A_3318 : vector<8x128x1xi32> to vector<8x128x1024xi32>
    %broadcast_in_dim3A_3320 = vector.broadcast %jit3A_3317 : i32 to vector<8x128x1024xi32>
    %select_n3A_3321 = arith.select %eq3A_3316, %broadcast_in_dim3A_3319, %broadcast_in_dim3A_3320 : vector<8x128x1024xi1>, vector<8x128x1024xi32>
    %reduce_sum3A_3322 = arith.constant dense<0> : vector<128x1024xi32>
    %reduce_sum3A_3323 = vector.multi_reduction <add>, %select_n3A_3321, %reduce_sum3A_3322 [0] : vector<8x128x1024xi32> to vector<128x1024xi32>
    %reduce_sum3A_3324 = arith.constant dense<0> : vector<1024xi32>
    %reduce_sum3A_3325 = vector.multi_reduction <add>, %reduce_sum3A_3323, %reduce_sum3A_3324 [0] : vector<128x1024xi32> to vector<1024xi32>
    %broadcast_in_dim3A_3326 = vector.shape_cast %reduce_sum3A_3325 : vector<1024xi32> to vector<1x1024xi32>
    %add3A_3327 = arith.addi %add3A_3297, %broadcast_in_dim3A_3326 : vector<1x1024xi32>
    %jit3A_3328 = arith.constant 0 : i32
    %broadcast_in_dim3A_3329 = vector.shape_cast %broadcast_in_dim3A_3314 : vector<8x128x1xi32> to vector<8x128x1xi32>
    %broadcast_in_dim3A_3330 = vector.broadcast %broadcast_in_dim3A_3329 : vector<8x128x1xi32> to vector<8x128x1024xi32>
    %broadcast_in_dim3A_3331 = vector.broadcast %jit3A_3328 : i32 to vector<8x128x1024xi32>
    %select_n3A_3332 = arith.select %eq3A_3316, %broadcast_in_dim3A_3330, %broadcast_in_dim3A_3331 : vector<8x128x1024xi1>, vector<8x128x1024xi32>
    %reduce_sum3A_3333 = arith.constant dense<0> : vector<128x1024xi32>
    %reduce_sum3A_3334 = vector.multi_reduction <add>, %select_n3A_3332, %reduce_sum3A_3333 [0] : vector<8x128x1024xi32> to vector<128x1024xi32>
    %reduce_sum3A_3335 = arith.constant dense<0> : vector<1024xi32>
    %reduce_sum3A_3336 = vector.multi_reduction <add>, %reduce_sum3A_3334, %reduce_sum3A_3335 [0] : vector<128x1024xi32> to vector<1024xi32>
    %broadcast_in_dim3A_3337 = vector.shape_cast %reduce_sum3A_3336 : vector<1024xi32> to vector<1x1024xi32>
    %add3A_3338 = arith.addi %add3A_3308, %broadcast_in_dim3A_3337 : vector<1x1024xi32>
    %slice3A_3339 = vector.extract_strided_slice %select_n3A_3243 {offsets = [24, 0], sizes = [8, 128], strides = [1, 1]} : vector<128x128xi32> to vector<8x128xi32>
    %broadcast_in_dim3A_3340 = vector.shape_cast %slice3A_3339 : vector<8x128xi32> to vector<8x128x1xi32>
    %slice3A_3341 = vector.extract_strided_slice %xor3A_14 {offsets = [24, 0], sizes = [8, 128], strides = [1, 1]} : vector<128x128xi32> to vector<8x128xi32>
    %broadcast_in_dim3A_3342 = vector.shape_cast %slice3A_3341 : vector<8x128xi32> to vector<8x128x1xi32>
    %slice3A_3343 = vector.extract_strided_slice %get3A_20 {offsets = [24, 0], sizes = [8, 128], strides = [1, 1]} : vector<128x128xi32> to vector<8x128xi32>
    %broadcast_in_dim3A_3344 = vector.shape_cast %slice3A_3343 : vector<8x128xi32> to vector<8x128x1xi32>
    %eq3A_3345 = vector.broadcast %broadcast_in_dim3A_3340 : vector<8x128x1xi32> to vector<8x128x1024xi32>
    %eq3A_3346 = arith.cmpi eq, %eq3A_3345, %iota3A_3244 : vector<8x128x1024xi32>
    %jit3A_3347 = arith.constant 0 : i32
    %broadcast_in_dim3A_3348 = vector.shape_cast %broadcast_in_dim3A_3342 : vector<8x128x1xi32> to vector<8x128x1xi32>
    %broadcast_in_dim3A_3349 = vector.broadcast %broadcast_in_dim3A_3348 : vector<8x128x1xi32> to vector<8x128x1024xi32>
    %broadcast_in_dim3A_3350 = vector.broadcast %jit3A_3347 : i32 to vector<8x128x1024xi32>
    %select_n3A_3351 = arith.select %eq3A_3346, %broadcast_in_dim3A_3349, %broadcast_in_dim3A_3350 : vector<8x128x1024xi1>, vector<8x128x1024xi32>
    %reduce_sum3A_3352 = arith.constant dense<0> : vector<128x1024xi32>
    %reduce_sum3A_3353 = vector.multi_reduction <add>, %select_n3A_3351, %reduce_sum3A_3352 [0] : vector<8x128x1024xi32> to vector<128x1024xi32>
    %reduce_sum3A_3354 = arith.constant dense<0> : vector<1024xi32>
    %reduce_sum3A_3355 = vector.multi_reduction <add>, %reduce_sum3A_3353, %reduce_sum3A_3354 [0] : vector<128x1024xi32> to vector<1024xi32>
    %broadcast_in_dim3A_3356 = vector.shape_cast %reduce_sum3A_3355 : vector<1024xi32> to vector<1x1024xi32>
    %add3A_3357 = arith.addi %add3A_3327, %broadcast_in_dim3A_3356 : vector<1x1024xi32>
    %jit3A_3358 = arith.constant 0 : i32
    %broadcast_in_dim3A_3359 = vector.shape_cast %broadcast_in_dim3A_3344 : vector<8x128x1xi32> to vector<8x128x1xi32>
    %broadcast_in_dim3A_3360 = vector.broadcast %broadcast_in_dim3A_3359 : vector<8x128x1xi32> to vector<8x128x1024xi32>
    %broadcast_in_dim3A_3361 = vector.broadcast %jit3A_3358 : i32 to vector<8x128x1024xi32>
    %select_n3A_3362 = arith.select %eq3A_3346, %broadcast_in_dim3A_3360, %broadcast_in_dim3A_3361 : vector<8x128x1024xi1>, vector<8x128x1024xi32>
    %reduce_sum3A_3363 = arith.constant dense<0> : vector<128x1024xi32>
    %reduce_sum3A_3364 = vector.multi_reduction <add>, %select_n3A_3362, %reduce_sum3A_3363 [0] : vector<8x128x1024xi32> to vector<128x1024xi32>
    %reduce_sum3A_3365 = arith.constant dense<0> : vector<1024xi32>
    %reduce_sum3A_3366 = vector.multi_reduction <add>, %reduce_sum3A_3364, %reduce_sum3A_3365 [0] : vector<128x1024xi32> to vector<1024xi32>
    %broadcast_in_dim3A_3367 = vector.shape_cast %reduce_sum3A_3366 : vector<1024xi32> to vector<1x1024xi32>
    %add3A_3368 = arith.addi %add3A_3338, %broadcast_in_dim3A_3367 : vector<1x1024xi32>
    %slice3A_3369 = vector.extract_strided_slice %select_n3A_3243 {offsets = [32, 0], sizes = [8, 128], strides = [1, 1]} : vector<128x128xi32> to vector<8x128xi32>
    %broadcast_in_dim3A_3370 = vector.shape_cast %slice3A_3369 : vector<8x128xi32> to vector<8x128x1xi32>
    %slice3A_3371 = vector.extract_strided_slice %xor3A_14 {offsets = [32, 0], sizes = [8, 128], strides = [1, 1]} : vector<128x128xi32> to vector<8x128xi32>
    %broadcast_in_dim3A_3372 = vector.shape_cast %slice3A_3371 : vector<8x128xi32> to vector<8x128x1xi32>
    %slice3A_3373 = vector.extract_strided_slice %get3A_20 {offsets = [32, 0], sizes = [8, 128], strides = [1, 1]} : vector<128x128xi32> to vector<8x128xi32>
    %broadcast_in_dim3A_3374 = vector.shape_cast %slice3A_3373 : vector<8x128xi32> to vector<8x128x1xi32>
    %eq3A_3375 = vector.broadcast %broadcast_in_dim3A_3370 : vector<8x128x1xi32> to vector<8x128x1024xi32>
    %eq3A_3376 = arith.cmpi eq, %eq3A_3375, %iota3A_3244 : vector<8x128x1024xi32>
    %jit3A_3377 = arith.constant 0 : i32
    %broadcast_in_dim3A_3378 = vector.shape_cast %broadcast_in_dim3A_3372 : vector<8x128x1xi32> to vector<8x128x1xi32>
    %broadcast_in_dim3A_3379 = vector.broadcast %broadcast_in_dim3A_3378 : vector<8x128x1xi32> to vector<8x128x1024xi32>
    %broadcast_in_dim3A_3380 = vector.broadcast %jit3A_3377 : i32 to vector<8x128x1024xi32>
    %select_n3A_3381 = arith.select %eq3A_3376, %broadcast_in_dim3A_3379, %broadcast_in_dim3A_3380 : vector<8x128x1024xi1>, vector<8x128x1024xi32>
    %reduce_sum3A_3382 = arith.constant dense<0> : vector<128x1024xi32>
    %reduce_sum3A_3383 = vector.multi_reduction <add>, %select_n3A_3381, %reduce_sum3A_3382 [0] : vector<8x128x1024xi32> to vector<128x1024xi32>
    %reduce_sum3A_3384 = arith.constant dense<0> : vector<1024xi32>
    %reduce_sum3A_3385 = vector.multi_reduction <add>, %reduce_sum3A_3383, %reduce_sum3A_3384 [0] : vector<128x1024xi32> to vector<1024xi32>
    %broadcast_in_dim3A_3386 = vector.shape_cast %reduce_sum3A_3385 : vector<1024xi32> to vector<1x1024xi32>
    %add3A_3387 = arith.addi %add3A_3357, %broadcast_in_dim3A_3386 : vector<1x1024xi32>
    %jit3A_3388 = arith.constant 0 : i32
    %broadcast_in_dim3A_3389 = vector.shape_cast %broadcast_in_dim3A_3374 : vector<8x128x1xi32> to vector<8x128x1xi32>
    %broadcast_in_dim3A_3390 = vector.broadcast %broadcast_in_dim3A_3389 : vector<8x128x1xi32> to vector<8x128x1024xi32>
    %broadcast_in_dim3A_3391 = vector.broadcast %jit3A_3388 : i32 to vector<8x128x1024xi32>
    %select_n3A_3392 = arith.select %eq3A_3376, %broadcast_in_dim3A_3390, %broadcast_in_dim3A_3391 : vector<8x128x1024xi1>, vector<8x128x1024xi32>
    %reduce_sum3A_3393 = arith.constant dense<0> : vector<128x1024xi32>
    %reduce_sum3A_3394 = vector.multi_reduction <add>, %select_n3A_3392, %reduce_sum3A_3393 [0] : vector<8x128x1024xi32> to vector<128x1024xi32>
    %reduce_sum3A_3395 = arith.constant dense<0> : vector<1024xi32>
    %reduce_sum3A_3396 = vector.multi_reduction <add>, %reduce_sum3A_3394, %reduce_sum3A_3395 [0] : vector<128x1024xi32> to vector<1024xi32>
    %broadcast_in_dim3A_3397 = vector.shape_cast %reduce_sum3A_3396 : vector<1024xi32> to vector<1x1024xi32>
    %add3A_3398 = arith.addi %add3A_3368, %broadcast_in_dim3A_3397 : vector<1x1024xi32>
    %slice3A_3399 = vector.extract_strided_slice %select_n3A_3243 {offsets = [40, 0], sizes = [8, 128], strides = [1, 1]} : vector<128x128xi32> to vector<8x128xi32>
    %broadcast_in_dim3A_3400 = vector.shape_cast %slice3A_3399 : vector<8x128xi32> to vector<8x128x1xi32>
    %slice3A_3401 = vector.extract_strided_slice %xor3A_14 {offsets = [40, 0], sizes = [8, 128], strides = [1, 1]} : vector<128x128xi32> to vector<8x128xi32>
    %broadcast_in_dim3A_3402 = vector.shape_cast %slice3A_3401 : vector<8x128xi32> to vector<8x128x1xi32>
    %slice3A_3403 = vector.extract_strided_slice %get3A_20 {offsets = [40, 0], sizes = [8, 128], strides = [1, 1]} : vector<128x128xi32> to vector<8x128xi32>
    %broadcast_in_dim3A_3404 = vector.shape_cast %slice3A_3403 : vector<8x128xi32> to vector<8x128x1xi32>
    %eq3A_3405 = vector.broadcast %broadcast_in_dim3A_3400 : vector<8x128x1xi32> to vector<8x128x1024xi32>
    %eq3A_3406 = arith.cmpi eq, %eq3A_3405, %iota3A_3244 : vector<8x128x1024xi32>
    %jit3A_3407 = arith.constant 0 : i32
    %broadcast_in_dim3A_3408 = vector.shape_cast %broadcast_in_dim3A_3402 : vector<8x128x1xi32> to vector<8x128x1xi32>
    %broadcast_in_dim3A_3409 = vector.broadcast %broadcast_in_dim3A_3408 : vector<8x128x1xi32> to vector<8x128x1024xi32>
    %broadcast_in_dim3A_3410 = vector.broadcast %jit3A_3407 : i32 to vector<8x128x1024xi32>
    %select_n3A_3411 = arith.select %eq3A_3406, %broadcast_in_dim3A_3409, %broadcast_in_dim3A_3410 : vector<8x128x1024xi1>, vector<8x128x1024xi32>
    %reduce_sum3A_3412 = arith.constant dense<0> : vector<128x1024xi32>
    %reduce_sum3A_3413 = vector.multi_reduction <add>, %select_n3A_3411, %reduce_sum3A_3412 [0] : vector<8x128x1024xi32> to vector<128x1024xi32>
    %reduce_sum3A_3414 = arith.constant dense<0> : vector<1024xi32>
    %reduce_sum3A_3415 = vector.multi_reduction <add>, %reduce_sum3A_3413, %reduce_sum3A_3414 [0] : vector<128x1024xi32> to vector<1024xi32>
    %broadcast_in_dim3A_3416 = vector.shape_cast %reduce_sum3A_3415 : vector<1024xi32> to vector<1x1024xi32>
    %add3A_3417 = arith.addi %add3A_3387, %broadcast_in_dim3A_3416 : vector<1x1024xi32>
    %jit3A_3418 = arith.constant 0 : i32
    %broadcast_in_dim3A_3419 = vector.shape_cast %broadcast_in_dim3A_3404 : vector<8x128x1xi32> to vector<8x128x1xi32>
    %broadcast_in_dim3A_3420 = vector.broadcast %broadcast_in_dim3A_3419 : vector<8x128x1xi32> to vector<8x128x1024xi32>
    %broadcast_in_dim3A_3421 = vector.broadcast %jit3A_3418 : i32 to vector<8x128x1024xi32>
    %select_n3A_3422 = arith.select %eq3A_3406, %broadcast_in_dim3A_3420, %broadcast_in_dim3A_3421 : vector<8x128x1024xi1>, vector<8x128x1024xi32>
    %reduce_sum3A_3423 = arith.constant dense<0> : vector<128x1024xi32>
    %reduce_sum3A_3424 = vector.multi_reduction <add>, %select_n3A_3422, %reduce_sum3A_3423 [0] : vector<8x128x1024xi32> to vector<128x1024xi32>
    %reduce_sum3A_3425 = arith.constant dense<0> : vector<1024xi32>
    %reduce_sum3A_3426 = vector.multi_reduction <add>, %reduce_sum3A_3424, %reduce_sum3A_3425 [0] : vector<128x1024xi32> to vector<1024xi32>
    %broadcast_in_dim3A_3427 = vector.shape_cast %reduce_sum3A_3426 : vector<1024xi32> to vector<1x1024xi32>
    %add3A_3428 = arith.addi %add3A_3398, %broadcast_in_dim3A_3427 : vector<1x1024xi32>
    %slice3A_3429 = vector.extract_strided_slice %select_n3A_3243 {offsets = [48, 0], sizes = [8, 128], strides = [1, 1]} : vector<128x128xi32> to vector<8x128xi32>
    %broadcast_in_dim3A_3430 = vector.shape_cast %slice3A_3429 : vector<8x128xi32> to vector<8x128x1xi32>
    %slice3A_3431 = vector.extract_strided_slice %xor3A_14 {offsets = [48, 0], sizes = [8, 128], strides = [1, 1]} : vector<128x128xi32> to vector<8x128xi32>
    %broadcast_in_dim3A_3432 = vector.shape_cast %slice3A_3431 : vector<8x128xi32> to vector<8x128x1xi32>
    %slice3A_3433 = vector.extract_strided_slice %get3A_20 {offsets = [48, 0], sizes = [8, 128], strides = [1, 1]} : vector<128x128xi32> to vector<8x128xi32>
    %broadcast_in_dim3A_3434 = vector.shape_cast %slice3A_3433 : vector<8x128xi32> to vector<8x128x1xi32>
    %eq3A_3435 = vector.broadcast %broadcast_in_dim3A_3430 : vector<8x128x1xi32> to vector<8x128x1024xi32>
    %eq3A_3436 = arith.cmpi eq, %eq3A_3435, %iota3A_3244 : vector<8x128x1024xi32>
    %jit3A_3437 = arith.constant 0 : i32
    %broadcast_in_dim3A_3438 = vector.shape_cast %broadcast_in_dim3A_3432 : vector<8x128x1xi32> to vector<8x128x1xi32>
    %broadcast_in_dim3A_3439 = vector.broadcast %broadcast_in_dim3A_3438 : vector<8x128x1xi32> to vector<8x128x1024xi32>
    %broadcast_in_dim3A_3440 = vector.broadcast %jit3A_3437 : i32 to vector<8x128x1024xi32>
    %select_n3A_3441 = arith.select %eq3A_3436, %broadcast_in_dim3A_3439, %broadcast_in_dim3A_3440 : vector<8x128x1024xi1>, vector<8x128x1024xi32>
    %reduce_sum3A_3442 = arith.constant dense<0> : vector<128x1024xi32>
    %reduce_sum3A_3443 = vector.multi_reduction <add>, %select_n3A_3441, %reduce_sum3A_3442 [0] : vector<8x128x1024xi32> to vector<128x1024xi32>
    %reduce_sum3A_3444 = arith.constant dense<0> : vector<1024xi32>
    %reduce_sum3A_3445 = vector.multi_reduction <add>, %reduce_sum3A_3443, %reduce_sum3A_3444 [0] : vector<128x1024xi32> to vector<1024xi32>
    %broadcast_in_dim3A_3446 = vector.shape_cast %reduce_sum3A_3445 : vector<1024xi32> to vector<1x1024xi32>
    %add3A_3447 = arith.addi %add3A_3417, %broadcast_in_dim3A_3446 : vector<1x1024xi32>
    %jit3A_3448 = arith.constant 0 : i32
    %broadcast_in_dim3A_3449 = vector.shape_cast %broadcast_in_dim3A_3434 : vector<8x128x1xi32> to vector<8x128x1xi32>
    %broadcast_in_dim3A_3450 = vector.broadcast %broadcast_in_dim3A_3449 : vector<8x128x1xi32> to vector<8x128x1024xi32>
    %broadcast_in_dim3A_3451 = vector.broadcast %jit3A_3448 : i32 to vector<8x128x1024xi32>
    %select_n3A_3452 = arith.select %eq3A_3436, %broadcast_in_dim3A_3450, %broadcast_in_dim3A_3451 : vector<8x128x1024xi1>, vector<8x128x1024xi32>
    %reduce_sum3A_3453 = arith.constant dense<0> : vector<128x1024xi32>
    %reduce_sum3A_3454 = vector.multi_reduction <add>, %select_n3A_3452, %reduce_sum3A_3453 [0] : vector<8x128x1024xi32> to vector<128x1024xi32>
    %reduce_sum3A_3455 = arith.constant dense<0> : vector<1024xi32>
    %reduce_sum3A_3456 = vector.multi_reduction <add>, %reduce_sum3A_3454, %reduce_sum3A_3455 [0] : vector<128x1024xi32> to vector<1024xi32>
    %broadcast_in_dim3A_3457 = vector.shape_cast %reduce_sum3A_3456 : vector<1024xi32> to vector<1x1024xi32>
    %add3A_3458 = arith.addi %add3A_3428, %broadcast_in_dim3A_3457 : vector<1x1024xi32>
    %slice3A_3459 = vector.extract_strided_slice %select_n3A_3243 {offsets = [56, 0], sizes = [8, 128], strides = [1, 1]} : vector<128x128xi32> to vector<8x128xi32>
    %broadcast_in_dim3A_3460 = vector.shape_cast %slice3A_3459 : vector<8x128xi32> to vector<8x128x1xi32>
    %slice3A_3461 = vector.extract_strided_slice %xor3A_14 {offsets = [56, 0], sizes = [8, 128], strides = [1, 1]} : vector<128x128xi32> to vector<8x128xi32>
    %broadcast_in_dim3A_3462 = vector.shape_cast %slice3A_3461 : vector<8x128xi32> to vector<8x128x1xi32>
    %slice3A_3463 = vector.extract_strided_slice %get3A_20 {offsets = [56, 0], sizes = [8, 128], strides = [1, 1]} : vector<128x128xi32> to vector<8x128xi32>
    %broadcast_in_dim3A_3464 = vector.shape_cast %slice3A_3463 : vector<8x128xi32> to vector<8x128x1xi32>
    %eq3A_3465 = vector.broadcast %broadcast_in_dim3A_3460 : vector<8x128x1xi32> to vector<8x128x1024xi32>
    %eq3A_3466 = arith.cmpi eq, %eq3A_3465, %iota3A_3244 : vector<8x128x1024xi32>
    %jit3A_3467 = arith.constant 0 : i32
    %broadcast_in_dim3A_3468 = vector.shape_cast %broadcast_in_dim3A_3462 : vector<8x128x1xi32> to vector<8x128x1xi32>
    %broadcast_in_dim3A_3469 = vector.broadcast %broadcast_in_dim3A_3468 : vector<8x128x1xi32> to vector<8x128x1024xi32>
    %broadcast_in_dim3A_3470 = vector.broadcast %jit3A_3467 : i32 to vector<8x128x1024xi32>
    %select_n3A_3471 = arith.select %eq3A_3466, %broadcast_in_dim3A_3469, %broadcast_in_dim3A_3470 : vector<8x128x1024xi1>, vector<8x128x1024xi32>
    %reduce_sum3A_3472 = arith.constant dense<0> : vector<128x1024xi32>
    %reduce_sum3A_3473 = vector.multi_reduction <add>, %select_n3A_3471, %reduce_sum3A_3472 [0] : vector<8x128x1024xi32> to vector<128x1024xi32>
    %reduce_sum3A_3474 = arith.constant dense<0> : vector<1024xi32>
    %reduce_sum3A_3475 = vector.multi_reduction <add>, %reduce_sum3A_3473, %reduce_sum3A_3474 [0] : vector<128x1024xi32> to vector<1024xi32>
    %broadcast_in_dim3A_3476 = vector.shape_cast %reduce_sum3A_3475 : vector<1024xi32> to vector<1x1024xi32>
    %add3A_3477 = arith.addi %add3A_3447, %broadcast_in_dim3A_3476 : vector<1x1024xi32>
    %jit3A_3478 = arith.constant 0 : i32
    %broadcast_in_dim3A_3479 = vector.shape_cast %broadcast_in_dim3A_3464 : vector<8x128x1xi32> to vector<8x128x1xi32>
    %broadcast_in_dim3A_3480 = vector.broadcast %broadcast_in_dim3A_3479 : vector<8x128x1xi32> to vector<8x128x1024xi32>
    %broadcast_in_dim3A_3481 = vector.broadcast %jit3A_3478 : i32 to vector<8x128x1024xi32>
    %select_n3A_3482 = arith.select %eq3A_3466, %broadcast_in_dim3A_3480, %broadcast_in_dim3A_3481 : vector<8x128x1024xi1>, vector<8x128x1024xi32>
    %reduce_sum3A_3483 = arith.constant dense<0> : vector<128x1024xi32>
    %reduce_sum3A_3484 = vector.multi_reduction <add>, %select_n3A_3482, %reduce_sum3A_3483 [0] : vector<8x128x1024xi32> to vector<128x1024xi32>
    %reduce_sum3A_3485 = arith.constant dense<0> : vector<1024xi32>
    %reduce_sum3A_3486 = vector.multi_reduction <add>, %reduce_sum3A_3484, %reduce_sum3A_3485 [0] : vector<128x1024xi32> to vector<1024xi32>
    %broadcast_in_dim3A_3487 = vector.shape_cast %reduce_sum3A_3486 : vector<1024xi32> to vector<1x1024xi32>
    %add3A_3488 = arith.addi %add3A_3458, %broadcast_in_dim3A_3487 : vector<1x1024xi32>
    %slice3A_3489 = vector.extract_strided_slice %select_n3A_3243 {offsets = [64, 0], sizes = [8, 128], strides = [1, 1]} : vector<128x128xi32> to vector<8x128xi32>
    %broadcast_in_dim3A_3490 = vector.shape_cast %slice3A_3489 : vector<8x128xi32> to vector<8x128x1xi32>
    %slice3A_3491 = vector.extract_strided_slice %xor3A_14 {offsets = [64, 0], sizes = [8, 128], strides = [1, 1]} : vector<128x128xi32> to vector<8x128xi32>
    %broadcast_in_dim3A_3492 = vector.shape_cast %slice3A_3491 : vector<8x128xi32> to vector<8x128x1xi32>
    %slice3A_3493 = vector.extract_strided_slice %get3A_20 {offsets = [64, 0], sizes = [8, 128], strides = [1, 1]} : vector<128x128xi32> to vector<8x128xi32>
    %broadcast_in_dim3A_3494 = vector.shape_cast %slice3A_3493 : vector<8x128xi32> to vector<8x128x1xi32>
    %eq3A_3495 = vector.broadcast %broadcast_in_dim3A_3490 : vector<8x128x1xi32> to vector<8x128x1024xi32>
    %eq3A_3496 = arith.cmpi eq, %eq3A_3495, %iota3A_3244 : vector<8x128x1024xi32>
    %jit3A_3497 = arith.constant 0 : i32
    %broadcast_in_dim3A_3498 = vector.shape_cast %broadcast_in_dim3A_3492 : vector<8x128x1xi32> to vector<8x128x1xi32>
    %broadcast_in_dim3A_3499 = vector.broadcast %broadcast_in_dim3A_3498 : vector<8x128x1xi32> to vector<8x128x1024xi32>
    %broadcast_in_dim3A_3500 = vector.broadcast %jit3A_3497 : i32 to vector<8x128x1024xi32>
    %select_n3A_3501 = arith.select %eq3A_3496, %broadcast_in_dim3A_3499, %broadcast_in_dim3A_3500 : vector<8x128x1024xi1>, vector<8x128x1024xi32>
    %reduce_sum3A_3502 = arith.constant dense<0> : vector<128x1024xi32>
    %reduce_sum3A_3503 = vector.multi_reduction <add>, %select_n3A_3501, %reduce_sum3A_3502 [0] : vector<8x128x1024xi32> to vector<128x1024xi32>
    %reduce_sum3A_3504 = arith.constant dense<0> : vector<1024xi32>
    %reduce_sum3A_3505 = vector.multi_reduction <add>, %reduce_sum3A_3503, %reduce_sum3A_3504 [0] : vector<128x1024xi32> to vector<1024xi32>
    %broadcast_in_dim3A_3506 = vector.shape_cast %reduce_sum3A_3505 : vector<1024xi32> to vector<1x1024xi32>
    %add3A_3507 = arith.addi %add3A_3477, %broadcast_in_dim3A_3506 : vector<1x1024xi32>
    %jit3A_3508 = arith.constant 0 : i32
    %broadcast_in_dim3A_3509 = vector.shape_cast %broadcast_in_dim3A_3494 : vector<8x128x1xi32> to vector<8x128x1xi32>
    %broadcast_in_dim3A_3510 = vector.broadcast %broadcast_in_dim3A_3509 : vector<8x128x1xi32> to vector<8x128x1024xi32>
    %broadcast_in_dim3A_3511 = vector.broadcast %jit3A_3508 : i32 to vector<8x128x1024xi32>
    %select_n3A_3512 = arith.select %eq3A_3496, %broadcast_in_dim3A_3510, %broadcast_in_dim3A_3511 : vector<8x128x1024xi1>, vector<8x128x1024xi32>
    %reduce_sum3A_3513 = arith.constant dense<0> : vector<128x1024xi32>
    %reduce_sum3A_3514 = vector.multi_reduction <add>, %select_n3A_3512, %reduce_sum3A_3513 [0] : vector<8x128x1024xi32> to vector<128x1024xi32>
    %reduce_sum3A_3515 = arith.constant dense<0> : vector<1024xi32>
    %reduce_sum3A_3516 = vector.multi_reduction <add>, %reduce_sum3A_3514, %reduce_sum3A_3515 [0] : vector<128x1024xi32> to vector<1024xi32>
    %broadcast_in_dim3A_3517 = vector.shape_cast %reduce_sum3A_3516 : vector<1024xi32> to vector<1x1024xi32>
    %add3A_3518 = arith.addi %add3A_3488, %broadcast_in_dim3A_3517 : vector<1x1024xi32>
    %slice3A_3519 = vector.extract_strided_slice %select_n3A_3243 {offsets = [72, 0], sizes = [8, 128], strides = [1, 1]} : vector<128x128xi32> to vector<8x128xi32>
    %broadcast_in_dim3A_3520 = vector.shape_cast %slice3A_3519 : vector<8x128xi32> to vector<8x128x1xi32>
    %slice3A_3521 = vector.extract_strided_slice %xor3A_14 {offsets = [72, 0], sizes = [8, 128], strides = [1, 1]} : vector<128x128xi32> to vector<8x128xi32>
    %broadcast_in_dim3A_3522 = vector.shape_cast %slice3A_3521 : vector<8x128xi32> to vector<8x128x1xi32>
    %slice3A_3523 = vector.extract_strided_slice %get3A_20 {offsets = [72, 0], sizes = [8, 128], strides = [1, 1]} : vector<128x128xi32> to vector<8x128xi32>
    %broadcast_in_dim3A_3524 = vector.shape_cast %slice3A_3523 : vector<8x128xi32> to vector<8x128x1xi32>
    %eq3A_3525 = vector.broadcast %broadcast_in_dim3A_3520 : vector<8x128x1xi32> to vector<8x128x1024xi32>
    %eq3A_3526 = arith.cmpi eq, %eq3A_3525, %iota3A_3244 : vector<8x128x1024xi32>
    %jit3A_3527 = arith.constant 0 : i32
    %broadcast_in_dim3A_3528 = vector.shape_cast %broadcast_in_dim3A_3522 : vector<8x128x1xi32> to vector<8x128x1xi32>
    %broadcast_in_dim3A_3529 = vector.broadcast %broadcast_in_dim3A_3528 : vector<8x128x1xi32> to vector<8x128x1024xi32>
    %broadcast_in_dim3A_3530 = vector.broadcast %jit3A_3527 : i32 to vector<8x128x1024xi32>
    %select_n3A_3531 = arith.select %eq3A_3526, %broadcast_in_dim3A_3529, %broadcast_in_dim3A_3530 : vector<8x128x1024xi1>, vector<8x128x1024xi32>
    %reduce_sum3A_3532 = arith.constant dense<0> : vector<128x1024xi32>
    %reduce_sum3A_3533 = vector.multi_reduction <add>, %select_n3A_3531, %reduce_sum3A_3532 [0] : vector<8x128x1024xi32> to vector<128x1024xi32>
    %reduce_sum3A_3534 = arith.constant dense<0> : vector<1024xi32>
    %reduce_sum3A_3535 = vector.multi_reduction <add>, %reduce_sum3A_3533, %reduce_sum3A_3534 [0] : vector<128x1024xi32> to vector<1024xi32>
    %broadcast_in_dim3A_3536 = vector.shape_cast %reduce_sum3A_3535 : vector<1024xi32> to vector<1x1024xi32>
    %add3A_3537 = arith.addi %add3A_3507, %broadcast_in_dim3A_3536 : vector<1x1024xi32>
    %jit3A_3538 = arith.constant 0 : i32
    %broadcast_in_dim3A_3539 = vector.shape_cast %broadcast_in_dim3A_3524 : vector<8x128x1xi32> to vector<8x128x1xi32>
    %broadcast_in_dim3A_3540 = vector.broadcast %broadcast_in_dim3A_3539 : vector<8x128x1xi32> to vector<8x128x1024xi32>
    %broadcast_in_dim3A_3541 = vector.broadcast %jit3A_3538 : i32 to vector<8x128x1024xi32>
    %select_n3A_3542 = arith.select %eq3A_3526, %broadcast_in_dim3A_3540, %broadcast_in_dim3A_3541 : vector<8x128x1024xi1>, vector<8x128x1024xi32>
    %reduce_sum3A_3543 = arith.constant dense<0> : vector<128x1024xi32>
    %reduce_sum3A_3544 = vector.multi_reduction <add>, %select_n3A_3542, %reduce_sum3A_3543 [0] : vector<8x128x1024xi32> to vector<128x1024xi32>
    %reduce_sum3A_3545 = arith.constant dense<0> : vector<1024xi32>
    %reduce_sum3A_3546 = vector.multi_reduction <add>, %reduce_sum3A_3544, %reduce_sum3A_3545 [0] : vector<128x1024xi32> to vector<1024xi32>
    %broadcast_in_dim3A_3547 = vector.shape_cast %reduce_sum3A_3546 : vector<1024xi32> to vector<1x1024xi32>
    %add3A_3548 = arith.addi %add3A_3518, %broadcast_in_dim3A_3547 : vector<1x1024xi32>
    %slice3A_3549 = vector.extract_strided_slice %select_n3A_3243 {offsets = [80, 0], sizes = [8, 128], strides = [1, 1]} : vector<128x128xi32> to vector<8x128xi32>
    %broadcast_in_dim3A_3550 = vector.shape_cast %slice3A_3549 : vector<8x128xi32> to vector<8x128x1xi32>
    %slice3A_3551 = vector.extract_strided_slice %xor3A_14 {offsets = [80, 0], sizes = [8, 128], strides = [1, 1]} : vector<128x128xi32> to vector<8x128xi32>
    %broadcast_in_dim3A_3552 = vector.shape_cast %slice3A_3551 : vector<8x128xi32> to vector<8x128x1xi32>
    %slice3A_3553 = vector.extract_strided_slice %get3A_20 {offsets = [80, 0], sizes = [8, 128], strides = [1, 1]} : vector<128x128xi32> to vector<8x128xi32>
    %broadcast_in_dim3A_3554 = vector.shape_cast %slice3A_3553 : vector<8x128xi32> to vector<8x128x1xi32>
    %eq3A_3555 = vector.broadcast %broadcast_in_dim3A_3550 : vector<8x128x1xi32> to vector<8x128x1024xi32>
    %eq3A_3556 = arith.cmpi eq, %eq3A_3555, %iota3A_3244 : vector<8x128x1024xi32>
    %jit3A_3557 = arith.constant 0 : i32
    %broadcast_in_dim3A_3558 = vector.shape_cast %broadcast_in_dim3A_3552 : vector<8x128x1xi32> to vector<8x128x1xi32>
    %broadcast_in_dim3A_3559 = vector.broadcast %broadcast_in_dim3A_3558 : vector<8x128x1xi32> to vector<8x128x1024xi32>
    %broadcast_in_dim3A_3560 = vector.broadcast %jit3A_3557 : i32 to vector<8x128x1024xi32>
    %select_n3A_3561 = arith.select %eq3A_3556, %broadcast_in_dim3A_3559, %broadcast_in_dim3A_3560 : vector<8x128x1024xi1>, vector<8x128x1024xi32>
    %reduce_sum3A_3562 = arith.constant dense<0> : vector<128x1024xi32>
    %reduce_sum3A_3563 = vector.multi_reduction <add>, %select_n3A_3561, %reduce_sum3A_3562 [0] : vector<8x128x1024xi32> to vector<128x1024xi32>
    %reduce_sum3A_3564 = arith.constant dense<0> : vector<1024xi32>
    %reduce_sum3A_3565 = vector.multi_reduction <add>, %reduce_sum3A_3563, %reduce_sum3A_3564 [0] : vector<128x1024xi32> to vector<1024xi32>
    %broadcast_in_dim3A_3566 = vector.shape_cast %reduce_sum3A_3565 : vector<1024xi32> to vector<1x1024xi32>
    %add3A_3567 = arith.addi %add3A_3537, %broadcast_in_dim3A_3566 : vector<1x1024xi32>
    %jit3A_3568 = arith.constant 0 : i32
    %broadcast_in_dim3A_3569 = vector.shape_cast %broadcast_in_dim3A_3554 : vector<8x128x1xi32> to vector<8x128x1xi32>
    %broadcast_in_dim3A_3570 = vector.broadcast %broadcast_in_dim3A_3569 : vector<8x128x1xi32> to vector<8x128x1024xi32>
    %broadcast_in_dim3A_3571 = vector.broadcast %jit3A_3568 : i32 to vector<8x128x1024xi32>
    %select_n3A_3572 = arith.select %eq3A_3556, %broadcast_in_dim3A_3570, %broadcast_in_dim3A_3571 : vector<8x128x1024xi1>, vector<8x128x1024xi32>
    %reduce_sum3A_3573 = arith.constant dense<0> : vector<128x1024xi32>
    %reduce_sum3A_3574 = vector.multi_reduction <add>, %select_n3A_3572, %reduce_sum3A_3573 [0] : vector<8x128x1024xi32> to vector<128x1024xi32>
    %reduce_sum3A_3575 = arith.constant dense<0> : vector<1024xi32>
    %reduce_sum3A_3576 = vector.multi_reduction <add>, %reduce_sum3A_3574, %reduce_sum3A_3575 [0] : vector<128x1024xi32> to vector<1024xi32>
    %broadcast_in_dim3A_3577 = vector.shape_cast %reduce_sum3A_3576 : vector<1024xi32> to vector<1x1024xi32>
    %add3A_3578 = arith.addi %add3A_3548, %broadcast_in_dim3A_3577 : vector<1x1024xi32>
    %slice3A_3579 = vector.extract_strided_slice %select_n3A_3243 {offsets = [88, 0], sizes = [8, 128], strides = [1, 1]} : vector<128x128xi32> to vector<8x128xi32>
    %broadcast_in_dim3A_3580 = vector.shape_cast %slice3A_3579 : vector<8x128xi32> to vector<8x128x1xi32>
    %slice3A_3581 = vector.extract_strided_slice %xor3A_14 {offsets = [88, 0], sizes = [8, 128], strides = [1, 1]} : vector<128x128xi32> to vector<8x128xi32>
    %broadcast_in_dim3A_3582 = vector.shape_cast %slice3A_3581 : vector<8x128xi32> to vector<8x128x1xi32>
    %slice3A_3583 = vector.extract_strided_slice %get3A_20 {offsets = [88, 0], sizes = [8, 128], strides = [1, 1]} : vector<128x128xi32> to vector<8x128xi32>
    %broadcast_in_dim3A_3584 = vector.shape_cast %slice3A_3583 : vector<8x128xi32> to vector<8x128x1xi32>
    %eq3A_3585 = vector.broadcast %broadcast_in_dim3A_3580 : vector<8x128x1xi32> to vector<8x128x1024xi32>
    %eq3A_3586 = arith.cmpi eq, %eq3A_3585, %iota3A_3244 : vector<8x128x1024xi32>
    %jit3A_3587 = arith.constant 0 : i32
    %broadcast_in_dim3A_3588 = vector.shape_cast %broadcast_in_dim3A_3582 : vector<8x128x1xi32> to vector<8x128x1xi32>
    %broadcast_in_dim3A_3589 = vector.broadcast %broadcast_in_dim3A_3588 : vector<8x128x1xi32> to vector<8x128x1024xi32>
    %broadcast_in_dim3A_3590 = vector.broadcast %jit3A_3587 : i32 to vector<8x128x1024xi32>
    %select_n3A_3591 = arith.select %eq3A_3586, %broadcast_in_dim3A_3589, %broadcast_in_dim3A_3590 : vector<8x128x1024xi1>, vector<8x128x1024xi32>
    %reduce_sum3A_3592 = arith.constant dense<0> : vector<128x1024xi32>
    %reduce_sum3A_3593 = vector.multi_reduction <add>, %select_n3A_3591, %reduce_sum3A_3592 [0] : vector<8x128x1024xi32> to vector<128x1024xi32>
    %reduce_sum3A_3594 = arith.constant dense<0> : vector<1024xi32>
    %reduce_sum3A_3595 = vector.multi_reduction <add>, %reduce_sum3A_3593, %reduce_sum3A_3594 [0] : vector<128x1024xi32> to vector<1024xi32>
    %broadcast_in_dim3A_3596 = vector.shape_cast %reduce_sum3A_3595 : vector<1024xi32> to vector<1x1024xi32>
    %add3A_3597 = arith.addi %add3A_3567, %broadcast_in_dim3A_3596 : vector<1x1024xi32>
    %jit3A_3598 = arith.constant 0 : i32
    %broadcast_in_dim3A_3599 = vector.shape_cast %broadcast_in_dim3A_3584 : vector<8x128x1xi32> to vector<8x128x1xi32>
    %broadcast_in_dim3A_3600 = vector.broadcast %broadcast_in_dim3A_3599 : vector<8x128x1xi32> to vector<8x128x1024xi32>
    %broadcast_in_dim3A_3601 = vector.broadcast %jit3A_3598 : i32 to vector<8x128x1024xi32>
    %select_n3A_3602 = arith.select %eq3A_3586, %broadcast_in_dim3A_3600, %broadcast_in_dim3A_3601 : vector<8x128x1024xi1>, vector<8x128x1024xi32>
    %reduce_sum3A_3603 = arith.constant dense<0> : vector<128x1024xi32>
    %reduce_sum3A_3604 = vector.multi_reduction <add>, %select_n3A_3602, %reduce_sum3A_3603 [0] : vector<8x128x1024xi32> to vector<128x1024xi32>
    %reduce_sum3A_3605 = arith.constant dense<0> : vector<1024xi32>
    %reduce_sum3A_3606 = vector.multi_reduction <add>, %reduce_sum3A_3604, %reduce_sum3A_3605 [0] : vector<128x1024xi32> to vector<1024xi32>
    %broadcast_in_dim3A_3607 = vector.shape_cast %reduce_sum3A_3606 : vector<1024xi32> to vector<1x1024xi32>
    %add3A_3608 = arith.addi %add3A_3578, %broadcast_in_dim3A_3607 : vector<1x1024xi32>
    %slice3A_3609 = vector.extract_strided_slice %select_n3A_3243 {offsets = [96, 0], sizes = [8, 128], strides = [1, 1]} : vector<128x128xi32> to vector<8x128xi32>
    %broadcast_in_dim3A_3610 = vector.shape_cast %slice3A_3609 : vector<8x128xi32> to vector<8x128x1xi32>
    %slice3A_3611 = vector.extract_strided_slice %xor3A_14 {offsets = [96, 0], sizes = [8, 128], strides = [1, 1]} : vector<128x128xi32> to vector<8x128xi32>
    %broadcast_in_dim3A_3612 = vector.shape_cast %slice3A_3611 : vector<8x128xi32> to vector<8x128x1xi32>
    %slice3A_3613 = vector.extract_strided_slice %get3A_20 {offsets = [96, 0], sizes = [8, 128], strides = [1, 1]} : vector<128x128xi32> to vector<8x128xi32>
    %broadcast_in_dim3A_3614 = vector.shape_cast %slice3A_3613 : vector<8x128xi32> to vector<8x128x1xi32>
    %eq3A_3615 = vector.broadcast %broadcast_in_dim3A_3610 : vector<8x128x1xi32> to vector<8x128x1024xi32>
    %eq3A_3616 = arith.cmpi eq, %eq3A_3615, %iota3A_3244 : vector<8x128x1024xi32>
    %jit3A_3617 = arith.constant 0 : i32
    %broadcast_in_dim3A_3618 = vector.shape_cast %broadcast_in_dim3A_3612 : vector<8x128x1xi32> to vector<8x128x1xi32>
    %broadcast_in_dim3A_3619 = vector.broadcast %broadcast_in_dim3A_3618 : vector<8x128x1xi32> to vector<8x128x1024xi32>
    %broadcast_in_dim3A_3620 = vector.broadcast %jit3A_3617 : i32 to vector<8x128x1024xi32>
    %select_n3A_3621 = arith.select %eq3A_3616, %broadcast_in_dim3A_3619, %broadcast_in_dim3A_3620 : vector<8x128x1024xi1>, vector<8x128x1024xi32>
    %reduce_sum3A_3622 = arith.constant dense<0> : vector<128x1024xi32>
    %reduce_sum3A_3623 = vector.multi_reduction <add>, %select_n3A_3621, %reduce_sum3A_3622 [0] : vector<8x128x1024xi32> to vector<128x1024xi32>
    %reduce_sum3A_3624 = arith.constant dense<0> : vector<1024xi32>
    %reduce_sum3A_3625 = vector.multi_reduction <add>, %reduce_sum3A_3623, %reduce_sum3A_3624 [0] : vector<128x1024xi32> to vector<1024xi32>
    %broadcast_in_dim3A_3626 = vector.shape_cast %reduce_sum3A_3625 : vector<1024xi32> to vector<1x1024xi32>
    %add3A_3627 = arith.addi %add3A_3597, %broadcast_in_dim3A_3626 : vector<1x1024xi32>
    %jit3A_3628 = arith.constant 0 : i32
    %broadcast_in_dim3A_3629 = vector.shape_cast %broadcast_in_dim3A_3614 : vector<8x128x1xi32> to vector<8x128x1xi32>
    %broadcast_in_dim3A_3630 = vector.broadcast %broadcast_in_dim3A_3629 : vector<8x128x1xi32> to vector<8x128x1024xi32>
    %broadcast_in_dim3A_3631 = vector.broadcast %jit3A_3628 : i32 to vector<8x128x1024xi32>
    %select_n3A_3632 = arith.select %eq3A_3616, %broadcast_in_dim3A_3630, %broadcast_in_dim3A_3631 : vector<8x128x1024xi1>, vector<8x128x1024xi32>
    %reduce_sum3A_3633 = arith.constant dense<0> : vector<128x1024xi32>
    %reduce_sum3A_3634 = vector.multi_reduction <add>, %select_n3A_3632, %reduce_sum3A_3633 [0] : vector<8x128x1024xi32> to vector<128x1024xi32>
    %reduce_sum3A_3635 = arith.constant dense<0> : vector<1024xi32>
    %reduce_sum3A_3636 = vector.multi_reduction <add>, %reduce_sum3A_3634, %reduce_sum3A_3635 [0] : vector<128x1024xi32> to vector<1024xi32>
    %broadcast_in_dim3A_3637 = vector.shape_cast %reduce_sum3A_3636 : vector<1024xi32> to vector<1x1024xi32>
    %add3A_3638 = arith.addi %add3A_3608, %broadcast_in_dim3A_3637 : vector<1x1024xi32>
    %slice3A_3639 = vector.extract_strided_slice %select_n3A_3243 {offsets = [104, 0], sizes = [8, 128], strides = [1, 1]} : vector<128x128xi32> to vector<8x128xi32>
    %broadcast_in_dim3A_3640 = vector.shape_cast %slice3A_3639 : vector<8x128xi32> to vector<8x128x1xi32>
    %slice3A_3641 = vector.extract_strided_slice %xor3A_14 {offsets = [104, 0], sizes = [8, 128], strides = [1, 1]} : vector<128x128xi32> to vector<8x128xi32>
    %broadcast_in_dim3A_3642 = vector.shape_cast %slice3A_3641 : vector<8x128xi32> to vector<8x128x1xi32>
    %slice3A_3643 = vector.extract_strided_slice %get3A_20 {offsets = [104, 0], sizes = [8, 128], strides = [1, 1]} : vector<128x128xi32> to vector<8x128xi32>
    %broadcast_in_dim3A_3644 = vector.shape_cast %slice3A_3643 : vector<8x128xi32> to vector<8x128x1xi32>
    %eq3A_3645 = vector.broadcast %broadcast_in_dim3A_3640 : vector<8x128x1xi32> to vector<8x128x1024xi32>
    %eq3A_3646 = arith.cmpi eq, %eq3A_3645, %iota3A_3244 : vector<8x128x1024xi32>
    %jit3A_3647 = arith.constant 0 : i32
    %broadcast_in_dim3A_3648 = vector.shape_cast %broadcast_in_dim3A_3642 : vector<8x128x1xi32> to vector<8x128x1xi32>
    %broadcast_in_dim3A_3649 = vector.broadcast %broadcast_in_dim3A_3648 : vector<8x128x1xi32> to vector<8x128x1024xi32>
    %broadcast_in_dim3A_3650 = vector.broadcast %jit3A_3647 : i32 to vector<8x128x1024xi32>
    %select_n3A_3651 = arith.select %eq3A_3646, %broadcast_in_dim3A_3649, %broadcast_in_dim3A_3650 : vector<8x128x1024xi1>, vector<8x128x1024xi32>
    %reduce_sum3A_3652 = arith.constant dense<0> : vector<128x1024xi32>
    %reduce_sum3A_3653 = vector.multi_reduction <add>, %select_n3A_3651, %reduce_sum3A_3652 [0] : vector<8x128x1024xi32> to vector<128x1024xi32>
    %reduce_sum3A_3654 = arith.constant dense<0> : vector<1024xi32>
    %reduce_sum3A_3655 = vector.multi_reduction <add>, %reduce_sum3A_3653, %reduce_sum3A_3654 [0] : vector<128x1024xi32> to vector<1024xi32>
    %broadcast_in_dim3A_3656 = vector.shape_cast %reduce_sum3A_3655 : vector<1024xi32> to vector<1x1024xi32>
    %add3A_3657 = arith.addi %add3A_3627, %broadcast_in_dim3A_3656 : vector<1x1024xi32>
    %jit3A_3658 = arith.constant 0 : i32
    %broadcast_in_dim3A_3659 = vector.shape_cast %broadcast_in_dim3A_3644 : vector<8x128x1xi32> to vector<8x128x1xi32>
    %broadcast_in_dim3A_3660 = vector.broadcast %broadcast_in_dim3A_3659 : vector<8x128x1xi32> to vector<8x128x1024xi32>
    %broadcast_in_dim3A_3661 = vector.broadcast %jit3A_3658 : i32 to vector<8x128x1024xi32>
    %select_n3A_3662 = arith.select %eq3A_3646, %broadcast_in_dim3A_3660, %broadcast_in_dim3A_3661 : vector<8x128x1024xi1>, vector<8x128x1024xi32>
    %reduce_sum3A_3663 = arith.constant dense<0> : vector<128x1024xi32>
    %reduce_sum3A_3664 = vector.multi_reduction <add>, %select_n3A_3662, %reduce_sum3A_3663 [0] : vector<8x128x1024xi32> to vector<128x1024xi32>
    %reduce_sum3A_3665 = arith.constant dense<0> : vector<1024xi32>
    %reduce_sum3A_3666 = vector.multi_reduction <add>, %reduce_sum3A_3664, %reduce_sum3A_3665 [0] : vector<128x1024xi32> to vector<1024xi32>
    %broadcast_in_dim3A_3667 = vector.shape_cast %reduce_sum3A_3666 : vector<1024xi32> to vector<1x1024xi32>
    %add3A_3668 = arith.addi %add3A_3638, %broadcast_in_dim3A_3667 : vector<1x1024xi32>
    %slice3A_3669 = vector.extract_strided_slice %select_n3A_3243 {offsets = [112, 0], sizes = [8, 128], strides = [1, 1]} : vector<128x128xi32> to vector<8x128xi32>
    %broadcast_in_dim3A_3670 = vector.shape_cast %slice3A_3669 : vector<8x128xi32> to vector<8x128x1xi32>
    %slice3A_3671 = vector.extract_strided_slice %xor3A_14 {offsets = [112, 0], sizes = [8, 128], strides = [1, 1]} : vector<128x128xi32> to vector<8x128xi32>
    %broadcast_in_dim3A_3672 = vector.shape_cast %slice3A_3671 : vector<8x128xi32> to vector<8x128x1xi32>
    %slice3A_3673 = vector.extract_strided_slice %get3A_20 {offsets = [112, 0], sizes = [8, 128], strides = [1, 1]} : vector<128x128xi32> to vector<8x128xi32>
    %broadcast_in_dim3A_3674 = vector.shape_cast %slice3A_3673 : vector<8x128xi32> to vector<8x128x1xi32>
    %eq3A_3675 = vector.broadcast %broadcast_in_dim3A_3670 : vector<8x128x1xi32> to vector<8x128x1024xi32>
    %eq3A_3676 = arith.cmpi eq, %eq3A_3675, %iota3A_3244 : vector<8x128x1024xi32>
    %jit3A_3677 = arith.constant 0 : i32
    %broadcast_in_dim3A_3678 = vector.shape_cast %broadcast_in_dim3A_3672 : vector<8x128x1xi32> to vector<8x128x1xi32>
    %broadcast_in_dim3A_3679 = vector.broadcast %broadcast_in_dim3A_3678 : vector<8x128x1xi32> to vector<8x128x1024xi32>
    %broadcast_in_dim3A_3680 = vector.broadcast %jit3A_3677 : i32 to vector<8x128x1024xi32>
    %select_n3A_3681 = arith.select %eq3A_3676, %broadcast_in_dim3A_3679, %broadcast_in_dim3A_3680 : vector<8x128x1024xi1>, vector<8x128x1024xi32>
    %reduce_sum3A_3682 = arith.constant dense<0> : vector<128x1024xi32>
    %reduce_sum3A_3683 = vector.multi_reduction <add>, %select_n3A_3681, %reduce_sum3A_3682 [0] : vector<8x128x1024xi32> to vector<128x1024xi32>
    %reduce_sum3A_3684 = arith.constant dense<0> : vector<1024xi32>
    %reduce_sum3A_3685 = vector.multi_reduction <add>, %reduce_sum3A_3683, %reduce_sum3A_3684 [0] : vector<128x1024xi32> to vector<1024xi32>
    %broadcast_in_dim3A_3686 = vector.shape_cast %reduce_sum3A_3685 : vector<1024xi32> to vector<1x1024xi32>
    %add3A_3687 = arith.addi %add3A_3657, %broadcast_in_dim3A_3686 : vector<1x1024xi32>
    %jit3A_3688 = arith.constant 0 : i32
    %broadcast_in_dim3A_3689 = vector.shape_cast %broadcast_in_dim3A_3674 : vector<8x128x1xi32> to vector<8x128x1xi32>
    %broadcast_in_dim3A_3690 = vector.broadcast %broadcast_in_dim3A_3689 : vector<8x128x1xi32> to vector<8x128x1024xi32>
    %broadcast_in_dim3A_3691 = vector.broadcast %jit3A_3688 : i32 to vector<8x128x1024xi32>
    %select_n3A_3692 = arith.select %eq3A_3676, %broadcast_in_dim3A_3690, %broadcast_in_dim3A_3691 : vector<8x128x1024xi1>, vector<8x128x1024xi32>
    %reduce_sum3A_3693 = arith.constant dense<0> : vector<128x1024xi32>
    %reduce_sum3A_3694 = vector.multi_reduction <add>, %select_n3A_3692, %reduce_sum3A_3693 [0] : vector<8x128x1024xi32> to vector<128x1024xi32>
    %reduce_sum3A_3695 = arith.constant dense<0> : vector<1024xi32>
    %reduce_sum3A_3696 = vector.multi_reduction <add>, %reduce_sum3A_3694, %reduce_sum3A_3695 [0] : vector<128x1024xi32> to vector<1024xi32>
    %broadcast_in_dim3A_3697 = vector.shape_cast %reduce_sum3A_3696 : vector<1024xi32> to vector<1x1024xi32>
    %add3A_3698 = arith.addi %add3A_3668, %broadcast_in_dim3A_3697 : vector<1x1024xi32>
    %slice3A_3699 = vector.extract_strided_slice %select_n3A_3243 {offsets = [120, 0], sizes = [8, 128], strides = [1, 1]} : vector<128x128xi32> to vector<8x128xi32>
    %broadcast_in_dim3A_3700 = vector.shape_cast %slice3A_3699 : vector<8x128xi32> to vector<8x128x1xi32>
    %slice3A_3701 = vector.extract_strided_slice %xor3A_14 {offsets = [120, 0], sizes = [8, 128], strides = [1, 1]} : vector<128x128xi32> to vector<8x128xi32>
    %broadcast_in_dim3A_3702 = vector.shape_cast %slice3A_3701 : vector<8x128xi32> to vector<8x128x1xi32>
    %slice3A_3703 = vector.extract_strided_slice %get3A_20 {offsets = [120, 0], sizes = [8, 128], strides = [1, 1]} : vector<128x128xi32> to vector<8x128xi32>
    %broadcast_in_dim3A_3704 = vector.shape_cast %slice3A_3703 : vector<8x128xi32> to vector<8x128x1xi32>
    %eq3A_3705 = vector.broadcast %broadcast_in_dim3A_3700 : vector<8x128x1xi32> to vector<8x128x1024xi32>
    %eq3A_3706 = arith.cmpi eq, %eq3A_3705, %iota3A_3244 : vector<8x128x1024xi32>
    %jit3A_3707 = arith.constant 0 : i32
    %broadcast_in_dim3A_3708 = vector.shape_cast %broadcast_in_dim3A_3702 : vector<8x128x1xi32> to vector<8x128x1xi32>
    %broadcast_in_dim3A_3709 = vector.broadcast %broadcast_in_dim3A_3708 : vector<8x128x1xi32> to vector<8x128x1024xi32>
    %broadcast_in_dim3A_3710 = vector.broadcast %jit3A_3707 : i32 to vector<8x128x1024xi32>
    %select_n3A_3711 = arith.select %eq3A_3706, %broadcast_in_dim3A_3709, %broadcast_in_dim3A_3710 : vector<8x128x1024xi1>, vector<8x128x1024xi32>
    %reduce_sum3A_3712 = arith.constant dense<0> : vector<128x1024xi32>
    %reduce_sum3A_3713 = vector.multi_reduction <add>, %select_n3A_3711, %reduce_sum3A_3712 [0] : vector<8x128x1024xi32> to vector<128x1024xi32>
    %reduce_sum3A_3714 = arith.constant dense<0> : vector<1024xi32>
    %reduce_sum3A_3715 = vector.multi_reduction <add>, %reduce_sum3A_3713, %reduce_sum3A_3714 [0] : vector<128x1024xi32> to vector<1024xi32>
    %broadcast_in_dim3A_3716 = vector.shape_cast %reduce_sum3A_3715 : vector<1024xi32> to vector<1x1024xi32>
    %add3A_3717 = arith.addi %add3A_3687, %broadcast_in_dim3A_3716 : vector<1x1024xi32>
    %jit3A_3718 = arith.constant 0 : i32
    %broadcast_in_dim3A_3719 = vector.shape_cast %broadcast_in_dim3A_3704 : vector<8x128x1xi32> to vector<8x128x1xi32>
    %broadcast_in_dim3A_3720 = vector.broadcast %broadcast_in_dim3A_3719 : vector<8x128x1xi32> to vector<8x128x1024xi32>
    %broadcast_in_dim3A_3721 = vector.broadcast %jit3A_3718 : i32 to vector<8x128x1024xi32>
    %select_n3A_3722 = arith.select %eq3A_3706, %broadcast_in_dim3A_3720, %broadcast_in_dim3A_3721 : vector<8x128x1024xi1>, vector<8x128x1024xi32>
    %reduce_sum3A_3723 = arith.constant dense<0> : vector<128x1024xi32>
    %reduce_sum3A_3724 = vector.multi_reduction <add>, %select_n3A_3722, %reduce_sum3A_3723 [0] : vector<8x128x1024xi32> to vector<128x1024xi32>
    %reduce_sum3A_3725 = arith.constant dense<0> : vector<1024xi32>
    %reduce_sum3A_3726 = vector.multi_reduction <add>, %reduce_sum3A_3724, %reduce_sum3A_3725 [0] : vector<128x1024xi32> to vector<1024xi32>
    %broadcast_in_dim3A_3727 = vector.shape_cast %reduce_sum3A_3726 : vector<1024xi32> to vector<1x1024xi32>
    %add3A_3728 = arith.addi %add3A_3698, %broadcast_in_dim3A_3727 : vector<1x1024xi32>
    %iota3A_3729 = tpu.iota {dimensions = array<i32: 1>} : vector<1x1024xi32>
    %ge3A_3730 = arith.constant 1000 : i32
    %ge3A_3731 = vector.broadcast %ge3A_3730 : i32 to vector<1x1024xi32>
    %ge3A_3732 = arith.cmpi sge, %iota3A_3729, %ge3A_3731 : vector<1x1024xi32>
    %jit3A_3733 = arith.constant 2147483647 : i32
    %broadcast_in_dim3A_3734 = vector.broadcast %jit3A_3733 : i32 to vector<1x1024xi32>
    %select_n3A_3735 = arith.select %ge3A_3732, %broadcast_in_dim3A_3734, %add3A_3717 : vector<1x1024xi1>, vector<1x1024xi32>
    %transpose3A = tpu.transpose %select_n3A_3735, [1, 0] : vector<1x1024xi32> -> vector<1024x1xi32>
    %transpose3A_3736 = tpu.transpose %add3A_3728, [1, 0] : vector<1x1024xi32> -> vector<1024x1xi32>
    %convert_element_type3A_3737 = arith.sitofp %transpose3A_3736 : vector<1024x1xi32> to vector<1024x1xf32>
    %iota3A_3738 = tpu.iota {dimensions = array<i32: 1>} : vector<1024x1024xi32>
    %iota3A_3739 = tpu.iota {dimensions = array<i32: 0>} : vector<1024x1024xi32>
    %lt3A_3740 = vector.broadcast %select_n3A_3735 : vector<1x1024xi32> to vector<1024x1024xi32>
    %lt3A_3741 = vector.broadcast %transpose3A : vector<1024x1xi32> to vector<1024x1024xi32>
    %lt3A_3742 = arith.cmpi slt, %lt3A_3740, %lt3A_3741 : vector<1024x1024xi32>
    %convert_element_type3A_3743 = arith.extui %lt3A_3742 : vector<1024x1024xi1> to vector<1024x1024xi32>
    %eq3A_3744 = vector.broadcast %select_n3A_3735 : vector<1x1024xi32> to vector<1024x1024xi32>
    %eq3A_3745 = vector.broadcast %transpose3A : vector<1024x1xi32> to vector<1024x1024xi32>
    %eq3A_3746 = arith.cmpi eq, %eq3A_3744, %eq3A_3745 : vector<1024x1024xi32>
    %lt3A_3747 = arith.cmpi slt, %iota3A_3738, %iota3A_3739 : vector<1024x1024xi32>
    %and3A_3748 = arith.andi %eq3A_3746, %lt3A_3747 : vector<1024x1024xi1>
    %convert_element_type3A_3749 = arith.extui %and3A_3748 : vector<1024x1024xi1> to vector<1024x1024xi32>
    %add3A_3750 = arith.addi %convert_element_type3A_3743, %convert_element_type3A_3749 : vector<1024x1024xi32>
    %reduce_sum3A_3751 = arith.constant dense<0> : vector<1024xi32>
    %reduce_sum3A_3752 = vector.multi_reduction <add>, %add3A_3750, %reduce_sum3A_3751 [1] : vector<1024x1024xi32> to vector<1024xi32>
    %broadcast_in_dim3A_3753 = vector.shape_cast %reduce_sum3A_3752 : vector<1024xi32> to vector<1024x1xi32>
    %eq3A_3754 = vector.broadcast %broadcast_in_dim3A_3753 : vector<1024x1xi32> to vector<1024x1024xi32>
    %eq3A_3755 = vector.broadcast %iota3A_3729 : vector<1x1024xi32> to vector<1024x1024xi32>
    %eq3A_3756 = arith.cmpi eq, %eq3A_3754, %eq3A_3755 : vector<1024x1024xi32>
    %convert_element_type3A_3757 = arith.extui %eq3A_3756 : vector<1024x1024xi1> to vector<1024x1024xi32>
    %convert_element_type3A_3758 = arith.sitofp %convert_element_type3A_3757 : vector<1024x1024xi32> to vector<1024x1024xf32>
    %mul3A = vector.broadcast %convert_element_type3A_3737 : vector<1024x1xf32> to vector<1024x1024xf32>
    %mul3A_3759 = arith.mulf %convert_element_type3A_3758, %mul3A : vector<1024x1024xf32>
    %reduce_sum3A_3760 = arith.constant dense<0.000000e+00> : vector<1024xf32>
    %reduce_sum3A_3761 = vector.multi_reduction <add>, %mul3A_3759, %reduce_sum3A_3760 [0] : vector<1024x1024xf32> to vector<1024xf32>
    %broadcast_in_dim3A_3762 = vector.shape_cast %reduce_sum3A_3761 : vector<1024xf32> to vector<1x1024xf32>
    %convert_element_type3A_3763 = arith.fptosi %broadcast_in_dim3A_3762 : vector<1x1024xf32> to vector<1x1024xi32>
    %swap3A = arith.constant 0 : index
    %swap3A_3764 = arith.constant 0 : index
    %swap3A_3765 = vector.load %arg2[%swap3A, %swap3A_3764] : memref<1x1024xi32, #tpu.memory_space<vmem>>, vector<1x1024xi32>
    tpu.vector_store %arg2[%swap3A, %swap3A_3764], %convert_element_type3A_3763 {strides = array<i32>} : memref<1x1024xi32, #tpu.memory_space<vmem>>, vector<1x1024xi32>,
    return
  }
}

</mosaic_0001>

<sc_bundles>
// kernel: kernel.4.cloned.1.call-start
scs
__scs_entry_jumppad:
0x0: {  	(pc) =	sbr.rel $0x88, $3  }
0x1: {  	(tag) =	ssettag $0x0;
	lr =	simm.s32 $0x1  }
0x2: {  	[smem:$0x3F9B] =	sst lr;
	_ =	strace $0xD0000000  }
0x3: {  	_ = 	snop  }
0x4: {  	_ = 	snop  }
0x5: {  	_ = 	snop  }
0x6: {  	_ = 	snop  }
0x7: {  	_ = 	snop  }
__scs_overlays_trampoline_lowered:
0x8: {  	[smem:$0x3FAA] =	sst s0  }
0x9: {  	[smem:$0x3FAB] =	sst s1  }
0xa: {  	[smem:$0x3FAC] =	sst s2  }
0xb: {  	[smem:$0x3FAD] =	sst s3  }
0xc: {  	[smem:$0x3FAE] =	sst s4  }
0xd: {  	[smem:$0x3FAF] =	sst s5  }
0xe: {  	[smem:$0x3FB0] =	sst s6  }
0xf: {  	[smem:$0x3FB1] =	sst s7  }
0x10: {  	[smem:$0x3FB2] =	sst s8  }
0x11: {  	[smem:$0x3FB3] =	sst s9;
	s0 =	simm.s32 @!p0 $0x0  }
0x12: {  	s1 =	sld [smem:$0x3F99];
	s0 =	simm.s32 @p0 $0x1  }
0x13: {  	[smem:$0x3FB4] =	sst s0;
	s0 =	simm.s32 @!p1 $0x0  }
0x14: {  	s2 =	sld [smem:$0x3F98];
	s0 =	simm.s32 @p1 $0x1  }
0x15: {  	[smem:$0x3FB5] =	sst s0;
	s0 =	simm.s32 @!p2 $0x0  }
0x16: {  	s3 =	sld [smem:$0x3FDB];
	s0 =	simm.s32 @p2 $0x1  }
0x17: {  	s4 =	simm.s32 $0x1BF5;
	[smem:$0x3FB7] =	sst s0  }
0x18: {  	s0 =	sld [smem:$0x3F9A];
	_ =	swait.ge [sflag:s4], $0x0  }
0x19: {  	s7 =	sld [smem:$0x3F9B]  }
0x1a: {  	s8 =	sadd.s32 $0xFFFFE003, lr  }
0x1b: {  	s9 =	sadd.s32 $0xFFFFFEF7, lr;
	s5 =	simm.s32 $0xFFFFFFFF;
	p2 =	slt.u32 s8, $0xFFFFF086  }
0x1c: {  	p1 =	slt.u32 s9, $0xF7A;
	s5 =	simm.s32 @!p2 $0x0  }
0x1d: {  	s5 =	simm.s32 @p1 $0x1;
	p0 =	seq.s32 s7, s2  }
0x1e: {  	s7 =	smul.u32 @!p0 $0xF7A, s2;
	p2 =	seq.s32 @!p0 s5, $0x0  }
0x1f: {  	s9 =	smul.u32 $0xF7A, s1;
	s8 =	simm.s32 @!p0 $0x1BF5;
	p2 =	por !p2, p0  }
0x20: {  	[sflag:s8] =	ssyncset.s32 @!p0 $0xFFFFF086;
	s6 =	sadd.s32 @!p0 s3, s7;
	s7 =	simm.s32 @!p0 $0x108  }
0x21: {  	s3 =	sadd.s32 s3, s9;
	s6 =	sadd.s32 @!p0 $0x88, s6;
	s7 =	simm.s32 @p2 $0x1082  }
0x22: {  	[simem:s7], [sflag:s8] =	dma.local @!p0 [hbm:s6], $0xF7A  }
0x23: {  	s9 =	sor.u32 $0xD0000000, s2;
	s6 =	simm.s32 $0x108;
	_ =	swait.ge @!p0 [sflag:s8], $0x0  }
0x24: {  	s3 =	sadd.s32 $0x88, s3;
	s6 =	simm.s32 @!p1 $0x1082;
	[sflag:s4] =	ssyncset.s32 $0xFFFFF086  }
0x25: {  	[simem:s6], [sflag:s4] =	dma.local [hbm:s3], $0xF7A  }
0x26: {  	[smem:$0x3F9B] =	sst s1;
	(tag) =	ssettag s2;
	_ =	strace s9  }
0x27: {  	s1 =	sld [smem:$0x3FAB]  }
0x28: {  	s2 =	sld [smem:$0x3FAC]  }
0x29: {  	s4 =	sld [smem:$0x3FAE]  }
0x2a: {  	p0 =	seq.s32 s5, $0x0;
	s5 =	sld [smem:$0x3FAF]  }
0x2b: {  	s6 =	sld [smem:$0x3FB0]  }
0x2c: {  	s7 =	sld [smem:$0x3FB1]  }
0x2d: {  	s3 =	simm.s32 $0x108;
	s8 =	sld [smem:$0x3FB2]  }
0x2e: {  	s3 =	simm.s32 @!p0 $0x1082;
	s9 =	sld [smem:$0x3FB3]  }
0x2f: {  	lr =	sadd.s32 s0, s3;
	s0 =	sld [smem:$0x3FAA]  }
0x30: {  	s3 =	sld [smem:$0x3FAD]  }
0x31: {  	[smem:$0x3FB6] =	sst s10  }
0x32: {  	s10 =	sld [smem:$0x3FB4];
	_ =	sdelay $0x3  }
0x33: {  	p0 =	seq.s32 s10, $0x1;
	s10 =	sld [smem:$0x3FB6];
	_ =	sdelay $0x3  }
0x34: {  	[smem:$0x3FB6] =	sst s10  }
0x35: {  	s10 =	sld [smem:$0x3FB5];
	_ =	sdelay $0x3  }
0x36: {  	p1 =	seq.s32 s10, $0x1;
	s10 =	sld [smem:$0x3FB6];
	_ =	sdelay $0x3  }
0x37: {  	[smem:$0x3FB6] =	sst s10  }
0x38: {  	s10 =	sld [smem:$0x3FB7]  }
0x39: {  	_ = 	snop;
	(pc) =	sbr.ind lr, $3  }
0x3a: {  	_ = 	snop  }
0x3b: {  	_ = 	snop  }
0x3c: {  	p2 =	seq.s32 s10, $0x1;
	s10 =	sld [smem:$0x3FB6]  }
0x3d: {  	_ =	shalt  }
0x3e: {  	_ =	shalt  }
0x3f: {  	_ =	shalt  }
0x40: {  	_ =	shalt  }
0x41: {  	_ =	shalt  }
0x42: {  	_ =	shalt  }
0x43: {  	_ =	shalt  }
0x44: {  	_ =	shalt  }
0x45: {  	_ =	shalt  }
0x46: {  	_ =	shalt  }
0x47: {  	_ =	shalt  }
0x48: {  	_ =	shalt  }
0x49: {  	_ =	shalt  }
0x4a: {  	_ =	shalt  }
0x4b: {  	_ =	shalt  }
0x4c: {  	_ =	shalt  }
0x4d: {  	_ =	shalt  }
0x4e: {  	_ =	shalt  }
0x4f: {  	_ =	shalt  }
0x50: {  	_ =	shalt  }
0x51: {  	_ =	shalt  }
0x52: {  	_ =	shalt  }
0x53: {  	_ =	shalt  }
0x54: {  	_ =	shalt  }
0x55: {  	_ =	shalt  }
0x56: {  	_ =	shalt  }
0x57: {  	_ =	shalt  }
0x58: {  	_ =	shalt  }
0x59: {  	_ =	shalt  }
0x5a: {  	_ =	shalt  }
0x5b: {  	_ =	shalt  }
0x5c: {  	_ =	shalt  }
0x5d: {  	_ =	shalt  }
0x5e: {  	_ =	shalt  }
0x5f: {  	_ =	shalt  }
0x60: {  	_ =	shalt  }
0x61: {  	_ =	shalt  }
0x62: {  	_ =	shalt  }
0x63: {  	_ =	shalt  }
0x64: {  	_ =	shalt  }
0x65: {  	_ =	shalt  }
0x66: {  	_ =	shalt  }
0x67: {  	_ =	shalt  }
0x68: {  	_ =	shalt  }
0x69: {  	_ =	shalt  }
0x6a: {  	_ =	shalt  }
0x6b: {  	_ =	shalt  }
0x6c: {  	_ =	shalt  }
0x6d: {  	_ =	shalt  }
0x6e: {  	_ =	shalt  }
0x6f: {  	_ =	shalt  }
0x70: {  	_ =	shalt  }
0x71: {  	_ =	shalt  }
0x72: {  	_ =	shalt  }
0x73: {  	_ =	shalt  }
0x74: {  	_ =	shalt  }
0x75: {  	_ =	shalt  }
0x76: {  	_ =	shalt  }
0x77: {  	_ =	shalt  }
0x78: {  	_ =	shalt  }
0x79: {  	_ =	shalt  }
0x7a: {  	_ =	shalt  }
0x7b: {  	_ =	shalt  }
0x7c: {  	_ =	shalt  }
0x7d: {  	_ =	shalt  }
0x7e: {  	_ =	shalt  }
0x7f: {  	_ =	shalt  }
0x80: {  	_ =	shalt  }
0x81: {  	_ =	shalt  }
0x82: {  	_ =	shalt  }
0x83: {  	_ =	shalt  }
0x84: {  	_ =	shalt  }
0x85: {  	_ =	shalt  }
0x86: {  	_ =	shalt  }
0x87: {  	_ =	shalt  }
.Lfunc_end0:
.L_simem_size_0:
called_computation_lowered:
.L_overlay_start_0:
0x88: {  	s2 =	sld [smem:$0x3FD9]  }
0x89: {  	s3 =	sld [smem:$0x3FFE];
	_ =	sdelay $0x1  }
0x8a: {  	s1 =	srdreg.scid  }
0x8b: {  	s0 =	sand.u32 $0x1, s1  }
0x8c: {  	s14 =	sshll.u32 s0, $0xA;
	s2 =	sadd.s32 s3, s2  }
0x8d: {  	s2 =	sadd.s32 s2, s14  }
0x8e: {  	[smem:$0x3FC2] =	sst s2  }
0x8f: {  	_ = 	snop  }
0x90: {  	s2 =	sld [smem:$0x3FC9]  }
0x91: {  	s15 =	sld [smem:$0x3FD0]  }
0x92: {  	s4 =	sld [smem:$0x3FC8]  }
0x93: {  	s5 =	sld [smem:$0x3FC7]  }
0x94: {  	s7 =	simm.s32 $0xA;
	s8 =	simm.s32 $0x10;
	s6 =	sld [smem:$0x3FC6]  }
0x95: {  	[smem:s8], [sflag:s7] =	dma.local [hbm:s15], $0x1  }
0x96: {  	_ =	swait.eq [sflag:s7], $0x1  }
0x97: {  	[sflag:s7] =	ssyncset.done $0x0  }
0x98: {  	s16 =	sld [smem:$0x11];
	[sflag:s7] =	ssyncadd.s32 $0xFFFFFFFF  }
0x99: {  	s17 =	sld [smem:$0x12];
	(tm) =	ssettm $0x1  }
0x9a: {  	s18 =	sld [smem:$0x3FFB];
	_ =	sdelay $0x3  }
0x9b: {  	_ =	strace s18  }
0x9c: {  	s8 =	sld [smem:$0x3FFC];
	_ =	sdelay $0x3  }
0x9d: {  	_ =	strace s8  }
0x9e: {  	s8 =	sld [smem:$0x3FFD];
	_ =	sdelay $0x3  }
0x9f: {  	_ =	strace s8  }
0xa0: {  	_ =	strace $0x8FFFFFFF  }
0xa1: {  	s19 =	sld [smem:$0x3FDB];
	_ =	sdelay $0x1  }
0xa2: {  	s9 =	simm.s32 $_scs_section_size  }
0xa3: {  	s10 =	simm.s32 $_size__tile_overlayer_lowered;
	s11 =	simm.s32 $_tile_overlayer_lowered  }
0xa4: {  	s22 =	simm.s32 $0x1BFF;
	s21 =	sshll.u32 s11, $0x1;
	s8 =	sadd.s32 s9, s19  }
0xa5: {  	s12 =	simm.s32 $0x0;
	s20 =	sshll.u32 s10, $0x1;
	s10 =	sadd.s32 s21, s8  }
0xa6: {  	[timem:s12], [sflag:s22] =	dma.local [hbm:s10], s20  }
0xa7: {  	_ =	swait.ge [sflag:s22], s20  }
0xa8: {  	s9 =	ssub.s32 $0x0, s20;
	[sflag:s22] =	ssyncset.done $0x0  }
0xa9: {  	[sflag:s22] =	ssyncadd.s32 s9;
	_ =	sdelay $0x1  }
0xaa: {  	s23 =	simm.s32 $0x1B8B  }
0xab: {  	_ =	swait.ge [sflag:s23], $0x1  }
0xac: {  	[sflag:s23] =	ssyncset.done $0x0  }
0xad: {  	s25 =	simm.s32 $0x1B8E;
	s24 =	sld [smem:$0x3FFE];
	[sflag:s23] =	ssyncadd.s32 $0xFFFFFFFF  }
0xae: {  	s26 =	simm.s32 $execute0_lowered;
	[smem:$0x3FD2] =	sst s25  }
0xaf: {  	s10 =	sshll.u32 s26, $0x1;
	_ =	strace $0x80000046;
	[dreg:$0x1] =	wrdreg $0xFFFFFFFF  }
0xb0: {  	s28 =	simm.s32 $_size_execute0_lowered;
	s8 =	sadd.s32 s8, s10;
	[dreg:$0x0] =	wrdreg $0x0  }
0xb1: {  	s10 =	sshll.u32 s28, $0x1;
	[dreg:$0x2] =	wrdreg s8  }
0xb2: {  	[dreg:$0x3] =	wrdreg s10  }
0xb3: {  	[dreg:$0x4] =	wrdreg $0xC0  }
0xb4: {  	_ =	task [dreg:s12], $0x5FFFF  }
0xb5: {  	[dreg:$0x1] =	wrdreg $0xFFFFFFFF  }
0xb6: {  	[dreg:$0x0] =	wrdreg $0x60  }
0xb7: {  	[dreg:$0x2] =	wrdreg s4  }
0xb8: {  	[dreg:$0x3] =	wrdreg s2  }
0xb9: {  	[dreg:$0x4] =	wrdreg s24  }
0xba: {  	[dreg:$0x5] =	wrdreg s6  }
0xbb: {  	[dreg:$0x6] =	wrdreg s5  }
0xbc: {  	[dreg:$0x7] =	wrdreg s16  }
0xbd: {  	[dreg:$0x8] =	wrdreg s17  }
0xbe: {  	[dreg:$0x9] =	wrdreg $0x9  }
0xbf: {  	_ =	task.clear_ibuf [dreg:s12], $0xAFFFF;
	_ =	strace $0x90000046  }
0xc0: {  	s29 =	simm.s32 $0x9;
	_ =	strace $0x80000048  }
0xc1: {  	_ =	swait.ge [sflag:s29], $0x1  }
0xc2: {  	[sflag:s29] =	ssyncadd.s32 $0xFFFFFFFF  }
0xc3: {  	_ =	strace $0x90000048  }
0xc4: {  	_ =	sfence  }
0xc5: {  	s30 =	sld [smem:$0x0];
	_ =	sdelay $0x2  }
0xc6: {  	s31 =	sshll.u32 s1, $0xD;
	s1 =	sshrl.u32 s1, $0x2  }
0xc7: {  	s3 =	sand.u32 $0x4000, s31;
	s1 =	sadd.s32 s1, s30  }
0xc8: {  	s0 =	sor.u32 s3, s0;
	s1 =	sshll.u32 s1, $0x11  }
0xc9: {  	s0 =	sor.u32 s1, s0  }
0xca: {  	s0 =	sadd.s32 $0x8F2B, s0  }
0xcb: {  	[sflag:s0] =	ssyncadd.remote.s32 $0x1  }
0xcc: {  	_ =	sfence.sel $0xFFFF  }
0xcd: {  	[dreg:$0x0] =	wrdreg $0xFFFFFFFF;
	(pc) =	sbr.abs _section_cstart, $3  }
0xce: {  	[dreg:$0x1] =	wrdreg $0xFFFFFFFF  }
0xcf: {  	_ =	task.clear_ibuf [dreg:s12], $0x2FFFF;
	_ =	strace $0x9FFFFFFF  }
0xd0: {  	(tm) =	ssettm $0x7FFFFFFF  }
0xd1: {  	_ =	shalt  }
tec
execute0_lowered:
.L_overlay_start_1:
0x0: {  	(tag) =	ssettag $0x1  }
0x1: {  	s0 =	rddreg [dreg:$0x0]  }
0x2: {  	s1 =	rddreg [dreg:$0x1]  }
0x3: {  	s7 =	rddreg [dreg:$0x2]  }
0x4: {  	s3 =	rddreg [dreg:$0x3]  }
0x5: {  	s4 =	rddreg [dreg:$0x4]  }
0x6: {  	s8 =	rddreg [dreg:$0x5];
	s5 =	srdreg.scid  }
0x7: {  	s2 =	stileid.u32;
	s10 =	rddreg [dreg:$0x6];
	s6 =	simm.s32 $0x0  }
0x8: {  	s14 =	simm.s32 $0x9000;
	s15 =	simm.s32 $0xA000;
	s16 =	simm.s32 $0xAD00  }
0x9: {  	s17 =	simm.s32 $0x1;
	s18 =	simm.s32 $0xA680;
	s19 =	simm.s32 $0x2  }
0xa: {  	s20 =	simm.s32 $0xAD80;
	s9 =	sand.u32 $0x1, s5;
	s5 =	rddreg [dreg:$0x7]  }
0xb: {  	s21 =	simm.s32 $0x0;
	s11 =	sshll.u32 s2, $0x1;
	[smem:$0x7FF] =	sst s6  }
0xc: {  	s11 =	sor.u32 s9, s11;
	s9 =	ssub.s32 $0x2, s9;
	_ =	strace $0x80000047  }
0xd: {  	v0 =	vimm.s32 $0x1FFF;
	s12 =	smul.u32 $0xC8, s11;
	s13 =	sshrl.u32 s9, $0x1;
	s11 =	sshll.u32 s11, $0x1  }
0xe: {  	s13 =	ssub.s32 s9, s13;
	s8 =	sadd.s32 s8, s11;
	s10 =	sadd.s32 s10, s11  }
0xf: {  	s12 =	sadd.s32 s12, s7;
	s11 =	smax.u32 s13, $0x1;
	s13 =	simm.s32 $0x8000  }
0x10: {  	v1 =	vimm.s32 $0x0;
	v2 =	vimm.s32 $0x7FF;
	s7 =	sadd.s32 $0x1000, s12;
	s9 =	sadd.s32 $0x2A00, s12;
	s12 =	simm.s32 $0x4000  }
.LBB2_1:
0x11: {  	[tilespmem:s6], [sflag:$0x1] =	stream.linear.gather [hbm4b:s0+s6], $0x4000, $0x38;
	[tilespmem:$0xAE00] =	vst v63  }
0x12: {  	_ = 	snop  }
0x13: {  	[tilespmem:s12], [sflag:$0x1] =	stream.linear.gather [hbm4b:s1+s6], $0x4000, $0x38;
	[tilespmem:$0xAE00] =	vst v63  }
0x14: {  	_ = 	snop  }
0x15: {  	[tilespmem:s13], [sflag:$0x1] =	stream.linear.gather [hbm4b:s3+s6], $0x1000, $0x38;
	[tilespmem:$0xAE00] =	vst v63  }
0x16: {  	_ = 	snop  }
0x17: {  	[tilespmem:s14], [sflag:$0x1] =	stream.linear.gather [hbm4b:s4+s6], $0x1000, $0x38;
	[tilespmem:$0xAE00] =	vst v63  }
0x18: {  	_ = 	snop  }
0x19: {  	[tilespmem:s15], [sflag:$0x1] =	stream.linear.gather [hbm4b:s7+s6], $0x640, $0x38;
	[tilespmem:$0xAE00] =	vst v63  }
0x1a: {  	_ = 	snop  }
0x1b: {  	[tilespmem:s16], [sflag:$0x1] =	stream.linear.gather [hbm4b:s8+s6], $0x10, $0x38;
	[tilespmem:$0xAE00] =	vst v63  }
0x1c: {  	_ =	swait.ge [sflag:s17], $0x4000  }
0x1d: {  	[sflag:s17] =	ssyncset.done $0x0  }
0x1e: {  	[sflag:s17] =	ssyncadd.s32 $0xFFFFC000  }
0x1f: {  	_ =	swait.ge [sflag:s17], $0x4000  }
0x20: {  	[sflag:s17] =	ssyncset.done $0x0  }
0x21: {  	[sflag:s17] =	ssyncadd.s32 $0xFFFFC000  }
0x22: {  	_ =	swait.ge [sflag:s17], $0x1000  }
0x23: {  	[sflag:s17] =	ssyncset.done $0x0  }
0x24: {  	[sflag:s17] =	ssyncadd.s32 $0xFFFFF000  }
0x25: {  	_ =	swait.ge [sflag:s17], $0x1000  }
0x26: {  	[sflag:s17] =	ssyncset.done $0x0  }
0x27: {  	[sflag:s17] =	ssyncadd.s32 $0xFFFFF000  }
0x28: {  	_ =	swait.ge [sflag:s17], $0x640  }
0x29: {  	[sflag:s17] =	ssyncset.done $0x0  }
0x2a: {  	[sflag:s17] =	ssyncadd.s32 $0xFFFFF9C0  }
0x2b: {  	_ =	swait.ge [sflag:s17], $0x10  }
0x2c: {  	s22 =	simm.s32 $0xA6D0;
	[sflag:s17] =	ssyncset.done $0x0  }
0x2d: {  	s23 =	simm.s32 $0xA050;
	s24 =	simm.s32 $0x0;
	[sflag:s17] =	ssyncadd.s32 $0xFFFFFFF0  }
.LBB2_2:
0x2e: {  	v12 =	vld [tilespmem:s23+$0xFFFFFFB0]  }
0x2f: {  	v13 =	vld.idx.msk [tilespmem:v0+s6+$0x0], $0xffff  }
0x30: {  	v11 =	vld [tilespmem:s23+$0xFFFFFFC0]  }
0x31: {  	v10 =	vld [tilespmem:s23+$0xFFFFFFD0]  }
0x32: {  	v7 =	vld [tilespmem:s23+$0xFFFFFFE0]  }
0x33: {  	v4 =	vld [tilespmem:s23+$0xFFFFFFF0]  }
0x34: {  	v3 =	vld [tilespmem:s23+$0x0];
	vm0 =	vlt.s32 v13, v12  }
0x35: {  	v5 =	vld [tilespmem:s23+$0x10];
	vm14 =	vlt.s32 v13, v11;
	v14 =	vsel vm0, $0x2000, v1  }
0x36: {  	v6 =	vld [tilespmem:s23+$0x20];
	vm15 =	vlt.s32 v13, v10;
	v15 =	vsel vm14, $0x2000, v1;
	v16 =	vor.u32 $0xFFF, v14  }
0x37: {  	v9 =	vld [tilespmem:s23+$0x40];
	vm4 =	vlt.s32 v13, v7;
	v18 =	vsel vm15, $0x2000, v1;
	v17 =	vor.u32 $0xFFF, v15  }
0x38: {  	vm5 =	vlt.s32 v13, v4;
	v19 =	vsel vm4, $0x2000, v1;
	v20 =	vor.u32 $0xFFF, v18  }
0x39: {  	s25 =	sand.u32 $0xFE0, s24;
	vm6 =	vlt.s32 v13, v3;
	v21 =	vsel vm5, $0x2000, v1;
	v22 =	vor.u32 $0xFFF, v19  }
0x3a: {  	v8 =	vld [tilespmem:s25+$0xA080];
	vm7 =	vlt.s32 v13, v5;
	v23 =	vsel vm6, $0x2000, v1;
	v24 =	vor.u32 $0xFFF, v21  }
0x3b: {  	vm8 =	vlt.s32 v13, v6;
	v26 =	vsel vm7, $0x2000, v1;
	v25 =	vor.u32 $0xFFF, v23;
	v16 =	vld.idx.msk [tilespmem:v16+s6+$0x0], $0xffff  }
0x3c: {  	vm1 =	vlt.s32 v13, v9;
	v27 =	vsel vm8, $0x2000, v1;
	v28 =	vor.u32 $0xFFF, v26;
	v17 =	vld.idx.msk [tilespmem:v17+s6+$0x0], $0xffff  }
0x3d: {  	v30 =	vsel vm1, $0x2000, v1;
	v45 =	vor.u32 $0xFFF, v27;
	v20 =	vld.idx.msk [tilespmem:v20+s6+$0x0], $0xffff  }
0x3e: {  	v32 =	vor.u32 $0xFFF, v30;
	v44 =	vld.idx.msk [tilespmem:v22+s6+$0x0], $0xffff  }
0x3f: {  	v24 =	vld.idx.msk [tilespmem:v24+s6+$0x0], $0xffff  }
0x40: {  	v46 =	vld.idx.msk [tilespmem:v25+s6+$0x0], $0xffff  }
0x41: {  	v49 =	vld.idx.msk [tilespmem:v28+s6+$0x0], $0xffff  }
0x42: {  	vm9 =	vlt.s32 v13, v8;
	v51 =	vld.idx.msk [tilespmem:v45+s6+$0x0], $0xffff  }
0x43: {  	v29 =	vsel vm9, $0x2000, v1;
	v58 =	vld.idx.msk [tilespmem:v32+s6+$0x0], $0xffff  }
0x44: {  	v47 =	vor.u32 $0xFFF, v29  }
0x45: {  	vm10 =	vlt.s32 v16, v12;
	vm11 =	vlt.s32 v17, v11;
	vm12 =	vlt.s32 v20, v10  }
0x46: {  	vm13 =	vlt.s32 v44, v7;
	vm14 =	vlt.s32 v24, v4;
	vm15 =	vlt.s32 v46, v3  }
0x47: {  	vm4 =	vlt.s32 v49, v5;
	vm5 =	vlt.s32 v51, v6;
	v48 =	vsel vm10, $0x1000, v1  }
0x48: {  	vm7 =	vlt.s32 v58, v9;
	v31 =	vsel vm11, $0x1000, v1;
	v14 =	vor.u32 v14, v48  }
0x49: {  	v50 =	vsel vm12, $0x1000, v1;
	v15 =	vor.u32 v15, v31;
	v52 =	vor.u32 $0x7FF, v14  }
0x4a: {  	v53 =	vsel vm13, $0x1000, v1;
	v18 =	vor.u32 v18, v50;
	v54 =	vor.u32 $0x7FF, v15  }
0x4b: {  	v56 =	vsel vm14, $0x1000, v1;
	v19 =	vor.u32 v19, v53;
	v59 =	vor.u32 $0x7FF, v18  }
0x4c: {  	v57 =	vsel vm15, $0x1000, v1;
	v17 =	vor.u32 v21, v56;
	v61 =	vor.u32 $0x7FF, v19  }
0x4d: {  	v55 =	vld.idx.msk [tilespmem:v47+s6+$0x0], $0xffff;
	v36 =	vsel vm4, $0x1000, v1;
	v60 =	vor.u32 v23, v57;
	v63 =	vor.u32 $0x7FF, v17  }
0x4e: {  	v37 =	vsel vm5, $0x1000, v1;
	v22 =	vor.u32 v26, v36;
	v38 =	vor.u32 $0x7FF, v60;
	v62 =	vld.idx.msk [tilespmem:v52+s6+$0x0], $0xffff  }
0x4f: {  	v42 =	vsel vm7, $0x1000, v1;
	v24 =	vor.u32 v27, v37;
	v40 =	vor.u32 $0x7FF, v22;
	v28 =	vld.idx.msk [tilespmem:v54+s6+$0x0], $0xffff  }
0x50: {  	v27 =	vor.u32 v30, v42;
	v43 =	vor.u32 $0x7FF, v24;
	v39 =	vld.idx.msk [tilespmem:v59+s6+$0x0], $0xffff  }
0x51: {  	v48 =	vor.u32 $0x7FF, v27;
	v23 =	vld.idx.msk [tilespmem:v61+s6+$0x0], $0xffff  }
0x52: {  	v20 =	vld.idx.msk [tilespmem:v63+s6+$0x0], $0xffff  }
0x53: {  	v44 =	vld.idx.msk [tilespmem:v38+s6+$0x0], $0xffff  }
0x54: {  	vm6 =	vlt.s32 v55, v8;
	v49 =	vld.idx.msk [tilespmem:v40+s6+$0x0], $0xffff  }
0x55: {  	v41 =	vsel vm6, $0x1000, v1;
	v51 =	vld.idx.msk [tilespmem:v43+s6+$0x0], $0xffff  }
0x56: {  	v26 =	vor.u32 v29, v41;
	v55 =	vld.idx.msk [tilespmem:v48+s6+$0x0], $0xffff  }
0x57: {  	v45 =	vor.u32 $0x7FF, v26  }
0x58: {  	vm8 =	vlt.s32 v62, v12;
	vm9 =	vlt.s32 v28, v11;
	vm10 =	vlt.s32 v39, v10  }
0x59: {  	vm11 =	vlt.s32 v23, v7;
	vm12 =	vlt.s32 v20, v4;
	vm13 =	vlt.s32 v44, v3  }
0x5a: {  	vm14 =	vlt.s32 v49, v5;
	vm15 =	vlt.s32 v51, v6;
	v46 =	vsel vm8, $0x800, v1  }
0x5b: {  	vm5 =	vlt.s32 v55, v9;
	v47 =	vsel vm9, $0x800, v1;
	v14 =	vor.u32 v14, v46  }
0x5c: {  	v50 =	vsel vm10, $0x800, v1;
	v15 =	vor.u32 v15, v47;
	v29 =	vor.u32 $0x3FF, v14  }
0x5d: {  	v52 =	vsel vm11, $0x800, v1;
	v18 =	vor.u32 v18, v50;
	v30 =	vor.u32 $0x3FF, v15  }
0x5e: {  	v20 =	vsel vm12, $0x800, v1;
	v19 =	vor.u32 v19, v52;
	v56 =	vor.u32 $0x3FF, v18  }
0x5f: {  	v54 =	vsel vm13, $0x800, v1;
	v17 =	vor.u32 v17, v20;
	v58 =	vor.u32 $0x3FF, v19  }
0x60: {  	v53 =	vld.idx.msk [tilespmem:v45+s6+$0x0], $0xffff;
	v61 =	vsel vm14, $0x800, v1;
	v57 =	vor.u32 v60, v54;
	v60 =	vor.u32 $0x3FF, v17  }
0x61: {  	v62 =	vsel vm15, $0x800, v1;
	v22 =	vor.u32 v22, v61;
	v63 =	vor.u32 $0x3FF, v57;
	v59 =	vld.idx.msk [tilespmem:v29+s6+$0x0], $0xffff  }
0x62: {  	v38 =	vsel vm5, $0x800, v1;
	v24 =	vor.u32 v24, v62;
	v25 =	vor.u32 $0x3FF, v22;
	v30 =	vld.idx.msk [tilespmem:v30+s6+$0x0], $0xffff  }
0x63: {  	v27 =	vor.u32 v27, v38;
	v39 =	vor.u32 $0x3FF, v24;
	v36 =	vld.idx.msk [tilespmem:v56+s6+$0x0], $0xffff  }
0x64: {  	v42 =	vor.u32 $0x3FF, v27;
	v21 =	vld.idx.msk [tilespmem:v58+s6+$0x0], $0xffff  }
0x65: {  	v23 =	vld.idx.msk [tilespmem:v60+s6+$0x0], $0xffff  }
0x66: {  	v40 =	vld.idx.msk [tilespmem:v63+s6+$0x0], $0xffff  }
0x67: {  	vm4 =	vlt.s32 v53, v8;
	v43 =	vld.idx.msk [tilespmem:v25+s6+$0x0], $0xffff  }
0x68: {  	v37 =	vsel vm4, $0x800, v1;
	v45 =	vld.idx.msk [tilespmem:v39+s6+$0x0], $0xffff  }
0x69: {  	v26 =	vor.u32 v26, v37;
	v49 =	vld.idx.msk [tilespmem:v42+s6+$0x0], $0xffff  }
0x6a: {  	v28 =	vor.u32 $0x3FF, v26  }
0x6b: {  	vm6 =	vlt.s32 v59, v12;
	vm7 =	vlt.s32 v30, v11;
	vm8 =	vlt.s32 v36, v10  }
0x6c: {  	vm9 =	vlt.s32 v21, v7;
	vm10 =	vlt.s32 v23, v4;
	vm11 =	vlt.s32 v40, v3  }
0x6d: {  	vm12 =	vlt.s32 v43, v5;
	vm13 =	vlt.s32 v45, v6;
	v41 =	vsel vm6, $0x400, v1  }
0x6e: {  	vm15 =	vlt.s32 v49, v9;
	v30 =	vsel vm7, $0x400, v1;
	v14 =	vor.u32 v14, v41  }
0x6f: {  	v44 =	vsel vm8, $0x400, v1;
	v15 =	vor.u32 v15, v30;
	v29 =	vor.u32 $0x1FF, v14  }
0x70: {  	v46 =	vsel vm9, $0x400, v1;
	v18 =	vor.u32 v18, v44;
	v30 =	vor.u32 $0x1FF, v15  }
0x71: {  	v23 =	vsel vm10, $0x400, v1;
	v19 =	vor.u32 v19, v46;
	v50 =	vor.u32 $0x1FF, v18  }
0x72: {  	v48 =	vsel vm11, $0x400, v1;
	v17 =	vor.u32 v17, v23;
	v51 =	vor.u32 $0x1FF, v19  }
0x73: {  	v47 =	vld.idx.msk [tilespmem:v28+s6+$0x0], $0xffff;
	v54 =	vsel vm12, $0x400, v1;
	v20 =	vor.u32 v57, v48;
	v53 =	vor.u32 $0x1FF, v17  }
0x74: {  	v55 =	vsel vm13, $0x400, v1;
	v22 =	vor.u32 v22, v54;
	v56 =	vor.u32 $0x1FF, v20;
	v52 =	vld.idx.msk [tilespmem:v29+s6+$0x0], $0xffff  }
0x75: {  	v59 =	vsel vm15, $0x400, v1;
	v24 =	vor.u32 v24, v55;
	v25 =	vor.u32 $0x1FF, v22;
	v30 =	vld.idx.msk [tilespmem:v30+s6+$0x0], $0xffff  }
0x76: {  	v27 =	vor.u32 v27, v59;
	v60 =	vor.u32 $0x1FF, v24;
	v57 =	vld.idx.msk [tilespmem:v50+s6+$0x0], $0xffff  }
0x77: {  	v63 =	vor.u32 $0x1FF, v27;
	v23 =	vld.idx.msk [tilespmem:v51+s6+$0x0], $0xffff  }
0x78: {  	v21 =	vld.idx.msk [tilespmem:v53+s6+$0x0], $0xffff  }
0x79: {  	v61 =	vld.idx.msk [tilespmem:v56+s6+$0x0], $0xffff  }
0x7a: {  	vm14 =	vlt.s32 v47, v8;
	v36 =	vld.idx.msk [tilespmem:v25+s6+$0x0], $0xffff  }
0x7b: {  	v58 =	vsel vm14, $0x400, v1;
	v38 =	vld.idx.msk [tilespmem:v60+s6+$0x0], $0xffff  }
0x7c: {  	v26 =	vor.u32 v26, v58;
	v42 =	vld.idx.msk [tilespmem:v63+s6+$0x0], $0xffff  }
0x7d: {  	v28 =	vor.u32 $0x1FF, v26  }
0x7e: {  	vm4 =	vlt.s32 v52, v12;
	vm5 =	vlt.s32 v30, v11;
	vm6 =	vlt.s32 v57, v10  }
0x7f: {  	vm7 =	vlt.s32 v23, v7;
	vm8 =	vlt.s32 v21, v4;
	vm9 =	vlt.s32 v61, v3  }
0x80: {  	vm10 =	vlt.s32 v36, v5;
	vm11 =	vlt.s32 v38, v6;
	v62 =	vsel vm4, $0x200, v1  }
0x81: {  	vm13 =	vlt.s32 v42, v9;
	v30 =	vsel vm5, $0x200, v1;
	v14 =	vor.u32 v14, v62  }
0x82: {  	v37 =	vsel vm6, $0x200, v1;
	v15 =	vor.u32 v15, v30;
	v29 =	vor.u32 $0xFF, v14  }
0x83: {  	v39 =	vsel vm7, $0x200, v1;
	v18 =	vor.u32 v18, v37;
	v30 =	vor.u32 $0xFF, v15  }
0x84: {  	v21 =	vsel vm8, $0x200, v1;
	v19 =	vor.u32 v19, v39;
	v43 =	vor.u32 $0xFF, v18  }
0x85: {  	v41 =	vsel vm9, $0x200, v1;
	v17 =	vor.u32 v17, v21;
	v44 =	vor.u32 $0xFF, v19  }
0x86: {  	v40 =	vld.idx.msk [tilespmem:v28+s6+$0x0], $0xffff;
	v47 =	vsel vm10, $0x200, v1;
	v20 =	vor.u32 v20, v41;
	v46 =	vor.u32 $0xFF, v17  }
0x87: {  	v48 =	vsel vm11, $0x200, v1;
	v22 =	vor.u32 v22, v47;
	v49 =	vor.u32 $0xFF, v20;
	v45 =	vld.idx.msk [tilespmem:v29+s6+$0x0], $0xffff  }
0x88: {  	v52 =	vsel vm13, $0x200, v1;
	v24 =	vor.u32 v24, v48;
	v25 =	vor.u32 $0xFF, v22;
	v30 =	vld.idx.msk [tilespmem:v30+s6+$0x0], $0xffff  }
0x89: {  	v27 =	vor.u32 v27, v52;
	v53 =	vor.u32 $0xFF, v24;
	v50 =	vld.idx.msk [tilespmem:v43+s6+$0x0], $0xffff  }
0x8a: {  	v56 =	vor.u32 $0xFF, v27;
	v21 =	vld.idx.msk [tilespmem:v44+s6+$0x0], $0xffff  }
0x8b: {  	v23 =	vld.idx.msk [tilespmem:v46+s6+$0x0], $0xffff  }
0x8c: {  	v54 =	vld.idx.msk [tilespmem:v49+s6+$0x0], $0xffff  }
0x8d: {  	vm12 =	vlt.s32 v40, v8;
	v57 =	vld.idx.msk [tilespmem:v25+s6+$0x0], $0xffff  }
0x8e: {  	v51 =	vsel vm12, $0x200, v1;
	v59 =	vld.idx.msk [tilespmem:v53+s6+$0x0], $0xffff  }
0x8f: {  	v26 =	vor.u32 v26, v51;
	v63 =	vld.idx.msk [tilespmem:v56+s6+$0x0], $0xffff  }
0x90: {  	v28 =	vor.u32 $0xFF, v26  }
0x91: {  	vm14 =	vlt.s32 v45, v12;
	vm15 =	vlt.s32 v30, v11;
	vm4 =	vlt.s32 v50, v10  }
0x92: {  	vm5 =	vlt.s32 v21, v7;
	vm6 =	vlt.s32 v23, v4;
	vm7 =	vlt.s32 v54, v3  }
0x93: {  	vm8 =	vlt.s32 v57, v5;
	vm9 =	vlt.s32 v59, v6;
	v55 =	vsel vm14, $0x100, v1  }
0x94: {  	vm11 =	vlt.s32 v63, v9;
	v30 =	vsel vm15, $0x100, v1;
	v14 =	vor.u32 v14, v55  }
0x95: {  	v58 =	vsel vm4, $0x100, v1;
	v15 =	vor.u32 v15, v30;
	v29 =	vor.u32 $0x7F, v14  }
0x96: {  	v60 =	vsel vm5, $0x100, v1;
	v18 =	vor.u32 v18, v58;
	v30 =	vor.u32 $0x7F, v15  }
0x97: {  	v23 =	vsel vm6, $0x100, v1;
	v19 =	vor.u32 v19, v60;
	v36 =	vor.u32 $0x7F, v18  }
0x98: {  	v62 =	vsel vm7, $0x100, v1;
	v17 =	vor.u32 v17, v23;
	v37 =	vor.u32 $0x7F, v19  }
0x99: {  	v61 =	vld.idx.msk [tilespmem:v28+s6+$0x0], $0xffff;
	v40 =	vsel vm8, $0x100, v1;
	v20 =	vor.u32 v20, v62;
	v39 =	vor.u32 $0x7F, v17  }
0x9a: {  	v41 =	vsel vm9, $0x100, v1;
	v22 =	vor.u32 v22, v40;
	v42 =	vor.u32 $0x7F, v20;
	v38 =	vld.idx.msk [tilespmem:v29+s6+$0x0], $0xffff  }
0x9b: {  	v45 =	vsel vm11, $0x100, v1;
	v24 =	vor.u32 v24, v41;
	v25 =	vor.u32 $0x7F, v22;
	v30 =	vld.idx.msk [tilespmem:v30+s6+$0x0], $0xffff  }
0x9c: {  	v27 =	vor.u32 v27, v45;
	v46 =	vor.u32 $0x7F, v24;
	v43 =	vld.idx.msk [tilespmem:v36+s6+$0x0], $0xffff  }
0x9d: {  	v49 =	vor.u32 $0x7F, v27;
	v23 =	vld.idx.msk [tilespmem:v37+s6+$0x0], $0xffff  }
0x9e: {  	v21 =	vld.idx.msk [tilespmem:v39+s6+$0x0], $0xffff  }
0x9f: {  	v47 =	vld.idx.msk [tilespmem:v42+s6+$0x0], $0xffff  }
0xa0: {  	vm10 =	vlt.s32 v61, v8;
	v50 =	vld.idx.msk [tilespmem:v25+s6+$0x0], $0xffff  }
0xa1: {  	v44 =	vsel vm10, $0x100, v1;
	v52 =	vld.idx.msk [tilespmem:v46+s6+$0x0], $0xffff  }
0xa2: {  	v26 =	vor.u32 v26, v44;
	v56 =	vld.idx.msk [tilespmem:v49+s6+$0x0], $0xffff  }
0xa3: {  	v28 =	vor.u32 $0x7F, v26  }
0xa4: {  	vm12 =	vlt.s32 v38, v12;
	vm13 =	vlt.s32 v30, v11;
	vm14 =	vlt.s32 v43, v10  }
0xa5: {  	vm15 =	vlt.s32 v23, v7;
	vm4 =	vlt.s32 v21, v4;
	vm5 =	vlt.s32 v47, v3  }
0xa6: {  	vm6 =	vlt.s32 v50, v5;
	vm7 =	vlt.s32 v52, v6;
	v48 =	vsel vm12, $0x80, v1  }
0xa7: {  	vm9 =	vlt.s32 v56, v9;
	v30 =	vsel vm13, $0x80, v1;
	v14 =	vor.u32 v14, v48  }
0xa8: {  	v51 =	vsel vm14, $0x80, v1;
	v15 =	vor.u32 v15, v30;
	v29 =	vadd.s32 $0x3F, v14  }
0xa9: {  	v53 =	vsel vm15, $0x80, v1;
	v18 =	vor.u32 v18, v51;
	v30 =	vadd.s32 $0x3F, v15  }
0xaa: {  	v21 =	vsel vm4, $0x80, v1;
	v19 =	vor.u32 v19, v53;
	v57 =	vadd.s32 $0x3F, v18  }
0xab: {  	v55 =	vsel vm5, $0x80, v1;
	v17 =	vor.u32 v17, v21;
	v58 =	vadd.s32 $0x3F, v19  }
0xac: {  	v54 =	vld.idx.msk [tilespmem:v28+s6+$0x0], $0xffff;
	v61 =	vsel vm6, $0x80, v1;
	v20 =	vor.u32 v20, v55;
	v60 =	vadd.s32 $0x3F, v17  }
0xad: {  	v62 =	vsel vm7, $0x80, v1;
	v22 =	vor.u32 v22, v61;
	v63 =	vadd.s32 $0x3F, v20;
	v59 =	vld.idx.msk [tilespmem:v29+s6+$0x0], $0xffff  }
0xae: {  	v38 =	vsel vm9, $0x80, v1;
	v24 =	vor.u32 v24, v62;
	v25 =	vadd.s32 $0x3F, v22;
	v30 =	vld.idx.msk [tilespmem:v30+s6+$0x0], $0xffff  }
0xaf: {  	v27 =	vor.u32 v27, v38;
	v39 =	vadd.s32 $0x3F, v24;
	v36 =	vld.idx.msk [tilespmem:v57+s6+$0x0], $0xffff  }
0xb0: {  	v42 =	vadd.s32 $0x3F, v27;
	v21 =	vld.idx.msk [tilespmem:v58+s6+$0x0], $0xffff  }
0xb1: {  	v23 =	vld.idx.msk [tilespmem:v60+s6+$0x0], $0xffff  }
0xb2: {  	v40 =	vld.idx.msk [tilespmem:v63+s6+$0x0], $0xffff  }
0xb3: {  	vm8 =	vlt.s32 v54, v8;
	v43 =	vld.idx.msk [tilespmem:v25+s6+$0x0], $0xffff  }
0xb4: {  	v37 =	vsel vm8, $0x80, v1;
	v45 =	vld.idx.msk [tilespmem:v39+s6+$0x0], $0xffff  }
0xb5: {  	v26 =	vor.u32 v26, v37;
	v49 =	vld.idx.msk [tilespmem:v42+s6+$0x0], $0xffff  }
0xb6: {  	v28 =	vadd.s32 $0x3F, v26  }
0xb7: {  	vm10 =	vlt.s32 v59, v12;
	vm11 =	vlt.s32 v30, v11;
	vm12 =	vlt.s32 v36, v10  }
0xb8: {  	vm13 =	vlt.s32 v21, v7;
	vm14 =	vlt.s32 v23, v4;
	vm15 =	vlt.s32 v40, v3  }
0xb9: {  	vm4 =	vlt.s32 v43, v5;
	vm5 =	vlt.s32 v45, v6;
	v41 =	vsel vm10, $0x40, v1  }
0xba: {  	vm7 =	vlt.s32 v49, v9;
	v30 =	vsel vm11, $0x40, v1;
	v14 =	vadd.s32 v14, v41  }
0xbb: {  	v44 =	vsel vm12, $0x40, v1;
	v15 =	vadd.s32 v15, v30;
	v29 =	vadd.s32 $0x1F, v14  }
0xbc: {  	v46 =	vsel vm13, $0x40, v1;
	v18 =	vadd.s32 v18, v44;
	v30 =	vadd.s32 $0x1F, v15  }
0xbd: {  	v23 =	vsel vm14, $0x40, v1;
	v19 =	vadd.s32 v19, v46;
	v50 =	vadd.s32 $0x1F, v18  }
0xbe: {  	v48 =	vsel vm15, $0x40, v1;
	v17 =	vadd.s32 v17, v23;
	v51 =	vadd.s32 $0x1F, v19  }
0xbf: {  	v47 =	vld.idx.msk [tilespmem:v28+s6+$0x0], $0xffff;
	v54 =	vsel vm4, $0x40, v1;
	v20 =	vadd.s32 v20, v48;
	v53 =	vadd.s32 $0x1F, v17  }
0xc0: {  	v55 =	vsel vm5, $0x40, v1;
	v22 =	vadd.s32 v22, v54;
	v56 =	vadd.s32 $0x1F, v20;
	v52 =	vld.idx.msk [tilespmem:v29+s6+$0x0], $0xffff  }
0xc1: {  	v59 =	vsel vm7, $0x40, v1;
	v24 =	vadd.s32 v24, v55;
	v25 =	vadd.s32 $0x1F, v22;
	v30 =	vld.idx.msk [tilespmem:v30+s6+$0x0], $0xffff  }
0xc2: {  	v27 =	vadd.s32 v27, v59;
	v60 =	vadd.s32 $0x1F, v24;
	v57 =	vld.idx.msk [tilespmem:v50+s6+$0x0], $0xffff  }
0xc3: {  	v63 =	vadd.s32 $0x1F, v27;
	v23 =	vld.idx.msk [tilespmem:v51+s6+$0x0], $0xffff  }
0xc4: {  	v21 =	vld.idx.msk [tilespmem:v53+s6+$0x0], $0xffff  }
0xc5: {  	v61 =	vld.idx.msk [tilespmem:v56+s6+$0x0], $0xffff  }
0xc6: {  	vm6 =	vlt.s32 v47, v8;
	v35 =	vld.idx.msk [tilespmem:v25+s6+$0x0], $0xffff  }
0xc7: {  	v58 =	vsel vm6, $0x40, v1;
	v37 =	vld.idx.msk [tilespmem:v60+s6+$0x0], $0xffff  }
0xc8: {  	v26 =	vadd.s32 v26, v58;
	v41 =	vld.idx.msk [tilespmem:v63+s6+$0x0], $0xffff  }
0xc9: {  	v28 =	vadd.s32 $0x1F, v26  }
0xca: {  	vm8 =	vlt.s32 v52, v12;
	vm9 =	vlt.s32 v30, v11;
	vm10 =	vlt.s32 v57, v10  }
0xcb: {  	vm11 =	vlt.s32 v23, v7;
	vm12 =	vlt.s32 v21, v4;
	vm13 =	vlt.s32 v61, v3  }
0xcc: {  	vm14 =	vlt.s32 v35, v5;
	vm15 =	vlt.s32 v37, v6;
	v62 =	vsel vm8, $0x20, v1  }
0xcd: {  	vm5 =	vlt.s32 v41, v9;
	v30 =	vsel vm9, $0x20, v1;
	v14 =	vadd.s32 v14, v62  }
0xce: {  	v36 =	vsel vm10, $0x20, v1;
	v15 =	vadd.s32 v15, v30;
	v29 =	vadd.s32 $0xF, v14  }
0xcf: {  	v38 =	vsel vm11, $0x20, v1;
	v18 =	vadd.s32 v18, v36;
	v30 =	vadd.s32 $0xF, v15  }
0xd0: {  	v21 =	vsel vm12, $0x20, v1;
	v19 =	vadd.s32 v19, v38;
	v42 =	vadd.s32 $0xF, v18  }
0xd1: {  	v40 =	vsel vm13, $0x20, v1;
	v17 =	vadd.s32 v17, v21;
	v43 =	vadd.s32 $0xF, v19  }
0xd2: {  	v39 =	vld.idx.msk [tilespmem:v28+s6+$0x0], $0xffff;
	v46 =	vsel vm14, $0x20, v1;
	v20 =	vadd.s32 v20, v40;
	v45 =	vadd.s32 $0xF, v17  }
0xd3: {  	v47 =	vsel vm15, $0x20, v1;
	v22 =	vadd.s32 v22, v46;
	v48 =	vadd.s32 $0xF, v20;
	v44 =	vld.idx.msk [tilespmem:v29+s6+$0x0], $0xffff  }
0xd4: {  	v51 =	vsel vm5, $0x20, v1;
	v24 =	vadd.s32 v24, v47;
	v25 =	vadd.s32 $0xF, v22;
	v30 =	vld.idx.msk [tilespmem:v30+s6+$0x0], $0xffff  }
0xd5: {  	v27 =	vadd.s32 v27, v51;
	v52 =	vadd.s32 $0xF, v24;
	v49 =	vld.idx.msk [tilespmem:v42+s6+$0x0], $0xffff  }
0xd6: {  	v55 =	vadd.s32 $0xF, v27;
	v21 =	vld.idx.msk [tilespmem:v43+s6+$0x0], $0xffff  }
0xd7: {  	v23 =	vld.idx.msk [tilespmem:v45+s6+$0x0], $0xffff  }
0xd8: {  	v53 =	vld.idx.msk [tilespmem:v48+s6+$0x0], $0xffff  }
0xd9: {  	vm4 =	vlt.s32 v39, v8;
	v56 =	vld.idx.msk [tilespmem:v25+s6+$0x0], $0xffff  }
0xda: {  	v50 =	vsel vm4, $0x20, v1;
	v58 =	vld.idx.msk [tilespmem:v52+s6+$0x0], $0xffff  }
0xdb: {  	v26 =	vadd.s32 v26, v50;
	v62 =	vld.idx.msk [tilespmem:v55+s6+$0x0], $0xffff  }
0xdc: {  	v28 =	vadd.s32 $0xF, v26  }
0xdd: {  	vm6 =	vlt.s32 v44, v12;
	vm7 =	vlt.s32 v30, v11;
	vm8 =	vlt.s32 v49, v10  }
0xde: {  	vm9 =	vlt.s32 v21, v7;
	vm10 =	vlt.s32 v23, v4;
	vm11 =	vlt.s32 v53, v3  }
0xdf: {  	vm12 =	vlt.s32 v56, v5;
	vm13 =	vlt.s32 v58, v6;
	v54 =	vsel vm6, $0x10, v1  }
0xe0: {  	vm15 =	vlt.s32 v62, v9;
	v30 =	vsel vm7, $0x10, v1;
	v14 =	vadd.s32 v14, v54  }
0xe1: {  	v57 =	vsel vm8, $0x10, v1;
	v15 =	vadd.s32 v15, v30;
	v29 =	vadd.s32 $0x7, v14  }
0xe2: {  	v59 =	vsel vm9, $0x10, v1;
	v18 =	vadd.s32 v18, v57;
	v30 =	vadd.s32 $0x7, v15  }
0xe3: {  	v23 =	vsel vm10, $0x10, v1;
	v19 =	vadd.s32 v19, v59;
	v63 =	vadd.s32 $0x7, v18  }
0xe4: {  	v61 =	vsel vm11, $0x10, v1;
	v17 =	vadd.s32 v17, v23;
	v36 =	vadd.s32 $0x7, v19  }
0xe5: {  	v60 =	vld.idx.msk [tilespmem:v28+s6+$0x0], $0xffff;
	v39 =	vsel vm12, $0x10, v1;
	v20 =	vadd.s32 v20, v61;
	v38 =	vadd.s32 $0x7, v17  }
0xe6: {  	v40 =	vsel vm13, $0x10, v1;
	v22 =	vadd.s32 v22, v39;
	v41 =	vadd.s32 $0x7, v20;
	v37 =	vld.idx.msk [tilespmem:v29+s6+$0x0], $0xffff  }
0xe7: {  	v44 =	vsel vm15, $0x10, v1;
	v24 =	vadd.s32 v24, v40;
	v25 =	vadd.s32 $0x7, v22;
	v30 =	vld.idx.msk [tilespmem:v30+s6+$0x0], $0xffff  }
0xe8: {  	v27 =	vadd.s32 v27, v44;
	v45 =	vadd.s32 $0x7, v24;
	v42 =	vld.idx.msk [tilespmem:v63+s6+$0x0], $0xffff  }
0xe9: {  	v48 =	vadd.s32 $0x7, v27;
	v23 =	vld.idx.msk [tilespmem:v36+s6+$0x0], $0xffff  }
0xea: {  	v21 =	vld.idx.msk [tilespmem:v38+s6+$0x0], $0xffff  }
0xeb: {  	v46 =	vld.idx.msk [tilespmem:v41+s6+$0x0], $0xffff  }
0xec: {  	vm14 =	vlt.s32 v60, v8;
	v49 =	vld.idx.msk [tilespmem:v25+s6+$0x0], $0xffff  }
0xed: {  	v43 =	vsel vm14, $0x10, v1;
	v51 =	vld.idx.msk [tilespmem:v45+s6+$0x0], $0xffff  }
0xee: {  	v26 =	vadd.s32 v26, v43;
	v55 =	vld.idx.msk [tilespmem:v48+s6+$0x0], $0xffff  }
0xef: {  	v28 =	vadd.s32 $0x7, v26  }
0xf0: {  	vm4 =	vlt.s32 v37, v12;
	vm5 =	vlt.s32 v30, v11;
	vm6 =	vlt.s32 v42, v10  }
0xf1: {  	vm7 =	vlt.s32 v23, v7;
	vm8 =	vlt.s32 v21, v4;
	vm9 =	vlt.s32 v46, v3  }
0xf2: {  	vm10 =	vlt.s32 v49, v5;
	vm11 =	vlt.s32 v51, v6;
	v47 =	vsel vm4, $0x8, v1  }
0xf3: {  	vm13 =	vlt.s32 v55, v9;
	v30 =	vsel vm5, $0x8, v1;
	v14 =	vadd.s32 v14, v47  }
0xf4: {  	v50 =	vsel vm6, $0x8, v1;
	v15 =	vadd.s32 v15, v30;
	v29 =	vadd.s32 $0x3, v14  }
0xf5: {  	v52 =	vsel vm7, $0x8, v1;
	v18 =	vadd.s32 v18, v50;
	v30 =	vadd.s32 $0x3, v15  }
0xf6: {  	v21 =	vsel vm8, $0x8, v1;
	v19 =	vadd.s32 v19, v52;
	v56 =	vadd.s32 $0x3, v18  }
0xf7: {  	v54 =	vsel vm9, $0x8, v1;
	v17 =	vadd.s32 v17, v21;
	v57 =	vadd.s32 $0x3, v19  }
0xf8: {  	v53 =	vld.idx.msk [tilespmem:v28+s6+$0x0], $0xffff;
	v60 =	vsel vm10, $0x8, v1;
	v20 =	vadd.s32 v20, v54;
	v59 =	vadd.s32 $0x3, v17  }
0xf9: {  	v61 =	vsel vm11, $0x8, v1;
	v22 =	vadd.s32 v22, v60;
	v62 =	vadd.s32 $0x3, v20;
	v58 =	vld.idx.msk [tilespmem:v29+s6+$0x0], $0xffff  }
0xfa: {  	v35 =	vsel vm13, $0x8, v1;
	v24 =	vadd.s32 v24, v61;
	v25 =	vadd.s32 $0x3, v22;
	v30 =	vld.idx.msk [tilespmem:v30+s6+$0x0], $0xffff  }
0xfb: {  	v27 =	vadd.s32 v27, v35;
	v36 =	vadd.s32 $0x3, v24;
	v63 =	vld.idx.msk [tilespmem:v56+s6+$0x0], $0xffff  }
0xfc: {  	v39 =	vadd.s32 $0x3, v27;
	v21 =	vld.idx.msk [tilespmem:v57+s6+$0x0], $0xffff  }
0xfd: {  	v23 =	vld.idx.msk [tilespmem:v59+s6+$0x0], $0xffff  }
0xfe: {  	vm12 =	vlt.s32 v53, v8;
	v37 =	vld.idx.msk [tilespmem:v62+s6+$0x0], $0xffff  }
0xff: {  	v34 =	vsel vm12, $0x8, v1;
	v40 =	vld.idx.msk [tilespmem:v25+s6+$0x0], $0xffff  }
0x100: {  	v26 =	vadd.s32 v26, v34;
	v42 =	vld.idx.msk [tilespmem:v36+s6+$0x0], $0xffff  }
0x101: {  	v28 =	vadd.s32 $0x3, v26;
	v47 =	vld.idx.msk [tilespmem:v39+s6+$0x0], $0xffff;
	vm14 =	vlt.s32 v58, v12  }
0x102: {  	vm15 =	vlt.s32 v30, v11;
	vm4 =	vlt.s32 v63, v10;
	v38 =	vsel vm14, $0x4, v1  }
0x103: {  	vm5 =	vlt.s32 v21, v7;
	vm6 =	vlt.s32 v23, v4;
	v14 =	vadd.s32 v14, v38  }
0x104: {  	vm7 =	vlt.s32 v37, v3;
	v30 =	vsel vm15, $0x4, v1;
	v29 =	vadd.s32 $0x1, v14  }
0x105: {  	vm8 =	vlt.s32 v40, v5;
	vm9 =	vlt.s32 v42, v6;
	v15 =	vadd.s32 v15, v30  }
0x106: {  	v44 =	vld.idx.msk [tilespmem:v28+s6+$0x0], $0xffff;
	vm11 =	vlt.s32 v47, v9;
	v41 =	vsel vm4, $0x4, v1;
	v45 =	vadd.s32 $0x1, v15  }
0x107: {  	v43 =	vsel vm5, $0x4, v1;
	v23 =	vsel vm6, $0x4, v1;
	v18 =	vadd.s32 v18, v41  }
0x108: {  	v46 =	vsel vm7, $0x4, v1;
	v19 =	vadd.s32 v19, v43;
	v48 =	vadd.s32 $0x1, v18  }
0x109: {  	v49 =	vsel vm8, $0x4, v1;
	v17 =	vadd.s32 v17, v23;
	v51 =	vadd.s32 $0x1, v19;
	v50 =	vld.idx.msk [tilespmem:v29+s6+$0x0], $0xffff  }
0x10a: {  	v52 =	vsel vm9, $0x4, v1;
	v20 =	vadd.s32 v20, v46;
	v53 =	vadd.s32 $0x1, v17  }
0x10b: {  	vm10 =	vlt.s32 v44, v8;
	v22 =	vadd.s32 v22, v49;
	v55 =	vadd.s32 $0x1, v20;
	v54 =	vld.idx.msk [tilespmem:v45+s6+$0x0], $0xffff  }
0x10c: {  	v58 =	vsel vm11, $0x4, v1;
	v23 =	vadd.s32 v24, v52;
	v57 =	vadd.s32 $0x1, v22  }
0x10d: {  	v56 =	vsel vm10, $0x4, v1;
	v27 =	vadd.s32 v27, v58;
	v59 =	vadd.s32 $0x1, v23;
	v13 =	vld.idx.msk [tilespmem:v48+s6+$0x0], $0xffff  }
0x10e: {  	v26 =	vadd.s32 v26, v56;
	v63 =	vadd.s32 $0x1, v27;
	v60 =	vld.idx.msk [tilespmem:v51+s6+$0x0], $0xffff;
	vm12 =	vlt.s32 v50, v12  }
0x10f: {  	v61 =	vadd.s32 $0x1, v26;
	v30 =	vld.idx.msk [tilespmem:v53+s6+$0x0], $0xffff;
	v62 =	vsel vm12, $0x2, v1  }
0x110: {  	v35 =	vld.idx.msk [tilespmem:v55+s6+$0x0], $0xffff;
	vm13 =	vlt.s32 v54, v11;
	v14 =	vadd.s32 v14, v62  }
0x111: {  	v25 =	vld.idx.msk [tilespmem:v57+s6+$0x0], $0xffff;
	v36 =	vsel vm13, $0x2, v1  }
0x112: {  	v37 =	vld.idx.msk [tilespmem:v59+s6+$0x0], $0xffff;
	vm14 =	vlt.s32 v13, v10;
	v15 =	vadd.s32 v15, v36  }
0x113: {  	v41 =	vld.idx.msk [tilespmem:v63+s6+$0x0], $0xffff;
	vm15 =	vlt.s32 v60, v7;
	v38 =	vsel vm14, $0x2, v1  }
0x114: {  	v39 =	vld.idx.msk [tilespmem:v61+s6+$0x0], $0xffff;
	vm4 =	vlt.s32 v30, v4;
	v40 =	vsel vm15, $0x2, v1;
	v18 =	vadd.s32 v18, v38  }
0x115: {  	vm5 =	vlt.s32 v35, v3;
	v42 =	vsel vm4, $0x2, v1;
	v19 =	vadd.s32 v19, v40;
	v43 =	vld.idx.msk [tilespmem:v14+s6+$0x0], $0xffff  }
0x116: {  	vm6 =	vlt.s32 v25, v5;
	v44 =	vsel vm5, $0x2, v1;
	v17 =	vadd.s32 v17, v42  }
0x117: {  	vm7 =	vlt.s32 v37, v6;
	v45 =	vsel vm6, $0x2, v1;
	v20 =	vadd.s32 v20, v44;
	v46 =	vld.idx.msk [tilespmem:v15+s6+$0x0], $0xffff  }
0x118: {  	vm9 =	vlt.s32 v41, v9;
	v47 =	vsel vm7, $0x2, v1;
	v22 =	vadd.s32 v22, v45  }
0x119: {  	vm8 =	vlt.s32 v39, v8;
	v51 =	vsel vm9, $0x2, v1;
	v48 =	vadd.s32 v23, v47;
	v50 =	vld.idx.msk [tilespmem:v18+s6+$0x0], $0xffff  }
0x11a: {  	v49 =	vsel vm8, $0x2, v1;
	v25 =	vadd.s32 v27, v51;
	v52 =	vld.idx.msk [tilespmem:v19+s6+$0x0], $0xffff;
	vm10 =	vlt.s32 v43, v12  }
0x11b: {  	v23 =	vadd.s32 v26, v49;
	v54 =	vld.idx.msk [tilespmem:v17+s6+$0x0], $0xffff;
	v53 =	vsel vm10, $0x1, v1  }
0x11c: {  	v55 =	vld.idx.msk [tilespmem:v20+s6+$0x0], $0xffff;
	vm11 =	vlt.s32 v46, v11;
	v14 =	vadd.s32 v53, v14  }
0x11d: {  	v57 =	vld.idx.msk [tilespmem:v22+s6+$0x0], $0xffff;
	v56 =	vsel vm11, $0x1, v1  }
0x11e: {  	v58 =	vld.idx.msk [tilespmem:v48+s6+$0x0], $0xffff;
	vm12 =	vlt.s32 v50, v10;
	v15 =	vadd.s32 v56, v15  }
0x11f: {  	v61 =	vld.idx.msk [tilespmem:v25+s6+$0x0], $0xffff;
	v59 =	vsel vm12, $0x1, v1  }
0x120: {  	v60 =	vld.idx.msk [tilespmem:v23+s6+$0x0], $0xffff;
	vm13 =	vlt.s32 v52, v7;
	v18 =	vadd.s32 v59, v18  }
0x121: {  	vm14 =	vlt.s32 v54, v4;
	vm15 =	vlt.s32 v55, v3;
	v62 =	vsel vm13, $0x1, v1;
	v63 =	vld.idx.msk [tilespmem:v14+s6+$0x0], $0xffff  }
0x122: {  	vm4 =	vlt.s32 v57, v5;
	v27 =	vsel vm14, $0x1, v1;
	v19 =	vadd.s32 v62, v19  }
0x123: {  	vm5 =	vlt.s32 v58, v6;
	v13 =	vsel vm15, $0x1, v1;
	v17 =	vadd.s32 v27, v17;
	v32 =	vld.idx.msk [tilespmem:v15+s6+$0x0], $0xffff  }
0x124: {  	vm7 =	vlt.s32 v61, v9;
	v33 =	vsel vm4, $0x1, v1;
	v13 =	vadd.s32 v13, v20  }
0x125: {  	v34 =	vsel vm5, $0x1, v1;
	vm6 =	vlt.s32 v60, v8;
	v20 =	vadd.s32 v33, v22;
	v35 =	vld.idx.msk [tilespmem:v18+s6+$0x0], $0xffff  }
0x126: {  	v16 =	vsel vm7, $0x1, v1;
	v21 =	vadd.s32 v34, v48;
	vm8 =	vlt.s32 v63, v12  }
0x127: {  	v36 =	vsel vm6, $0x1, v1;
	v16 =	vadd.s32 v16, v25;
	v38 =	vld.idx.msk [tilespmem:v19+s6+$0x0], $0xffff;
	v37 =	vsel vm8, $0x1, v1  }
0x128: {  	v23 =	vadd.s32 v36, v23;
	v39 =	vld.idx.msk [tilespmem:v17+s6+$0x0], $0xffff;
	vm9 =	vlt.s32 v32, v11;
	v14 =	vadd.s32 v37, v14  }
0x129: {  	v41 =	vld.idx.msk [tilespmem:v13+s6+$0x0], $0xffff;
	v40 =	vsel vm9, $0x1, v1;
	v14 =	vmin.u32 v14, $0x3FFF  }
0x12a: {  	v42 =	vld.idx.msk [tilespmem:v20+s6+$0x0], $0xffff;
	vm10 =	vlt.s32 v35, v10;
	v15 =	vadd.s32 v40, v15  }
0x12b: {  	v44 =	vld.idx.msk [tilespmem:v21+s6+$0x0], $0xffff;
	v43 =	vsel vm10, $0x1, v1;
	v15 =	vmin.u32 v15, $0x3FFF  }
0x12c: {  	v46 =	vld.idx.msk [tilespmem:v16+s6+$0x0], $0xffff;
	vm11 =	vlt.s32 v38, v7;
	v18 =	vadd.s32 v43, v18  }
0x12d: {  	v45 =	vld.idx.msk [tilespmem:v23+s6+$0x0], $0xffff;
	v27 =	vsel vm11, $0x1, v1;
	v18 =	vmin.u32 v18, $0x3FFF  }
0x12e: {  	vm12 =	vlt.s32 v39, v4;
	v19 =	vadd.s32 v27, v19;
	v47 =	vld.idx.msk [tilespmem:v14+s6+$0x0], $0xffff  }
0x12f: {  	v48 =	vsel vm12, $0x1, v1;
	v19 =	vmin.u32 v19, $0x3FFF;
	v14 =	vld.idx.msk [tilespmem:v14+s12+$0x0], $0xffff  }
0x130: {  	vm13 =	vlt.s32 v41, v3;
	v17 =	vadd.s32 v48, v17;
	v49 =	vld.idx.msk [tilespmem:v15+s6+$0x0], $0xffff  }
0x131: {  	v50 =	vsel vm13, $0x1, v1;
	v17 =	vmin.u32 v17, $0x3FFF;
	v15 =	vld.idx.msk [tilespmem:v15+s12+$0x0], $0xffff  }
0x132: {  	vm14 =	vlt.s32 v42, v5;
	v13 =	vadd.s32 v50, v13;
	v51 =	vld.idx.msk [tilespmem:v18+s6+$0x0], $0xffff  }
0x133: {  	v52 =	vsel vm14, $0x1, v1;
	v13 =	vmin.u32 v13, $0x3FFF;
	v18 =	vld.idx.msk [tilespmem:v18+s12+$0x0], $0xffff  }
0x134: {  	vm15 =	vlt.s32 v44, v6;
	v20 =	vadd.s32 v52, v20;
	v53 =	vld.idx.msk [tilespmem:v19+s6+$0x0], $0xffff  }
0x135: {  	v28 =	vsel vm15, $0x1, v1;
	v20 =	vmin.u32 v20, $0x3FFF;
	v19 =	vld.idx.msk [tilespmem:v19+s12+$0x0], $0xffff  }
0x136: {  	vm5 =	vlt.s32 v46, v9;
	v21 =	vadd.s32 v28, v21;
	v54 =	vld.idx.msk [tilespmem:v17+s6+$0x0], $0xffff  }
0x137: {  	v29 =	vsel vm5, $0x1, v1;
	v21 =	vmin.u32 v21, $0x3FFF;
	v17 =	vld.idx.msk [tilespmem:v17+s12+$0x0], $0xffff  }
0x138: {  	vm4 =	vlt.s32 v45, v8;
	v16 =	vadd.s32 v29, v16;
	v56 =	vld.idx.msk [tilespmem:v13+s6+$0x0], $0xffff  }
0x139: {  	v55 =	vsel vm4, $0x1, v1;
	v16 =	vmin.u32 v16, $0x3FFF;
	v13 =	vld.idx.msk [tilespmem:v13+s12+$0x0], $0xffff  }
0x13a: {  	v23 =	vadd.s32 v55, v23;
	v57 =	vld.idx.msk [tilespmem:v20+s6+$0x0], $0xffff  }
0x13b: {  	v23 =	vmin.u32 v23, $0x3FFF;
	v20 =	vld.idx.msk [tilespmem:v20+s12+$0x0], $0xffff  }
0x13c: {  	v58 =	vld.idx.msk [tilespmem:v21+s6+$0x0], $0xffff  }
0x13d: {  	v21 =	vld.idx.msk [tilespmem:v21+s12+$0x0], $0xffff  }
0x13e: {  	v60 =	vld.idx.msk [tilespmem:v16+s6+$0x0], $0xffff  }
0x13f: {  	v61 =	vld.idx.msk [tilespmem:v16+s12+$0x0], $0xffff;
	vm6 =	veq.s32 v47, v12  }
0x140: {  	v59 =	vld.idx.msk [tilespmem:v23+s6+$0x0], $0xffff;
	vm7 =	veq.s32 v49, v11;
	v14 =	vnsel vm6, $0x0, v14  }
0x141: {  	v23 =	vld.idx.msk [tilespmem:v23+s12+$0x0], $0xffff;
	vm8 =	veq.s32 v51, v10;
	v15 =	vnsel vm7, $0x0, v15;
	[tilespmem:s22+$0xFFFFFFB0] =	vst v14  }
0x142: {  	vm9 =	veq.s32 v53, v7;
	v10 =	vnsel vm8, $0x0, v18;
	[tilespmem:s22+$0xFFFFFFC0] =	vst v15  }
0x143: {  	vm10 =	veq.s32 v54, v4;
	v7 =	vnsel vm9, $0x0, v19;
	[tilespmem:s22+$0xFFFFFFD0] =	vst v10  }
0x144: {  	vm11 =	veq.s32 v56, v3;
	v4 =	vnsel vm10, $0x0, v17;
	[tilespmem:s22+$0xFFFFFFE0] =	vst v7  }
0x145: {  	p0 =	sne.s32 s24, $0x5A0;
	vm12 =	veq.s32 v57, v5;
	v3 =	vnsel vm11, $0x0, v13;
	[tilespmem:s22+$0xFFFFFFF0] =	vst v4  }
.Ltmp0:
0x146: {  	vm13 =	veq.s32 v58, v6;
	v62 =	vnsel vm12, $0x0, v20;
	[tilespmem:s22+$0x0] =	vst v3;
	(pc) =	sbr.rel @p0 .LBB2_2-.Ltmp0, $4  }
0x147: {  	vm14 =	veq.s32 v59, v8;
	v3 =	vnsel vm13, $0x0, v21;
	[tilespmem:s22+$0x10] =	vst v62  }
0x148: {  	vm15 =	veq.s32 v60, v9;
	v63 =	vnsel vm14, $0x0, v23;
	[tilespmem:s22+$0x20] =	vst v3  }
0x149: {  	v3 =	vnsel vm15, $0x0, v61;
	[tilespmem:s25+$0xA700] =	vst v63  }
0x14a: {  	s23 =	sadd.s32 $0xA0, s23;
	s24 =	sadd.s32 $0xA0, s24;
	[tilespmem:s22+$0x40] =	vst v3;
	s22 =	sadd.s32 $0xA0, s22  }
0x14b: {  	_ =	sdelay $0x2  }
0x14c: {  	v3 =	vld [tilespmem:$0xAD00]  }
0x14d: {  	v4 =	vld.idx.msk [tilespmem:v2+s13+$0x0], $0xffff;
	_ =	sdelay $0x4  }
0x14e: {  	vm0 =	vlt.s32 v4, v3  }
0x14f: {  	v4 =	vsel vm0, $0x800, v1  }
0x150: {  	v5 =	vor.u32 $0x3FF, v4;
	_ =	sdelay $0x4  }
0x151: {  	v5 =	vld.idx.msk [tilespmem:v5+s13+$0x0], $0xffff;
	_ =	sdelay $0x4  }
0x152: {  	vm15 =	vlt.s32 v5, v3  }
0x153: {  	v5 =	vsel vm15, $0x400, v1  }
0x154: {  	v4 =	vor.u32 v4, v5  }
0x155: {  	v5 =	vor.u32 $0x1FF, v4;
	_ =	sdelay $0x4  }
0x156: {  	v5 =	vld.idx.msk [tilespmem:v5+s13+$0x0], $0xffff;
	_ =	sdelay $0x4  }
0x157: {  	vm4 =	vlt.s32 v5, v3  }
0x158: {  	v5 =	vsel vm4, $0x200, v1  }
0x159: {  	v4 =	vor.u32 v5, v4  }
0x15a: {  	v5 =	vor.u32 $0xFF, v4;
	_ =	sdelay $0x4  }
0x15b: {  	v5 =	vld.idx.msk [tilespmem:v5+s13+$0x0], $0xffff;
	_ =	sdelay $0x4  }
0x15c: {  	vm5 =	vlt.s32 v5, v3  }
0x15d: {  	v5 =	vsel vm5, $0x100, v1  }
0x15e: {  	v4 =	vor.u32 v5, v4  }
0x15f: {  	v5 =	vor.u32 $0x7F, v4;
	_ =	sdelay $0x4  }
0x160: {  	v5 =	vld.idx.msk [tilespmem:v5+s13+$0x0], $0xffff;
	_ =	sdelay $0x4  }
0x161: {  	vm6 =	vlt.s32 v5, v3  }
0x162: {  	v5 =	vsel vm6, $0x80, v1  }
0x163: {  	v4 =	vor.u32 v5, v4  }
0x164: {  	v5 =	vor.u32 $0x3F, v4;
	_ =	sdelay $0x4  }
0x165: {  	v5 =	vld.idx.msk [tilespmem:v5+s13+$0x0], $0xffff;
	_ =	sdelay $0x4  }
0x166: {  	vm7 =	vlt.s32 v5, v3  }
0x167: {  	v5 =	vsel vm7, $0x40, v1  }
0x168: {  	v6 =	vor.u32 v4, v5  }
0x169: {  	v6 =	vor.u32 $0x1F, v6;
	_ =	sdelay $0x4  }
0x16a: {  	v6 =	vld.idx.msk [tilespmem:v6+s13+$0x0], $0xffff;
	_ =	sdelay $0x4  }
0x16b: {  	vm8 =	vlt.s32 v6, v3  }
0x16c: {  	v6 =	vsel vm8, $0x20, v1  }
0x16d: {  	v5 =	vor.u32 v5, v6  }
0x16e: {  	v6 =	vor.u32 v4, v5  }
0x16f: {  	v6 =	vor.u32 $0xF, v6;
	_ =	sdelay $0x4  }
0x170: {  	v6 =	vld.idx.msk [tilespmem:v6+s13+$0x0], $0xffff;
	_ =	sdelay $0x4  }
0x171: {  	vm9 =	vlt.s32 v6, v3  }
0x172: {  	v6 =	vsel vm9, $0x10, v1  }
0x173: {  	v4 =	vor.u32 v6, v4  }
0x174: {  	v4 =	vor.u32 v5, v4  }
0x175: {  	v5 =	vadd.s32 $0x7, v4;
	_ =	sdelay $0x4  }
0x176: {  	v5 =	vld.idx.msk [tilespmem:v5+s13+$0x0], $0xffff;
	_ =	sdelay $0x4  }
0x177: {  	vm10 =	vlt.s32 v5, v3  }
0x178: {  	v5 =	vsel vm10, $0x8, v1  }
0x179: {  	v4 =	vadd.s32 v5, v4  }
0x17a: {  	v5 =	vadd.s32 $0x3, v4;
	_ =	sdelay $0x4  }
0x17b: {  	v5 =	vld.idx.msk [tilespmem:v5+s13+$0x0], $0xffff;
	_ =	sdelay $0x4  }
0x17c: {  	vm11 =	vlt.s32 v5, v3  }
0x17d: {  	v5 =	vsel vm11, $0x4, v1  }
0x17e: {  	v4 =	vadd.s32 v5, v4  }
0x17f: {  	v5 =	vadd.s32 $0x1, v4;
	_ =	sdelay $0x4  }
0x180: {  	v5 =	vld.idx.msk [tilespmem:v5+s13+$0x0], $0xffff;
	_ =	sdelay $0x4  }
0x181: {  	vm12 =	vlt.s32 v5, v3  }
0x182: {  	v5 =	vsel vm12, $0x2, v1  }
0x183: {  	v4 =	vadd.s32 v5, v4;
	_ =	sdelay $0x4  }
0x184: {  	v5 =	vld.idx.msk [tilespmem:v4+s13+$0x0], $0xffff;
	_ =	sdelay $0x4  }
0x185: {  	vm13 =	vlt.s32 v5, v3  }
0x186: {  	v5 =	vsel vm13, $0x1, v1  }
0x187: {  	v4 =	vadd.s32 v5, v4;
	_ =	sdelay $0x4  }
0x188: {  	v5 =	vld.idx.msk [tilespmem:v4+s13+$0x0], $0xffff;
	_ =	sdelay $0x4  }
0x189: {  	vm14 =	vlt.s32 v5, v3  }
0x18a: {  	v5 =	vsel vm14, $0x1, v1  }
0x18b: {  	v4 =	vadd.s32 v5, v4  }
0x18c: {  	v4 =	vmin.u32 v4, $0xFFF;
	_ =	sdelay $0x4  }
0x18d: {  	v63 =	vld.idx.msk [tilespmem:v4+s13+$0x0], $0xffff  }
0x18e: {  	v4 =	vld.idx.msk [tilespmem:v4+s14+$0x0], $0xffff;
	_ =	sdelay $0x3  }
0x18f: {  	vm15 =	veq.s32 v63, v3  }
0x190: {  	v3 =	vnsel vm15, $0x0, v4  }
0x191: {  	[tilespmem:$0xAD80] =	vst v3  }
0x192: {  	[hbm4b:s9+s6] =	stream.linear.scatter [tilespmem:s18], [sflag:$0x2], $0x640, $0x38;
	[tilespmem:$0xAE00] =	vst v63  }
0x193: {  	s21 =	sadd.s32 $0x1, s21;
	_ =	swait.ge [sflag:s19], $0x640  }
0x194: {  	p0 =	sne.s32 s21, s11;
	[sflag:s19] =	ssyncset.done $0x0  }
.Ltmp1:
0x195: {  	[sflag:s19] =	ssyncadd.s32 $0xFFFFF9C0;
	(pc) =	sbr.rel @p0 .LBB2_1-.Ltmp1, $4  }
0x196: {  	[hbm4b:s10+s6] =	stream.linear.scatter [tilespmem:s20], [sflag:$0x2], $0x10, $0x38;
	[tilespmem:$0xAE00] =	vst v63  }
0x197: {  	_ =	swait.ge [sflag:s19], $0x10  }
0x198: {  	[sflag:s19] =	ssyncset.done $0x0  }
0x199: {  	[sflag:s19] =	ssyncadd.s32 $0xFFFFFFF0  }
0x19a: {  	_ =	sfence.sel $0x180000  }
0x19b: {  	[bflag:$0x0] =	sbarrier.arrive $0xFFFF  }
0x19c: {  	p0 =	sne.s32 s2, $0x0;
	_ =	strace $0x90000047  }
0x19d: {  	s0 =	sadd.s32 @!p0 $0x100000, s5;
	[bflag:$0x2] =	sbarrier.arrive $0xFFFF  }
0x19e: {  	[sflag:s0] =	ssyncadd.tile.s32 @!p0 $0x1;
	_ =	shalt  }
.Lfunc_end2:
_tile_overlayer_lowered:
.L_overlay_start_2:
0x19f: {  	(tag) =	ssettag $0x2  }
0x1a0: {  	s0 =	rddreg [dreg:$0x0];
	s2 =	stileid.u32  }
0x1a1: {  	s1 =	rddreg [dreg:$0x1];
	p0 =	sne.s32 s2, $0x0  }
0x1a2: {  	s3 =	rddreg [dreg:$0x2];
	[bflag:$0x3] =	sbarrier.arrive $0xFFFF;
	s2 =	simm.s32 @!p0 $0x1C02  }
0x1a3: {  	[timem:s3], [sflag:s2] =	dma.local @!p0 [hbm:s0], s1  }
0x1a4: {  	s0 =	simm.s32 @!p0 $0x2  }
0x1a5: {  	_ =	swait.ge @!p0 [sflag:s0], s1  }
0x1a6: {  	s1 =	ssub.s32 @!p0 $0x0, s1;
	[sflag:s0] =	ssyncset.done @!p0 $0x0  }
0x1a7: {  	[sflag:s0] =	ssyncadd.s32 @!p0 s1  }
0x1a8: {  	[bflag:$0x3] =	sbarrier.arrive $0xFFFF  }
0x1a9: {  	_ =	shalt  }

</sc_bundles>
